<compile_context>
chip_gen: v7x
topology: tpu7x:2x2x1
jax: 0.10.2.dev20260603
libtpu: 0.0.44.dev20260713+nightly
codegen_flags: <defaults>
</compile_context>

<pallas_src>
import functools

import numpy as np

import jax
import jax.numpy as jnp
from jax import lax
from jax.experimental import pallas as pl
from jax.experimental.pallas import tpu as pltpu
from jax.experimental.pallas import tpu_sc as plsc

_N = 10000
_E = 320000
_D = 128
_Q = 128
_H = _Q // 2

_NC = 2
_NS = 16
_NW = _NC * _NS
_K = 80
_CHUNKS = 125
_EPW = _K * _CHUNKS
_NPAD = 10240
_RPT = _NPAD // _NS

_MM_BLK = 1000

def _pack_bf16_pairs(h):
    lo = lax.bitcast_convert_type(
        h[:, :_H].astype(jnp.bfloat16), jnp.uint16).astype(jnp.uint32)
    hi = lax.bitcast_convert_type(
        h[:, _H:].astype(jnp.bfloat16), jnp.uint16).astype(jnp.uint32)
    return lax.bitcast_convert_type(lo | (hi << 16), jnp.int32)


def _mm_body(merger_ref, x_ref, w0_ref, w1_ref, wi_ref, g0_ref, g1_ref, hi_ref):
    x = x_ref[...]
    g0_ref[...] = _pack_bf16_pairs(merger_ref[0, 0] * jnp.dot(
        x, w0_ref[...], preferred_element_type=jnp.float32))
    g1_ref[...] = _pack_bf16_pairs(merger_ref[0, 1] * jnp.dot(
        x, w1_ref[...], preferred_element_type=jnp.float32))
    hi_ref[...] = (0.5 * merger_ref[0, 2]) * jnp.dot(
        x, wi_ref[...], preferred_element_type=jnp.float32)


def _projections(x, w0, w1, wi, merger):
    grid = _N // _MM_BLK
    row_spec = pl.BlockSpec((_MM_BLK, _D), lambda i: (i, 0))
    w_spec = pl.BlockSpec((_D, _Q), lambda i: (0, 0))
    out = pl.pallas_call(
        _mm_body,
        grid=(grid,),
        in_specs=[
            pl.BlockSpec(memory_space=pltpu.SMEM),
            row_spec, w_spec, w_spec, w_spec,
        ],
        out_specs=[
            pl.BlockSpec((_MM_BLK, _H), lambda i: (i, 0)),
            pl.BlockSpec((_MM_BLK, _H), lambda i: (i, 0)),
            pl.BlockSpec((_MM_BLK, _Q), lambda i: (i, 0)),
        ],
        out_shape=[
            jax.ShapeDtypeStruct((_N, _H), jnp.int32),
            jax.ShapeDtypeStruct((_N, _H), jnp.int32),
            jax.ShapeDtypeStruct((_N, _Q), jnp.float32),
        ],
        compiler_params=pltpu.CompilerParams(
            dimension_semantics=("parallel",)),
    )(merger.reshape(1, 3), x, w0, w1, wi)
    return out


def _sc_body(g0_hbm, g1_hbm, src_hbm, dst_hbm, ew_hbm, hh_hbm, out_hbm,
             sv, dv, wv, grows_a, grows_b, frows_a, frows_b, acc,
             sg_a, sg_b, sx_a, sx_b, si):
    cid = lax.axis_index("c")
    sid = lax.axis_index("s")
    wid = sid * _NC + cid

    @pl.when(sid < _NS - 1)
    def _():
        pltpu.sync_copy(hh_hbm.at[pl.ds(sid * _RPT, _RPT)],
                        acc.at[pl.ds(sid * _RPT, _RPT)])

    @pl.when(sid == _NS - 1)
    def _():
        pltpu.sync_copy(hh_hbm.at[pl.ds((_NS - 1) * _RPT, _N - (_NS - 1) * _RPT)],
                        acc.at[pl.ds((_NS - 1) * _RPT, _N - (_NS - 1) * _RPT)])

    plsc.subcore_barrier()

    base0 = wid * _EPW

    def idx_start(c):
        base = base0 + c * _K
        b = lax.rem(c, 3)
        pltpu.make_async_copy(src_hbm.at[pl.ds(base, _K)], sv.at[b], si).start()
        pltpu.make_async_copy(dst_hbm.at[pl.ds(base, _K)], dv.at[b], si).start()
        pltpu.make_async_copy(ew_hbm.at[pl.ds(base, _K)], wv.at[b], si).start()

    def idx_wait(c):
        base = base0 + c * _K
        b = lax.rem(c, 3)
        pltpu.make_async_copy(src_hbm.at[pl.ds(base, _K)], sv.at[b], si).wait()
        pltpu.make_async_copy(dst_hbm.at[pl.ds(base, _K)], dv.at[b], si).wait()
        pltpu.make_async_copy(ew_hbm.at[pl.ds(base, _K)], wv.at[b], si).wait()

    def gathers_start(c):
        b = lax.rem(c, 3)
        p = lax.rem(c, 2)
        pltpu.make_async_copy(g0_hbm.at[sv.at[b]], grows_a.at[p], sg_a).start()
        pltpu.make_async_copy(g1_hbm.at[dv.at[b]], grows_b.at[p], sg_b).start()

    def scale(grows, frows, p, c):
        b = lax.rem(c, 3)
        mask_hi = jnp.full((16,), -65536, jnp.int32)

        def scale16(j16, c2):
            w16 = wv[b, pl.ds(j16 * 16, 16)]
            for l in range(16):
                j = j16 * 16 + l
                wb = lax.gather(
                    w16, jnp.full((16, 1), l, jnp.int32),
                    lax.GatherDimensionNumbers(
                        offset_dims=(), collapsed_slice_dims=(0,),
                        start_index_map=(0,)),
                    slice_sizes=(1,),
                    mode=lax.GatherScatterMode.PROMISE_IN_BOUNDS)
                packed = [grows[p, j, pl.ds(t * 16, 16)]
                          for t in range(_H // 16)]
                for t in range(_H // 16):
                    lo = plsc.bitcast(
                        lax.shift_left(packed[t], 16), jnp.float32)
                    hi = plsc.bitcast(
                        jnp.bitwise_and(packed[t], mask_hi), jnp.float32)
                    frows[j, pl.ds(t * 16, 16)] = lo * wb
                    frows[j, pl.ds(_H + t * 16, 16)] = hi * wb
            return c2

        lax.fori_loop(0, _K // 16, scale16, 0)

    def scatter_wait(c):
        b = lax.rem(c, 3)
        pltpu.make_async_copy(frows_a, acc.at[dv.at[b]], sx_a).wait()
        pltpu.make_async_copy(frows_b, acc.at[sv.at[b]], sx_b).wait()

    idx_start(0)
    idx_wait(0)
    gathers_start(0)
    idx_start(1)

    def chunk_body(c, carry):
        b = lax.rem(c, 3)
        p = lax.rem(c, 2)

        @pl.when(c + 1 < _CHUNKS)
        def _():
            idx_wait(c + 1)

        @pl.when(c >= 1)
        def _():
            scatter_wait(c - 1)

        @pl.when(c + 1 < _CHUNKS)
        def _():
            gathers_start(c + 1)

        @pl.when(c + 2 < _CHUNKS)
        def _():
            idx_start(c + 2)

        pltpu.make_async_copy(g0_hbm.at[sv.at[b]], grows_a.at[p], sg_a).wait()
        scale(grows_a, frows_a, p, c)
        pltpu.async_copy(frows_a, acc.at[dv.at[b]], sx_a, add=True)

        pltpu.make_async_copy(g1_hbm.at[dv.at[b]], grows_b.at[p], sg_b).wait()
        scale(grows_b, frows_b, p, c)
        pltpu.async_copy(frows_b, acc.at[sv.at[b]], sx_b, add=True)
        return carry

    lax.fori_loop(0, _CHUNKS, chunk_body, 0)
    scatter_wait(_CHUNKS - 1)

    plsc.subcore_barrier()
    pltpu.sync_copy(acc.at[pl.ds(sid * _RPT, _RPT)],
                    out_hbm.at[cid, pl.ds(sid * _RPT, _RPT)])


_sc_edges = functools.partial(
    pl.kernel,
    out_type=jax.ShapeDtypeStruct((_NC, _NPAD, _Q), jnp.float32),
    mesh=plsc.VectorSubcoreMesh(core_axis_name="c", subcore_axis_name="s"),
    compiler_params=pltpu.CompilerParams(needs_layout_passes=False,
                                         use_tc_tiling_on_sc=False),
    scratch_types=[
        pltpu.VMEM((3, _K), jnp.int32),
        pltpu.VMEM((3, _K), jnp.int32),
        pltpu.VMEM((3, _K), jnp.float32),
        pltpu.VMEM((2, _K, _H), jnp.int32),
        pltpu.VMEM((2, _K, _H), jnp.int32),
        pltpu.VMEM((_K, _Q), jnp.float32),
        pltpu.VMEM((_K, _Q), jnp.float32),
        pltpu.VMEM_SHARED((_NPAD, _Q), jnp.float32),
        pltpu.SemaphoreType.DMA,
        pltpu.SemaphoreType.DMA,
        pltpu.SemaphoreType.DMA,
        pltpu.SemaphoreType.DMA,
        pltpu.SemaphoreType.DMA,
    ],
)(_sc_body)


def kernel(macro_features, edge_index, edge_weight, W0, W1, W_inner, merger):
    src = edge_index[0].astype(jnp.int32)
    dst = edge_index[1].astype(jnp.int32)

    g0, g1, hh = _projections(macro_features, W0, W1, W_inner, merger)
    parts = _sc_edges(g0, g1, src, dst, edge_weight, hh)
    return parts[0, :_N] + parts[1, :_N]

# --- scband reference (transcript-rebuilt; emitter-appended) ---
"""Pipeline reference for scband-macro-to-meso-encoder-2370821947807 (READ-ONLY COPY).

The authoritative reference and input builder live on the scoring server;
editing this copy changes nothing except your own understanding.
"""

import jax, jax.numpy as jnp
import numpy as np

N = 10000
E = 320000
D = 128
Q = 128

def setup_inputs(seed: int = 0) -> dict:
    key = jax.random.key(seed)
    k1, k2, k3, k4, k5, k6, k7 = jax.random.split(key, 7)
    macro_features = jax.random.normal(k1, (N, D), dtype=jnp.float32)
    edge_index = jax.random.randint(k2, (2, E), 0, N, dtype=jnp.int64)
    edge_weight = jax.random.uniform(k3, (E,), dtype=jnp.float32)
    # DiffConv params: k=2, dir='both' -> num_graphs = 2*k-2 = 2 projection fcs (no bias),
    # plus inner projection and a merger vector of length num_graphs+1 = 3.
    W0 = jax.random.normal(k4, (D, Q), dtype=jnp.float32) / np.sqrt(D)
    W1 = jax.random.normal(k5, (D, Q), dtype=jnp.float32) / np.sqrt(D)
    W_inner = jax.random.normal(k6, (D, Q), dtype=jnp.float32) / np.sqrt(D)
    merger = jax.random.normal(k7, (3,), dtype=jnp.float32)
    return {"macro_features": macro_features, "edge_index": edge_index,
            "edge_weight": edge_weight, "W0": W0, "W1": W1,
            "W_inner": W_inner, "merger": merger}

def reference(macro_features, edge_index, edge_weight, W0, W1, W_inner, merger):
    # MacroToMesoEncoder with spatial_conv_type='diffconv' (DCRNN-style DiffConv, k=2, dir='both').
    # Graph 0: out-direction 1-hop diffusion (messages src -> dst).
    # Graph 1: in-direction 1-hop diffusion (reversed edges, dst -> src).
    src = edge_index[0]
    dst = edge_index[1]
    n = macro_features.shape[0]
    h0 = merger[0] * (macro_features @ W0)            # [N, Q]
    m0 = h0[src] * edge_weight[:, None]               # gather + edge weight
    agg0 = jnp.zeros((n, h0.shape[1]), h0.dtype).at[dst].add(m0)  # scatter-add
    h1 = merger[1] * (macro_features @ W1)
    m1 = h1[dst] * edge_weight[:, None]
    agg1 = jnp.zeros((n, h1.shape[1]), h1.dtype).at[src].add(m1)
    meso_features = merger[2] * (macro_features @ W_inner) + agg0 + agg1
    return meso_features

if __name__ == "__main__":
    import jax
    _d = setup_inputs()
    print(jax.jit(kernel)(*tuple(_d.values())))

</pallas_src>

<mosaic_0001>
#map = affine_map<(d0, d1) -> (0, 0)>
#map1 = affine_map<(d0, d1) -> (0)>
#map2 = affine_map<(d0, d1) -> (0, 0, 0)>
module attributes {stable_mosaic.version = 14 : i64} {
  func.func @_sc_body(%arg0: i32, %arg1: i32, %arg2: memref<10000x64xi32, #tpu.memory_space<hbm>>, %arg3: memref<10000x64xi32, #tpu.memory_space<hbm>>, %arg4: memref<320000xi32, #tpu.memory_space<hbm>>, %arg5: memref<320000xi32, #tpu.memory_space<hbm>>, %arg6: memref<320000xf32, #tpu.memory_space<hbm>>, %arg7: memref<10000x128xf32, #tpu.memory_space<hbm>>, %arg8: memref<2x10240x128xf32, #tpu.memory_space<hbm>>, %arg9: memref<3x80xi32, #tpu.memory_space<vmem>>, %arg10: memref<3x80xi32, #tpu.memory_space<vmem>>, %arg11: memref<3x80xf32, #tpu.memory_space<vmem>>, %arg12: memref<2x80x64xi32, #tpu.memory_space<vmem>>, %arg13: memref<2x80x64xi32, #tpu.memory_space<vmem>>, %arg14: memref<80x128xf32, #tpu.memory_space<vmem>>, %arg15: memref<80x128xf32, #tpu.memory_space<vmem>>, %arg16: memref<10240x128xf32, #tpu.memory_space<vmem_shared>>, %arg17: memref<!tpu.dma_semaphore, #tpu.memory_space<semaphore_mem>>, %arg18: memref<!tpu.dma_semaphore, #tpu.memory_space<semaphore_mem>>, %arg19: memref<!tpu.dma_semaphore, #tpu.memory_space<semaphore_mem>>, %arg20: memref<!tpu.dma_semaphore, #tpu.memory_space<semaphore_mem>>, %arg21: memref<!tpu.dma_semaphore, #tpu.memory_space<semaphore_mem>>) attributes {dimension_semantics = [#tpu.dimension_semantics<core_parallel>, #tpu.dimension_semantics<subcore_parallel>], iteration_bounds = array<i64: 2, 16>, scalar_prefetch = 0 : i64, scratch_operands = 13 : i64, tpu.core_type = #tpu.core_type<sc_vector_subcore>, window_params = [{transform_indices = #map}, {transform_indices = #map}, {transform_indices = #map1}, {transform_indices = #map1}, {transform_indices = #map1}, {transform_indices = #map}, {transform_indices = #map2}]} {
    %mul3A = arith.constant 2 : i32
    %mul3A_0 = arith.muli %arg1, %mul3A : i32
    %add3A = arith.addi %mul3A_0, %arg0 : i32
    %lt3A = arith.constant 15 : i32
    %lt3A_1 = arith.cmpi slt, %arg1, %lt3A : i32
    %convert_element_type3A = arith.extui %lt3A_1 : i1 to i32
    %cond3A = arith.constant 0 : i32
    %cond3A_2 = arith.cmpi ne, %convert_element_type3A, %cond3A : i32
    scf.if %cond3A_2 {
      %mul3A_144 = arith.constant 640 : i32
      %mul3A_145 = arith.muli %arg1, %mul3A_144 : i32
      %mul3A_146 = arith.constant 640 : i32
      %mul3A_147 = arith.muli %arg1, %mul3A_146 : i32
      "tpu.region"() ({
        %run_scoped3A = tpu.sem_alloc : memref<!tpu.dma_semaphore, #tpu.memory_space<semaphore_mem>>
        %dma_start3A_148 = arith.constant 0 : i32
        %dma_start3A_149 = tpu.memref_slice %arg16[%mul3A_147, %dma_start3A_148] : memref<10240x128xf32, #tpu.memory_space<vmem_shared>> -> memref<640x128xf32, #tpu.memory_space<vmem_shared>>
        %dma_start3A_150 = arith.constant 0 : i32
        %dma_start3A_151 = tpu.memref_slice %arg7[%mul3A_145, %dma_start3A_150] : memref<10000x128xf32, #tpu.memory_space<hbm>> -> memref<640x128xf32, #tpu.memory_space<hbm>>
        tpu.enqueue_dma source(%dma_start3A_151 : memref<640x128xf32, #tpu.memory_space<hbm>>) target(%dma_start3A_149 : memref<640x128xf32, #tpu.memory_space<vmem_shared>>) target_semaphore(%run_scoped3A : memref<!tpu.dma_semaphore, #tpu.memory_space<semaphore_mem>>)
        %dma_wait3A_152 = arith.constant 0 : i32
        %dma_wait3A_153 = tpu.memref_slice %arg16[%mul3A_147, %dma_wait3A_152] : memref<10240x128xf32, #tpu.memory_space<vmem_shared>> -> memref<640x128xf32, #tpu.memory_space<vmem_shared>>
        %dma_wait3A_154 = arith.constant 0 : i32
        %dma_wait3A_155 = tpu.memref_slice %arg7[%mul3A_145, %dma_wait3A_154] : memref<10000x128xf32, #tpu.memory_space<hbm>> -> memref<640x128xf32, #tpu.memory_space<hbm>>
        tpu.wait_dma2 semaphore(%run_scoped3A : memref<!tpu.dma_semaphore, #tpu.memory_space<semaphore_mem>>) src(%dma_wait3A_155 : memref<640x128xf32, #tpu.memory_space<hbm>>) dst(%dma_wait3A_153 : memref<640x128xf32, #tpu.memory_space<vmem_shared>>)
        tpu.yield
      }) : () -> ()
    } else {
    }
    %eq3A = arith.constant 15 : i32
    %eq3A_3 = arith.cmpi eq, %arg1, %eq3A : i32
    %convert_element_type3A_4 = arith.extui %eq3A_3 : i1 to i32
    %cond3A_5 = arith.constant 0 : i32
    %cond3A_6 = arith.cmpi ne, %convert_element_type3A_4, %cond3A_5 : i32
    scf.if %cond3A_6 {
      "tpu.region"() ({
        %run_scoped3A = tpu.sem_alloc : memref<!tpu.dma_semaphore, #tpu.memory_space<semaphore_mem>>
        %dma_start3A_144 = arith.constant 9600 : i32
        %dma_start3A_145 = arith.constant 0 : i32
        %dma_start3A_146 = tpu.memref_slice %arg16[%dma_start3A_144, %dma_start3A_145] : memref<10240x128xf32, #tpu.memory_space<vmem_shared>> -> memref<400x128xf32, #tpu.memory_space<vmem_shared>>
        %dma_start3A_147 = arith.constant 9600 : i32
        %dma_start3A_148 = arith.constant 0 : i32
        %dma_start3A_149 = tpu.memref_slice %arg7[%dma_start3A_147, %dma_start3A_148] : memref<10000x128xf32, #tpu.memory_space<hbm>> -> memref<400x128xf32, #tpu.memory_space<hbm>>
        tpu.enqueue_dma source(%dma_start3A_149 : memref<400x128xf32, #tpu.memory_space<hbm>>) target(%dma_start3A_146 : memref<400x128xf32, #tpu.memory_space<vmem_shared>>) target_semaphore(%run_scoped3A : memref<!tpu.dma_semaphore, #tpu.memory_space<semaphore_mem>>)
        %dma_wait3A_150 = arith.constant 9600 : i32
        %dma_wait3A_151 = arith.constant 0 : i32
        %dma_wait3A_152 = tpu.memref_slice %arg16[%dma_wait3A_150, %dma_wait3A_151] : memref<10240x128xf32, #tpu.memory_space<vmem_shared>> -> memref<400x128xf32, #tpu.memory_space<vmem_shared>>
        %dma_wait3A_153 = arith.constant 9600 : i32
        %dma_wait3A_154 = arith.constant 0 : i32
        %dma_wait3A_155 = tpu.memref_slice %arg7[%dma_wait3A_153, %dma_wait3A_154] : memref<10000x128xf32, #tpu.memory_space<hbm>> -> memref<400x128xf32, #tpu.memory_space<hbm>>
        tpu.wait_dma2 semaphore(%run_scoped3A : memref<!tpu.dma_semaphore, #tpu.memory_space<semaphore_mem>>) src(%dma_wait3A_155 : memref<400x128xf32, #tpu.memory_space<hbm>>) dst(%dma_wait3A_152 : memref<400x128xf32, #tpu.memory_space<vmem_shared>>)
        tpu.yield
      }) : () -> ()
    } else {
    }
    %barrier3A = arith.constant 0 : index
    tpu.barrier barrier_id(%barrier3A)
    %mul3A_7 = arith.constant 10000 : i32
    %mul3A_8 = arith.muli %add3A, %mul3A_7 : i32
    %add3A_9 = arith.constant 0 : i32
    %add3A_10 = arith.addi %mul3A_8, %add3A_9 : i32
    %rem3A = arith.constant 0 : i32
    %rem3A_11 = arith.constant 3 : i32
    %rem3A_12 = arith.remsi %rem3A, %rem3A_11 : i32
    %dma_start3A = arith.constant 0 : i32
    %dma_start3A_13 = tpu.memref_slice %arg9[%rem3A_12, %dma_start3A] : memref<3x80xi32, #tpu.memory_space<vmem>> -> memref<1x80xi32, #tpu.memory_space<vmem>>
    %dma_start3A_14 = tpu.memref_squeeze %dma_start3A_13 : memref<1x80xi32, #tpu.memory_space<vmem>> -> memref<80xi32, #tpu.memory_space<vmem>>
    %dma_start3A_15 = tpu.memref_slice %arg4[%add3A_10] : memref<320000xi32, #tpu.memory_space<hbm>> -> memref<80xi32, #tpu.memory_space<hbm>>
    %dma_start3A_16 = arith.constant 0 : i32
    %dma_start3A_17 = tpu.memref_slice %arg9[%rem3A_12, %dma_start3A_16] : memref<3x80xi32, #tpu.memory_space<vmem>> -> memref<1x80xi32, #tpu.memory_space<vmem>>
    %dma_start3A_18 = tpu.memref_squeeze %dma_start3A_17 : memref<1x80xi32, #tpu.memory_space<vmem>> -> memref<80xi32, #tpu.memory_space<vmem>>
    %dma_start3A_19 = tpu.memref_slice %arg4[%add3A_10] : memref<320000xi32, #tpu.memory_space<hbm>> -> memref<80xi32, #tpu.memory_space<hbm>>
    tpu.enqueue_dma source(%dma_start3A_19 : memref<80xi32, #tpu.memory_space<hbm>>) target(%dma_start3A_18 : memref<80xi32, #tpu.memory_space<vmem>>) target_semaphore(%arg21 : memref<!tpu.dma_semaphore, #tpu.memory_space<semaphore_mem>>)
    %dma_start3A_20 = arith.constant 0 : i32
    %dma_start3A_21 = tpu.memref_slice %arg10[%rem3A_12, %dma_start3A_20] : memref<3x80xi32, #tpu.memory_space<vmem>> -> memref<1x80xi32, #tpu.memory_space<vmem>>
    %dma_start3A_22 = tpu.memref_squeeze %dma_start3A_21 : memref<1x80xi32, #tpu.memory_space<vmem>> -> memref<80xi32, #tpu.memory_space<vmem>>
    %dma_start3A_23 = tpu.memref_slice %arg5[%add3A_10] : memref<320000xi32, #tpu.memory_space<hbm>> -> memref<80xi32, #tpu.memory_space<hbm>>
    %dma_start3A_24 = arith.constant 0 : i32
    %dma_start3A_25 = tpu.memref_slice %arg10[%rem3A_12, %dma_start3A_24] : memref<3x80xi32, #tpu.memory_space<vmem>> -> memref<1x80xi32, #tpu.memory_space<vmem>>
    %dma_start3A_26 = tpu.memref_squeeze %dma_start3A_25 : memref<1x80xi32, #tpu.memory_space<vmem>> -> memref<80xi32, #tpu.memory_space<vmem>>
    %dma_start3A_27 = tpu.memref_slice %arg5[%add3A_10] : memref<320000xi32, #tpu.memory_space<hbm>> -> memref<80xi32, #tpu.memory_space<hbm>>
    tpu.enqueue_dma source(%dma_start3A_27 : memref<80xi32, #tpu.memory_space<hbm>>) target(%dma_start3A_26 : memref<80xi32, #tpu.memory_space<vmem>>) target_semaphore(%arg21 : memref<!tpu.dma_semaphore, #tpu.memory_space<semaphore_mem>>)
    %dma_start3A_28 = arith.constant 0 : i32
    %dma_start3A_29 = tpu.memref_slice %arg11[%rem3A_12, %dma_start3A_28] : memref<3x80xf32, #tpu.memory_space<vmem>> -> memref<1x80xf32, #tpu.memory_space<vmem>>
    %dma_start3A_30 = tpu.memref_squeeze %dma_start3A_29 : memref<1x80xf32, #tpu.memory_space<vmem>> -> memref<80xf32, #tpu.memory_space<vmem>>
    %dma_start3A_31 = tpu.memref_slice %arg6[%add3A_10] : memref<320000xf32, #tpu.memory_space<hbm>> -> memref<80xf32, #tpu.memory_space<hbm>>
    %dma_start3A_32 = arith.constant 0 : i32
    %dma_start3A_33 = tpu.memref_slice %arg11[%rem3A_12, %dma_start3A_32] : memref<3x80xf32, #tpu.memory_space<vmem>> -> memref<1x80xf32, #tpu.memory_space<vmem>>
    %dma_start3A_34 = tpu.memref_squeeze %dma_start3A_33 : memref<1x80xf32, #tpu.memory_space<vmem>> -> memref<80xf32, #tpu.memory_space<vmem>>
    %dma_start3A_35 = tpu.memref_slice %arg6[%add3A_10] : memref<320000xf32, #tpu.memory_space<hbm>> -> memref<80xf32, #tpu.memory_space<hbm>>
    tpu.enqueue_dma source(%dma_start3A_35 : memref<80xf32, #tpu.memory_space<hbm>>) target(%dma_start3A_34 : memref<80xf32, #tpu.memory_space<vmem>>) target_semaphore(%arg21 : memref<!tpu.dma_semaphore, #tpu.memory_space<semaphore_mem>>)
    %add3A_36 = arith.constant 0 : i32
    %add3A_37 = arith.addi %mul3A_8, %add3A_36 : i32
    %rem3A_38 = arith.constant 0 : i32
    %rem3A_39 = arith.constant 3 : i32
    %rem3A_40 = arith.remsi %rem3A_38, %rem3A_39 : i32
    %dma_wait3A = arith.constant 0 : i32
    %dma_wait3A_41 = tpu.memref_slice %arg9[%rem3A_40, %dma_wait3A] : memref<3x80xi32, #tpu.memory_space<vmem>> -> memref<1x80xi32, #tpu.memory_space<vmem>>
    %dma_wait3A_42 = tpu.memref_squeeze %dma_wait3A_41 : memref<1x80xi32, #tpu.memory_space<vmem>> -> memref<80xi32, #tpu.memory_space<vmem>>
    %dma_wait3A_43 = tpu.memref_slice %arg4[%add3A_37] : memref<320000xi32, #tpu.memory_space<hbm>> -> memref<80xi32, #tpu.memory_space<hbm>>
    %dma_wait3A_44 = arith.constant 0 : i32
    %dma_wait3A_45 = tpu.memref_slice %arg9[%rem3A_40, %dma_wait3A_44] : memref<3x80xi32, #tpu.memory_space<vmem>> -> memref<1x80xi32, #tpu.memory_space<vmem>>
    %dma_wait3A_46 = tpu.memref_squeeze %dma_wait3A_45 : memref<1x80xi32, #tpu.memory_space<vmem>> -> memref<80xi32, #tpu.memory_space<vmem>>
    %dma_wait3A_47 = tpu.memref_slice %arg4[%add3A_37] : memref<320000xi32, #tpu.memory_space<hbm>> -> memref<80xi32, #tpu.memory_space<hbm>>
    tpu.wait_dma2 semaphore(%arg21 : memref<!tpu.dma_semaphore, #tpu.memory_space<semaphore_mem>>) src(%dma_wait3A_47 : memref<80xi32, #tpu.memory_space<hbm>>) dst(%dma_wait3A_46 : memref<80xi32, #tpu.memory_space<vmem>>)
    %dma_wait3A_48 = arith.constant 0 : i32
    %dma_wait3A_49 = tpu.memref_slice %arg10[%rem3A_40, %dma_wait3A_48] : memref<3x80xi32, #tpu.memory_space<vmem>> -> memref<1x80xi32, #tpu.memory_space<vmem>>
    %dma_wait3A_50 = tpu.memref_squeeze %dma_wait3A_49 : memref<1x80xi32, #tpu.memory_space<vmem>> -> memref<80xi32, #tpu.memory_space<vmem>>
    %dma_wait3A_51 = tpu.memref_slice %arg5[%add3A_37] : memref<320000xi32, #tpu.memory_space<hbm>> -> memref<80xi32, #tpu.memory_space<hbm>>
    %dma_wait3A_52 = arith.constant 0 : i32
    %dma_wait3A_53 = tpu.memref_slice %arg10[%rem3A_40, %dma_wait3A_52] : memref<3x80xi32, #tpu.memory_space<vmem>> -> memref<1x80xi32, #tpu.memory_space<vmem>>
    %dma_wait3A_54 = tpu.memref_squeeze %dma_wait3A_53 : memref<1x80xi32, #tpu.memory_space<vmem>> -> memref<80xi32, #tpu.memory_space<vmem>>
    %dma_wait3A_55 = tpu.memref_slice %arg5[%add3A_37] : memref<320000xi32, #tpu.memory_space<hbm>> -> memref<80xi32, #tpu.memory_space<hbm>>
    tpu.wait_dma2 semaphore(%arg21 : memref<!tpu.dma_semaphore, #tpu.memory_space<semaphore_mem>>) src(%dma_wait3A_55 : memref<80xi32, #tpu.memory_space<hbm>>) dst(%dma_wait3A_54 : memref<80xi32, #tpu.memory_space<vmem>>)
    %dma_wait3A_56 = arith.constant 0 : i32
    %dma_wait3A_57 = tpu.memref_slice %arg11[%rem3A_40, %dma_wait3A_56] : memref<3x80xf32, #tpu.memory_space<vmem>> -> memref<1x80xf32, #tpu.memory_space<vmem>>
    %dma_wait3A_58 = tpu.memref_squeeze %dma_wait3A_57 : memref<1x80xf32, #tpu.memory_space<vmem>> -> memref<80xf32, #tpu.memory_space<vmem>>
    %dma_wait3A_59 = tpu.memref_slice %arg6[%add3A_37] : memref<320000xf32, #tpu.memory_space<hbm>> -> memref<80xf32, #tpu.memory_space<hbm>>
    %dma_wait3A_60 = arith.constant 0 : i32
    %dma_wait3A_61 = tpu.memref_slice %arg11[%rem3A_40, %dma_wait3A_60] : memref<3x80xf32, #tpu.memory_space<vmem>> -> memref<1x80xf32, #tpu.memory_space<vmem>>
    %dma_wait3A_62 = tpu.memref_squeeze %dma_wait3A_61 : memref<1x80xf32, #tpu.memory_space<vmem>> -> memref<80xf32, #tpu.memory_space<vmem>>
    %dma_wait3A_63 = tpu.memref_slice %arg6[%add3A_37] : memref<320000xf32, #tpu.memory_space<hbm>> -> memref<80xf32, #tpu.memory_space<hbm>>
    tpu.wait_dma2 semaphore(%arg21 : memref<!tpu.dma_semaphore, #tpu.memory_space<semaphore_mem>>) src(%dma_wait3A_63 : memref<80xf32, #tpu.memory_space<hbm>>) dst(%dma_wait3A_62 : memref<80xf32, #tpu.memory_space<vmem>>)
    %rem3A_64 = arith.constant 0 : i32
    %rem3A_65 = arith.constant 3 : i32
    %rem3A_66 = arith.remsi %rem3A_64, %rem3A_65 : i32
    %rem3A_67 = arith.constant 0 : i32
    %rem3A_68 = arith.constant 2 : i32
    %rem3A_69 = arith.remsi %rem3A_67, %rem3A_68 : i32
    %dma_start3A_70 = arith.constant 0 : i32
    %dma_start3A_71 = arith.constant 0 : i32
    %dma_start3A_72 = tpu.memref_slice %arg12[%rem3A_69, %dma_start3A_70, %dma_start3A_71] : memref<2x80x64xi32, #tpu.memory_space<vmem>> -> memref<1x80x64xi32, #tpu.memory_space<vmem>>
    %dma_start3A_73 = tpu.memref_squeeze %dma_start3A_72 : memref<1x80x64xi32, #tpu.memory_space<vmem>> -> memref<80x64xi32, #tpu.memory_space<vmem>>
    %dma_start3A_74 = arith.constant 0 : i32
    %dma_start3A_75 = tpu.memref_slice %arg9[%rem3A_66, %dma_start3A_74] : memref<3x80xi32, #tpu.memory_space<vmem>> -> memref<1x80xi32, #tpu.memory_space<vmem>>
    %dma_start3A_76 = tpu.memref_squeeze %dma_start3A_75 : memref<1x80xi32, #tpu.memory_space<vmem>> -> memref<80xi32, #tpu.memory_space<vmem>>
    %dma_start3A_77 = arith.constant 0 : i32
    %dma_start3A_78 = arith.constant 0 : i32
    %dma_start3A_79 = tpu.memref_slice %arg2[%dma_start3A_77, %dma_start3A_78] : memref<10000x64xi32, #tpu.memory_space<hbm>> -> memref<10000x64xi32, #tpu.memory_space<hbm>>
    tpu.enqueue_indirect_dma source(%dma_start3A_79 : memref<10000x64xi32, #tpu.memory_space<hbm>>) target(%dma_start3A_73 : memref<80x64xi32, #tpu.memory_space<vmem>>) offsets(%dma_start3A_76 : memref<80xi32, #tpu.memory_space<vmem>>) semaphore(%arg17 : memref<!tpu.dma_semaphore, #tpu.memory_space<semaphore_mem>>)
    %dma_start3A_80 = arith.constant 0 : i32
    %dma_start3A_81 = arith.constant 0 : i32
    %dma_start3A_82 = tpu.memref_slice %arg13[%rem3A_69, %dma_start3A_80, %dma_start3A_81] : memref<2x80x64xi32, #tpu.memory_space<vmem>> -> memref<1x80x64xi32, #tpu.memory_space<vmem>>
    %dma_start3A_83 = tpu.memref_squeeze %dma_start3A_82 : memref<1x80x64xi32, #tpu.memory_space<vmem>> -> memref<80x64xi32, #tpu.memory_space<vmem>>
    %dma_start3A_84 = arith.constant 0 : i32
    %dma_start3A_85 = tpu.memref_slice %arg10[%rem3A_66, %dma_start3A_84] : memref<3x80xi32, #tpu.memory_space<vmem>> -> memref<1x80xi32, #tpu.memory_space<vmem>>
    %dma_start3A_86 = tpu.memref_squeeze %dma_start3A_85 : memref<1x80xi32, #tpu.memory_space<vmem>> -> memref<80xi32, #tpu.memory_space<vmem>>
    %dma_start3A_87 = arith.constant 0 : i32
    %dma_start3A_88 = arith.constant 0 : i32
    %dma_start3A_89 = tpu.memref_slice %arg3[%dma_start3A_87, %dma_start3A_88] : memref<10000x64xi32, #tpu.memory_space<hbm>> -> memref<10000x64xi32, #tpu.memory_space<hbm>>
    tpu.enqueue_indirect_dma source(%dma_start3A_89 : memref<10000x64xi32, #tpu.memory_space<hbm>>) target(%dma_start3A_83 : memref<80x64xi32, #tpu.memory_space<vmem>>) offsets(%dma_start3A_86 : memref<80xi32, #tpu.memory_space<vmem>>) semaphore(%arg18 : memref<!tpu.dma_semaphore, #tpu.memory_space<semaphore_mem>>)
    %add3A_90 = arith.constant 80 : i32
    %add3A_91 = arith.addi %mul3A_8, %add3A_90 : i32
    %rem3A_92 = arith.constant 1 : i32
    %rem3A_93 = arith.constant 3 : i32
    %rem3A_94 = arith.remsi %rem3A_92, %rem3A_93 : i32
    %dma_start3A_95 = arith.constant 0 : i32
    %dma_start3A_96 = tpu.memref_slice %arg9[%rem3A_94, %dma_start3A_95] : memref<3x80xi32, #tpu.memory_space<vmem>> -> memref<1x80xi32, #tpu.memory_space<vmem>>
    %dma_start3A_97 = tpu.memref_squeeze %dma_start3A_96 : memref<1x80xi32, #tpu.memory_space<vmem>> -> memref<80xi32, #tpu.memory_space<vmem>>
    %dma_start3A_98 = tpu.memref_slice %arg4[%add3A_91] : memref<320000xi32, #tpu.memory_space<hbm>> -> memref<80xi32, #tpu.memory_space<hbm>>
    %dma_start3A_99 = arith.constant 0 : i32
    %dma_start3A_100 = tpu.memref_slice %arg9[%rem3A_94, %dma_start3A_99] : memref<3x80xi32, #tpu.memory_space<vmem>> -> memref<1x80xi32, #tpu.memory_space<vmem>>
    %dma_start3A_101 = tpu.memref_squeeze %dma_start3A_100 : memref<1x80xi32, #tpu.memory_space<vmem>> -> memref<80xi32, #tpu.memory_space<vmem>>
    %dma_start3A_102 = tpu.memref_slice %arg4[%add3A_91] : memref<320000xi32, #tpu.memory_space<hbm>> -> memref<80xi32, #tpu.memory_space<hbm>>
    tpu.enqueue_dma source(%dma_start3A_102 : memref<80xi32, #tpu.memory_space<hbm>>) target(%dma_start3A_101 : memref<80xi32, #tpu.memory_space<vmem>>) target_semaphore(%arg21 : memref<!tpu.dma_semaphore, #tpu.memory_space<semaphore_mem>>)
    %dma_start3A_103 = arith.constant 0 : i32
    %dma_start3A_104 = tpu.memref_slice %arg10[%rem3A_94, %dma_start3A_103] : memref<3x80xi32, #tpu.memory_space<vmem>> -> memref<1x80xi32, #tpu.memory_space<vmem>>
    %dma_start3A_105 = tpu.memref_squeeze %dma_start3A_104 : memref<1x80xi32, #tpu.memory_space<vmem>> -> memref<80xi32, #tpu.memory_space<vmem>>
    %dma_start3A_106 = tpu.memref_slice %arg5[%add3A_91] : memref<320000xi32, #tpu.memory_space<hbm>> -> memref<80xi32, #tpu.memory_space<hbm>>
    %dma_start3A_107 = arith.constant 0 : i32
    %dma_start3A_108 = tpu.memref_slice %arg10[%rem3A_94, %dma_start3A_107] : memref<3x80xi32, #tpu.memory_space<vmem>> -> memref<1x80xi32, #tpu.memory_space<vmem>>
    %dma_start3A_109 = tpu.memref_squeeze %dma_start3A_108 : memref<1x80xi32, #tpu.memory_space<vmem>> -> memref<80xi32, #tpu.memory_space<vmem>>
    %dma_start3A_110 = tpu.memref_slice %arg5[%add3A_91] : memref<320000xi32, #tpu.memory_space<hbm>> -> memref<80xi32, #tpu.memory_space<hbm>>
    tpu.enqueue_dma source(%dma_start3A_110 : memref<80xi32, #tpu.memory_space<hbm>>) target(%dma_start3A_109 : memref<80xi32, #tpu.memory_space<vmem>>) target_semaphore(%arg21 : memref<!tpu.dma_semaphore, #tpu.memory_space<semaphore_mem>>)
    %dma_start3A_111 = arith.constant 0 : i32
    %dma_start3A_112 = tpu.memref_slice %arg11[%rem3A_94, %dma_start3A_111] : memref<3x80xf32, #tpu.memory_space<vmem>> -> memref<1x80xf32, #tpu.memory_space<vmem>>
    %dma_start3A_113 = tpu.memref_squeeze %dma_start3A_112 : memref<1x80xf32, #tpu.memory_space<vmem>> -> memref<80xf32, #tpu.memory_space<vmem>>
    %dma_start3A_114 = tpu.memref_slice %arg6[%add3A_91] : memref<320000xf32, #tpu.memory_space<hbm>> -> memref<80xf32, #tpu.memory_space<hbm>>
    %dma_start3A_115 = arith.constant 0 : i32
    %dma_start3A_116 = tpu.memref_slice %arg11[%rem3A_94, %dma_start3A_115] : memref<3x80xf32, #tpu.memory_space<vmem>> -> memref<1x80xf32, #tpu.memory_space<vmem>>
    %dma_start3A_117 = tpu.memref_squeeze %dma_start3A_116 : memref<1x80xf32, #tpu.memory_space<vmem>> -> memref<80xf32, #tpu.memory_space<vmem>>
    %dma_start3A_118 = tpu.memref_slice %arg6[%add3A_91] : memref<320000xf32, #tpu.memory_space<hbm>> -> memref<80xf32, #tpu.memory_space<hbm>>
    tpu.enqueue_dma source(%dma_start3A_118 : memref<80xf32, #tpu.memory_space<hbm>>) target(%dma_start3A_117 : memref<80xf32, #tpu.memory_space<vmem>>) target_semaphore(%arg21 : memref<!tpu.dma_semaphore, #tpu.memory_space<semaphore_mem>>)
    %scan3A = arith.constant 0 : i32
    %scan3A_119 = arith.constant 0 : i32
    %scan3A_120 = arith.constant 125 : i32
    %scan3A_121 = arith.addi %scan3A_119, %scan3A_120 : i32
    %scan3A_122 = arith.constant 1 : i32
    scf.for %scan3A_144 = %scan3A_119 to %scan3A_121 step %scan3A_122  : i32 {
      %rem3A_145 = arith.constant 3 : i32
      %rem3A_146 = arith.remsi %scan3A_144, %rem3A_145 : i32
      %rem3A_147 = arith.constant 2 : i32
      %rem3A_148 = arith.remsi %scan3A_144, %rem3A_147 : i32
      %add3A_149 = arith.constant 1 : i32
      %add3A_150 = arith.addi %scan3A_144, %add3A_149 : i32
      %lt3A_151 = arith.constant 125 : i32
      %lt3A_152 = arith.cmpi slt, %add3A_150, %lt3A_151 : i32
      %convert_element_type3A_153 = arith.extui %lt3A_152 : i1 to i32
      %cond3A_154 = arith.constant 0 : i32
      %cond3A_155 = arith.cmpi ne, %convert_element_type3A_153, %cond3A_154 : i32
      scf.if %cond3A_155 {
        %add3A_225 = arith.constant 1 : i32
        %add3A_226 = arith.addi %scan3A_144, %add3A_225 : i32
        %mul3A_227 = arith.constant 80 : i32
        %mul3A_228 = arith.muli %add3A_226, %mul3A_227 : i32
        %add3A_229 = arith.addi %mul3A_8, %mul3A_228 : i32
        %rem3A_230 = arith.constant 3 : i32
        %rem3A_231 = arith.remsi %add3A_226, %rem3A_230 : i32
        %dma_wait3A_232 = arith.constant 0 : i32
        %dma_wait3A_233 = tpu.memref_slice %arg9[%rem3A_231, %dma_wait3A_232] : memref<3x80xi32, #tpu.memory_space<vmem>> -> memref<1x80xi32, #tpu.memory_space<vmem>>
        %dma_wait3A_234 = tpu.memref_squeeze %dma_wait3A_233 : memref<1x80xi32, #tpu.memory_space<vmem>> -> memref<80xi32, #tpu.memory_space<vmem>>
        %dma_wait3A_235 = tpu.memref_slice %arg4[%add3A_229] : memref<320000xi32, #tpu.memory_space<hbm>> -> memref<80xi32, #tpu.memory_space<hbm>>
        %dma_wait3A_236 = arith.constant 0 : i32
        %dma_wait3A_237 = tpu.memref_slice %arg9[%rem3A_231, %dma_wait3A_236] : memref<3x80xi32, #tpu.memory_space<vmem>> -> memref<1x80xi32, #tpu.memory_space<vmem>>
        %dma_wait3A_238 = tpu.memref_squeeze %dma_wait3A_237 : memref<1x80xi32, #tpu.memory_space<vmem>> -> memref<80xi32, #tpu.memory_space<vmem>>
        %dma_wait3A_239 = tpu.memref_slice %arg4[%add3A_229] : memref<320000xi32, #tpu.memory_space<hbm>> -> memref<80xi32, #tpu.memory_space<hbm>>
        tpu.wait_dma2 semaphore(%arg21 : memref<!tpu.dma_semaphore, #tpu.memory_space<semaphore_mem>>) src(%dma_wait3A_239 : memref<80xi32, #tpu.memory_space<hbm>>) dst(%dma_wait3A_238 : memref<80xi32, #tpu.memory_space<vmem>>)
        %dma_wait3A_240 = arith.constant 0 : i32
        %dma_wait3A_241 = tpu.memref_slice %arg10[%rem3A_231, %dma_wait3A_240] : memref<3x80xi32, #tpu.memory_space<vmem>> -> memref<1x80xi32, #tpu.memory_space<vmem>>
        %dma_wait3A_242 = tpu.memref_squeeze %dma_wait3A_241 : memref<1x80xi32, #tpu.memory_space<vmem>> -> memref<80xi32, #tpu.memory_space<vmem>>
        %dma_wait3A_243 = tpu.memref_slice %arg5[%add3A_229] : memref<320000xi32, #tpu.memory_space<hbm>> -> memref<80xi32, #tpu.memory_space<hbm>>
        %dma_wait3A_244 = arith.constant 0 : i32
        %dma_wait3A_245 = tpu.memref_slice %arg10[%rem3A_231, %dma_wait3A_244] : memref<3x80xi32, #tpu.memory_space<vmem>> -> memref<1x80xi32, #tpu.memory_space<vmem>>
        %dma_wait3A_246 = tpu.memref_squeeze %dma_wait3A_245 : memref<1x80xi32, #tpu.memory_space<vmem>> -> memref<80xi32, #tpu.memory_space<vmem>>
        %dma_wait3A_247 = tpu.memref_slice %arg5[%add3A_229] : memref<320000xi32, #tpu.memory_space<hbm>> -> memref<80xi32, #tpu.memory_space<hbm>>
        tpu.wait_dma2 semaphore(%arg21 : memref<!tpu.dma_semaphore, #tpu.memory_space<semaphore_mem>>) src(%dma_wait3A_247 : memref<80xi32, #tpu.memory_space<hbm>>) dst(%dma_wait3A_246 : memref<80xi32, #tpu.memory_space<vmem>>)
        %dma_wait3A_248 = arith.constant 0 : i32
        %dma_wait3A_249 = tpu.memref_slice %arg11[%rem3A_231, %dma_wait3A_248] : memref<3x80xf32, #tpu.memory_space<vmem>> -> memref<1x80xf32, #tpu.memory_space<vmem>>
        %dma_wait3A_250 = tpu.memref_squeeze %dma_wait3A_249 : memref<1x80xf32, #tpu.memory_space<vmem>> -> memref<80xf32, #tpu.memory_space<vmem>>
        %dma_wait3A_251 = tpu.memref_slice %arg6[%add3A_229] : memref<320000xf32, #tpu.memory_space<hbm>> -> memref<80xf32, #tpu.memory_space<hbm>>
        %dma_wait3A_252 = arith.constant 0 : i32
        %dma_wait3A_253 = tpu.memref_slice %arg11[%rem3A_231, %dma_wait3A_252] : memref<3x80xf32, #tpu.memory_space<vmem>> -> memref<1x80xf32, #tpu.memory_space<vmem>>
        %dma_wait3A_254 = tpu.memref_squeeze %dma_wait3A_253 : memref<1x80xf32, #tpu.memory_space<vmem>> -> memref<80xf32, #tpu.memory_space<vmem>>
        %dma_wait3A_255 = tpu.memref_slice %arg6[%add3A_229] : memref<320000xf32, #tpu.memory_space<hbm>> -> memref<80xf32, #tpu.memory_space<hbm>>
        tpu.wait_dma2 semaphore(%arg21 : memref<!tpu.dma_semaphore, #tpu.memory_space<semaphore_mem>>) src(%dma_wait3A_255 : memref<80xf32, #tpu.memory_space<hbm>>) dst(%dma_wait3A_254 : memref<80xf32, #tpu.memory_space<vmem>>)
      } else {
      }
      %ge3A = arith.constant 1 : i32
      %ge3A_156 = arith.cmpi sge, %scan3A_144, %ge3A : i32
      %convert_element_type3A_157 = arith.extui %ge3A_156 : i1 to i32
      %cond3A_158 = arith.constant 0 : i32
      %cond3A_159 = arith.cmpi ne, %convert_element_type3A_157, %cond3A_158 : i32
      scf.if %cond3A_159 {
        %sub3A = arith.constant 1 : i32
        %sub3A_225 = arith.subi %scan3A_144, %sub3A : i32
        %rem3A_226 = arith.constant 3 : i32
        %rem3A_227 = arith.remsi %sub3A_225, %rem3A_226 : i32
        %dma_wait3A_228 = arith.constant 0 : i32
        %dma_wait3A_229 = tpu.memref_slice %arg10[%rem3A_227, %dma_wait3A_228] : memref<3x80xi32, #tpu.memory_space<vmem>> -> memref<1x80xi32, #tpu.memory_space<vmem>>
        %dma_wait3A_230 = tpu.memref_squeeze %dma_wait3A_229 : memref<1x80xi32, #tpu.memory_space<vmem>> -> memref<80xi32, #tpu.memory_space<vmem>>
        %dma_wait3A_231 = arith.constant 0 : i32
        %dma_wait3A_232 = arith.constant 0 : i32
        %dma_wait3A_233 = tpu.memref_slice %arg16[%dma_wait3A_231, %dma_wait3A_232] : memref<10240x128xf32, #tpu.memory_space<vmem_shared>> -> memref<10240x128xf32, #tpu.memory_space<vmem_shared>>
        tpu.wait_indirect_dma semaphore(%arg19 : memref<!tpu.dma_semaphore, #tpu.memory_space<semaphore_mem>>) src(%arg14 : memref<80x128xf32, #tpu.memory_space<vmem>>) dst(%dma_wait3A_233 : memref<10240x128xf32, #tpu.memory_space<vmem_shared>>)
        %dma_wait3A_234 = arith.constant 0 : i32
        %dma_wait3A_235 = tpu.memref_slice %arg9[%rem3A_227, %dma_wait3A_234] : memref<3x80xi32, #tpu.memory_space<vmem>> -> memref<1x80xi32, #tpu.memory_space<vmem>>
        %dma_wait3A_236 = tpu.memref_squeeze %dma_wait3A_235 : memref<1x80xi32, #tpu.memory_space<vmem>> -> memref<80xi32, #tpu.memory_space<vmem>>
        %dma_wait3A_237 = arith.constant 0 : i32
        %dma_wait3A_238 = arith.constant 0 : i32
        %dma_wait3A_239 = tpu.memref_slice %arg16[%dma_wait3A_237, %dma_wait3A_238] : memref<10240x128xf32, #tpu.memory_space<vmem_shared>> -> memref<10240x128xf32, #tpu.memory_space<vmem_shared>>
        tpu.wait_indirect_dma semaphore(%arg20 : memref<!tpu.dma_semaphore, #tpu.memory_space<semaphore_mem>>) src(%arg15 : memref<80x128xf32, #tpu.memory_space<vmem>>) dst(%dma_wait3A_239 : memref<10240x128xf32, #tpu.memory_space<vmem_shared>>)
      } else {
      }
      %add3A_160 = arith.constant 1 : i32
      %add3A_161 = arith.addi %scan3A_144, %add3A_160 : i32
      %lt3A_162 = arith.constant 125 : i32
      %lt3A_163 = arith.cmpi slt, %add3A_161, %lt3A_162 : i32
      %convert_element_type3A_164 = arith.extui %lt3A_163 : i1 to i32
      %cond3A_165 = arith.constant 0 : i32
      %cond3A_166 = arith.cmpi ne, %convert_element_type3A_164, %cond3A_165 : i32
      scf.if %cond3A_166 {
        %add3A_225 = arith.constant 1 : i32
        %add3A_226 = arith.addi %scan3A_144, %add3A_225 : i32
        %rem3A_227 = arith.constant 3 : i32
        %rem3A_228 = arith.remsi %add3A_226, %rem3A_227 : i32
        %rem3A_229 = arith.constant 2 : i32
        %rem3A_230 = arith.remsi %add3A_226, %rem3A_229 : i32
        %dma_start3A_231 = arith.constant 0 : i32
        %dma_start3A_232 = arith.constant 0 : i32
        %dma_start3A_233 = tpu.memref_slice %arg12[%rem3A_230, %dma_start3A_231, %dma_start3A_232] : memref<2x80x64xi32, #tpu.memory_space<vmem>> -> memref<1x80x64xi32, #tpu.memory_space<vmem>>
        %dma_start3A_234 = tpu.memref_squeeze %dma_start3A_233 : memref<1x80x64xi32, #tpu.memory_space<vmem>> -> memref<80x64xi32, #tpu.memory_space<vmem>>
        %dma_start3A_235 = arith.constant 0 : i32
        %dma_start3A_236 = tpu.memref_slice %arg9[%rem3A_228, %dma_start3A_235] : memref<3x80xi32, #tpu.memory_space<vmem>> -> memref<1x80xi32, #tpu.memory_space<vmem>>
        %dma_start3A_237 = tpu.memref_squeeze %dma_start3A_236 : memref<1x80xi32, #tpu.memory_space<vmem>> -> memref<80xi32, #tpu.memory_space<vmem>>
        %dma_start3A_238 = arith.constant 0 : i32
        %dma_start3A_239 = arith.constant 0 : i32
        %dma_start3A_240 = tpu.memref_slice %arg2[%dma_start3A_238, %dma_start3A_239] : memref<10000x64xi32, #tpu.memory_space<hbm>> -> memref<10000x64xi32, #tpu.memory_space<hbm>>
        tpu.enqueue_indirect_dma source(%dma_start3A_240 : memref<10000x64xi32, #tpu.memory_space<hbm>>) target(%dma_start3A_234 : memref<80x64xi32, #tpu.memory_space<vmem>>) offsets(%dma_start3A_237 : memref<80xi32, #tpu.memory_space<vmem>>) semaphore(%arg17 : memref<!tpu.dma_semaphore, #tpu.memory_space<semaphore_mem>>)
        %dma_start3A_241 = arith.constant 0 : i32
        %dma_start3A_242 = arith.constant 0 : i32
        %dma_start3A_243 = tpu.memref_slice %arg13[%rem3A_230, %dma_start3A_241, %dma_start3A_242] : memref<2x80x64xi32, #tpu.memory_space<vmem>> -> memref<1x80x64xi32, #tpu.memory_space<vmem>>
        %dma_start3A_244 = tpu.memref_squeeze %dma_start3A_243 : memref<1x80x64xi32, #tpu.memory_space<vmem>> -> memref<80x64xi32, #tpu.memory_space<vmem>>
        %dma_start3A_245 = arith.constant 0 : i32
        %dma_start3A_246 = tpu.memref_slice %arg10[%rem3A_228, %dma_start3A_245] : memref<3x80xi32, #tpu.memory_space<vmem>> -> memref<1x80xi32, #tpu.memory_space<vmem>>
        %dma_start3A_247 = tpu.memref_squeeze %dma_start3A_246 : memref<1x80xi32, #tpu.memory_space<vmem>> -> memref<80xi32, #tpu.memory_space<vmem>>
        %dma_start3A_248 = arith.constant 0 : i32
        %dma_start3A_249 = arith.constant 0 : i32
        %dma_start3A_250 = tpu.memref_slice %arg3[%dma_start3A_248, %dma_start3A_249] : memref<10000x64xi32, #tpu.memory_space<hbm>> -> memref<10000x64xi32, #tpu.memory_space<hbm>>
        tpu.enqueue_indirect_dma source(%dma_start3A_250 : memref<10000x64xi32, #tpu.memory_space<hbm>>) target(%dma_start3A_244 : memref<80x64xi32, #tpu.memory_space<vmem>>) offsets(%dma_start3A_247 : memref<80xi32, #tpu.memory_space<vmem>>) semaphore(%arg18 : memref<!tpu.dma_semaphore, #tpu.memory_space<semaphore_mem>>)
      } else {
      }
      %add3A_167 = arith.constant 2 : i32
      %add3A_168 = arith.addi %scan3A_144, %add3A_167 : i32
      %lt3A_169 = arith.constant 125 : i32
      %lt3A_170 = arith.cmpi slt, %add3A_168, %lt3A_169 : i32
      %convert_element_type3A_171 = arith.extui %lt3A_170 : i1 to i32
      %cond3A_172 = arith.constant 0 : i32
      %cond3A_173 = arith.cmpi ne, %convert_element_type3A_171, %cond3A_172 : i32
      scf.if %cond3A_173 {
        %add3A_225 = arith.constant 2 : i32
        %add3A_226 = arith.addi %scan3A_144, %add3A_225 : i32
        %mul3A_227 = arith.constant 80 : i32
        %mul3A_228 = arith.muli %add3A_226, %mul3A_227 : i32
        %add3A_229 = arith.addi %mul3A_8, %mul3A_228 : i32
        %rem3A_230 = arith.constant 3 : i32
        %rem3A_231 = arith.remsi %add3A_226, %rem3A_230 : i32
        %dma_start3A_232 = arith.constant 0 : i32
        %dma_start3A_233 = tpu.memref_slice %arg9[%rem3A_231, %dma_start3A_232] : memref<3x80xi32, #tpu.memory_space<vmem>> -> memref<1x80xi32, #tpu.memory_space<vmem>>
        %dma_start3A_234 = tpu.memref_squeeze %dma_start3A_233 : memref<1x80xi32, #tpu.memory_space<vmem>> -> memref<80xi32, #tpu.memory_space<vmem>>
        %dma_start3A_235 = tpu.memref_slice %arg4[%add3A_229] : memref<320000xi32, #tpu.memory_space<hbm>> -> memref<80xi32, #tpu.memory_space<hbm>>
        %dma_start3A_236 = arith.constant 0 : i32
        %dma_start3A_237 = tpu.memref_slice %arg9[%rem3A_231, %dma_start3A_236] : memref<3x80xi32, #tpu.memory_space<vmem>> -> memref<1x80xi32, #tpu.memory_space<vmem>>
        %dma_start3A_238 = tpu.memref_squeeze %dma_start3A_237 : memref<1x80xi32, #tpu.memory_space<vmem>> -> memref<80xi32, #tpu.memory_space<vmem>>
        %dma_start3A_239 = tpu.memref_slice %arg4[%add3A_229] : memref<320000xi32, #tpu.memory_space<hbm>> -> memref<80xi32, #tpu.memory_space<hbm>>
        tpu.enqueue_dma source(%dma_start3A_239 : memref<80xi32, #tpu.memory_space<hbm>>) target(%dma_start3A_238 : memref<80xi32, #tpu.memory_space<vmem>>) target_semaphore(%arg21 : memref<!tpu.dma_semaphore, #tpu.memory_space<semaphore_mem>>)
        %dma_start3A_240 = arith.constant 0 : i32
        %dma_start3A_241 = tpu.memref_slice %arg10[%rem3A_231, %dma_start3A_240] : memref<3x80xi32, #tpu.memory_space<vmem>> -> memref<1x80xi32, #tpu.memory_space<vmem>>
        %dma_start3A_242 = tpu.memref_squeeze %dma_start3A_241 : memref<1x80xi32, #tpu.memory_space<vmem>> -> memref<80xi32, #tpu.memory_space<vmem>>
        %dma_start3A_243 = tpu.memref_slice %arg5[%add3A_229] : memref<320000xi32, #tpu.memory_space<hbm>> -> memref<80xi32, #tpu.memory_space<hbm>>
        %dma_start3A_244 = arith.constant 0 : i32
        %dma_start3A_245 = tpu.memref_slice %arg10[%rem3A_231, %dma_start3A_244] : memref<3x80xi32, #tpu.memory_space<vmem>> -> memref<1x80xi32, #tpu.memory_space<vmem>>
        %dma_start3A_246 = tpu.memref_squeeze %dma_start3A_245 : memref<1x80xi32, #tpu.memory_space<vmem>> -> memref<80xi32, #tpu.memory_space<vmem>>
        %dma_start3A_247 = tpu.memref_slice %arg5[%add3A_229] : memref<320000xi32, #tpu.memory_space<hbm>> -> memref<80xi32, #tpu.memory_space<hbm>>
        tpu.enqueue_dma source(%dma_start3A_247 : memref<80xi32, #tpu.memory_space<hbm>>) target(%dma_start3A_246 : memref<80xi32, #tpu.memory_space<vmem>>) target_semaphore(%arg21 : memref<!tpu.dma_semaphore, #tpu.memory_space<semaphore_mem>>)
        %dma_start3A_248 = arith.constant 0 : i32
        %dma_start3A_249 = tpu.memref_slice %arg11[%rem3A_231, %dma_start3A_248] : memref<3x80xf32, #tpu.memory_space<vmem>> -> memref<1x80xf32, #tpu.memory_space<vmem>>
        %dma_start3A_250 = tpu.memref_squeeze %dma_start3A_249 : memref<1x80xf32, #tpu.memory_space<vmem>> -> memref<80xf32, #tpu.memory_space<vmem>>
        %dma_start3A_251 = tpu.memref_slice %arg6[%add3A_229] : memref<320000xf32, #tpu.memory_space<hbm>> -> memref<80xf32, #tpu.memory_space<hbm>>
        %dma_start3A_252 = arith.constant 0 : i32
        %dma_start3A_253 = tpu.memref_slice %arg11[%rem3A_231, %dma_start3A_252] : memref<3x80xf32, #tpu.memory_space<vmem>> -> memref<1x80xf32, #tpu.memory_space<vmem>>
        %dma_start3A_254 = tpu.memref_squeeze %dma_start3A_253 : memref<1x80xf32, #tpu.memory_space<vmem>> -> memref<80xf32, #tpu.memory_space<vmem>>
        %dma_start3A_255 = tpu.memref_slice %arg6[%add3A_229] : memref<320000xf32, #tpu.memory_space<hbm>> -> memref<80xf32, #tpu.memory_space<hbm>>
        tpu.enqueue_dma source(%dma_start3A_255 : memref<80xf32, #tpu.memory_space<hbm>>) target(%dma_start3A_254 : memref<80xf32, #tpu.memory_space<vmem>>) target_semaphore(%arg21 : memref<!tpu.dma_semaphore, #tpu.memory_space<semaphore_mem>>)
      } else {
      }
      %dma_wait3A_174 = arith.constant 0 : i32
      %dma_wait3A_175 = arith.constant 0 : i32
      %dma_wait3A_176 = tpu.memref_slice %arg12[%rem3A_148, %dma_wait3A_174, %dma_wait3A_175] : memref<2x80x64xi32, #tpu.memory_space<vmem>> -> memref<1x80x64xi32, #tpu.memory_space<vmem>>
      %dma_wait3A_177 = tpu.memref_squeeze %dma_wait3A_176 : memref<1x80x64xi32, #tpu.memory_space<vmem>> -> memref<80x64xi32, #tpu.memory_space<vmem>>
      %dma_wait3A_178 = arith.constant 0 : i32
      %dma_wait3A_179 = tpu.memref_slice %arg9[%rem3A_146, %dma_wait3A_178] : memref<3x80xi32, #tpu.memory_space<vmem>> -> memref<1x80xi32, #tpu.memory_space<vmem>>
      %dma_wait3A_180 = tpu.memref_squeeze %dma_wait3A_179 : memref<1x80xi32, #tpu.memory_space<vmem>> -> memref<80xi32, #tpu.memory_space<vmem>>
      %dma_wait3A_181 = arith.constant 0 : i32
      %dma_wait3A_182 = arith.constant 0 : i32
      %dma_wait3A_183 = tpu.memref_slice %arg2[%dma_wait3A_181, %dma_wait3A_182] : memref<10000x64xi32, #tpu.memory_space<hbm>> -> memref<10000x64xi32, #tpu.memory_space<hbm>>
      tpu.wait_indirect_dma semaphore(%arg17 : memref<!tpu.dma_semaphore, #tpu.memory_space<semaphore_mem>>) src(%dma_wait3A_183 : memref<10000x64xi32, #tpu.memory_space<hbm>>) dst(%dma_wait3A_177 : memref<80x64xi32, #tpu.memory_space<vmem>>)
      %rem3A_184 = arith.constant 3 : i32
      %rem3A_185 = arith.remsi %scan3A_144, %rem3A_184 : i32
      %broadcast_in_dim3A = arith.constant -65536 : i32
      %broadcast_in_dim3A_186 = vector.broadcast %broadcast_in_dim3A : i32 to vector<16xi32>
      %scan3A_187 = arith.constant 0 : i32
      %scan3A_188 = arith.constant 0 : i32
      %scan3A_189 = arith.constant 5 : i32
      %scan3A_190 = arith.addi %scan3A_188, %scan3A_189 : i32
      %scan3A_191 = arith.constant 1 : i32
      scf.for %scan3A_225 = %scan3A_188 to %scan3A_190 step %scan3A_191  : i32 {
        %mul3A_226 = arith.constant 16 : i32
        %mul3A_227 = arith.muli %scan3A_225, %mul3A_226 : i32
        %get3A = arith.index_cast %rem3A_185 : i32 to index
        %get3A_228 = arith.index_cast %mul3A_227 : i32 to index
        %get3A_229 = tpu.vector_load %arg11[%get3A, %get3A_228] {strides = array<i32>} : memref<3x80xf32, #tpu.memory_space<vmem>>, vector<16xf32>,
        %mul3A_230 = arith.constant 16 : i32
        %mul3A_231 = arith.muli %scan3A_225, %mul3A_230 : i32
        %add3A_232 = arith.constant 0 : i32
        %add3A_233 = arith.addi %mul3A_231, %add3A_232 : i32
        %broadcast_in_dim3A_234 = arith.constant 0 : i32
        %broadcast_in_dim3A_235 = vector.broadcast %broadcast_in_dim3A_234 : i32 to vector<16x1xi32>
        %gather3A = vector.shape_cast %broadcast_in_dim3A_235 : vector<16x1xi32> to vector<16xi32>
        %gather3A_236 = tpu.dynamic_gather %get3A_229[%gather3A] in [0] : vector<16xf32>, vector<16xi32> -> vector<16xf32>
        %get3A_237 = arith.index_cast %rem3A_148 : i32 to index
        %get3A_238 = arith.index_cast %add3A_233 : i32 to index
        %get3A_239 = arith.constant 0 : index
        %get3A_240 = tpu.vector_load %arg12[%get3A_237, %get3A_238, %get3A_239] {strides = array<i32>} : memref<2x80x64xi32, #tpu.memory_space<vmem>>, vector<16xi32>,
        %get3A_241 = arith.index_cast %rem3A_148 : i32 to index
        %get3A_242 = arith.index_cast %add3A_233 : i32 to index
        %get3A_243 = arith.constant 16 : index
        %get3A_244 = tpu.vector_load %arg12[%get3A_241, %get3A_242, %get3A_243] {strides = array<i32>} : memref<2x80x64xi32, #tpu.memory_space<vmem>>, vector<16xi32>,
        %get3A_245 = arith.index_cast %rem3A_148 : i32 to index
        %get3A_246 = arith.index_cast %add3A_233 : i32 to index
        %get3A_247 = arith.constant 32 : index
        %get3A_248 = tpu.vector_load %arg12[%get3A_245, %get3A_246, %get3A_247] {strides = array<i32>} : memref<2x80x64xi32, #tpu.memory_space<vmem>>, vector<16xi32>,
        %get3A_249 = arith.index_cast %rem3A_148 : i32 to index
        %get3A_250 = arith.index_cast %add3A_233 : i32 to index
        %get3A_251 = arith.constant 48 : index
        %get3A_252 = tpu.vector_load %arg12[%get3A_249, %get3A_250, %get3A_251] {strides = array<i32>} : memref<2x80x64xi32, #tpu.memory_space<vmem>>, vector<16xi32>,
        %shift_left3A = arith.constant 16 : i32
        %shift_left3A_253 = vector.broadcast %shift_left3A : i32 to vector<16xi32>
        %shift_left3A_254 = arith.shli %get3A_240, %shift_left3A_253 : vector<16xi32>
        %bitcast3A = vector.bitcast %shift_left3A_254 : vector<16xi32> to vector<16xf32>
        %and3A = arith.andi %get3A_240, %broadcast_in_dim3A_186 : vector<16xi32>
        %bitcast3A_255 = vector.bitcast %and3A : vector<16xi32> to vector<16xf32>
        %mul3A_256 = arith.mulf %bitcast3A, %gather3A_236 : vector<16xf32>
        %swap3A = arith.index_cast %add3A_233 : i32 to index
        %swap3A_257 = arith.constant 0 : index
        %swap3A_258 = tpu.vector_load %arg14[%swap3A, %swap3A_257] {strides = array<i32>} : memref<80x128xf32, #tpu.memory_space<vmem>>, vector<16xf32>,
        tpu.vector_store %arg14[%swap3A, %swap3A_257], %mul3A_256 {strides = array<i32>} : memref<80x128xf32, #tpu.memory_space<vmem>>, vector<16xf32>,
        %mul3A_259 = arith.mulf %bitcast3A_255, %gather3A_236 : vector<16xf32>
        %swap3A_260 = arith.index_cast %add3A_233 : i32 to index
        %swap3A_261 = arith.constant 64 : index
        %swap3A_262 = tpu.vector_load %arg14[%swap3A_260, %swap3A_261] {strides = array<i32>} : memref<80x128xf32, #tpu.memory_space<vmem>>, vector<16xf32>,
        tpu.vector_store %arg14[%swap3A_260, %swap3A_261], %mul3A_259 {strides = array<i32>} : memref<80x128xf32, #tpu.memory_space<vmem>>, vector<16xf32>,
        %shift_left3A_263 = arith.constant 16 : i32
        %shift_left3A_264 = vector.broadcast %shift_left3A_263 : i32 to vector<16xi32>
        %shift_left3A_265 = arith.shli %get3A_244, %shift_left3A_264 : vector<16xi32>
        %bitcast3A_266 = vector.bitcast %shift_left3A_265 : vector<16xi32> to vector<16xf32>
        %and3A_267 = arith.andi %get3A_244, %broadcast_in_dim3A_186 : vector<16xi32>
        %bitcast3A_268 = vector.bitcast %and3A_267 : vector<16xi32> to vector<16xf32>
        %mul3A_269 = arith.mulf %bitcast3A_266, %gather3A_236 : vector<16xf32>
        %swap3A_270 = arith.index_cast %add3A_233 : i32 to index
        %swap3A_271 = arith.constant 16 : index
        %swap3A_272 = tpu.vector_load %arg14[%swap3A_270, %swap3A_271] {strides = array<i32>} : memref<80x128xf32, #tpu.memory_space<vmem>>, vector<16xf32>,
        tpu.vector_store %arg14[%swap3A_270, %swap3A_271], %mul3A_269 {strides = array<i32>} : memref<80x128xf32, #tpu.memory_space<vmem>>, vector<16xf32>,
        %mul3A_273 = arith.mulf %bitcast3A_268, %gather3A_236 : vector<16xf32>
        %swap3A_274 = arith.index_cast %add3A_233 : i32 to index
        %swap3A_275 = arith.constant 80 : index
        %swap3A_276 = tpu.vector_load %arg14[%swap3A_274, %swap3A_275] {strides = array<i32>} : memref<80x128xf32, #tpu.memory_space<vmem>>, vector<16xf32>,
        tpu.vector_store %arg14[%swap3A_274, %swap3A_275], %mul3A_273 {strides = array<i32>} : memref<80x128xf32, #tpu.memory_space<vmem>>, vector<16xf32>,
        %shift_left3A_277 = arith.constant 16 : i32
        %shift_left3A_278 = vector.broadcast %shift_left3A_277 : i32 to vector<16xi32>
        %shift_left3A_279 = arith.shli %get3A_248, %shift_left3A_278 : vector<16xi32>
        %bitcast3A_280 = vector.bitcast %shift_left3A_279 : vector<16xi32> to vector<16xf32>
        %and3A_281 = arith.andi %get3A_248, %broadcast_in_dim3A_186 : vector<16xi32>
        %bitcast3A_282 = vector.bitcast %and3A_281 : vector<16xi32> to vector<16xf32>
        %mul3A_283 = arith.mulf %bitcast3A_280, %gather3A_236 : vector<16xf32>
        %swap3A_284 = arith.index_cast %add3A_233 : i32 to index
        %swap3A_285 = arith.constant 32 : index
        %swap3A_286 = tpu.vector_load %arg14[%swap3A_284, %swap3A_285] {strides = array<i32>} : memref<80x128xf32, #tpu.memory_space<vmem>>, vector<16xf32>,
        tpu.vector_store %arg14[%swap3A_284, %swap3A_285], %mul3A_283 {strides = array<i32>} : memref<80x128xf32, #tpu.memory_space<vmem>>, vector<16xf32>,
        %mul3A_287 = arith.mulf %bitcast3A_282, %gather3A_236 : vector<16xf32>
        %swap3A_288 = arith.index_cast %add3A_233 : i32 to index
        %swap3A_289 = arith.constant 96 : index
        %swap3A_290 = tpu.vector_load %arg14[%swap3A_288, %swap3A_289] {strides = array<i32>} : memref<80x128xf32, #tpu.memory_space<vmem>>, vector<16xf32>,
        tpu.vector_store %arg14[%swap3A_288, %swap3A_289], %mul3A_287 {strides = array<i32>} : memref<80x128xf32, #tpu.memory_space<vmem>>, vector<16xf32>,
        %shift_left3A_291 = arith.constant 16 : i32
        %shift_left3A_292 = vector.broadcast %shift_left3A_291 : i32 to vector<16xi32>
        %shift_left3A_293 = arith.shli %get3A_252, %shift_left3A_292 : vector<16xi32>
        %bitcast3A_294 = vector.bitcast %shift_left3A_293 : vector<16xi32> to vector<16xf32>
        %and3A_295 = arith.andi %get3A_252, %broadcast_in_dim3A_186 : vector<16xi32>
        %bitcast3A_296 = vector.bitcast %and3A_295 : vector<16xi32> to vector<16xf32>
        %mul3A_297 = arith.mulf %bitcast3A_294, %gather3A_236 : vector<16xf32>
        %swap3A_298 = arith.index_cast %add3A_233 : i32 to index
        %swap3A_299 = arith.constant 48 : index
        %swap3A_300 = tpu.vector_load %arg14[%swap3A_298, %swap3A_299] {strides = array<i32>} : memref<80x128xf32, #tpu.memory_space<vmem>>, vector<16xf32>,
        tpu.vector_store %arg14[%swap3A_298, %swap3A_299], %mul3A_297 {strides = array<i32>} : memref<80x128xf32, #tpu.memory_space<vmem>>, vector<16xf32>,
        %mul3A_301 = arith.mulf %bitcast3A_296, %gather3A_236 : vector<16xf32>
        %swap3A_302 = arith.index_cast %add3A_233 : i32 to index
        %swap3A_303 = arith.constant 112 : index
        %swap3A_304 = tpu.vector_load %arg14[%swap3A_302, %swap3A_303] {strides = array<i32>} : memref<80x128xf32, #tpu.memory_space<vmem>>, vector<16xf32>,
        tpu.vector_store %arg14[%swap3A_302, %swap3A_303], %mul3A_301 {strides = array<i32>} : memref<80x128xf32, #tpu.memory_space<vmem>>, vector<16xf32>,
        %mul3A_305 = arith.constant 16 : i32
        %mul3A_306 = arith.muli %scan3A_225, %mul3A_305 : i32
        %add3A_307 = arith.constant 1 : i32
        %add3A_308 = arith.addi %mul3A_306, %add3A_307 : i32
        %broadcast_in_dim3A_309 = arith.constant 1 : i32
        %broadcast_in_dim3A_310 = vector.broadcast %broadcast_in_dim3A_309 : i32 to vector<16x1xi32>
        %gather3A_311 = vector.shape_cast %broadcast_in_dim3A_310 : vector<16x1xi32> to vector<16xi32>
        %gather3A_312 = tpu.dynamic_gather %get3A_229[%gather3A_311] in [0] : vector<16xf32>, vector<16xi32> -> vector<16xf32>
        %get3A_313 = arith.index_cast %rem3A_148 : i32 to index
        %get3A_314 = arith.index_cast %add3A_308 : i32 to index
        %get3A_315 = arith.constant 0 : index
        %get3A_316 = tpu.vector_load %arg12[%get3A_313, %get3A_314, %get3A_315] {strides = array<i32>} : memref<2x80x64xi32, #tpu.memory_space<vmem>>, vector<16xi32>,
        %get3A_317 = arith.index_cast %rem3A_148 : i32 to index
        %get3A_318 = arith.index_cast %add3A_308 : i32 to index
        %get3A_319 = arith.constant 16 : index
        %get3A_320 = tpu.vector_load %arg12[%get3A_317, %get3A_318, %get3A_319] {strides = array<i32>} : memref<2x80x64xi32, #tpu.memory_space<vmem>>, vector<16xi32>,
        %get3A_321 = arith.index_cast %rem3A_148 : i32 to index
        %get3A_322 = arith.index_cast %add3A_308 : i32 to index
        %get3A_323 = arith.constant 32 : index
        %get3A_324 = tpu.vector_load %arg12[%get3A_321, %get3A_322, %get3A_323] {strides = array<i32>} : memref<2x80x64xi32, #tpu.memory_space<vmem>>, vector<16xi32>,
        %get3A_325 = arith.index_cast %rem3A_148 : i32 to index
        %get3A_326 = arith.index_cast %add3A_308 : i32 to index
        %get3A_327 = arith.constant 48 : index
        %get3A_328 = tpu.vector_load %arg12[%get3A_325, %get3A_326, %get3A_327] {strides = array<i32>} : memref<2x80x64xi32, #tpu.memory_space<vmem>>, vector<16xi32>,
        %shift_left3A_329 = arith.constant 16 : i32
        %shift_left3A_330 = vector.broadcast %shift_left3A_329 : i32 to vector<16xi32>
        %shift_left3A_331 = arith.shli %get3A_316, %shift_left3A_330 : vector<16xi32>
        %bitcast3A_332 = vector.bitcast %shift_left3A_331 : vector<16xi32> to vector<16xf32>
        %and3A_333 = arith.andi %get3A_316, %broadcast_in_dim3A_186 : vector<16xi32>
        %bitcast3A_334 = vector.bitcast %and3A_333 : vector<16xi32> to vector<16xf32>
        %mul3A_335 = arith.mulf %bitcast3A_332, %gather3A_312 : vector<16xf32>
        %swap3A_336 = arith.index_cast %add3A_308 : i32 to index
        %swap3A_337 = arith.constant 0 : index
        %swap3A_338 = tpu.vector_load %arg14[%swap3A_336, %swap3A_337] {strides = array<i32>} : memref<80x128xf32, #tpu.memory_space<vmem>>, vector<16xf32>,
        tpu.vector_store %arg14[%swap3A_336, %swap3A_337], %mul3A_335 {strides = array<i32>} : memref<80x128xf32, #tpu.memory_space<vmem>>, vector<16xf32>,
        %mul3A_339 = arith.mulf %bitcast3A_334, %gather3A_312 : vector<16xf32>
        %swap3A_340 = arith.index_cast %add3A_308 : i32 to index
        %swap3A_341 = arith.constant 64 : index
        %swap3A_342 = tpu.vector_load %arg14[%swap3A_340, %swap3A_341] {strides = array<i32>} : memref<80x128xf32, #tpu.memory_space<vmem>>, vector<16xf32>,
        tpu.vector_store %arg14[%swap3A_340, %swap3A_341], %mul3A_339 {strides = array<i32>} : memref<80x128xf32, #tpu.memory_space<vmem>>, vector<16xf32>,
        %shift_left3A_343 = arith.constant 16 : i32
        %shift_left3A_344 = vector.broadcast %shift_left3A_343 : i32 to vector<16xi32>
        %shift_left3A_345 = arith.shli %get3A_320, %shift_left3A_344 : vector<16xi32>
        %bitcast3A_346 = vector.bitcast %shift_left3A_345 : vector<16xi32> to vector<16xf32>
        %and3A_347 = arith.andi %get3A_320, %broadcast_in_dim3A_186 : vector<16xi32>
        %bitcast3A_348 = vector.bitcast %and3A_347 : vector<16xi32> to vector<16xf32>
        %mul3A_349 = arith.mulf %bitcast3A_346, %gather3A_312 : vector<16xf32>
        %swap3A_350 = arith.index_cast %add3A_308 : i32 to index
        %swap3A_351 = arith.constant 16 : index
        %swap3A_352 = tpu.vector_load %arg14[%swap3A_350, %swap3A_351] {strides = array<i32>} : memref<80x128xf32, #tpu.memory_space<vmem>>, vector<16xf32>,
        tpu.vector_store %arg14[%swap3A_350, %swap3A_351], %mul3A_349 {strides = array<i32>} : memref<80x128xf32, #tpu.memory_space<vmem>>, vector<16xf32>,
        %mul3A_353 = arith.mulf %bitcast3A_348, %gather3A_312 : vector<16xf32>
        %swap3A_354 = arith.index_cast %add3A_308 : i32 to index
        %swap3A_355 = arith.constant 80 : index
        %swap3A_356 = tpu.vector_load %arg14[%swap3A_354, %swap3A_355] {strides = array<i32>} : memref<80x128xf32, #tpu.memory_space<vmem>>, vector<16xf32>,
        tpu.vector_store %arg14[%swap3A_354, %swap3A_355], %mul3A_353 {strides = array<i32>} : memref<80x128xf32, #tpu.memory_space<vmem>>, vector<16xf32>,
        %shift_left3A_357 = arith.constant 16 : i32
        %shift_left3A_358 = vector.broadcast %shift_left3A_357 : i32 to vector<16xi32>
        %shift_left3A_359 = arith.shli %get3A_324, %shift_left3A_358 : vector<16xi32>
        %bitcast3A_360 = vector.bitcast %shift_left3A_359 : vector<16xi32> to vector<16xf32>
        %and3A_361 = arith.andi %get3A_324, %broadcast_in_dim3A_186 : vector<16xi32>
        %bitcast3A_362 = vector.bitcast %and3A_361 : vector<16xi32> to vector<16xf32>
        %mul3A_363 = arith.mulf %bitcast3A_360, %gather3A_312 : vector<16xf32>
        %swap3A_364 = arith.index_cast %add3A_308 : i32 to index
        %swap3A_365 = arith.constant 32 : index
        %swap3A_366 = tpu.vector_load %arg14[%swap3A_364, %swap3A_365] {strides = array<i32>} : memref<80x128xf32, #tpu.memory_space<vmem>>, vector<16xf32>,
        tpu.vector_store %arg14[%swap3A_364, %swap3A_365], %mul3A_363 {strides = array<i32>} : memref<80x128xf32, #tpu.memory_space<vmem>>, vector<16xf32>,
        %mul3A_367 = arith.mulf %bitcast3A_362, %gather3A_312 : vector<16xf32>
        %swap3A_368 = arith.index_cast %add3A_308 : i32 to index
        %swap3A_369 = arith.constant 96 : index
        %swap3A_370 = tpu.vector_load %arg14[%swap3A_368, %swap3A_369] {strides = array<i32>} : memref<80x128xf32, #tpu.memory_space<vmem>>, vector<16xf32>,
        tpu.vector_store %arg14[%swap3A_368, %swap3A_369], %mul3A_367 {strides = array<i32>} : memref<80x128xf32, #tpu.memory_space<vmem>>, vector<16xf32>,
        %shift_left3A_371 = arith.constant 16 : i32
        %shift_left3A_372 = vector.broadcast %shift_left3A_371 : i32 to vector<16xi32>
        %shift_left3A_373 = arith.shli %get3A_328, %shift_left3A_372 : vector<16xi32>
        %bitcast3A_374 = vector.bitcast %shift_left3A_373 : vector<16xi32> to vector<16xf32>
        %and3A_375 = arith.andi %get3A_328, %broadcast_in_dim3A_186 : vector<16xi32>
        %bitcast3A_376 = vector.bitcast %and3A_375 : vector<16xi32> to vector<16xf32>
        %mul3A_377 = arith.mulf %bitcast3A_374, %gather3A_312 : vector<16xf32>
        %swap3A_378 = arith.index_cast %add3A_308 : i32 to index
        %swap3A_379 = arith.constant 48 : index
        %swap3A_380 = tpu.vector_load %arg14[%swap3A_378, %swap3A_379] {strides = array<i32>} : memref<80x128xf32, #tpu.memory_space<vmem>>, vector<16xf32>,
        tpu.vector_store %arg14[%swap3A_378, %swap3A_379], %mul3A_377 {strides = array<i32>} : memref<80x128xf32, #tpu.memory_space<vmem>>, vector<16xf32>,
        %mul3A_381 = arith.mulf %bitcast3A_376, %gather3A_312 : vector<16xf32>
        %swap3A_382 = arith.index_cast %add3A_308 : i32 to index
        %swap3A_383 = arith.constant 112 : index
        %swap3A_384 = tpu.vector_load %arg14[%swap3A_382, %swap3A_383] {strides = array<i32>} : memref<80x128xf32, #tpu.memory_space<vmem>>, vector<16xf32>,
        tpu.vector_store %arg14[%swap3A_382, %swap3A_383], %mul3A_381 {strides = array<i32>} : memref<80x128xf32, #tpu.memory_space<vmem>>, vector<16xf32>,
        %mul3A_385 = arith.constant 16 : i32
        %mul3A_386 = arith.muli %scan3A_225, %mul3A_385 : i32
        %add3A_387 = arith.constant 2 : i32
        %add3A_388 = arith.addi %mul3A_386, %add3A_387 : i32
        %broadcast_in_dim3A_389 = arith.constant 2 : i32
        %broadcast_in_dim3A_390 = vector.broadcast %broadcast_in_dim3A_389 : i32 to vector<16x1xi32>
        %gather3A_391 = vector.shape_cast %broadcast_in_dim3A_390 : vector<16x1xi32> to vector<16xi32>
        %gather3A_392 = tpu.dynamic_gather %get3A_229[%gather3A_391] in [0] : vector<16xf32>, vector<16xi32> -> vector<16xf32>
        %get3A_393 = arith.index_cast %rem3A_148 : i32 to index
        %get3A_394 = arith.index_cast %add3A_388 : i32 to index
        %get3A_395 = arith.constant 0 : index
        %get3A_396 = tpu.vector_load %arg12[%get3A_393, %get3A_394, %get3A_395] {strides = array<i32>} : memref<2x80x64xi32, #tpu.memory_space<vmem>>, vector<16xi32>,
        %get3A_397 = arith.index_cast %rem3A_148 : i32 to index
        %get3A_398 = arith.index_cast %add3A_388 : i32 to index
        %get3A_399 = arith.constant 16 : index
        %get3A_400 = tpu.vector_load %arg12[%get3A_397, %get3A_398, %get3A_399] {strides = array<i32>} : memref<2x80x64xi32, #tpu.memory_space<vmem>>, vector<16xi32>,
        %get3A_401 = arith.index_cast %rem3A_148 : i32 to index
        %get3A_402 = arith.index_cast %add3A_388 : i32 to index
        %get3A_403 = arith.constant 32 : index
        %get3A_404 = tpu.vector_load %arg12[%get3A_401, %get3A_402, %get3A_403] {strides = array<i32>} : memref<2x80x64xi32, #tpu.memory_space<vmem>>, vector<16xi32>,
        %get3A_405 = arith.index_cast %rem3A_148 : i32 to index
        %get3A_406 = arith.index_cast %add3A_388 : i32 to index
        %get3A_407 = arith.constant 48 : index
        %get3A_408 = tpu.vector_load %arg12[%get3A_405, %get3A_406, %get3A_407] {strides = array<i32>} : memref<2x80x64xi32, #tpu.memory_space<vmem>>, vector<16xi32>,
        %shift_left3A_409 = arith.constant 16 : i32
        %shift_left3A_410 = vector.broadcast %shift_left3A_409 : i32 to vector<16xi32>
        %shift_left3A_411 = arith.shli %get3A_396, %shift_left3A_410 : vector<16xi32>
        %bitcast3A_412 = vector.bitcast %shift_left3A_411 : vector<16xi32> to vector<16xf32>
        %and3A_413 = arith.andi %get3A_396, %broadcast_in_dim3A_186 : vector<16xi32>
        %bitcast3A_414 = vector.bitcast %and3A_413 : vector<16xi32> to vector<16xf32>
        %mul3A_415 = arith.mulf %bitcast3A_412, %gather3A_392 : vector<16xf32>
        %swap3A_416 = arith.index_cast %add3A_388 : i32 to index
        %swap3A_417 = arith.constant 0 : index
        %swap3A_418 = tpu.vector_load %arg14[%swap3A_416, %swap3A_417] {strides = array<i32>} : memref<80x128xf32, #tpu.memory_space<vmem>>, vector<16xf32>,
        tpu.vector_store %arg14[%swap3A_416, %swap3A_417], %mul3A_415 {strides = array<i32>} : memref<80x128xf32, #tpu.memory_space<vmem>>, vector<16xf32>,
        %mul3A_419 = arith.mulf %bitcast3A_414, %gather3A_392 : vector<16xf32>
        %swap3A_420 = arith.index_cast %add3A_388 : i32 to index
        %swap3A_421 = arith.constant 64 : index
        %swap3A_422 = tpu.vector_load %arg14[%swap3A_420, %swap3A_421] {strides = array<i32>} : memref<80x128xf32, #tpu.memory_space<vmem>>, vector<16xf32>,
        tpu.vector_store %arg14[%swap3A_420, %swap3A_421], %mul3A_419 {strides = array<i32>} : memref<80x128xf32, #tpu.memory_space<vmem>>, vector<16xf32>,
        %shift_left3A_423 = arith.constant 16 : i32
        %shift_left3A_424 = vector.broadcast %shift_left3A_423 : i32 to vector<16xi32>
        %shift_left3A_425 = arith.shli %get3A_400, %shift_left3A_424 : vector<16xi32>
        %bitcast3A_426 = vector.bitcast %shift_left3A_425 : vector<16xi32> to vector<16xf32>
        %and3A_427 = arith.andi %get3A_400, %broadcast_in_dim3A_186 : vector<16xi32>
        %bitcast3A_428 = vector.bitcast %and3A_427 : vector<16xi32> to vector<16xf32>
        %mul3A_429 = arith.mulf %bitcast3A_426, %gather3A_392 : vector<16xf32>
        %swap3A_430 = arith.index_cast %add3A_388 : i32 to index
        %swap3A_431 = arith.constant 16 : index
        %swap3A_432 = tpu.vector_load %arg14[%swap3A_430, %swap3A_431] {strides = array<i32>} : memref<80x128xf32, #tpu.memory_space<vmem>>, vector<16xf32>,
        tpu.vector_store %arg14[%swap3A_430, %swap3A_431], %mul3A_429 {strides = array<i32>} : memref<80x128xf32, #tpu.memory_space<vmem>>, vector<16xf32>,
        %mul3A_433 = arith.mulf %bitcast3A_428, %gather3A_392 : vector<16xf32>
        %swap3A_434 = arith.index_cast %add3A_388 : i32 to index
        %swap3A_435 = arith.constant 80 : index
        %swap3A_436 = tpu.vector_load %arg14[%swap3A_434, %swap3A_435] {strides = array<i32>} : memref<80x128xf32, #tpu.memory_space<vmem>>, vector<16xf32>,
        tpu.vector_store %arg14[%swap3A_434, %swap3A_435], %mul3A_433 {strides = array<i32>} : memref<80x128xf32, #tpu.memory_space<vmem>>, vector<16xf32>,
        %shift_left3A_437 = arith.constant 16 : i32
        %shift_left3A_438 = vector.broadcast %shift_left3A_437 : i32 to vector<16xi32>
        %shift_left3A_439 = arith.shli %get3A_404, %shift_left3A_438 : vector<16xi32>
        %bitcast3A_440 = vector.bitcast %shift_left3A_439 : vector<16xi32> to vector<16xf32>
        %and3A_441 = arith.andi %get3A_404, %broadcast_in_dim3A_186 : vector<16xi32>
        %bitcast3A_442 = vector.bitcast %and3A_441 : vector<16xi32> to vector<16xf32>
        %mul3A_443 = arith.mulf %bitcast3A_440, %gather3A_392 : vector<16xf32>
        %swap3A_444 = arith.index_cast %add3A_388 : i32 to index
        %swap3A_445 = arith.constant 32 : index
        %swap3A_446 = tpu.vector_load %arg14[%swap3A_444, %swap3A_445] {strides = array<i32>} : memref<80x128xf32, #tpu.memory_space<vmem>>, vector<16xf32>,
        tpu.vector_store %arg14[%swap3A_444, %swap3A_445], %mul3A_443 {strides = array<i32>} : memref<80x128xf32, #tpu.memory_space<vmem>>, vector<16xf32>,
        %mul3A_447 = arith.mulf %bitcast3A_442, %gather3A_392 : vector<16xf32>
        %swap3A_448 = arith.index_cast %add3A_388 : i32 to index
        %swap3A_449 = arith.constant 96 : index
        %swap3A_450 = tpu.vector_load %arg14[%swap3A_448, %swap3A_449] {strides = array<i32>} : memref<80x128xf32, #tpu.memory_space<vmem>>, vector<16xf32>,
        tpu.vector_store %arg14[%swap3A_448, %swap3A_449], %mul3A_447 {strides = array<i32>} : memref<80x128xf32, #tpu.memory_space<vmem>>, vector<16xf32>,
        %shift_left3A_451 = arith.constant 16 : i32
        %shift_left3A_452 = vector.broadcast %shift_left3A_451 : i32 to vector<16xi32>
        %shift_left3A_453 = arith.shli %get3A_408, %shift_left3A_452 : vector<16xi32>
        %bitcast3A_454 = vector.bitcast %shift_left3A_453 : vector<16xi32> to vector<16xf32>
        %and3A_455 = arith.andi %get3A_408, %broadcast_in_dim3A_186 : vector<16xi32>
        %bitcast3A_456 = vector.bitcast %and3A_455 : vector<16xi32> to vector<16xf32>
        %mul3A_457 = arith.mulf %bitcast3A_454, %gather3A_392 : vector<16xf32>
        %swap3A_458 = arith.index_cast %add3A_388 : i32 to index
        %swap3A_459 = arith.constant 48 : index
        %swap3A_460 = tpu.vector_load %arg14[%swap3A_458, %swap3A_459] {strides = array<i32>} : memref<80x128xf32, #tpu.memory_space<vmem>>, vector<16xf32>,
        tpu.vector_store %arg14[%swap3A_458, %swap3A_459], %mul3A_457 {strides = array<i32>} : memref<80x128xf32, #tpu.memory_space<vmem>>, vector<16xf32>,
        %mul3A_461 = arith.mulf %bitcast3A_456, %gather3A_392 : vector<16xf32>
        %swap3A_462 = arith.index_cast %add3A_388 : i32 to index
        %swap3A_463 = arith.constant 112 : index
        %swap3A_464 = tpu.vector_load %arg14[%swap3A_462, %swap3A_463] {strides = array<i32>} : memref<80x128xf32, #tpu.memory_space<vmem>>, vector<16xf32>,
        tpu.vector_store %arg14[%swap3A_462, %swap3A_463], %mul3A_461 {strides = array<i32>} : memref<80x128xf32, #tpu.memory_space<vmem>>, vector<16xf32>,
        %mul3A_465 = arith.constant 16 : i32
        %mul3A_466 = arith.muli %scan3A_225, %mul3A_465 : i32
        %add3A_467 = arith.constant 3 : i32
        %add3A_468 = arith.addi %mul3A_466, %add3A_467 : i32
        %broadcast_in_dim3A_469 = arith.constant 3 : i32
        %broadcast_in_dim3A_470 = vector.broadcast %broadcast_in_dim3A_469 : i32 to vector<16x1xi32>
        %gather3A_471 = vector.shape_cast %broadcast_in_dim3A_470 : vector<16x1xi32> to vector<16xi32>
        %gather3A_472 = tpu.dynamic_gather %get3A_229[%gather3A_471] in [0] : vector<16xf32>, vector<16xi32> -> vector<16xf32>
        %get3A_473 = arith.index_cast %rem3A_148 : i32 to index
        %get3A_474 = arith.index_cast %add3A_468 : i32 to index
        %get3A_475 = arith.constant 0 : index
        %get3A_476 = tpu.vector_load %arg12[%get3A_473, %get3A_474, %get3A_475] {strides = array<i32>} : memref<2x80x64xi32, #tpu.memory_space<vmem>>, vector<16xi32>,
        %get3A_477 = arith.index_cast %rem3A_148 : i32 to index
        %get3A_478 = arith.index_cast %add3A_468 : i32 to index
        %get3A_479 = arith.constant 16 : index
        %get3A_480 = tpu.vector_load %arg12[%get3A_477, %get3A_478, %get3A_479] {strides = array<i32>} : memref<2x80x64xi32, #tpu.memory_space<vmem>>, vector<16xi32>,
        %get3A_481 = arith.index_cast %rem3A_148 : i32 to index
        %get3A_482 = arith.index_cast %add3A_468 : i32 to index
        %get3A_483 = arith.constant 32 : index
        %get3A_484 = tpu.vector_load %arg12[%get3A_481, %get3A_482, %get3A_483] {strides = array<i32>} : memref<2x80x64xi32, #tpu.memory_space<vmem>>, vector<16xi32>,
        %get3A_485 = arith.index_cast %rem3A_148 : i32 to index
        %get3A_486 = arith.index_cast %add3A_468 : i32 to index
        %get3A_487 = arith.constant 48 : index
        %get3A_488 = tpu.vector_load %arg12[%get3A_485, %get3A_486, %get3A_487] {strides = array<i32>} : memref<2x80x64xi32, #tpu.memory_space<vmem>>, vector<16xi32>,
        %shift_left3A_489 = arith.constant 16 : i32
        %shift_left3A_490 = vector.broadcast %shift_left3A_489 : i32 to vector<16xi32>
        %shift_left3A_491 = arith.shli %get3A_476, %shift_left3A_490 : vector<16xi32>
        %bitcast3A_492 = vector.bitcast %shift_left3A_491 : vector<16xi32> to vector<16xf32>
        %and3A_493 = arith.andi %get3A_476, %broadcast_in_dim3A_186 : vector<16xi32>
        %bitcast3A_494 = vector.bitcast %and3A_493 : vector<16xi32> to vector<16xf32>
        %mul3A_495 = arith.mulf %bitcast3A_492, %gather3A_472 : vector<16xf32>
        %swap3A_496 = arith.index_cast %add3A_468 : i32 to index
        %swap3A_497 = arith.constant 0 : index
        %swap3A_498 = tpu.vector_load %arg14[%swap3A_496, %swap3A_497] {strides = array<i32>} : memref<80x128xf32, #tpu.memory_space<vmem>>, vector<16xf32>,
        tpu.vector_store %arg14[%swap3A_496, %swap3A_497], %mul3A_495 {strides = array<i32>} : memref<80x128xf32, #tpu.memory_space<vmem>>, vector<16xf32>,
        %mul3A_499 = arith.mulf %bitcast3A_494, %gather3A_472 : vector<16xf32>
        %swap3A_500 = arith.index_cast %add3A_468 : i32 to index
        %swap3A_501 = arith.constant 64 : index
        %swap3A_502 = tpu.vector_load %arg14[%swap3A_500, %swap3A_501] {strides = array<i32>} : memref<80x128xf32, #tpu.memory_space<vmem>>, vector<16xf32>,
        tpu.vector_store %arg14[%swap3A_500, %swap3A_501], %mul3A_499 {strides = array<i32>} : memref<80x128xf32, #tpu.memory_space<vmem>>, vector<16xf32>,
        %shift_left3A_503 = arith.constant 16 : i32
        %shift_left3A_504 = vector.broadcast %shift_left3A_503 : i32 to vector<16xi32>
        %shift_left3A_505 = arith.shli %get3A_480, %shift_left3A_504 : vector<16xi32>
        %bitcast3A_506 = vector.bitcast %shift_left3A_505 : vector<16xi32> to vector<16xf32>
        %and3A_507 = arith.andi %get3A_480, %broadcast_in_dim3A_186 : vector<16xi32>
        %bitcast3A_508 = vector.bitcast %and3A_507 : vector<16xi32> to vector<16xf32>
        %mul3A_509 = arith.mulf %bitcast3A_506, %gather3A_472 : vector<16xf32>
        %swap3A_510 = arith.index_cast %add3A_468 : i32 to index
        %swap3A_511 = arith.constant 16 : index
        %swap3A_512 = tpu.vector_load %arg14[%swap3A_510, %swap3A_511] {strides = array<i32>} : memref<80x128xf32, #tpu.memory_space<vmem>>, vector<16xf32>,
        tpu.vector_store %arg14[%swap3A_510, %swap3A_511], %mul3A_509 {strides = array<i32>} : memref<80x128xf32, #tpu.memory_space<vmem>>, vector<16xf32>,
        %mul3A_513 = arith.mulf %bitcast3A_508, %gather3A_472 : vector<16xf32>
        %swap3A_514 = arith.index_cast %add3A_468 : i32 to index
        %swap3A_515 = arith.constant 80 : index
        %swap3A_516 = tpu.vector_load %arg14[%swap3A_514, %swap3A_515] {strides = array<i32>} : memref<80x128xf32, #tpu.memory_space<vmem>>, vector<16xf32>,
        tpu.vector_store %arg14[%swap3A_514, %swap3A_515], %mul3A_513 {strides = array<i32>} : memref<80x128xf32, #tpu.memory_space<vmem>>, vector<16xf32>,
        %shift_left3A_517 = arith.constant 16 : i32
        %shift_left3A_518 = vector.broadcast %shift_left3A_517 : i32 to vector<16xi32>
        %shift_left3A_519 = arith.shli %get3A_484, %shift_left3A_518 : vector<16xi32>
        %bitcast3A_520 = vector.bitcast %shift_left3A_519 : vector<16xi32> to vector<16xf32>
        %and3A_521 = arith.andi %get3A_484, %broadcast_in_dim3A_186 : vector<16xi32>
        %bitcast3A_522 = vector.bitcast %and3A_521 : vector<16xi32> to vector<16xf32>
        %mul3A_523 = arith.mulf %bitcast3A_520, %gather3A_472 : vector<16xf32>
        %swap3A_524 = arith.index_cast %add3A_468 : i32 to index
        %swap3A_525 = arith.constant 32 : index
        %swap3A_526 = tpu.vector_load %arg14[%swap3A_524, %swap3A_525] {strides = array<i32>} : memref<80x128xf32, #tpu.memory_space<vmem>>, vector<16xf32>,
        tpu.vector_store %arg14[%swap3A_524, %swap3A_525], %mul3A_523 {strides = array<i32>} : memref<80x128xf32, #tpu.memory_space<vmem>>, vector<16xf32>,
        %mul3A_527 = arith.mulf %bitcast3A_522, %gather3A_472 : vector<16xf32>
        %swap3A_528 = arith.index_cast %add3A_468 : i32 to index
        %swap3A_529 = arith.constant 96 : index
        %swap3A_530 = tpu.vector_load %arg14[%swap3A_528, %swap3A_529] {strides = array<i32>} : memref<80x128xf32, #tpu.memory_space<vmem>>, vector<16xf32>,
        tpu.vector_store %arg14[%swap3A_528, %swap3A_529], %mul3A_527 {strides = array<i32>} : memref<80x128xf32, #tpu.memory_space<vmem>>, vector<16xf32>,
        %shift_left3A_531 = arith.constant 16 : i32
        %shift_left3A_532 = vector.broadcast %shift_left3A_531 : i32 to vector<16xi32>
        %shift_left3A_533 = arith.shli %get3A_488, %shift_left3A_532 : vector<16xi32>
        %bitcast3A_534 = vector.bitcast %shift_left3A_533 : vector<16xi32> to vector<16xf32>
        %and3A_535 = arith.andi %get3A_488, %broadcast_in_dim3A_186 : vector<16xi32>
        %bitcast3A_536 = vector.bitcast %and3A_535 : vector<16xi32> to vector<16xf32>
        %mul3A_537 = arith.mulf %bitcast3A_534, %gather3A_472 : vector<16xf32>
        %swap3A_538 = arith.index_cast %add3A_468 : i32 to index
        %swap3A_539 = arith.constant 48 : index
        %swap3A_540 = tpu.vector_load %arg14[%swap3A_538, %swap3A_539] {strides = array<i32>} : memref<80x128xf32, #tpu.memory_space<vmem>>, vector<16xf32>,
        tpu.vector_store %arg14[%swap3A_538, %swap3A_539], %mul3A_537 {strides = array<i32>} : memref<80x128xf32, #tpu.memory_space<vmem>>, vector<16xf32>,
        %mul3A_541 = arith.mulf %bitcast3A_536, %gather3A_472 : vector<16xf32>
        %swap3A_542 = arith.index_cast %add3A_468 : i32 to index
        %swap3A_543 = arith.constant 112 : index
        %swap3A_544 = tpu.vector_load %arg14[%swap3A_542, %swap3A_543] {strides = array<i32>} : memref<80x128xf32, #tpu.memory_space<vmem>>, vector<16xf32>,
        tpu.vector_store %arg14[%swap3A_542, %swap3A_543], %mul3A_541 {strides = array<i32>} : memref<80x128xf32, #tpu.memory_space<vmem>>, vector<16xf32>,
        %mul3A_545 = arith.constant 16 : i32
        %mul3A_546 = arith.muli %scan3A_225, %mul3A_545 : i32
        %add3A_547 = arith.constant 4 : i32
        %add3A_548 = arith.addi %mul3A_546, %add3A_547 : i32
        %broadcast_in_dim3A_549 = arith.constant 4 : i32
        %broadcast_in_dim3A_550 = vector.broadcast %broadcast_in_dim3A_549 : i32 to vector<16x1xi32>
        %gather3A_551 = vector.shape_cast %broadcast_in_dim3A_550 : vector<16x1xi32> to vector<16xi32>
        %gather3A_552 = tpu.dynamic_gather %get3A_229[%gather3A_551] in [0] : vector<16xf32>, vector<16xi32> -> vector<16xf32>
        %get3A_553 = arith.index_cast %rem3A_148 : i32 to index
        %get3A_554 = arith.index_cast %add3A_548 : i32 to index
        %get3A_555 = arith.constant 0 : index
        %get3A_556 = tpu.vector_load %arg12[%get3A_553, %get3A_554, %get3A_555] {strides = array<i32>} : memref<2x80x64xi32, #tpu.memory_space<vmem>>, vector<16xi32>,
        %get3A_557 = arith.index_cast %rem3A_148 : i32 to index
        %get3A_558 = arith.index_cast %add3A_548 : i32 to index
        %get3A_559 = arith.constant 16 : index
        %get3A_560 = tpu.vector_load %arg12[%get3A_557, %get3A_558, %get3A_559] {strides = array<i32>} : memref<2x80x64xi32, #tpu.memory_space<vmem>>, vector<16xi32>,
        %get3A_561 = arith.index_cast %rem3A_148 : i32 to index
        %get3A_562 = arith.index_cast %add3A_548 : i32 to index
        %get3A_563 = arith.constant 32 : index
        %get3A_564 = tpu.vector_load %arg12[%get3A_561, %get3A_562, %get3A_563] {strides = array<i32>} : memref<2x80x64xi32, #tpu.memory_space<vmem>>, vector<16xi32>,
        %get3A_565 = arith.index_cast %rem3A_148 : i32 to index
        %get3A_566 = arith.index_cast %add3A_548 : i32 to index
        %get3A_567 = arith.constant 48 : index
        %get3A_568 = tpu.vector_load %arg12[%get3A_565, %get3A_566, %get3A_567] {strides = array<i32>} : memref<2x80x64xi32, #tpu.memory_space<vmem>>, vector<16xi32>,
        %shift_left3A_569 = arith.constant 16 : i32
        %shift_left3A_570 = vector.broadcast %shift_left3A_569 : i32 to vector<16xi32>
        %shift_left3A_571 = arith.shli %get3A_556, %shift_left3A_570 : vector<16xi32>
        %bitcast3A_572 = vector.bitcast %shift_left3A_571 : vector<16xi32> to vector<16xf32>
        %and3A_573 = arith.andi %get3A_556, %broadcast_in_dim3A_186 : vector<16xi32>
        %bitcast3A_574 = vector.bitcast %and3A_573 : vector<16xi32> to vector<16xf32>
        %mul3A_575 = arith.mulf %bitcast3A_572, %gather3A_552 : vector<16xf32>
        %swap3A_576 = arith.index_cast %add3A_548 : i32 to index
        %swap3A_577 = arith.constant 0 : index
        %swap3A_578 = tpu.vector_load %arg14[%swap3A_576, %swap3A_577] {strides = array<i32>} : memref<80x128xf32, #tpu.memory_space<vmem>>, vector<16xf32>,
        tpu.vector_store %arg14[%swap3A_576, %swap3A_577], %mul3A_575 {strides = array<i32>} : memref<80x128xf32, #tpu.memory_space<vmem>>, vector<16xf32>,
        %mul3A_579 = arith.mulf %bitcast3A_574, %gather3A_552 : vector<16xf32>
        %swap3A_580 = arith.index_cast %add3A_548 : i32 to index
        %swap3A_581 = arith.constant 64 : index
        %swap3A_582 = tpu.vector_load %arg14[%swap3A_580, %swap3A_581] {strides = array<i32>} : memref<80x128xf32, #tpu.memory_space<vmem>>, vector<16xf32>,
        tpu.vector_store %arg14[%swap3A_580, %swap3A_581], %mul3A_579 {strides = array<i32>} : memref<80x128xf32, #tpu.memory_space<vmem>>, vector<16xf32>,
        %shift_left3A_583 = arith.constant 16 : i32
        %shift_left3A_584 = vector.broadcast %shift_left3A_583 : i32 to vector<16xi32>
        %shift_left3A_585 = arith.shli %get3A_560, %shift_left3A_584 : vector<16xi32>
        %bitcast3A_586 = vector.bitcast %shift_left3A_585 : vector<16xi32> to vector<16xf32>
        %and3A_587 = arith.andi %get3A_560, %broadcast_in_dim3A_186 : vector<16xi32>
        %bitcast3A_588 = vector.bitcast %and3A_587 : vector<16xi32> to vector<16xf32>
        %mul3A_589 = arith.mulf %bitcast3A_586, %gather3A_552 : vector<16xf32>
        %swap3A_590 = arith.index_cast %add3A_548 : i32 to index
        %swap3A_591 = arith.constant 16 : index
        %swap3A_592 = tpu.vector_load %arg14[%swap3A_590, %swap3A_591] {strides = array<i32>} : memref<80x128xf32, #tpu.memory_space<vmem>>, vector<16xf32>,
        tpu.vector_store %arg14[%swap3A_590, %swap3A_591], %mul3A_589 {strides = array<i32>} : memref<80x128xf32, #tpu.memory_space<vmem>>, vector<16xf32>,
        %mul3A_593 = arith.mulf %bitcast3A_588, %gather3A_552 : vector<16xf32>
        %swap3A_594 = arith.index_cast %add3A_548 : i32 to index
        %swap3A_595 = arith.constant 80 : index
        %swap3A_596 = tpu.vector_load %arg14[%swap3A_594, %swap3A_595] {strides = array<i32>} : memref<80x128xf32, #tpu.memory_space<vmem>>, vector<16xf32>,
        tpu.vector_store %arg14[%swap3A_594, %swap3A_595], %mul3A_593 {strides = array<i32>} : memref<80x128xf32, #tpu.memory_space<vmem>>, vector<16xf32>,
        %shift_left3A_597 = arith.constant 16 : i32
        %shift_left3A_598 = vector.broadcast %shift_left3A_597 : i32 to vector<16xi32>
        %shift_left3A_599 = arith.shli %get3A_564, %shift_left3A_598 : vector<16xi32>
        %bitcast3A_600 = vector.bitcast %shift_left3A_599 : vector<16xi32> to vector<16xf32>
        %and3A_601 = arith.andi %get3A_564, %broadcast_in_dim3A_186 : vector<16xi32>
        %bitcast3A_602 = vector.bitcast %and3A_601 : vector<16xi32> to vector<16xf32>
        %mul3A_603 = arith.mulf %bitcast3A_600, %gather3A_552 : vector<16xf32>
        %swap3A_604 = arith.index_cast %add3A_548 : i32 to index
        %swap3A_605 = arith.constant 32 : index
        %swap3A_606 = tpu.vector_load %arg14[%swap3A_604, %swap3A_605] {strides = array<i32>} : memref<80x128xf32, #tpu.memory_space<vmem>>, vector<16xf32>,
        tpu.vector_store %arg14[%swap3A_604, %swap3A_605], %mul3A_603 {strides = array<i32>} : memref<80x128xf32, #tpu.memory_space<vmem>>, vector<16xf32>,
        %mul3A_607 = arith.mulf %bitcast3A_602, %gather3A_552 : vector<16xf32>
        %swap3A_608 = arith.index_cast %add3A_548 : i32 to index
        %swap3A_609 = arith.constant 96 : index
        %swap3A_610 = tpu.vector_load %arg14[%swap3A_608, %swap3A_609] {strides = array<i32>} : memref<80x128xf32, #tpu.memory_space<vmem>>, vector<16xf32>,
        tpu.vector_store %arg14[%swap3A_608, %swap3A_609], %mul3A_607 {strides = array<i32>} : memref<80x128xf32, #tpu.memory_space<vmem>>, vector<16xf32>,
        %shift_left3A_611 = arith.constant 16 : i32
        %shift_left3A_612 = vector.broadcast %shift_left3A_611 : i32 to vector<16xi32>
        %shift_left3A_613 = arith.shli %get3A_568, %shift_left3A_612 : vector<16xi32>
        %bitcast3A_614 = vector.bitcast %shift_left3A_613 : vector<16xi32> to vector<16xf32>
        %and3A_615 = arith.andi %get3A_568, %broadcast_in_dim3A_186 : vector<16xi32>
        %bitcast3A_616 = vector.bitcast %and3A_615 : vector<16xi32> to vector<16xf32>
        %mul3A_617 = arith.mulf %bitcast3A_614, %gather3A_552 : vector<16xf32>
        %swap3A_618 = arith.index_cast %add3A_548 : i32 to index
        %swap3A_619 = arith.constant 48 : index
        %swap3A_620 = tpu.vector_load %arg14[%swap3A_618, %swap3A_619] {strides = array<i32>} : memref<80x128xf32, #tpu.memory_space<vmem>>, vector<16xf32>,
        tpu.vector_store %arg14[%swap3A_618, %swap3A_619], %mul3A_617 {strides = array<i32>} : memref<80x128xf32, #tpu.memory_space<vmem>>, vector<16xf32>,
        %mul3A_621 = arith.mulf %bitcast3A_616, %gather3A_552 : vector<16xf32>
        %swap3A_622 = arith.index_cast %add3A_548 : i32 to index
        %swap3A_623 = arith.constant 112 : index
        %swap3A_624 = tpu.vector_load %arg14[%swap3A_622, %swap3A_623] {strides = array<i32>} : memref<80x128xf32, #tpu.memory_space<vmem>>, vector<16xf32>,
        tpu.vector_store %arg14[%swap3A_622, %swap3A_623], %mul3A_621 {strides = array<i32>} : memref<80x128xf32, #tpu.memory_space<vmem>>, vector<16xf32>,
        %mul3A_625 = arith.constant 16 : i32
        %mul3A_626 = arith.muli %scan3A_225, %mul3A_625 : i32
        %add3A_627 = arith.constant 5 : i32
        %add3A_628 = arith.addi %mul3A_626, %add3A_627 : i32
        %broadcast_in_dim3A_629 = arith.constant 5 : i32
        %broadcast_in_dim3A_630 = vector.broadcast %broadcast_in_dim3A_629 : i32 to vector<16x1xi32>
        %gather3A_631 = vector.shape_cast %broadcast_in_dim3A_630 : vector<16x1xi32> to vector<16xi32>
        %gather3A_632 = tpu.dynamic_gather %get3A_229[%gather3A_631] in [0] : vector<16xf32>, vector<16xi32> -> vector<16xf32>
        %get3A_633 = arith.index_cast %rem3A_148 : i32 to index
        %get3A_634 = arith.index_cast %add3A_628 : i32 to index
        %get3A_635 = arith.constant 0 : index
        %get3A_636 = tpu.vector_load %arg12[%get3A_633, %get3A_634, %get3A_635] {strides = array<i32>} : memref<2x80x64xi32, #tpu.memory_space<vmem>>, vector<16xi32>,
        %get3A_637 = arith.index_cast %rem3A_148 : i32 to index
        %get3A_638 = arith.index_cast %add3A_628 : i32 to index
        %get3A_639 = arith.constant 16 : index
        %get3A_640 = tpu.vector_load %arg12[%get3A_637, %get3A_638, %get3A_639] {strides = array<i32>} : memref<2x80x64xi32, #tpu.memory_space<vmem>>, vector<16xi32>,
        %get3A_641 = arith.index_cast %rem3A_148 : i32 to index
        %get3A_642 = arith.index_cast %add3A_628 : i32 to index
        %get3A_643 = arith.constant 32 : index
        %get3A_644 = tpu.vector_load %arg12[%get3A_641, %get3A_642, %get3A_643] {strides = array<i32>} : memref<2x80x64xi32, #tpu.memory_space<vmem>>, vector<16xi32>,
        %get3A_645 = arith.index_cast %rem3A_148 : i32 to index
        %get3A_646 = arith.index_cast %add3A_628 : i32 to index
        %get3A_647 = arith.constant 48 : index
        %get3A_648 = tpu.vector_load %arg12[%get3A_645, %get3A_646, %get3A_647] {strides = array<i32>} : memref<2x80x64xi32, #tpu.memory_space<vmem>>, vector<16xi32>,
        %shift_left3A_649 = arith.constant 16 : i32
        %shift_left3A_650 = vector.broadcast %shift_left3A_649 : i32 to vector<16xi32>
        %shift_left3A_651 = arith.shli %get3A_636, %shift_left3A_650 : vector<16xi32>
        %bitcast3A_652 = vector.bitcast %shift_left3A_651 : vector<16xi32> to vector<16xf32>
        %and3A_653 = arith.andi %get3A_636, %broadcast_in_dim3A_186 : vector<16xi32>
        %bitcast3A_654 = vector.bitcast %and3A_653 : vector<16xi32> to vector<16xf32>
        %mul3A_655 = arith.mulf %bitcast3A_652, %gather3A_632 : vector<16xf32>
        %swap3A_656 = arith.index_cast %add3A_628 : i32 to index
        %swap3A_657 = arith.constant 0 : index
        %swap3A_658 = tpu.vector_load %arg14[%swap3A_656, %swap3A_657] {strides = array<i32>} : memref<80x128xf32, #tpu.memory_space<vmem>>, vector<16xf32>,
        tpu.vector_store %arg14[%swap3A_656, %swap3A_657], %mul3A_655 {strides = array<i32>} : memref<80x128xf32, #tpu.memory_space<vmem>>, vector<16xf32>,
        %mul3A_659 = arith.mulf %bitcast3A_654, %gather3A_632 : vector<16xf32>
        %swap3A_660 = arith.index_cast %add3A_628 : i32 to index
        %swap3A_661 = arith.constant 64 : index
        %swap3A_662 = tpu.vector_load %arg14[%swap3A_660, %swap3A_661] {strides = array<i32>} : memref<80x128xf32, #tpu.memory_space<vmem>>, vector<16xf32>,
        tpu.vector_store %arg14[%swap3A_660, %swap3A_661], %mul3A_659 {strides = array<i32>} : memref<80x128xf32, #tpu.memory_space<vmem>>, vector<16xf32>,
        %shift_left3A_663 = arith.constant 16 : i32
        %shift_left3A_664 = vector.broadcast %shift_left3A_663 : i32 to vector<16xi32>
        %shift_left3A_665 = arith.shli %get3A_640, %shift_left3A_664 : vector<16xi32>
        %bitcast3A_666 = vector.bitcast %shift_left3A_665 : vector<16xi32> to vector<16xf32>
        %and3A_667 = arith.andi %get3A_640, %broadcast_in_dim3A_186 : vector<16xi32>
        %bitcast3A_668 = vector.bitcast %and3A_667 : vector<16xi32> to vector<16xf32>
        %mul3A_669 = arith.mulf %bitcast3A_666, %gather3A_632 : vector<16xf32>
        %swap3A_670 = arith.index_cast %add3A_628 : i32 to index
        %swap3A_671 = arith.constant 16 : index
        %swap3A_672 = tpu.vector_load %arg14[%swap3A_670, %swap3A_671] {strides = array<i32>} : memref<80x128xf32, #tpu.memory_space<vmem>>, vector<16xf32>,
        tpu.vector_store %arg14[%swap3A_670, %swap3A_671], %mul3A_669 {strides = array<i32>} : memref<80x128xf32, #tpu.memory_space<vmem>>, vector<16xf32>,
        %mul3A_673 = arith.mulf %bitcast3A_668, %gather3A_632 : vector<16xf32>
        %swap3A_674 = arith.index_cast %add3A_628 : i32 to index
        %swap3A_675 = arith.constant 80 : index
        %swap3A_676 = tpu.vector_load %arg14[%swap3A_674, %swap3A_675] {strides = array<i32>} : memref<80x128xf32, #tpu.memory_space<vmem>>, vector<16xf32>,
        tpu.vector_store %arg14[%swap3A_674, %swap3A_675], %mul3A_673 {strides = array<i32>} : memref<80x128xf32, #tpu.memory_space<vmem>>, vector<16xf32>,
        %shift_left3A_677 = arith.constant 16 : i32
        %shift_left3A_678 = vector.broadcast %shift_left3A_677 : i32 to vector<16xi32>
        %shift_left3A_679 = arith.shli %get3A_644, %shift_left3A_678 : vector<16xi32>
        %bitcast3A_680 = vector.bitcast %shift_left3A_679 : vector<16xi32> to vector<16xf32>
        %and3A_681 = arith.andi %get3A_644, %broadcast_in_dim3A_186 : vector<16xi32>
        %bitcast3A_682 = vector.bitcast %and3A_681 : vector<16xi32> to vector<16xf32>
        %mul3A_683 = arith.mulf %bitcast3A_680, %gather3A_632 : vector<16xf32>
        %swap3A_684 = arith.index_cast %add3A_628 : i32 to index
        %swap3A_685 = arith.constant 32 : index
        %swap3A_686 = tpu.vector_load %arg14[%swap3A_684, %swap3A_685] {strides = array<i32>} : memref<80x128xf32, #tpu.memory_space<vmem>>, vector<16xf32>,
        tpu.vector_store %arg14[%swap3A_684, %swap3A_685], %mul3A_683 {strides = array<i32>} : memref<80x128xf32, #tpu.memory_space<vmem>>, vector<16xf32>,
        %mul3A_687 = arith.mulf %bitcast3A_682, %gather3A_632 : vector<16xf32>
        %swap3A_688 = arith.index_cast %add3A_628 : i32 to index
        %swap3A_689 = arith.constant 96 : index
        %swap3A_690 = tpu.vector_load %arg14[%swap3A_688, %swap3A_689] {strides = array<i32>} : memref<80x128xf32, #tpu.memory_space<vmem>>, vector<16xf32>,
        tpu.vector_store %arg14[%swap3A_688, %swap3A_689], %mul3A_687 {strides = array<i32>} : memref<80x128xf32, #tpu.memory_space<vmem>>, vector<16xf32>,
        %shift_left3A_691 = arith.constant 16 : i32
        %shift_left3A_692 = vector.broadcast %shift_left3A_691 : i32 to vector<16xi32>
        %shift_left3A_693 = arith.shli %get3A_648, %shift_left3A_692 : vector<16xi32>
        %bitcast3A_694 = vector.bitcast %shift_left3A_693 : vector<16xi32> to vector<16xf32>
        %and3A_695 = arith.andi %get3A_648, %broadcast_in_dim3A_186 : vector<16xi32>
        %bitcast3A_696 = vector.bitcast %and3A_695 : vector<16xi32> to vector<16xf32>
        %mul3A_697 = arith.mulf %bitcast3A_694, %gather3A_632 : vector<16xf32>
        %swap3A_698 = arith.index_cast %add3A_628 : i32 to index
        %swap3A_699 = arith.constant 48 : index
        %swap3A_700 = tpu.vector_load %arg14[%swap3A_698, %swap3A_699] {strides = array<i32>} : memref<80x128xf32, #tpu.memory_space<vmem>>, vector<16xf32>,
        tpu.vector_store %arg14[%swap3A_698, %swap3A_699], %mul3A_697 {strides = array<i32>} : memref<80x128xf32, #tpu.memory_space<vmem>>, vector<16xf32>,
        %mul3A_701 = arith.mulf %bitcast3A_696, %gather3A_632 : vector<16xf32>
        %swap3A_702 = arith.index_cast %add3A_628 : i32 to index
        %swap3A_703 = arith.constant 112 : index
        %swap3A_704 = tpu.vector_load %arg14[%swap3A_702, %swap3A_703] {strides = array<i32>} : memref<80x128xf32, #tpu.memory_space<vmem>>, vector<16xf32>,
        tpu.vector_store %arg14[%swap3A_702, %swap3A_703], %mul3A_701 {strides = array<i32>} : memref<80x128xf32, #tpu.memory_space<vmem>>, vector<16xf32>,
        %mul3A_705 = arith.constant 16 : i32
        %mul3A_706 = arith.muli %scan3A_225, %mul3A_705 : i32
        %add3A_707 = arith.constant 6 : i32
        %add3A_708 = arith.addi %mul3A_706, %add3A_707 : i32
        %broadcast_in_dim3A_709 = arith.constant 6 : i32
        %broadcast_in_dim3A_710 = vector.broadcast %broadcast_in_dim3A_709 : i32 to vector<16x1xi32>
        %gather3A_711 = vector.shape_cast %broadcast_in_dim3A_710 : vector<16x1xi32> to vector<16xi32>
        %gather3A_712 = tpu.dynamic_gather %get3A_229[%gather3A_711] in [0] : vector<16xf32>, vector<16xi32> -> vector<16xf32>
        %get3A_713 = arith.index_cast %rem3A_148 : i32 to index
        %get3A_714 = arith.index_cast %add3A_708 : i32 to index
        %get3A_715 = arith.constant 0 : index
        %get3A_716 = tpu.vector_load %arg12[%get3A_713, %get3A_714, %get3A_715] {strides = array<i32>} : memref<2x80x64xi32, #tpu.memory_space<vmem>>, vector<16xi32>,
        %get3A_717 = arith.index_cast %rem3A_148 : i32 to index
        %get3A_718 = arith.index_cast %add3A_708 : i32 to index
        %get3A_719 = arith.constant 16 : index
        %get3A_720 = tpu.vector_load %arg12[%get3A_717, %get3A_718, %get3A_719] {strides = array<i32>} : memref<2x80x64xi32, #tpu.memory_space<vmem>>, vector<16xi32>,
        %get3A_721 = arith.index_cast %rem3A_148 : i32 to index
        %get3A_722 = arith.index_cast %add3A_708 : i32 to index
        %get3A_723 = arith.constant 32 : index
        %get3A_724 = tpu.vector_load %arg12[%get3A_721, %get3A_722, %get3A_723] {strides = array<i32>} : memref<2x80x64xi32, #tpu.memory_space<vmem>>, vector<16xi32>,
        %get3A_725 = arith.index_cast %rem3A_148 : i32 to index
        %get3A_726 = arith.index_cast %add3A_708 : i32 to index
        %get3A_727 = arith.constant 48 : index
        %get3A_728 = tpu.vector_load %arg12[%get3A_725, %get3A_726, %get3A_727] {strides = array<i32>} : memref<2x80x64xi32, #tpu.memory_space<vmem>>, vector<16xi32>,
        %shift_left3A_729 = arith.constant 16 : i32
        %shift_left3A_730 = vector.broadcast %shift_left3A_729 : i32 to vector<16xi32>
        %shift_left3A_731 = arith.shli %get3A_716, %shift_left3A_730 : vector<16xi32>
        %bitcast3A_732 = vector.bitcast %shift_left3A_731 : vector<16xi32> to vector<16xf32>
        %and3A_733 = arith.andi %get3A_716, %broadcast_in_dim3A_186 : vector<16xi32>
        %bitcast3A_734 = vector.bitcast %and3A_733 : vector<16xi32> to vector<16xf32>
        %mul3A_735 = arith.mulf %bitcast3A_732, %gather3A_712 : vector<16xf32>
        %swap3A_736 = arith.index_cast %add3A_708 : i32 to index
        %swap3A_737 = arith.constant 0 : index
        %swap3A_738 = tpu.vector_load %arg14[%swap3A_736, %swap3A_737] {strides = array<i32>} : memref<80x128xf32, #tpu.memory_space<vmem>>, vector<16xf32>,
        tpu.vector_store %arg14[%swap3A_736, %swap3A_737], %mul3A_735 {strides = array<i32>} : memref<80x128xf32, #tpu.memory_space<vmem>>, vector<16xf32>,
        %mul3A_739 = arith.mulf %bitcast3A_734, %gather3A_712 : vector<16xf32>
        %swap3A_740 = arith.index_cast %add3A_708 : i32 to index
        %swap3A_741 = arith.constant 64 : index
        %swap3A_742 = tpu.vector_load %arg14[%swap3A_740, %swap3A_741] {strides = array<i32>} : memref<80x128xf32, #tpu.memory_space<vmem>>, vector<16xf32>,
        tpu.vector_store %arg14[%swap3A_740, %swap3A_741], %mul3A_739 {strides = array<i32>} : memref<80x128xf32, #tpu.memory_space<vmem>>, vector<16xf32>,
        %shift_left3A_743 = arith.constant 16 : i32
        %shift_left3A_744 = vector.broadcast %shift_left3A_743 : i32 to vector<16xi32>
        %shift_left3A_745 = arith.shli %get3A_720, %shift_left3A_744 : vector<16xi32>
        %bitcast3A_746 = vector.bitcast %shift_left3A_745 : vector<16xi32> to vector<16xf32>
        %and3A_747 = arith.andi %get3A_720, %broadcast_in_dim3A_186 : vector<16xi32>
        %bitcast3A_748 = vector.bitcast %and3A_747 : vector<16xi32> to vector<16xf32>
        %mul3A_749 = arith.mulf %bitcast3A_746, %gather3A_712 : vector<16xf32>
        %swap3A_750 = arith.index_cast %add3A_708 : i32 to index
        %swap3A_751 = arith.constant 16 : index
        %swap3A_752 = tpu.vector_load %arg14[%swap3A_750, %swap3A_751] {strides = array<i32>} : memref<80x128xf32, #tpu.memory_space<vmem>>, vector<16xf32>,
        tpu.vector_store %arg14[%swap3A_750, %swap3A_751], %mul3A_749 {strides = array<i32>} : memref<80x128xf32, #tpu.memory_space<vmem>>, vector<16xf32>,
        %mul3A_753 = arith.mulf %bitcast3A_748, %gather3A_712 : vector<16xf32>
        %swap3A_754 = arith.index_cast %add3A_708 : i32 to index
        %swap3A_755 = arith.constant 80 : index
        %swap3A_756 = tpu.vector_load %arg14[%swap3A_754, %swap3A_755] {strides = array<i32>} : memref<80x128xf32, #tpu.memory_space<vmem>>, vector<16xf32>,
        tpu.vector_store %arg14[%swap3A_754, %swap3A_755], %mul3A_753 {strides = array<i32>} : memref<80x128xf32, #tpu.memory_space<vmem>>, vector<16xf32>,
        %shift_left3A_757 = arith.constant 16 : i32
        %shift_left3A_758 = vector.broadcast %shift_left3A_757 : i32 to vector<16xi32>
        %shift_left3A_759 = arith.shli %get3A_724, %shift_left3A_758 : vector<16xi32>
        %bitcast3A_760 = vector.bitcast %shift_left3A_759 : vector<16xi32> to vector<16xf32>
        %and3A_761 = arith.andi %get3A_724, %broadcast_in_dim3A_186 : vector<16xi32>
        %bitcast3A_762 = vector.bitcast %and3A_761 : vector<16xi32> to vector<16xf32>
        %mul3A_763 = arith.mulf %bitcast3A_760, %gather3A_712 : vector<16xf32>
        %swap3A_764 = arith.index_cast %add3A_708 : i32 to index
        %swap3A_765 = arith.constant 32 : index
        %swap3A_766 = tpu.vector_load %arg14[%swap3A_764, %swap3A_765] {strides = array<i32>} : memref<80x128xf32, #tpu.memory_space<vmem>>, vector<16xf32>,
        tpu.vector_store %arg14[%swap3A_764, %swap3A_765], %mul3A_763 {strides = array<i32>} : memref<80x128xf32, #tpu.memory_space<vmem>>, vector<16xf32>,
        %mul3A_767 = arith.mulf %bitcast3A_762, %gather3A_712 : vector<16xf32>
        %swap3A_768 = arith.index_cast %add3A_708 : i32 to index
        %swap3A_769 = arith.constant 96 : index
        %swap3A_770 = tpu.vector_load %arg14[%swap3A_768, %swap3A_769] {strides = array<i32>} : memref<80x128xf32, #tpu.memory_space<vmem>>, vector<16xf32>,
        tpu.vector_store %arg14[%swap3A_768, %swap3A_769], %mul3A_767 {strides = array<i32>} : memref<80x128xf32, #tpu.memory_space<vmem>>, vector<16xf32>,
        %shift_left3A_771 = arith.constant 16 : i32
        %shift_left3A_772 = vector.broadcast %shift_left3A_771 : i32 to vector<16xi32>
        %shift_left3A_773 = arith.shli %get3A_728, %shift_left3A_772 : vector<16xi32>
        %bitcast3A_774 = vector.bitcast %shift_left3A_773 : vector<16xi32> to vector<16xf32>
        %and3A_775 = arith.andi %get3A_728, %broadcast_in_dim3A_186 : vector<16xi32>
        %bitcast3A_776 = vector.bitcast %and3A_775 : vector<16xi32> to vector<16xf32>
        %mul3A_777 = arith.mulf %bitcast3A_774, %gather3A_712 : vector<16xf32>
        %swap3A_778 = arith.index_cast %add3A_708 : i32 to index
        %swap3A_779 = arith.constant 48 : index
        %swap3A_780 = tpu.vector_load %arg14[%swap3A_778, %swap3A_779] {strides = array<i32>} : memref<80x128xf32, #tpu.memory_space<vmem>>, vector<16xf32>,
        tpu.vector_store %arg14[%swap3A_778, %swap3A_779], %mul3A_777 {strides = array<i32>} : memref<80x128xf32, #tpu.memory_space<vmem>>, vector<16xf32>,
        %mul3A_781 = arith.mulf %bitcast3A_776, %gather3A_712 : vector<16xf32>
        %swap3A_782 = arith.index_cast %add3A_708 : i32 to index
        %swap3A_783 = arith.constant 112 : index
        %swap3A_784 = tpu.vector_load %arg14[%swap3A_782, %swap3A_783] {strides = array<i32>} : memref<80x128xf32, #tpu.memory_space<vmem>>, vector<16xf32>,
        tpu.vector_store %arg14[%swap3A_782, %swap3A_783], %mul3A_781 {strides = array<i32>} : memref<80x128xf32, #tpu.memory_space<vmem>>, vector<16xf32>,
        %mul3A_785 = arith.constant 16 : i32
        %mul3A_786 = arith.muli %scan3A_225, %mul3A_785 : i32
        %add3A_787 = arith.constant 7 : i32
        %add3A_788 = arith.addi %mul3A_786, %add3A_787 : i32
        %broadcast_in_dim3A_789 = arith.constant 7 : i32
        %broadcast_in_dim3A_790 = vector.broadcast %broadcast_in_dim3A_789 : i32 to vector<16x1xi32>
        %gather3A_791 = vector.shape_cast %broadcast_in_dim3A_790 : vector<16x1xi32> to vector<16xi32>
        %gather3A_792 = tpu.dynamic_gather %get3A_229[%gather3A_791] in [0] : vector<16xf32>, vector<16xi32> -> vector<16xf32>
        %get3A_793 = arith.index_cast %rem3A_148 : i32 to index
        %get3A_794 = arith.index_cast %add3A_788 : i32 to index
        %get3A_795 = arith.constant 0 : index
        %get3A_796 = tpu.vector_load %arg12[%get3A_793, %get3A_794, %get3A_795] {strides = array<i32>} : memref<2x80x64xi32, #tpu.memory_space<vmem>>, vector<16xi32>,
        %get3A_797 = arith.index_cast %rem3A_148 : i32 to index
        %get3A_798 = arith.index_cast %add3A_788 : i32 to index
        %get3A_799 = arith.constant 16 : index
        %get3A_800 = tpu.vector_load %arg12[%get3A_797, %get3A_798, %get3A_799] {strides = array<i32>} : memref<2x80x64xi32, #tpu.memory_space<vmem>>, vector<16xi32>,
        %get3A_801 = arith.index_cast %rem3A_148 : i32 to index
        %get3A_802 = arith.index_cast %add3A_788 : i32 to index
        %get3A_803 = arith.constant 32 : index
        %get3A_804 = tpu.vector_load %arg12[%get3A_801, %get3A_802, %get3A_803] {strides = array<i32>} : memref<2x80x64xi32, #tpu.memory_space<vmem>>, vector<16xi32>,
        %get3A_805 = arith.index_cast %rem3A_148 : i32 to index
        %get3A_806 = arith.index_cast %add3A_788 : i32 to index
        %get3A_807 = arith.constant 48 : index
        %get3A_808 = tpu.vector_load %arg12[%get3A_805, %get3A_806, %get3A_807] {strides = array<i32>} : memref<2x80x64xi32, #tpu.memory_space<vmem>>, vector<16xi32>,
        %shift_left3A_809 = arith.constant 16 : i32
        %shift_left3A_810 = vector.broadcast %shift_left3A_809 : i32 to vector<16xi32>
        %shift_left3A_811 = arith.shli %get3A_796, %shift_left3A_810 : vector<16xi32>
        %bitcast3A_812 = vector.bitcast %shift_left3A_811 : vector<16xi32> to vector<16xf32>
        %and3A_813 = arith.andi %get3A_796, %broadcast_in_dim3A_186 : vector<16xi32>
        %bitcast3A_814 = vector.bitcast %and3A_813 : vector<16xi32> to vector<16xf32>
        %mul3A_815 = arith.mulf %bitcast3A_812, %gather3A_792 : vector<16xf32>
        %swap3A_816 = arith.index_cast %add3A_788 : i32 to index
        %swap3A_817 = arith.constant 0 : index
        %swap3A_818 = tpu.vector_load %arg14[%swap3A_816, %swap3A_817] {strides = array<i32>} : memref<80x128xf32, #tpu.memory_space<vmem>>, vector<16xf32>,
        tpu.vector_store %arg14[%swap3A_816, %swap3A_817], %mul3A_815 {strides = array<i32>} : memref<80x128xf32, #tpu.memory_space<vmem>>, vector<16xf32>,
        %mul3A_819 = arith.mulf %bitcast3A_814, %gather3A_792 : vector<16xf32>
        %swap3A_820 = arith.index_cast %add3A_788 : i32 to index
        %swap3A_821 = arith.constant 64 : index
        %swap3A_822 = tpu.vector_load %arg14[%swap3A_820, %swap3A_821] {strides = array<i32>} : memref<80x128xf32, #tpu.memory_space<vmem>>, vector<16xf32>,
        tpu.vector_store %arg14[%swap3A_820, %swap3A_821], %mul3A_819 {strides = array<i32>} : memref<80x128xf32, #tpu.memory_space<vmem>>, vector<16xf32>,
        %shift_left3A_823 = arith.constant 16 : i32
        %shift_left3A_824 = vector.broadcast %shift_left3A_823 : i32 to vector<16xi32>
        %shift_left3A_825 = arith.shli %get3A_800, %shift_left3A_824 : vector<16xi32>
        %bitcast3A_826 = vector.bitcast %shift_left3A_825 : vector<16xi32> to vector<16xf32>
        %and3A_827 = arith.andi %get3A_800, %broadcast_in_dim3A_186 : vector<16xi32>
        %bitcast3A_828 = vector.bitcast %and3A_827 : vector<16xi32> to vector<16xf32>
        %mul3A_829 = arith.mulf %bitcast3A_826, %gather3A_792 : vector<16xf32>
        %swap3A_830 = arith.index_cast %add3A_788 : i32 to index
        %swap3A_831 = arith.constant 16 : index
        %swap3A_832 = tpu.vector_load %arg14[%swap3A_830, %swap3A_831] {strides = array<i32>} : memref<80x128xf32, #tpu.memory_space<vmem>>, vector<16xf32>,
        tpu.vector_store %arg14[%swap3A_830, %swap3A_831], %mul3A_829 {strides = array<i32>} : memref<80x128xf32, #tpu.memory_space<vmem>>, vector<16xf32>,
        %mul3A_833 = arith.mulf %bitcast3A_828, %gather3A_792 : vector<16xf32>
        %swap3A_834 = arith.index_cast %add3A_788 : i32 to index
        %swap3A_835 = arith.constant 80 : index
        %swap3A_836 = tpu.vector_load %arg14[%swap3A_834, %swap3A_835] {strides = array<i32>} : memref<80x128xf32, #tpu.memory_space<vmem>>, vector<16xf32>,
        tpu.vector_store %arg14[%swap3A_834, %swap3A_835], %mul3A_833 {strides = array<i32>} : memref<80x128xf32, #tpu.memory_space<vmem>>, vector<16xf32>,
        %shift_left3A_837 = arith.constant 16 : i32
        %shift_left3A_838 = vector.broadcast %shift_left3A_837 : i32 to vector<16xi32>
        %shift_left3A_839 = arith.shli %get3A_804, %shift_left3A_838 : vector<16xi32>
        %bitcast3A_840 = vector.bitcast %shift_left3A_839 : vector<16xi32> to vector<16xf32>
        %and3A_841 = arith.andi %get3A_804, %broadcast_in_dim3A_186 : vector<16xi32>
        %bitcast3A_842 = vector.bitcast %and3A_841 : vector<16xi32> to vector<16xf32>
        %mul3A_843 = arith.mulf %bitcast3A_840, %gather3A_792 : vector<16xf32>
        %swap3A_844 = arith.index_cast %add3A_788 : i32 to index
        %swap3A_845 = arith.constant 32 : index
        %swap3A_846 = tpu.vector_load %arg14[%swap3A_844, %swap3A_845] {strides = array<i32>} : memref<80x128xf32, #tpu.memory_space<vmem>>, vector<16xf32>,
        tpu.vector_store %arg14[%swap3A_844, %swap3A_845], %mul3A_843 {strides = array<i32>} : memref<80x128xf32, #tpu.memory_space<vmem>>, vector<16xf32>,
        %mul3A_847 = arith.mulf %bitcast3A_842, %gather3A_792 : vector<16xf32>
        %swap3A_848 = arith.index_cast %add3A_788 : i32 to index
        %swap3A_849 = arith.constant 96 : index
        %swap3A_850 = tpu.vector_load %arg14[%swap3A_848, %swap3A_849] {strides = array<i32>} : memref<80x128xf32, #tpu.memory_space<vmem>>, vector<16xf32>,
        tpu.vector_store %arg14[%swap3A_848, %swap3A_849], %mul3A_847 {strides = array<i32>} : memref<80x128xf32, #tpu.memory_space<vmem>>, vector<16xf32>,
        %shift_left3A_851 = arith.constant 16 : i32
        %shift_left3A_852 = vector.broadcast %shift_left3A_851 : i32 to vector<16xi32>
        %shift_left3A_853 = arith.shli %get3A_808, %shift_left3A_852 : vector<16xi32>
        %bitcast3A_854 = vector.bitcast %shift_left3A_853 : vector<16xi32> to vector<16xf32>
        %and3A_855 = arith.andi %get3A_808, %broadcast_in_dim3A_186 : vector<16xi32>
        %bitcast3A_856 = vector.bitcast %and3A_855 : vector<16xi32> to vector<16xf32>
        %mul3A_857 = arith.mulf %bitcast3A_854, %gather3A_792 : vector<16xf32>
        %swap3A_858 = arith.index_cast %add3A_788 : i32 to index
        %swap3A_859 = arith.constant 48 : index
        %swap3A_860 = tpu.vector_load %arg14[%swap3A_858, %swap3A_859] {strides = array<i32>} : memref<80x128xf32, #tpu.memory_space<vmem>>, vector<16xf32>,
        tpu.vector_store %arg14[%swap3A_858, %swap3A_859], %mul3A_857 {strides = array<i32>} : memref<80x128xf32, #tpu.memory_space<vmem>>, vector<16xf32>,
        %mul3A_861 = arith.mulf %bitcast3A_856, %gather3A_792 : vector<16xf32>
        %swap3A_862 = arith.index_cast %add3A_788 : i32 to index
        %swap3A_863 = arith.constant 112 : index
        %swap3A_864 = tpu.vector_load %arg14[%swap3A_862, %swap3A_863] {strides = array<i32>} : memref<80x128xf32, #tpu.memory_space<vmem>>, vector<16xf32>,
        tpu.vector_store %arg14[%swap3A_862, %swap3A_863], %mul3A_861 {strides = array<i32>} : memref<80x128xf32, #tpu.memory_space<vmem>>, vector<16xf32>,
        %mul3A_865 = arith.constant 16 : i32
        %mul3A_866 = arith.muli %scan3A_225, %mul3A_865 : i32
        %add3A_867 = arith.constant 8 : i32
        %add3A_868 = arith.addi %mul3A_866, %add3A_867 : i32
        %broadcast_in_dim3A_869 = arith.constant 8 : i32
        %broadcast_in_dim3A_870 = vector.broadcast %broadcast_in_dim3A_869 : i32 to vector<16x1xi32>
        %gather3A_871 = vector.shape_cast %broadcast_in_dim3A_870 : vector<16x1xi32> to vector<16xi32>
        %gather3A_872 = tpu.dynamic_gather %get3A_229[%gather3A_871] in [0] : vector<16xf32>, vector<16xi32> -> vector<16xf32>
        %get3A_873 = arith.index_cast %rem3A_148 : i32 to index
        %get3A_874 = arith.index_cast %add3A_868 : i32 to index
        %get3A_875 = arith.constant 0 : index
        %get3A_876 = tpu.vector_load %arg12[%get3A_873, %get3A_874, %get3A_875] {strides = array<i32>} : memref<2x80x64xi32, #tpu.memory_space<vmem>>, vector<16xi32>,
        %get3A_877 = arith.index_cast %rem3A_148 : i32 to index
        %get3A_878 = arith.index_cast %add3A_868 : i32 to index
        %get3A_879 = arith.constant 16 : index
        %get3A_880 = tpu.vector_load %arg12[%get3A_877, %get3A_878, %get3A_879] {strides = array<i32>} : memref<2x80x64xi32, #tpu.memory_space<vmem>>, vector<16xi32>,
        %get3A_881 = arith.index_cast %rem3A_148 : i32 to index
        %get3A_882 = arith.index_cast %add3A_868 : i32 to index
        %get3A_883 = arith.constant 32 : index
        %get3A_884 = tpu.vector_load %arg12[%get3A_881, %get3A_882, %get3A_883] {strides = array<i32>} : memref<2x80x64xi32, #tpu.memory_space<vmem>>, vector<16xi32>,
        %get3A_885 = arith.index_cast %rem3A_148 : i32 to index
        %get3A_886 = arith.index_cast %add3A_868 : i32 to index
        %get3A_887 = arith.constant 48 : index
        %get3A_888 = tpu.vector_load %arg12[%get3A_885, %get3A_886, %get3A_887] {strides = array<i32>} : memref<2x80x64xi32, #tpu.memory_space<vmem>>, vector<16xi32>,
        %shift_left3A_889 = arith.constant 16 : i32
        %shift_left3A_890 = vector.broadcast %shift_left3A_889 : i32 to vector<16xi32>
        %shift_left3A_891 = arith.shli %get3A_876, %shift_left3A_890 : vector<16xi32>
        %bitcast3A_892 = vector.bitcast %shift_left3A_891 : vector<16xi32> to vector<16xf32>
        %and3A_893 = arith.andi %get3A_876, %broadcast_in_dim3A_186 : vector<16xi32>
        %bitcast3A_894 = vector.bitcast %and3A_893 : vector<16xi32> to vector<16xf32>
        %mul3A_895 = arith.mulf %bitcast3A_892, %gather3A_872 : vector<16xf32>
        %swap3A_896 = arith.index_cast %add3A_868 : i32 to index
        %swap3A_897 = arith.constant 0 : index
        %swap3A_898 = tpu.vector_load %arg14[%swap3A_896, %swap3A_897] {strides = array<i32>} : memref<80x128xf32, #tpu.memory_space<vmem>>, vector<16xf32>,
        tpu.vector_store %arg14[%swap3A_896, %swap3A_897], %mul3A_895 {strides = array<i32>} : memref<80x128xf32, #tpu.memory_space<vmem>>, vector<16xf32>,
        %mul3A_899 = arith.mulf %bitcast3A_894, %gather3A_872 : vector<16xf32>
        %swap3A_900 = arith.index_cast %add3A_868 : i32 to index
        %swap3A_901 = arith.constant 64 : index
        %swap3A_902 = tpu.vector_load %arg14[%swap3A_900, %swap3A_901] {strides = array<i32>} : memref<80x128xf32, #tpu.memory_space<vmem>>, vector<16xf32>,
        tpu.vector_store %arg14[%swap3A_900, %swap3A_901], %mul3A_899 {strides = array<i32>} : memref<80x128xf32, #tpu.memory_space<vmem>>, vector<16xf32>,
        %shift_left3A_903 = arith.constant 16 : i32
        %shift_left3A_904 = vector.broadcast %shift_left3A_903 : i32 to vector<16xi32>
        %shift_left3A_905 = arith.shli %get3A_880, %shift_left3A_904 : vector<16xi32>
        %bitcast3A_906 = vector.bitcast %shift_left3A_905 : vector<16xi32> to vector<16xf32>
        %and3A_907 = arith.andi %get3A_880, %broadcast_in_dim3A_186 : vector<16xi32>
        %bitcast3A_908 = vector.bitcast %and3A_907 : vector<16xi32> to vector<16xf32>
        %mul3A_909 = arith.mulf %bitcast3A_906, %gather3A_872 : vector<16xf32>
        %swap3A_910 = arith.index_cast %add3A_868 : i32 to index
        %swap3A_911 = arith.constant 16 : index
        %swap3A_912 = tpu.vector_load %arg14[%swap3A_910, %swap3A_911] {strides = array<i32>} : memref<80x128xf32, #tpu.memory_space<vmem>>, vector<16xf32>,
        tpu.vector_store %arg14[%swap3A_910, %swap3A_911], %mul3A_909 {strides = array<i32>} : memref<80x128xf32, #tpu.memory_space<vmem>>, vector<16xf32>,
        %mul3A_913 = arith.mulf %bitcast3A_908, %gather3A_872 : vector<16xf32>
        %swap3A_914 = arith.index_cast %add3A_868 : i32 to index
        %swap3A_915 = arith.constant 80 : index
        %swap3A_916 = tpu.vector_load %arg14[%swap3A_914, %swap3A_915] {strides = array<i32>} : memref<80x128xf32, #tpu.memory_space<vmem>>, vector<16xf32>,
        tpu.vector_store %arg14[%swap3A_914, %swap3A_915], %mul3A_913 {strides = array<i32>} : memref<80x128xf32, #tpu.memory_space<vmem>>, vector<16xf32>,
        %shift_left3A_917 = arith.constant 16 : i32
        %shift_left3A_918 = vector.broadcast %shift_left3A_917 : i32 to vector<16xi32>
        %shift_left3A_919 = arith.shli %get3A_884, %shift_left3A_918 : vector<16xi32>
        %bitcast3A_920 = vector.bitcast %shift_left3A_919 : vector<16xi32> to vector<16xf32>
        %and3A_921 = arith.andi %get3A_884, %broadcast_in_dim3A_186 : vector<16xi32>
        %bitcast3A_922 = vector.bitcast %and3A_921 : vector<16xi32> to vector<16xf32>
        %mul3A_923 = arith.mulf %bitcast3A_920, %gather3A_872 : vector<16xf32>
        %swap3A_924 = arith.index_cast %add3A_868 : i32 to index
        %swap3A_925 = arith.constant 32 : index
        %swap3A_926 = tpu.vector_load %arg14[%swap3A_924, %swap3A_925] {strides = array<i32>} : memref<80x128xf32, #tpu.memory_space<vmem>>, vector<16xf32>,
        tpu.vector_store %arg14[%swap3A_924, %swap3A_925], %mul3A_923 {strides = array<i32>} : memref<80x128xf32, #tpu.memory_space<vmem>>, vector<16xf32>,
        %mul3A_927 = arith.mulf %bitcast3A_922, %gather3A_872 : vector<16xf32>
        %swap3A_928 = arith.index_cast %add3A_868 : i32 to index
        %swap3A_929 = arith.constant 96 : index
        %swap3A_930 = tpu.vector_load %arg14[%swap3A_928, %swap3A_929] {strides = array<i32>} : memref<80x128xf32, #tpu.memory_space<vmem>>, vector<16xf32>,
        tpu.vector_store %arg14[%swap3A_928, %swap3A_929], %mul3A_927 {strides = array<i32>} : memref<80x128xf32, #tpu.memory_space<vmem>>, vector<16xf32>,
        %shift_left3A_931 = arith.constant 16 : i32
        %shift_left3A_932 = vector.broadcast %shift_left3A_931 : i32 to vector<16xi32>
        %shift_left3A_933 = arith.shli %get3A_888, %shift_left3A_932 : vector<16xi32>
        %bitcast3A_934 = vector.bitcast %shift_left3A_933 : vector<16xi32> to vector<16xf32>
        %and3A_935 = arith.andi %get3A_888, %broadcast_in_dim3A_186 : vector<16xi32>
        %bitcast3A_936 = vector.bitcast %and3A_935 : vector<16xi32> to vector<16xf32>
        %mul3A_937 = arith.mulf %bitcast3A_934, %gather3A_872 : vector<16xf32>
        %swap3A_938 = arith.index_cast %add3A_868 : i32 to index
        %swap3A_939 = arith.constant 48 : index
        %swap3A_940 = tpu.vector_load %arg14[%swap3A_938, %swap3A_939] {strides = array<i32>} : memref<80x128xf32, #tpu.memory_space<vmem>>, vector<16xf32>,
        tpu.vector_store %arg14[%swap3A_938, %swap3A_939], %mul3A_937 {strides = array<i32>} : memref<80x128xf32, #tpu.memory_space<vmem>>, vector<16xf32>,
        %mul3A_941 = arith.mulf %bitcast3A_936, %gather3A_872 : vector<16xf32>
        %swap3A_942 = arith.index_cast %add3A_868 : i32 to index
        %swap3A_943 = arith.constant 112 : index
        %swap3A_944 = tpu.vector_load %arg14[%swap3A_942, %swap3A_943] {strides = array<i32>} : memref<80x128xf32, #tpu.memory_space<vmem>>, vector<16xf32>,
        tpu.vector_store %arg14[%swap3A_942, %swap3A_943], %mul3A_941 {strides = array<i32>} : memref<80x128xf32, #tpu.memory_space<vmem>>, vector<16xf32>,
        %mul3A_945 = arith.constant 16 : i32
        %mul3A_946 = arith.muli %scan3A_225, %mul3A_945 : i32
        %add3A_947 = arith.constant 9 : i32
        %add3A_948 = arith.addi %mul3A_946, %add3A_947 : i32
        %broadcast_in_dim3A_949 = arith.constant 9 : i32
        %broadcast_in_dim3A_950 = vector.broadcast %broadcast_in_dim3A_949 : i32 to vector<16x1xi32>
        %gather3A_951 = vector.shape_cast %broadcast_in_dim3A_950 : vector<16x1xi32> to vector<16xi32>
        %gather3A_952 = tpu.dynamic_gather %get3A_229[%gather3A_951] in [0] : vector<16xf32>, vector<16xi32> -> vector<16xf32>
        %get3A_953 = arith.index_cast %rem3A_148 : i32 to index
        %get3A_954 = arith.index_cast %add3A_948 : i32 to index
        %get3A_955 = arith.constant 0 : index
        %get3A_956 = tpu.vector_load %arg12[%get3A_953, %get3A_954, %get3A_955] {strides = array<i32>} : memref<2x80x64xi32, #tpu.memory_space<vmem>>, vector<16xi32>,
        %get3A_957 = arith.index_cast %rem3A_148 : i32 to index
        %get3A_958 = arith.index_cast %add3A_948 : i32 to index
        %get3A_959 = arith.constant 16 : index
        %get3A_960 = tpu.vector_load %arg12[%get3A_957, %get3A_958, %get3A_959] {strides = array<i32>} : memref<2x80x64xi32, #tpu.memory_space<vmem>>, vector<16xi32>,
        %get3A_961 = arith.index_cast %rem3A_148 : i32 to index
        %get3A_962 = arith.index_cast %add3A_948 : i32 to index
        %get3A_963 = arith.constant 32 : index
        %get3A_964 = tpu.vector_load %arg12[%get3A_961, %get3A_962, %get3A_963] {strides = array<i32>} : memref<2x80x64xi32, #tpu.memory_space<vmem>>, vector<16xi32>,
        %get3A_965 = arith.index_cast %rem3A_148 : i32 to index
        %get3A_966 = arith.index_cast %add3A_948 : i32 to index
        %get3A_967 = arith.constant 48 : index
        %get3A_968 = tpu.vector_load %arg12[%get3A_965, %get3A_966, %get3A_967] {strides = array<i32>} : memref<2x80x64xi32, #tpu.memory_space<vmem>>, vector<16xi32>,
        %shift_left3A_969 = arith.constant 16 : i32
        %shift_left3A_970 = vector.broadcast %shift_left3A_969 : i32 to vector<16xi32>
        %shift_left3A_971 = arith.shli %get3A_956, %shift_left3A_970 : vector<16xi32>
        %bitcast3A_972 = vector.bitcast %shift_left3A_971 : vector<16xi32> to vector<16xf32>
        %and3A_973 = arith.andi %get3A_956, %broadcast_in_dim3A_186 : vector<16xi32>
        %bitcast3A_974 = vector.bitcast %and3A_973 : vector<16xi32> to vector<16xf32>
        %mul3A_975 = arith.mulf %bitcast3A_972, %gather3A_952 : vector<16xf32>
        %swap3A_976 = arith.index_cast %add3A_948 : i32 to index
        %swap3A_977 = arith.constant 0 : index
        %swap3A_978 = tpu.vector_load %arg14[%swap3A_976, %swap3A_977] {strides = array<i32>} : memref<80x128xf32, #tpu.memory_space<vmem>>, vector<16xf32>,
        tpu.vector_store %arg14[%swap3A_976, %swap3A_977], %mul3A_975 {strides = array<i32>} : memref<80x128xf32, #tpu.memory_space<vmem>>, vector<16xf32>,
        %mul3A_979 = arith.mulf %bitcast3A_974, %gather3A_952 : vector<16xf32>
        %swap3A_980 = arith.index_cast %add3A_948 : i32 to index
        %swap3A_981 = arith.constant 64 : index
        %swap3A_982 = tpu.vector_load %arg14[%swap3A_980, %swap3A_981] {strides = array<i32>} : memref<80x128xf32, #tpu.memory_space<vmem>>, vector<16xf32>,
        tpu.vector_store %arg14[%swap3A_980, %swap3A_981], %mul3A_979 {strides = array<i32>} : memref<80x128xf32, #tpu.memory_space<vmem>>, vector<16xf32>,
        %shift_left3A_983 = arith.constant 16 : i32
        %shift_left3A_984 = vector.broadcast %shift_left3A_983 : i32 to vector<16xi32>
        %shift_left3A_985 = arith.shli %get3A_960, %shift_left3A_984 : vector<16xi32>
        %bitcast3A_986 = vector.bitcast %shift_left3A_985 : vector<16xi32> to vector<16xf32>
        %and3A_987 = arith.andi %get3A_960, %broadcast_in_dim3A_186 : vector<16xi32>
        %bitcast3A_988 = vector.bitcast %and3A_987 : vector<16xi32> to vector<16xf32>
        %mul3A_989 = arith.mulf %bitcast3A_986, %gather3A_952 : vector<16xf32>
        %swap3A_990 = arith.index_cast %add3A_948 : i32 to index
        %swap3A_991 = arith.constant 16 : index
        %swap3A_992 = tpu.vector_load %arg14[%swap3A_990, %swap3A_991] {strides = array<i32>} : memref<80x128xf32, #tpu.memory_space<vmem>>, vector<16xf32>,
        tpu.vector_store %arg14[%swap3A_990, %swap3A_991], %mul3A_989 {strides = array<i32>} : memref<80x128xf32, #tpu.memory_space<vmem>>, vector<16xf32>,
        %mul3A_993 = arith.mulf %bitcast3A_988, %gather3A_952 : vector<16xf32>
        %swap3A_994 = arith.index_cast %add3A_948 : i32 to index
        %swap3A_995 = arith.constant 80 : index
        %swap3A_996 = tpu.vector_load %arg14[%swap3A_994, %swap3A_995] {strides = array<i32>} : memref<80x128xf32, #tpu.memory_space<vmem>>, vector<16xf32>,
        tpu.vector_store %arg14[%swap3A_994, %swap3A_995], %mul3A_993 {strides = array<i32>} : memref<80x128xf32, #tpu.memory_space<vmem>>, vector<16xf32>,
        %shift_left3A_997 = arith.constant 16 : i32
        %shift_left3A_998 = vector.broadcast %shift_left3A_997 : i32 to vector<16xi32>
        %shift_left3A_999 = arith.shli %get3A_964, %shift_left3A_998 : vector<16xi32>
        %bitcast3A_1000 = vector.bitcast %shift_left3A_999 : vector<16xi32> to vector<16xf32>
        %and3A_1001 = arith.andi %get3A_964, %broadcast_in_dim3A_186 : vector<16xi32>
        %bitcast3A_1002 = vector.bitcast %and3A_1001 : vector<16xi32> to vector<16xf32>
        %mul3A_1003 = arith.mulf %bitcast3A_1000, %gather3A_952 : vector<16xf32>
        %swap3A_1004 = arith.index_cast %add3A_948 : i32 to index
        %swap3A_1005 = arith.constant 32 : index
        %swap3A_1006 = tpu.vector_load %arg14[%swap3A_1004, %swap3A_1005] {strides = array<i32>} : memref<80x128xf32, #tpu.memory_space<vmem>>, vector<16xf32>,
        tpu.vector_store %arg14[%swap3A_1004, %swap3A_1005], %mul3A_1003 {strides = array<i32>} : memref<80x128xf32, #tpu.memory_space<vmem>>, vector<16xf32>,
        %mul3A_1007 = arith.mulf %bitcast3A_1002, %gather3A_952 : vector<16xf32>
        %swap3A_1008 = arith.index_cast %add3A_948 : i32 to index
        %swap3A_1009 = arith.constant 96 : index
        %swap3A_1010 = tpu.vector_load %arg14[%swap3A_1008, %swap3A_1009] {strides = array<i32>} : memref<80x128xf32, #tpu.memory_space<vmem>>, vector<16xf32>,
        tpu.vector_store %arg14[%swap3A_1008, %swap3A_1009], %mul3A_1007 {strides = array<i32>} : memref<80x128xf32, #tpu.memory_space<vmem>>, vector<16xf32>,
        %shift_left3A_1011 = arith.constant 16 : i32
        %shift_left3A_1012 = vector.broadcast %shift_left3A_1011 : i32 to vector<16xi32>
        %shift_left3A_1013 = arith.shli %get3A_968, %shift_left3A_1012 : vector<16xi32>
        %bitcast3A_1014 = vector.bitcast %shift_left3A_1013 : vector<16xi32> to vector<16xf32>
        %and3A_1015 = arith.andi %get3A_968, %broadcast_in_dim3A_186 : vector<16xi32>
        %bitcast3A_1016 = vector.bitcast %and3A_1015 : vector<16xi32> to vector<16xf32>
        %mul3A_1017 = arith.mulf %bitcast3A_1014, %gather3A_952 : vector<16xf32>
        %swap3A_1018 = arith.index_cast %add3A_948 : i32 to index
        %swap3A_1019 = arith.constant 48 : index
        %swap3A_1020 = tpu.vector_load %arg14[%swap3A_1018, %swap3A_1019] {strides = array<i32>} : memref<80x128xf32, #tpu.memory_space<vmem>>, vector<16xf32>,
        tpu.vector_store %arg14[%swap3A_1018, %swap3A_1019], %mul3A_1017 {strides = array<i32>} : memref<80x128xf32, #tpu.memory_space<vmem>>, vector<16xf32>,
        %mul3A_1021 = arith.mulf %bitcast3A_1016, %gather3A_952 : vector<16xf32>
        %swap3A_1022 = arith.index_cast %add3A_948 : i32 to index
        %swap3A_1023 = arith.constant 112 : index
        %swap3A_1024 = tpu.vector_load %arg14[%swap3A_1022, %swap3A_1023] {strides = array<i32>} : memref<80x128xf32, #tpu.memory_space<vmem>>, vector<16xf32>,
        tpu.vector_store %arg14[%swap3A_1022, %swap3A_1023], %mul3A_1021 {strides = array<i32>} : memref<80x128xf32, #tpu.memory_space<vmem>>, vector<16xf32>,
        %mul3A_1025 = arith.constant 16 : i32
        %mul3A_1026 = arith.muli %scan3A_225, %mul3A_1025 : i32
        %add3A_1027 = arith.constant 10 : i32
        %add3A_1028 = arith.addi %mul3A_1026, %add3A_1027 : i32
        %broadcast_in_dim3A_1029 = arith.constant 10 : i32
        %broadcast_in_dim3A_1030 = vector.broadcast %broadcast_in_dim3A_1029 : i32 to vector<16x1xi32>
        %gather3A_1031 = vector.shape_cast %broadcast_in_dim3A_1030 : vector<16x1xi32> to vector<16xi32>
        %gather3A_1032 = tpu.dynamic_gather %get3A_229[%gather3A_1031] in [0] : vector<16xf32>, vector<16xi32> -> vector<16xf32>
        %get3A_1033 = arith.index_cast %rem3A_148 : i32 to index
        %get3A_1034 = arith.index_cast %add3A_1028 : i32 to index
        %get3A_1035 = arith.constant 0 : index
        %get3A_1036 = tpu.vector_load %arg12[%get3A_1033, %get3A_1034, %get3A_1035] {strides = array<i32>} : memref<2x80x64xi32, #tpu.memory_space<vmem>>, vector<16xi32>,
        %get3A_1037 = arith.index_cast %rem3A_148 : i32 to index
        %get3A_1038 = arith.index_cast %add3A_1028 : i32 to index
        %get3A_1039 = arith.constant 16 : index
        %get3A_1040 = tpu.vector_load %arg12[%get3A_1037, %get3A_1038, %get3A_1039] {strides = array<i32>} : memref<2x80x64xi32, #tpu.memory_space<vmem>>, vector<16xi32>,
        %get3A_1041 = arith.index_cast %rem3A_148 : i32 to index
        %get3A_1042 = arith.index_cast %add3A_1028 : i32 to index
        %get3A_1043 = arith.constant 32 : index
        %get3A_1044 = tpu.vector_load %arg12[%get3A_1041, %get3A_1042, %get3A_1043] {strides = array<i32>} : memref<2x80x64xi32, #tpu.memory_space<vmem>>, vector<16xi32>,
        %get3A_1045 = arith.index_cast %rem3A_148 : i32 to index
        %get3A_1046 = arith.index_cast %add3A_1028 : i32 to index
        %get3A_1047 = arith.constant 48 : index
        %get3A_1048 = tpu.vector_load %arg12[%get3A_1045, %get3A_1046, %get3A_1047] {strides = array<i32>} : memref<2x80x64xi32, #tpu.memory_space<vmem>>, vector<16xi32>,
        %shift_left3A_1049 = arith.constant 16 : i32
        %shift_left3A_1050 = vector.broadcast %shift_left3A_1049 : i32 to vector<16xi32>
        %shift_left3A_1051 = arith.shli %get3A_1036, %shift_left3A_1050 : vector<16xi32>
        %bitcast3A_1052 = vector.bitcast %shift_left3A_1051 : vector<16xi32> to vector<16xf32>
        %and3A_1053 = arith.andi %get3A_1036, %broadcast_in_dim3A_186 : vector<16xi32>
        %bitcast3A_1054 = vector.bitcast %and3A_1053 : vector<16xi32> to vector<16xf32>
        %mul3A_1055 = arith.mulf %bitcast3A_1052, %gather3A_1032 : vector<16xf32>
        %swap3A_1056 = arith.index_cast %add3A_1028 : i32 to index
        %swap3A_1057 = arith.constant 0 : index
        %swap3A_1058 = tpu.vector_load %arg14[%swap3A_1056, %swap3A_1057] {strides = array<i32>} : memref<80x128xf32, #tpu.memory_space<vmem>>, vector<16xf32>,
        tpu.vector_store %arg14[%swap3A_1056, %swap3A_1057], %mul3A_1055 {strides = array<i32>} : memref<80x128xf32, #tpu.memory_space<vmem>>, vector<16xf32>,
        %mul3A_1059 = arith.mulf %bitcast3A_1054, %gather3A_1032 : vector<16xf32>
        %swap3A_1060 = arith.index_cast %add3A_1028 : i32 to index
        %swap3A_1061 = arith.constant 64 : index
        %swap3A_1062 = tpu.vector_load %arg14[%swap3A_1060, %swap3A_1061] {strides = array<i32>} : memref<80x128xf32, #tpu.memory_space<vmem>>, vector<16xf32>,
        tpu.vector_store %arg14[%swap3A_1060, %swap3A_1061], %mul3A_1059 {strides = array<i32>} : memref<80x128xf32, #tpu.memory_space<vmem>>, vector<16xf32>,
        %shift_left3A_1063 = arith.constant 16 : i32
        %shift_left3A_1064 = vector.broadcast %shift_left3A_1063 : i32 to vector<16xi32>
        %shift_left3A_1065 = arith.shli %get3A_1040, %shift_left3A_1064 : vector<16xi32>
        %bitcast3A_1066 = vector.bitcast %shift_left3A_1065 : vector<16xi32> to vector<16xf32>
        %and3A_1067 = arith.andi %get3A_1040, %broadcast_in_dim3A_186 : vector<16xi32>
        %bitcast3A_1068 = vector.bitcast %and3A_1067 : vector<16xi32> to vector<16xf32>
        %mul3A_1069 = arith.mulf %bitcast3A_1066, %gather3A_1032 : vector<16xf32>
        %swap3A_1070 = arith.index_cast %add3A_1028 : i32 to index
        %swap3A_1071 = arith.constant 16 : index
        %swap3A_1072 = tpu.vector_load %arg14[%swap3A_1070, %swap3A_1071] {strides = array<i32>} : memref<80x128xf32, #tpu.memory_space<vmem>>, vector<16xf32>,
        tpu.vector_store %arg14[%swap3A_1070, %swap3A_1071], %mul3A_1069 {strides = array<i32>} : memref<80x128xf32, #tpu.memory_space<vmem>>, vector<16xf32>,
        %mul3A_1073 = arith.mulf %bitcast3A_1068, %gather3A_1032 : vector<16xf32>
        %swap3A_1074 = arith.index_cast %add3A_1028 : i32 to index
        %swap3A_1075 = arith.constant 80 : index
        %swap3A_1076 = tpu.vector_load %arg14[%swap3A_1074, %swap3A_1075] {strides = array<i32>} : memref<80x128xf32, #tpu.memory_space<vmem>>, vector<16xf32>,
        tpu.vector_store %arg14[%swap3A_1074, %swap3A_1075], %mul3A_1073 {strides = array<i32>} : memref<80x128xf32, #tpu.memory_space<vmem>>, vector<16xf32>,
        %shift_left3A_1077 = arith.constant 16 : i32
        %shift_left3A_1078 = vector.broadcast %shift_left3A_1077 : i32 to vector<16xi32>
        %shift_left3A_1079 = arith.shli %get3A_1044, %shift_left3A_1078 : vector<16xi32>
        %bitcast3A_1080 = vector.bitcast %shift_left3A_1079 : vector<16xi32> to vector<16xf32>
        %and3A_1081 = arith.andi %get3A_1044, %broadcast_in_dim3A_186 : vector<16xi32>
        %bitcast3A_1082 = vector.bitcast %and3A_1081 : vector<16xi32> to vector<16xf32>
        %mul3A_1083 = arith.mulf %bitcast3A_1080, %gather3A_1032 : vector<16xf32>
        %swap3A_1084 = arith.index_cast %add3A_1028 : i32 to index
        %swap3A_1085 = arith.constant 32 : index
        %swap3A_1086 = tpu.vector_load %arg14[%swap3A_1084, %swap3A_1085] {strides = array<i32>} : memref<80x128xf32, #tpu.memory_space<vmem>>, vector<16xf32>,
        tpu.vector_store %arg14[%swap3A_1084, %swap3A_1085], %mul3A_1083 {strides = array<i32>} : memref<80x128xf32, #tpu.memory_space<vmem>>, vector<16xf32>,
        %mul3A_1087 = arith.mulf %bitcast3A_1082, %gather3A_1032 : vector<16xf32>
        %swap3A_1088 = arith.index_cast %add3A_1028 : i32 to index
        %swap3A_1089 = arith.constant 96 : index
        %swap3A_1090 = tpu.vector_load %arg14[%swap3A_1088, %swap3A_1089] {strides = array<i32>} : memref<80x128xf32, #tpu.memory_space<vmem>>, vector<16xf32>,
        tpu.vector_store %arg14[%swap3A_1088, %swap3A_1089], %mul3A_1087 {strides = array<i32>} : memref<80x128xf32, #tpu.memory_space<vmem>>, vector<16xf32>,
        %shift_left3A_1091 = arith.constant 16 : i32
        %shift_left3A_1092 = vector.broadcast %shift_left3A_1091 : i32 to vector<16xi32>
        %shift_left3A_1093 = arith.shli %get3A_1048, %shift_left3A_1092 : vector<16xi32>
        %bitcast3A_1094 = vector.bitcast %shift_left3A_1093 : vector<16xi32> to vector<16xf32>
        %and3A_1095 = arith.andi %get3A_1048, %broadcast_in_dim3A_186 : vector<16xi32>
        %bitcast3A_1096 = vector.bitcast %and3A_1095 : vector<16xi32> to vector<16xf32>
        %mul3A_1097 = arith.mulf %bitcast3A_1094, %gather3A_1032 : vector<16xf32>
        %swap3A_1098 = arith.index_cast %add3A_1028 : i32 to index
        %swap3A_1099 = arith.constant 48 : index
        %swap3A_1100 = tpu.vector_load %arg14[%swap3A_1098, %swap3A_1099] {strides = array<i32>} : memref<80x128xf32, #tpu.memory_space<vmem>>, vector<16xf32>,
        tpu.vector_store %arg14[%swap3A_1098, %swap3A_1099], %mul3A_1097 {strides = array<i32>} : memref<80x128xf32, #tpu.memory_space<vmem>>, vector<16xf32>,
        %mul3A_1101 = arith.mulf %bitcast3A_1096, %gather3A_1032 : vector<16xf32>
        %swap3A_1102 = arith.index_cast %add3A_1028 : i32 to index
        %swap3A_1103 = arith.constant 112 : index
        %swap3A_1104 = tpu.vector_load %arg14[%swap3A_1102, %swap3A_1103] {strides = array<i32>} : memref<80x128xf32, #tpu.memory_space<vmem>>, vector<16xf32>,
        tpu.vector_store %arg14[%swap3A_1102, %swap3A_1103], %mul3A_1101 {strides = array<i32>} : memref<80x128xf32, #tpu.memory_space<vmem>>, vector<16xf32>,
        %mul3A_1105 = arith.constant 16 : i32
        %mul3A_1106 = arith.muli %scan3A_225, %mul3A_1105 : i32
        %add3A_1107 = arith.constant 11 : i32
        %add3A_1108 = arith.addi %mul3A_1106, %add3A_1107 : i32
        %broadcast_in_dim3A_1109 = arith.constant 11 : i32
        %broadcast_in_dim3A_1110 = vector.broadcast %broadcast_in_dim3A_1109 : i32 to vector<16x1xi32>
        %gather3A_1111 = vector.shape_cast %broadcast_in_dim3A_1110 : vector<16x1xi32> to vector<16xi32>
        %gather3A_1112 = tpu.dynamic_gather %get3A_229[%gather3A_1111] in [0] : vector<16xf32>, vector<16xi32> -> vector<16xf32>
        %get3A_1113 = arith.index_cast %rem3A_148 : i32 to index
        %get3A_1114 = arith.index_cast %add3A_1108 : i32 to index
        %get3A_1115 = arith.constant 0 : index
        %get3A_1116 = tpu.vector_load %arg12[%get3A_1113, %get3A_1114, %get3A_1115] {strides = array<i32>} : memref<2x80x64xi32, #tpu.memory_space<vmem>>, vector<16xi32>,
        %get3A_1117 = arith.index_cast %rem3A_148 : i32 to index
        %get3A_1118 = arith.index_cast %add3A_1108 : i32 to index
        %get3A_1119 = arith.constant 16 : index
        %get3A_1120 = tpu.vector_load %arg12[%get3A_1117, %get3A_1118, %get3A_1119] {strides = array<i32>} : memref<2x80x64xi32, #tpu.memory_space<vmem>>, vector<16xi32>,
        %get3A_1121 = arith.index_cast %rem3A_148 : i32 to index
        %get3A_1122 = arith.index_cast %add3A_1108 : i32 to index
        %get3A_1123 = arith.constant 32 : index
        %get3A_1124 = tpu.vector_load %arg12[%get3A_1121, %get3A_1122, %get3A_1123] {strides = array<i32>} : memref<2x80x64xi32, #tpu.memory_space<vmem>>, vector<16xi32>,
        %get3A_1125 = arith.index_cast %rem3A_148 : i32 to index
        %get3A_1126 = arith.index_cast %add3A_1108 : i32 to index
        %get3A_1127 = arith.constant 48 : index
        %get3A_1128 = tpu.vector_load %arg12[%get3A_1125, %get3A_1126, %get3A_1127] {strides = array<i32>} : memref<2x80x64xi32, #tpu.memory_space<vmem>>, vector<16xi32>,
        %shift_left3A_1129 = arith.constant 16 : i32
        %shift_left3A_1130 = vector.broadcast %shift_left3A_1129 : i32 to vector<16xi32>
        %shift_left3A_1131 = arith.shli %get3A_1116, %shift_left3A_1130 : vector<16xi32>
        %bitcast3A_1132 = vector.bitcast %shift_left3A_1131 : vector<16xi32> to vector<16xf32>
        %and3A_1133 = arith.andi %get3A_1116, %broadcast_in_dim3A_186 : vector<16xi32>
        %bitcast3A_1134 = vector.bitcast %and3A_1133 : vector<16xi32> to vector<16xf32>
        %mul3A_1135 = arith.mulf %bitcast3A_1132, %gather3A_1112 : vector<16xf32>
        %swap3A_1136 = arith.index_cast %add3A_1108 : i32 to index
        %swap3A_1137 = arith.constant 0 : index
        %swap3A_1138 = tpu.vector_load %arg14[%swap3A_1136, %swap3A_1137] {strides = array<i32>} : memref<80x128xf32, #tpu.memory_space<vmem>>, vector<16xf32>,
        tpu.vector_store %arg14[%swap3A_1136, %swap3A_1137], %mul3A_1135 {strides = array<i32>} : memref<80x128xf32, #tpu.memory_space<vmem>>, vector<16xf32>,
        %mul3A_1139 = arith.mulf %bitcast3A_1134, %gather3A_1112 : vector<16xf32>
        %swap3A_1140 = arith.index_cast %add3A_1108 : i32 to index
        %swap3A_1141 = arith.constant 64 : index
        %swap3A_1142 = tpu.vector_load %arg14[%swap3A_1140, %swap3A_1141] {strides = array<i32>} : memref<80x128xf32, #tpu.memory_space<vmem>>, vector<16xf32>,
        tpu.vector_store %arg14[%swap3A_1140, %swap3A_1141], %mul3A_1139 {strides = array<i32>} : memref<80x128xf32, #tpu.memory_space<vmem>>, vector<16xf32>,
        %shift_left3A_1143 = arith.constant 16 : i32
        %shift_left3A_1144 = vector.broadcast %shift_left3A_1143 : i32 to vector<16xi32>
        %shift_left3A_1145 = arith.shli %get3A_1120, %shift_left3A_1144 : vector<16xi32>
        %bitcast3A_1146 = vector.bitcast %shift_left3A_1145 : vector<16xi32> to vector<16xf32>
        %and3A_1147 = arith.andi %get3A_1120, %broadcast_in_dim3A_186 : vector<16xi32>
        %bitcast3A_1148 = vector.bitcast %and3A_1147 : vector<16xi32> to vector<16xf32>
        %mul3A_1149 = arith.mulf %bitcast3A_1146, %gather3A_1112 : vector<16xf32>
        %swap3A_1150 = arith.index_cast %add3A_1108 : i32 to index
        %swap3A_1151 = arith.constant 16 : index
        %swap3A_1152 = tpu.vector_load %arg14[%swap3A_1150, %swap3A_1151] {strides = array<i32>} : memref<80x128xf32, #tpu.memory_space<vmem>>, vector<16xf32>,
        tpu.vector_store %arg14[%swap3A_1150, %swap3A_1151], %mul3A_1149 {strides = array<i32>} : memref<80x128xf32, #tpu.memory_space<vmem>>, vector<16xf32>,
        %mul3A_1153 = arith.mulf %bitcast3A_1148, %gather3A_1112 : vector<16xf32>
        %swap3A_1154 = arith.index_cast %add3A_1108 : i32 to index
        %swap3A_1155 = arith.constant 80 : index
        %swap3A_1156 = tpu.vector_load %arg14[%swap3A_1154, %swap3A_1155] {strides = array<i32>} : memref<80x128xf32, #tpu.memory_space<vmem>>, vector<16xf32>,
        tpu.vector_store %arg14[%swap3A_1154, %swap3A_1155], %mul3A_1153 {strides = array<i32>} : memref<80x128xf32, #tpu.memory_space<vmem>>, vector<16xf32>,
        %shift_left3A_1157 = arith.constant 16 : i32
        %shift_left3A_1158 = vector.broadcast %shift_left3A_1157 : i32 to vector<16xi32>
        %shift_left3A_1159 = arith.shli %get3A_1124, %shift_left3A_1158 : vector<16xi32>
        %bitcast3A_1160 = vector.bitcast %shift_left3A_1159 : vector<16xi32> to vector<16xf32>
        %and3A_1161 = arith.andi %get3A_1124, %broadcast_in_dim3A_186 : vector<16xi32>
        %bitcast3A_1162 = vector.bitcast %and3A_1161 : vector<16xi32> to vector<16xf32>
        %mul3A_1163 = arith.mulf %bitcast3A_1160, %gather3A_1112 : vector<16xf32>
        %swap3A_1164 = arith.index_cast %add3A_1108 : i32 to index
        %swap3A_1165 = arith.constant 32 : index
        %swap3A_1166 = tpu.vector_load %arg14[%swap3A_1164, %swap3A_1165] {strides = array<i32>} : memref<80x128xf32, #tpu.memory_space<vmem>>, vector<16xf32>,
        tpu.vector_store %arg14[%swap3A_1164, %swap3A_1165], %mul3A_1163 {strides = array<i32>} : memref<80x128xf32, #tpu.memory_space<vmem>>, vector<16xf32>,
        %mul3A_1167 = arith.mulf %bitcast3A_1162, %gather3A_1112 : vector<16xf32>
        %swap3A_1168 = arith.index_cast %add3A_1108 : i32 to index
        %swap3A_1169 = arith.constant 96 : index
        %swap3A_1170 = tpu.vector_load %arg14[%swap3A_1168, %swap3A_1169] {strides = array<i32>} : memref<80x128xf32, #tpu.memory_space<vmem>>, vector<16xf32>,
        tpu.vector_store %arg14[%swap3A_1168, %swap3A_1169], %mul3A_1167 {strides = array<i32>} : memref<80x128xf32, #tpu.memory_space<vmem>>, vector<16xf32>,
        %shift_left3A_1171 = arith.constant 16 : i32
        %shift_left3A_1172 = vector.broadcast %shift_left3A_1171 : i32 to vector<16xi32>
        %shift_left3A_1173 = arith.shli %get3A_1128, %shift_left3A_1172 : vector<16xi32>
        %bitcast3A_1174 = vector.bitcast %shift_left3A_1173 : vector<16xi32> to vector<16xf32>
        %and3A_1175 = arith.andi %get3A_1128, %broadcast_in_dim3A_186 : vector<16xi32>
        %bitcast3A_1176 = vector.bitcast %and3A_1175 : vector<16xi32> to vector<16xf32>
        %mul3A_1177 = arith.mulf %bitcast3A_1174, %gather3A_1112 : vector<16xf32>
        %swap3A_1178 = arith.index_cast %add3A_1108 : i32 to index
        %swap3A_1179 = arith.constant 48 : index
        %swap3A_1180 = tpu.vector_load %arg14[%swap3A_1178, %swap3A_1179] {strides = array<i32>} : memref<80x128xf32, #tpu.memory_space<vmem>>, vector<16xf32>,
        tpu.vector_store %arg14[%swap3A_1178, %swap3A_1179], %mul3A_1177 {strides = array<i32>} : memref<80x128xf32, #tpu.memory_space<vmem>>, vector<16xf32>,
        %mul3A_1181 = arith.mulf %bitcast3A_1176, %gather3A_1112 : vector<16xf32>
        %swap3A_1182 = arith.index_cast %add3A_1108 : i32 to index
        %swap3A_1183 = arith.constant 112 : index
        %swap3A_1184 = tpu.vector_load %arg14[%swap3A_1182, %swap3A_1183] {strides = array<i32>} : memref<80x128xf32, #tpu.memory_space<vmem>>, vector<16xf32>,
        tpu.vector_store %arg14[%swap3A_1182, %swap3A_1183], %mul3A_1181 {strides = array<i32>} : memref<80x128xf32, #tpu.memory_space<vmem>>, vector<16xf32>,
        %mul3A_1185 = arith.constant 16 : i32
        %mul3A_1186 = arith.muli %scan3A_225, %mul3A_1185 : i32
        %add3A_1187 = arith.constant 12 : i32
        %add3A_1188 = arith.addi %mul3A_1186, %add3A_1187 : i32
        %broadcast_in_dim3A_1189 = arith.constant 12 : i32
        %broadcast_in_dim3A_1190 = vector.broadcast %broadcast_in_dim3A_1189 : i32 to vector<16x1xi32>
        %gather3A_1191 = vector.shape_cast %broadcast_in_dim3A_1190 : vector<16x1xi32> to vector<16xi32>
        %gather3A_1192 = tpu.dynamic_gather %get3A_229[%gather3A_1191] in [0] : vector<16xf32>, vector<16xi32> -> vector<16xf32>
        %get3A_1193 = arith.index_cast %rem3A_148 : i32 to index
        %get3A_1194 = arith.index_cast %add3A_1188 : i32 to index
        %get3A_1195 = arith.constant 0 : index
        %get3A_1196 = tpu.vector_load %arg12[%get3A_1193, %get3A_1194, %get3A_1195] {strides = array<i32>} : memref<2x80x64xi32, #tpu.memory_space<vmem>>, vector<16xi32>,
        %get3A_1197 = arith.index_cast %rem3A_148 : i32 to index
        %get3A_1198 = arith.index_cast %add3A_1188 : i32 to index
        %get3A_1199 = arith.constant 16 : index
        %get3A_1200 = tpu.vector_load %arg12[%get3A_1197, %get3A_1198, %get3A_1199] {strides = array<i32>} : memref<2x80x64xi32, #tpu.memory_space<vmem>>, vector<16xi32>,
        %get3A_1201 = arith.index_cast %rem3A_148 : i32 to index
        %get3A_1202 = arith.index_cast %add3A_1188 : i32 to index
        %get3A_1203 = arith.constant 32 : index
        %get3A_1204 = tpu.vector_load %arg12[%get3A_1201, %get3A_1202, %get3A_1203] {strides = array<i32>} : memref<2x80x64xi32, #tpu.memory_space<vmem>>, vector<16xi32>,
        %get3A_1205 = arith.index_cast %rem3A_148 : i32 to index
        %get3A_1206 = arith.index_cast %add3A_1188 : i32 to index
        %get3A_1207 = arith.constant 48 : index
        %get3A_1208 = tpu.vector_load %arg12[%get3A_1205, %get3A_1206, %get3A_1207] {strides = array<i32>} : memref<2x80x64xi32, #tpu.memory_space<vmem>>, vector<16xi32>,
        %shift_left3A_1209 = arith.constant 16 : i32
        %shift_left3A_1210 = vector.broadcast %shift_left3A_1209 : i32 to vector<16xi32>
        %shift_left3A_1211 = arith.shli %get3A_1196, %shift_left3A_1210 : vector<16xi32>
        %bitcast3A_1212 = vector.bitcast %shift_left3A_1211 : vector<16xi32> to vector<16xf32>
        %and3A_1213 = arith.andi %get3A_1196, %broadcast_in_dim3A_186 : vector<16xi32>
        %bitcast3A_1214 = vector.bitcast %and3A_1213 : vector<16xi32> to vector<16xf32>
        %mul3A_1215 = arith.mulf %bitcast3A_1212, %gather3A_1192 : vector<16xf32>
        %swap3A_1216 = arith.index_cast %add3A_1188 : i32 to index
        %swap3A_1217 = arith.constant 0 : index
        %swap3A_1218 = tpu.vector_load %arg14[%swap3A_1216, %swap3A_1217] {strides = array<i32>} : memref<80x128xf32, #tpu.memory_space<vmem>>, vector<16xf32>,
        tpu.vector_store %arg14[%swap3A_1216, %swap3A_1217], %mul3A_1215 {strides = array<i32>} : memref<80x128xf32, #tpu.memory_space<vmem>>, vector<16xf32>,
        %mul3A_1219 = arith.mulf %bitcast3A_1214, %gather3A_1192 : vector<16xf32>
        %swap3A_1220 = arith.index_cast %add3A_1188 : i32 to index
        %swap3A_1221 = arith.constant 64 : index
        %swap3A_1222 = tpu.vector_load %arg14[%swap3A_1220, %swap3A_1221] {strides = array<i32>} : memref<80x128xf32, #tpu.memory_space<vmem>>, vector<16xf32>,
        tpu.vector_store %arg14[%swap3A_1220, %swap3A_1221], %mul3A_1219 {strides = array<i32>} : memref<80x128xf32, #tpu.memory_space<vmem>>, vector<16xf32>,
        %shift_left3A_1223 = arith.constant 16 : i32
        %shift_left3A_1224 = vector.broadcast %shift_left3A_1223 : i32 to vector<16xi32>
        %shift_left3A_1225 = arith.shli %get3A_1200, %shift_left3A_1224 : vector<16xi32>
        %bitcast3A_1226 = vector.bitcast %shift_left3A_1225 : vector<16xi32> to vector<16xf32>
        %and3A_1227 = arith.andi %get3A_1200, %broadcast_in_dim3A_186 : vector<16xi32>
        %bitcast3A_1228 = vector.bitcast %and3A_1227 : vector<16xi32> to vector<16xf32>
        %mul3A_1229 = arith.mulf %bitcast3A_1226, %gather3A_1192 : vector<16xf32>
        %swap3A_1230 = arith.index_cast %add3A_1188 : i32 to index
        %swap3A_1231 = arith.constant 16 : index
        %swap3A_1232 = tpu.vector_load %arg14[%swap3A_1230, %swap3A_1231] {strides = array<i32>} : memref<80x128xf32, #tpu.memory_space<vmem>>, vector<16xf32>,
        tpu.vector_store %arg14[%swap3A_1230, %swap3A_1231], %mul3A_1229 {strides = array<i32>} : memref<80x128xf32, #tpu.memory_space<vmem>>, vector<16xf32>,
        %mul3A_1233 = arith.mulf %bitcast3A_1228, %gather3A_1192 : vector<16xf32>
        %swap3A_1234 = arith.index_cast %add3A_1188 : i32 to index
        %swap3A_1235 = arith.constant 80 : index
        %swap3A_1236 = tpu.vector_load %arg14[%swap3A_1234, %swap3A_1235] {strides = array<i32>} : memref<80x128xf32, #tpu.memory_space<vmem>>, vector<16xf32>,
        tpu.vector_store %arg14[%swap3A_1234, %swap3A_1235], %mul3A_1233 {strides = array<i32>} : memref<80x128xf32, #tpu.memory_space<vmem>>, vector<16xf32>,
        %shift_left3A_1237 = arith.constant 16 : i32
        %shift_left3A_1238 = vector.broadcast %shift_left3A_1237 : i32 to vector<16xi32>
        %shift_left3A_1239 = arith.shli %get3A_1204, %shift_left3A_1238 : vector<16xi32>
        %bitcast3A_1240 = vector.bitcast %shift_left3A_1239 : vector<16xi32> to vector<16xf32>
        %and3A_1241 = arith.andi %get3A_1204, %broadcast_in_dim3A_186 : vector<16xi32>
        %bitcast3A_1242 = vector.bitcast %and3A_1241 : vector<16xi32> to vector<16xf32>
        %mul3A_1243 = arith.mulf %bitcast3A_1240, %gather3A_1192 : vector<16xf32>
        %swap3A_1244 = arith.index_cast %add3A_1188 : i32 to index
        %swap3A_1245 = arith.constant 32 : index
        %swap3A_1246 = tpu.vector_load %arg14[%swap3A_1244, %swap3A_1245] {strides = array<i32>} : memref<80x128xf32, #tpu.memory_space<vmem>>, vector<16xf32>,
        tpu.vector_store %arg14[%swap3A_1244, %swap3A_1245], %mul3A_1243 {strides = array<i32>} : memref<80x128xf32, #tpu.memory_space<vmem>>, vector<16xf32>,
        %mul3A_1247 = arith.mulf %bitcast3A_1242, %gather3A_1192 : vector<16xf32>
        %swap3A_1248 = arith.index_cast %add3A_1188 : i32 to index
        %swap3A_1249 = arith.constant 96 : index
        %swap3A_1250 = tpu.vector_load %arg14[%swap3A_1248, %swap3A_1249] {strides = array<i32>} : memref<80x128xf32, #tpu.memory_space<vmem>>, vector<16xf32>,
        tpu.vector_store %arg14[%swap3A_1248, %swap3A_1249], %mul3A_1247 {strides = array<i32>} : memref<80x128xf32, #tpu.memory_space<vmem>>, vector<16xf32>,
        %shift_left3A_1251 = arith.constant 16 : i32
        %shift_left3A_1252 = vector.broadcast %shift_left3A_1251 : i32 to vector<16xi32>
        %shift_left3A_1253 = arith.shli %get3A_1208, %shift_left3A_1252 : vector<16xi32>
        %bitcast3A_1254 = vector.bitcast %shift_left3A_1253 : vector<16xi32> to vector<16xf32>
        %and3A_1255 = arith.andi %get3A_1208, %broadcast_in_dim3A_186 : vector<16xi32>
        %bitcast3A_1256 = vector.bitcast %and3A_1255 : vector<16xi32> to vector<16xf32>
        %mul3A_1257 = arith.mulf %bitcast3A_1254, %gather3A_1192 : vector<16xf32>
        %swap3A_1258 = arith.index_cast %add3A_1188 : i32 to index
        %swap3A_1259 = arith.constant 48 : index
        %swap3A_1260 = tpu.vector_load %arg14[%swap3A_1258, %swap3A_1259] {strides = array<i32>} : memref<80x128xf32, #tpu.memory_space<vmem>>, vector<16xf32>,
        tpu.vector_store %arg14[%swap3A_1258, %swap3A_1259], %mul3A_1257 {strides = array<i32>} : memref<80x128xf32, #tpu.memory_space<vmem>>, vector<16xf32>,
        %mul3A_1261 = arith.mulf %bitcast3A_1256, %gather3A_1192 : vector<16xf32>
        %swap3A_1262 = arith.index_cast %add3A_1188 : i32 to index
        %swap3A_1263 = arith.constant 112 : index
        %swap3A_1264 = tpu.vector_load %arg14[%swap3A_1262, %swap3A_1263] {strides = array<i32>} : memref<80x128xf32, #tpu.memory_space<vmem>>, vector<16xf32>,
        tpu.vector_store %arg14[%swap3A_1262, %swap3A_1263], %mul3A_1261 {strides = array<i32>} : memref<80x128xf32, #tpu.memory_space<vmem>>, vector<16xf32>,
        %mul3A_1265 = arith.constant 16 : i32
        %mul3A_1266 = arith.muli %scan3A_225, %mul3A_1265 : i32
        %add3A_1267 = arith.constant 13 : i32
        %add3A_1268 = arith.addi %mul3A_1266, %add3A_1267 : i32
        %broadcast_in_dim3A_1269 = arith.constant 13 : i32
        %broadcast_in_dim3A_1270 = vector.broadcast %broadcast_in_dim3A_1269 : i32 to vector<16x1xi32>
        %gather3A_1271 = vector.shape_cast %broadcast_in_dim3A_1270 : vector<16x1xi32> to vector<16xi32>
        %gather3A_1272 = tpu.dynamic_gather %get3A_229[%gather3A_1271] in [0] : vector<16xf32>, vector<16xi32> -> vector<16xf32>
        %get3A_1273 = arith.index_cast %rem3A_148 : i32 to index
        %get3A_1274 = arith.index_cast %add3A_1268 : i32 to index
        %get3A_1275 = arith.constant 0 : index
        %get3A_1276 = tpu.vector_load %arg12[%get3A_1273, %get3A_1274, %get3A_1275] {strides = array<i32>} : memref<2x80x64xi32, #tpu.memory_space<vmem>>, vector<16xi32>,
        %get3A_1277 = arith.index_cast %rem3A_148 : i32 to index
        %get3A_1278 = arith.index_cast %add3A_1268 : i32 to index
        %get3A_1279 = arith.constant 16 : index
        %get3A_1280 = tpu.vector_load %arg12[%get3A_1277, %get3A_1278, %get3A_1279] {strides = array<i32>} : memref<2x80x64xi32, #tpu.memory_space<vmem>>, vector<16xi32>,
        %get3A_1281 = arith.index_cast %rem3A_148 : i32 to index
        %get3A_1282 = arith.index_cast %add3A_1268 : i32 to index
        %get3A_1283 = arith.constant 32 : index
        %get3A_1284 = tpu.vector_load %arg12[%get3A_1281, %get3A_1282, %get3A_1283] {strides = array<i32>} : memref<2x80x64xi32, #tpu.memory_space<vmem>>, vector<16xi32>,
        %get3A_1285 = arith.index_cast %rem3A_148 : i32 to index
        %get3A_1286 = arith.index_cast %add3A_1268 : i32 to index
        %get3A_1287 = arith.constant 48 : index
        %get3A_1288 = tpu.vector_load %arg12[%get3A_1285, %get3A_1286, %get3A_1287] {strides = array<i32>} : memref<2x80x64xi32, #tpu.memory_space<vmem>>, vector<16xi32>,
        %shift_left3A_1289 = arith.constant 16 : i32
        %shift_left3A_1290 = vector.broadcast %shift_left3A_1289 : i32 to vector<16xi32>
        %shift_left3A_1291 = arith.shli %get3A_1276, %shift_left3A_1290 : vector<16xi32>
        %bitcast3A_1292 = vector.bitcast %shift_left3A_1291 : vector<16xi32> to vector<16xf32>
        %and3A_1293 = arith.andi %get3A_1276, %broadcast_in_dim3A_186 : vector<16xi32>
        %bitcast3A_1294 = vector.bitcast %and3A_1293 : vector<16xi32> to vector<16xf32>
        %mul3A_1295 = arith.mulf %bitcast3A_1292, %gather3A_1272 : vector<16xf32>
        %swap3A_1296 = arith.index_cast %add3A_1268 : i32 to index
        %swap3A_1297 = arith.constant 0 : index
        %swap3A_1298 = tpu.vector_load %arg14[%swap3A_1296, %swap3A_1297] {strides = array<i32>} : memref<80x128xf32, #tpu.memory_space<vmem>>, vector<16xf32>,
        tpu.vector_store %arg14[%swap3A_1296, %swap3A_1297], %mul3A_1295 {strides = array<i32>} : memref<80x128xf32, #tpu.memory_space<vmem>>, vector<16xf32>,
        %mul3A_1299 = arith.mulf %bitcast3A_1294, %gather3A_1272 : vector<16xf32>
        %swap3A_1300 = arith.index_cast %add3A_1268 : i32 to index
        %swap3A_1301 = arith.constant 64 : index
        %swap3A_1302 = tpu.vector_load %arg14[%swap3A_1300, %swap3A_1301] {strides = array<i32>} : memref<80x128xf32, #tpu.memory_space<vmem>>, vector<16xf32>,
        tpu.vector_store %arg14[%swap3A_1300, %swap3A_1301], %mul3A_1299 {strides = array<i32>} : memref<80x128xf32, #tpu.memory_space<vmem>>, vector<16xf32>,
        %shift_left3A_1303 = arith.constant 16 : i32
        %shift_left3A_1304 = vector.broadcast %shift_left3A_1303 : i32 to vector<16xi32>
        %shift_left3A_1305 = arith.shli %get3A_1280, %shift_left3A_1304 : vector<16xi32>
        %bitcast3A_1306 = vector.bitcast %shift_left3A_1305 : vector<16xi32> to vector<16xf32>
        %and3A_1307 = arith.andi %get3A_1280, %broadcast_in_dim3A_186 : vector<16xi32>
        %bitcast3A_1308 = vector.bitcast %and3A_1307 : vector<16xi32> to vector<16xf32>
        %mul3A_1309 = arith.mulf %bitcast3A_1306, %gather3A_1272 : vector<16xf32>
        %swap3A_1310 = arith.index_cast %add3A_1268 : i32 to index
        %swap3A_1311 = arith.constant 16 : index
        %swap3A_1312 = tpu.vector_load %arg14[%swap3A_1310, %swap3A_1311] {strides = array<i32>} : memref<80x128xf32, #tpu.memory_space<vmem>>, vector<16xf32>,
        tpu.vector_store %arg14[%swap3A_1310, %swap3A_1311], %mul3A_1309 {strides = array<i32>} : memref<80x128xf32, #tpu.memory_space<vmem>>, vector<16xf32>,
        %mul3A_1313 = arith.mulf %bitcast3A_1308, %gather3A_1272 : vector<16xf32>
        %swap3A_1314 = arith.index_cast %add3A_1268 : i32 to index
        %swap3A_1315 = arith.constant 80 : index
        %swap3A_1316 = tpu.vector_load %arg14[%swap3A_1314, %swap3A_1315] {strides = array<i32>} : memref<80x128xf32, #tpu.memory_space<vmem>>, vector<16xf32>,
        tpu.vector_store %arg14[%swap3A_1314, %swap3A_1315], %mul3A_1313 {strides = array<i32>} : memref<80x128xf32, #tpu.memory_space<vmem>>, vector<16xf32>,
        %shift_left3A_1317 = arith.constant 16 : i32
        %shift_left3A_1318 = vector.broadcast %shift_left3A_1317 : i32 to vector<16xi32>
        %shift_left3A_1319 = arith.shli %get3A_1284, %shift_left3A_1318 : vector<16xi32>
        %bitcast3A_1320 = vector.bitcast %shift_left3A_1319 : vector<16xi32> to vector<16xf32>
        %and3A_1321 = arith.andi %get3A_1284, %broadcast_in_dim3A_186 : vector<16xi32>
        %bitcast3A_1322 = vector.bitcast %and3A_1321 : vector<16xi32> to vector<16xf32>
        %mul3A_1323 = arith.mulf %bitcast3A_1320, %gather3A_1272 : vector<16xf32>
        %swap3A_1324 = arith.index_cast %add3A_1268 : i32 to index
        %swap3A_1325 = arith.constant 32 : index
        %swap3A_1326 = tpu.vector_load %arg14[%swap3A_1324, %swap3A_1325] {strides = array<i32>} : memref<80x128xf32, #tpu.memory_space<vmem>>, vector<16xf32>,
        tpu.vector_store %arg14[%swap3A_1324, %swap3A_1325], %mul3A_1323 {strides = array<i32>} : memref<80x128xf32, #tpu.memory_space<vmem>>, vector<16xf32>,
        %mul3A_1327 = arith.mulf %bitcast3A_1322, %gather3A_1272 : vector<16xf32>
        %swap3A_1328 = arith.index_cast %add3A_1268 : i32 to index
        %swap3A_1329 = arith.constant 96 : index
        %swap3A_1330 = tpu.vector_load %arg14[%swap3A_1328, %swap3A_1329] {strides = array<i32>} : memref<80x128xf32, #tpu.memory_space<vmem>>, vector<16xf32>,
        tpu.vector_store %arg14[%swap3A_1328, %swap3A_1329], %mul3A_1327 {strides = array<i32>} : memref<80x128xf32, #tpu.memory_space<vmem>>, vector<16xf32>,
        %shift_left3A_1331 = arith.constant 16 : i32
        %shift_left3A_1332 = vector.broadcast %shift_left3A_1331 : i32 to vector<16xi32>
        %shift_left3A_1333 = arith.shli %get3A_1288, %shift_left3A_1332 : vector<16xi32>
        %bitcast3A_1334 = vector.bitcast %shift_left3A_1333 : vector<16xi32> to vector<16xf32>
        %and3A_1335 = arith.andi %get3A_1288, %broadcast_in_dim3A_186 : vector<16xi32>
        %bitcast3A_1336 = vector.bitcast %and3A_1335 : vector<16xi32> to vector<16xf32>
        %mul3A_1337 = arith.mulf %bitcast3A_1334, %gather3A_1272 : vector<16xf32>
        %swap3A_1338 = arith.index_cast %add3A_1268 : i32 to index
        %swap3A_1339 = arith.constant 48 : index
        %swap3A_1340 = tpu.vector_load %arg14[%swap3A_1338, %swap3A_1339] {strides = array<i32>} : memref<80x128xf32, #tpu.memory_space<vmem>>, vector<16xf32>,
        tpu.vector_store %arg14[%swap3A_1338, %swap3A_1339], %mul3A_1337 {strides = array<i32>} : memref<80x128xf32, #tpu.memory_space<vmem>>, vector<16xf32>,
        %mul3A_1341 = arith.mulf %bitcast3A_1336, %gather3A_1272 : vector<16xf32>
        %swap3A_1342 = arith.index_cast %add3A_1268 : i32 to index
        %swap3A_1343 = arith.constant 112 : index
        %swap3A_1344 = tpu.vector_load %arg14[%swap3A_1342, %swap3A_1343] {strides = array<i32>} : memref<80x128xf32, #tpu.memory_space<vmem>>, vector<16xf32>,
        tpu.vector_store %arg14[%swap3A_1342, %swap3A_1343], %mul3A_1341 {strides = array<i32>} : memref<80x128xf32, #tpu.memory_space<vmem>>, vector<16xf32>,
        %mul3A_1345 = arith.constant 16 : i32
        %mul3A_1346 = arith.muli %scan3A_225, %mul3A_1345 : i32
        %add3A_1347 = arith.constant 14 : i32
        %add3A_1348 = arith.addi %mul3A_1346, %add3A_1347 : i32
        %broadcast_in_dim3A_1349 = arith.constant 14 : i32
        %broadcast_in_dim3A_1350 = vector.broadcast %broadcast_in_dim3A_1349 : i32 to vector<16x1xi32>
        %gather3A_1351 = vector.shape_cast %broadcast_in_dim3A_1350 : vector<16x1xi32> to vector<16xi32>
        %gather3A_1352 = tpu.dynamic_gather %get3A_229[%gather3A_1351] in [0] : vector<16xf32>, vector<16xi32> -> vector<16xf32>
        %get3A_1353 = arith.index_cast %rem3A_148 : i32 to index
        %get3A_1354 = arith.index_cast %add3A_1348 : i32 to index
        %get3A_1355 = arith.constant 0 : index
        %get3A_1356 = tpu.vector_load %arg12[%get3A_1353, %get3A_1354, %get3A_1355] {strides = array<i32>} : memref<2x80x64xi32, #tpu.memory_space<vmem>>, vector<16xi32>,
        %get3A_1357 = arith.index_cast %rem3A_148 : i32 to index
        %get3A_1358 = arith.index_cast %add3A_1348 : i32 to index
        %get3A_1359 = arith.constant 16 : index
        %get3A_1360 = tpu.vector_load %arg12[%get3A_1357, %get3A_1358, %get3A_1359] {strides = array<i32>} : memref<2x80x64xi32, #tpu.memory_space<vmem>>, vector<16xi32>,
        %get3A_1361 = arith.index_cast %rem3A_148 : i32 to index
        %get3A_1362 = arith.index_cast %add3A_1348 : i32 to index
        %get3A_1363 = arith.constant 32 : index
        %get3A_1364 = tpu.vector_load %arg12[%get3A_1361, %get3A_1362, %get3A_1363] {strides = array<i32>} : memref<2x80x64xi32, #tpu.memory_space<vmem>>, vector<16xi32>,
        %get3A_1365 = arith.index_cast %rem3A_148 : i32 to index
        %get3A_1366 = arith.index_cast %add3A_1348 : i32 to index
        %get3A_1367 = arith.constant 48 : index
        %get3A_1368 = tpu.vector_load %arg12[%get3A_1365, %get3A_1366, %get3A_1367] {strides = array<i32>} : memref<2x80x64xi32, #tpu.memory_space<vmem>>, vector<16xi32>,
        %shift_left3A_1369 = arith.constant 16 : i32
        %shift_left3A_1370 = vector.broadcast %shift_left3A_1369 : i32 to vector<16xi32>
        %shift_left3A_1371 = arith.shli %get3A_1356, %shift_left3A_1370 : vector<16xi32>
        %bitcast3A_1372 = vector.bitcast %shift_left3A_1371 : vector<16xi32> to vector<16xf32>
        %and3A_1373 = arith.andi %get3A_1356, %broadcast_in_dim3A_186 : vector<16xi32>
        %bitcast3A_1374 = vector.bitcast %and3A_1373 : vector<16xi32> to vector<16xf32>
        %mul3A_1375 = arith.mulf %bitcast3A_1372, %gather3A_1352 : vector<16xf32>
        %swap3A_1376 = arith.index_cast %add3A_1348 : i32 to index
        %swap3A_1377 = arith.constant 0 : index
        %swap3A_1378 = tpu.vector_load %arg14[%swap3A_1376, %swap3A_1377] {strides = array<i32>} : memref<80x128xf32, #tpu.memory_space<vmem>>, vector<16xf32>,
        tpu.vector_store %arg14[%swap3A_1376, %swap3A_1377], %mul3A_1375 {strides = array<i32>} : memref<80x128xf32, #tpu.memory_space<vmem>>, vector<16xf32>,
        %mul3A_1379 = arith.mulf %bitcast3A_1374, %gather3A_1352 : vector<16xf32>
        %swap3A_1380 = arith.index_cast %add3A_1348 : i32 to index
        %swap3A_1381 = arith.constant 64 : index
        %swap3A_1382 = tpu.vector_load %arg14[%swap3A_1380, %swap3A_1381] {strides = array<i32>} : memref<80x128xf32, #tpu.memory_space<vmem>>, vector<16xf32>,
        tpu.vector_store %arg14[%swap3A_1380, %swap3A_1381], %mul3A_1379 {strides = array<i32>} : memref<80x128xf32, #tpu.memory_space<vmem>>, vector<16xf32>,
        %shift_left3A_1383 = arith.constant 16 : i32
        %shift_left3A_1384 = vector.broadcast %shift_left3A_1383 : i32 to vector<16xi32>
        %shift_left3A_1385 = arith.shli %get3A_1360, %shift_left3A_1384 : vector<16xi32>
        %bitcast3A_1386 = vector.bitcast %shift_left3A_1385 : vector<16xi32> to vector<16xf32>
        %and3A_1387 = arith.andi %get3A_1360, %broadcast_in_dim3A_186 : vector<16xi32>
        %bitcast3A_1388 = vector.bitcast %and3A_1387 : vector<16xi32> to vector<16xf32>
        %mul3A_1389 = arith.mulf %bitcast3A_1386, %gather3A_1352 : vector<16xf32>
        %swap3A_1390 = arith.index_cast %add3A_1348 : i32 to index
        %swap3A_1391 = arith.constant 16 : index
        %swap3A_1392 = tpu.vector_load %arg14[%swap3A_1390, %swap3A_1391] {strides = array<i32>} : memref<80x128xf32, #tpu.memory_space<vmem>>, vector<16xf32>,
        tpu.vector_store %arg14[%swap3A_1390, %swap3A_1391], %mul3A_1389 {strides = array<i32>} : memref<80x128xf32, #tpu.memory_space<vmem>>, vector<16xf32>,
        %mul3A_1393 = arith.mulf %bitcast3A_1388, %gather3A_1352 : vector<16xf32>
        %swap3A_1394 = arith.index_cast %add3A_1348 : i32 to index
        %swap3A_1395 = arith.constant 80 : index
        %swap3A_1396 = tpu.vector_load %arg14[%swap3A_1394, %swap3A_1395] {strides = array<i32>} : memref<80x128xf32, #tpu.memory_space<vmem>>, vector<16xf32>,
        tpu.vector_store %arg14[%swap3A_1394, %swap3A_1395], %mul3A_1393 {strides = array<i32>} : memref<80x128xf32, #tpu.memory_space<vmem>>, vector<16xf32>,
        %shift_left3A_1397 = arith.constant 16 : i32
        %shift_left3A_1398 = vector.broadcast %shift_left3A_1397 : i32 to vector<16xi32>
        %shift_left3A_1399 = arith.shli %get3A_1364, %shift_left3A_1398 : vector<16xi32>
        %bitcast3A_1400 = vector.bitcast %shift_left3A_1399 : vector<16xi32> to vector<16xf32>
        %and3A_1401 = arith.andi %get3A_1364, %broadcast_in_dim3A_186 : vector<16xi32>
        %bitcast3A_1402 = vector.bitcast %and3A_1401 : vector<16xi32> to vector<16xf32>
        %mul3A_1403 = arith.mulf %bitcast3A_1400, %gather3A_1352 : vector<16xf32>
        %swap3A_1404 = arith.index_cast %add3A_1348 : i32 to index
        %swap3A_1405 = arith.constant 32 : index
        %swap3A_1406 = tpu.vector_load %arg14[%swap3A_1404, %swap3A_1405] {strides = array<i32>} : memref<80x128xf32, #tpu.memory_space<vmem>>, vector<16xf32>,
        tpu.vector_store %arg14[%swap3A_1404, %swap3A_1405], %mul3A_1403 {strides = array<i32>} : memref<80x128xf32, #tpu.memory_space<vmem>>, vector<16xf32>,
        %mul3A_1407 = arith.mulf %bitcast3A_1402, %gather3A_1352 : vector<16xf32>
        %swap3A_1408 = arith.index_cast %add3A_1348 : i32 to index
        %swap3A_1409 = arith.constant 96 : index
        %swap3A_1410 = tpu.vector_load %arg14[%swap3A_1408, %swap3A_1409] {strides = array<i32>} : memref<80x128xf32, #tpu.memory_space<vmem>>, vector<16xf32>,
        tpu.vector_store %arg14[%swap3A_1408, %swap3A_1409], %mul3A_1407 {strides = array<i32>} : memref<80x128xf32, #tpu.memory_space<vmem>>, vector<16xf32>,
        %shift_left3A_1411 = arith.constant 16 : i32
        %shift_left3A_1412 = vector.broadcast %shift_left3A_1411 : i32 to vector<16xi32>
        %shift_left3A_1413 = arith.shli %get3A_1368, %shift_left3A_1412 : vector<16xi32>
        %bitcast3A_1414 = vector.bitcast %shift_left3A_1413 : vector<16xi32> to vector<16xf32>
        %and3A_1415 = arith.andi %get3A_1368, %broadcast_in_dim3A_186 : vector<16xi32>
        %bitcast3A_1416 = vector.bitcast %and3A_1415 : vector<16xi32> to vector<16xf32>
        %mul3A_1417 = arith.mulf %bitcast3A_1414, %gather3A_1352 : vector<16xf32>
        %swap3A_1418 = arith.index_cast %add3A_1348 : i32 to index
        %swap3A_1419 = arith.constant 48 : index
        %swap3A_1420 = tpu.vector_load %arg14[%swap3A_1418, %swap3A_1419] {strides = array<i32>} : memref<80x128xf32, #tpu.memory_space<vmem>>, vector<16xf32>,
        tpu.vector_store %arg14[%swap3A_1418, %swap3A_1419], %mul3A_1417 {strides = array<i32>} : memref<80x128xf32, #tpu.memory_space<vmem>>, vector<16xf32>,
        %mul3A_1421 = arith.mulf %bitcast3A_1416, %gather3A_1352 : vector<16xf32>
        %swap3A_1422 = arith.index_cast %add3A_1348 : i32 to index
        %swap3A_1423 = arith.constant 112 : index
        %swap3A_1424 = tpu.vector_load %arg14[%swap3A_1422, %swap3A_1423] {strides = array<i32>} : memref<80x128xf32, #tpu.memory_space<vmem>>, vector<16xf32>,
        tpu.vector_store %arg14[%swap3A_1422, %swap3A_1423], %mul3A_1421 {strides = array<i32>} : memref<80x128xf32, #tpu.memory_space<vmem>>, vector<16xf32>,
        %mul3A_1425 = arith.constant 16 : i32
        %mul3A_1426 = arith.muli %scan3A_225, %mul3A_1425 : i32
        %add3A_1427 = arith.constant 15 : i32
        %add3A_1428 = arith.addi %mul3A_1426, %add3A_1427 : i32
        %broadcast_in_dim3A_1429 = arith.constant 15 : i32
        %broadcast_in_dim3A_1430 = vector.broadcast %broadcast_in_dim3A_1429 : i32 to vector<16x1xi32>
        %gather3A_1431 = vector.shape_cast %broadcast_in_dim3A_1430 : vector<16x1xi32> to vector<16xi32>
        %gather3A_1432 = tpu.dynamic_gather %get3A_229[%gather3A_1431] in [0] : vector<16xf32>, vector<16xi32> -> vector<16xf32>
        %get3A_1433 = arith.index_cast %rem3A_148 : i32 to index
        %get3A_1434 = arith.index_cast %add3A_1428 : i32 to index
        %get3A_1435 = arith.constant 0 : index
        %get3A_1436 = tpu.vector_load %arg12[%get3A_1433, %get3A_1434, %get3A_1435] {strides = array<i32>} : memref<2x80x64xi32, #tpu.memory_space<vmem>>, vector<16xi32>,
        %get3A_1437 = arith.index_cast %rem3A_148 : i32 to index
        %get3A_1438 = arith.index_cast %add3A_1428 : i32 to index
        %get3A_1439 = arith.constant 16 : index
        %get3A_1440 = tpu.vector_load %arg12[%get3A_1437, %get3A_1438, %get3A_1439] {strides = array<i32>} : memref<2x80x64xi32, #tpu.memory_space<vmem>>, vector<16xi32>,
        %get3A_1441 = arith.index_cast %rem3A_148 : i32 to index
        %get3A_1442 = arith.index_cast %add3A_1428 : i32 to index
        %get3A_1443 = arith.constant 32 : index
        %get3A_1444 = tpu.vector_load %arg12[%get3A_1441, %get3A_1442, %get3A_1443] {strides = array<i32>} : memref<2x80x64xi32, #tpu.memory_space<vmem>>, vector<16xi32>,
        %get3A_1445 = arith.index_cast %rem3A_148 : i32 to index
        %get3A_1446 = arith.index_cast %add3A_1428 : i32 to index
        %get3A_1447 = arith.constant 48 : index
        %get3A_1448 = tpu.vector_load %arg12[%get3A_1445, %get3A_1446, %get3A_1447] {strides = array<i32>} : memref<2x80x64xi32, #tpu.memory_space<vmem>>, vector<16xi32>,
        %shift_left3A_1449 = arith.constant 16 : i32
        %shift_left3A_1450 = vector.broadcast %shift_left3A_1449 : i32 to vector<16xi32>
        %shift_left3A_1451 = arith.shli %get3A_1436, %shift_left3A_1450 : vector<16xi32>
        %bitcast3A_1452 = vector.bitcast %shift_left3A_1451 : vector<16xi32> to vector<16xf32>
        %and3A_1453 = arith.andi %get3A_1436, %broadcast_in_dim3A_186 : vector<16xi32>
        %bitcast3A_1454 = vector.bitcast %and3A_1453 : vector<16xi32> to vector<16xf32>
        %mul3A_1455 = arith.mulf %bitcast3A_1452, %gather3A_1432 : vector<16xf32>
        %swap3A_1456 = arith.index_cast %add3A_1428 : i32 to index
        %swap3A_1457 = arith.constant 0 : index
        %swap3A_1458 = tpu.vector_load %arg14[%swap3A_1456, %swap3A_1457] {strides = array<i32>} : memref<80x128xf32, #tpu.memory_space<vmem>>, vector<16xf32>,
        tpu.vector_store %arg14[%swap3A_1456, %swap3A_1457], %mul3A_1455 {strides = array<i32>} : memref<80x128xf32, #tpu.memory_space<vmem>>, vector<16xf32>,
        %mul3A_1459 = arith.mulf %bitcast3A_1454, %gather3A_1432 : vector<16xf32>
        %swap3A_1460 = arith.index_cast %add3A_1428 : i32 to index
        %swap3A_1461 = arith.constant 64 : index
        %swap3A_1462 = tpu.vector_load %arg14[%swap3A_1460, %swap3A_1461] {strides = array<i32>} : memref<80x128xf32, #tpu.memory_space<vmem>>, vector<16xf32>,
        tpu.vector_store %arg14[%swap3A_1460, %swap3A_1461], %mul3A_1459 {strides = array<i32>} : memref<80x128xf32, #tpu.memory_space<vmem>>, vector<16xf32>,
        %shift_left3A_1463 = arith.constant 16 : i32
        %shift_left3A_1464 = vector.broadcast %shift_left3A_1463 : i32 to vector<16xi32>
        %shift_left3A_1465 = arith.shli %get3A_1440, %shift_left3A_1464 : vector<16xi32>
        %bitcast3A_1466 = vector.bitcast %shift_left3A_1465 : vector<16xi32> to vector<16xf32>
        %and3A_1467 = arith.andi %get3A_1440, %broadcast_in_dim3A_186 : vector<16xi32>
        %bitcast3A_1468 = vector.bitcast %and3A_1467 : vector<16xi32> to vector<16xf32>
        %mul3A_1469 = arith.mulf %bitcast3A_1466, %gather3A_1432 : vector<16xf32>
        %swap3A_1470 = arith.index_cast %add3A_1428 : i32 to index
        %swap3A_1471 = arith.constant 16 : index
        %swap3A_1472 = tpu.vector_load %arg14[%swap3A_1470, %swap3A_1471] {strides = array<i32>} : memref<80x128xf32, #tpu.memory_space<vmem>>, vector<16xf32>,
        tpu.vector_store %arg14[%swap3A_1470, %swap3A_1471], %mul3A_1469 {strides = array<i32>} : memref<80x128xf32, #tpu.memory_space<vmem>>, vector<16xf32>,
        %mul3A_1473 = arith.mulf %bitcast3A_1468, %gather3A_1432 : vector<16xf32>
        %swap3A_1474 = arith.index_cast %add3A_1428 : i32 to index
        %swap3A_1475 = arith.constant 80 : index
        %swap3A_1476 = tpu.vector_load %arg14[%swap3A_1474, %swap3A_1475] {strides = array<i32>} : memref<80x128xf32, #tpu.memory_space<vmem>>, vector<16xf32>,
        tpu.vector_store %arg14[%swap3A_1474, %swap3A_1475], %mul3A_1473 {strides = array<i32>} : memref<80x128xf32, #tpu.memory_space<vmem>>, vector<16xf32>,
        %shift_left3A_1477 = arith.constant 16 : i32
        %shift_left3A_1478 = vector.broadcast %shift_left3A_1477 : i32 to vector<16xi32>
        %shift_left3A_1479 = arith.shli %get3A_1444, %shift_left3A_1478 : vector<16xi32>
        %bitcast3A_1480 = vector.bitcast %shift_left3A_1479 : vector<16xi32> to vector<16xf32>
        %and3A_1481 = arith.andi %get3A_1444, %broadcast_in_dim3A_186 : vector<16xi32>
        %bitcast3A_1482 = vector.bitcast %and3A_1481 : vector<16xi32> to vector<16xf32>
        %mul3A_1483 = arith.mulf %bitcast3A_1480, %gather3A_1432 : vector<16xf32>
        %swap3A_1484 = arith.index_cast %add3A_1428 : i32 to index
        %swap3A_1485 = arith.constant 32 : index
        %swap3A_1486 = tpu.vector_load %arg14[%swap3A_1484, %swap3A_1485] {strides = array<i32>} : memref<80x128xf32, #tpu.memory_space<vmem>>, vector<16xf32>,
        tpu.vector_store %arg14[%swap3A_1484, %swap3A_1485], %mul3A_1483 {strides = array<i32>} : memref<80x128xf32, #tpu.memory_space<vmem>>, vector<16xf32>,
        %mul3A_1487 = arith.mulf %bitcast3A_1482, %gather3A_1432 : vector<16xf32>
        %swap3A_1488 = arith.index_cast %add3A_1428 : i32 to index
        %swap3A_1489 = arith.constant 96 : index
        %swap3A_1490 = tpu.vector_load %arg14[%swap3A_1488, %swap3A_1489] {strides = array<i32>} : memref<80x128xf32, #tpu.memory_space<vmem>>, vector<16xf32>,
        tpu.vector_store %arg14[%swap3A_1488, %swap3A_1489], %mul3A_1487 {strides = array<i32>} : memref<80x128xf32, #tpu.memory_space<vmem>>, vector<16xf32>,
        %shift_left3A_1491 = arith.constant 16 : i32
        %shift_left3A_1492 = vector.broadcast %shift_left3A_1491 : i32 to vector<16xi32>
        %shift_left3A_1493 = arith.shli %get3A_1448, %shift_left3A_1492 : vector<16xi32>
        %bitcast3A_1494 = vector.bitcast %shift_left3A_1493 : vector<16xi32> to vector<16xf32>
        %and3A_1495 = arith.andi %get3A_1448, %broadcast_in_dim3A_186 : vector<16xi32>
        %bitcast3A_1496 = vector.bitcast %and3A_1495 : vector<16xi32> to vector<16xf32>
        %mul3A_1497 = arith.mulf %bitcast3A_1494, %gather3A_1432 : vector<16xf32>
        %swap3A_1498 = arith.index_cast %add3A_1428 : i32 to index
        %swap3A_1499 = arith.constant 48 : index
        %swap3A_1500 = tpu.vector_load %arg14[%swap3A_1498, %swap3A_1499] {strides = array<i32>} : memref<80x128xf32, #tpu.memory_space<vmem>>, vector<16xf32>,
        tpu.vector_store %arg14[%swap3A_1498, %swap3A_1499], %mul3A_1497 {strides = array<i32>} : memref<80x128xf32, #tpu.memory_space<vmem>>, vector<16xf32>,
        %mul3A_1501 = arith.mulf %bitcast3A_1496, %gather3A_1432 : vector<16xf32>
        %swap3A_1502 = arith.index_cast %add3A_1428 : i32 to index
        %swap3A_1503 = arith.constant 112 : index
        %swap3A_1504 = tpu.vector_load %arg14[%swap3A_1502, %swap3A_1503] {strides = array<i32>} : memref<80x128xf32, #tpu.memory_space<vmem>>, vector<16xf32>,
        tpu.vector_store %arg14[%swap3A_1502, %swap3A_1503], %mul3A_1501 {strides = array<i32>} : memref<80x128xf32, #tpu.memory_space<vmem>>, vector<16xf32>,
      }
      %scan3A_192 = arith.constant 5 : i32
      %dma_start3A_193 = arith.constant 0 : i32
      %dma_start3A_194 = tpu.memref_slice %arg10[%rem3A_146, %dma_start3A_193] : memref<3x80xi32, #tpu.memory_space<vmem>> -> memref<1x80xi32, #tpu.memory_space<vmem>>
      %dma_start3A_195 = tpu.memref_squeeze %dma_start3A_194 : memref<1x80xi32, #tpu.memory_space<vmem>> -> memref<80xi32, #tpu.memory_space<vmem>>
      %dma_start3A_196 = arith.constant 0 : i32
      %dma_start3A_197 = arith.constant 0 : i32
      %dma_start3A_198 = tpu.memref_slice %arg16[%dma_start3A_196, %dma_start3A_197] : memref<10240x128xf32, #tpu.memory_space<vmem_shared>> -> memref<10240x128xf32, #tpu.memory_space<vmem_shared>>
      tpu.enqueue_indirect_dma source(%arg14 : memref<80x128xf32, #tpu.memory_space<vmem>>) target(%dma_start3A_198 : memref<10240x128xf32, #tpu.memory_space<vmem_shared>>) offsets(%dma_start3A_195 : memref<80xi32, #tpu.memory_space<vmem>>) semaphore(%arg19 : memref<!tpu.dma_semaphore, #tpu.memory_space<semaphore_mem>>) {add = true}
      %dma_wait3A_199 = arith.constant 0 : i32
      %dma_wait3A_200 = arith.constant 0 : i32
      %dma_wait3A_201 = tpu.memref_slice %arg13[%rem3A_148, %dma_wait3A_199, %dma_wait3A_200] : memref<2x80x64xi32, #tpu.memory_space<vmem>> -> memref<1x80x64xi32, #tpu.memory_space<vmem>>
      %dma_wait3A_202 = tpu.memref_squeeze %dma_wait3A_201 : memref<1x80x64xi32, #tpu.memory_space<vmem>> -> memref<80x64xi32, #tpu.memory_space<vmem>>
      %dma_wait3A_203 = arith.constant 0 : i32
      %dma_wait3A_204 = tpu.memref_slice %arg10[%rem3A_146, %dma_wait3A_203] : memref<3x80xi32, #tpu.memory_space<vmem>> -> memref<1x80xi32, #tpu.memory_space<vmem>>
      %dma_wait3A_205 = tpu.memref_squeeze %dma_wait3A_204 : memref<1x80xi32, #tpu.memory_space<vmem>> -> memref<80xi32, #tpu.memory_space<vmem>>
      %dma_wait3A_206 = arith.constant 0 : i32
      %dma_wait3A_207 = arith.constant 0 : i32
      %dma_wait3A_208 = tpu.memref_slice %arg3[%dma_wait3A_206, %dma_wait3A_207] : memref<10000x64xi32, #tpu.memory_space<hbm>> -> memref<10000x64xi32, #tpu.memory_space<hbm>>
      tpu.wait_indirect_dma semaphore(%arg18 : memref<!tpu.dma_semaphore, #tpu.memory_space<semaphore_mem>>) src(%dma_wait3A_208 : memref<10000x64xi32, #tpu.memory_space<hbm>>) dst(%dma_wait3A_202 : memref<80x64xi32, #tpu.memory_space<vmem>>)
      %rem3A_209 = arith.constant 3 : i32
      %rem3A_210 = arith.remsi %scan3A_144, %rem3A_209 : i32
      %broadcast_in_dim3A_211 = arith.constant -65536 : i32
      %broadcast_in_dim3A_212 = vector.broadcast %broadcast_in_dim3A_211 : i32 to vector<16xi32>
      %scan3A_213 = arith.constant 0 : i32
      %scan3A_214 = arith.constant 0 : i32
      %scan3A_215 = arith.constant 5 : i32
      %scan3A_216 = arith.addi %scan3A_214, %scan3A_215 : i32
      %scan3A_217 = arith.constant 1 : i32
      scf.for %scan3A_225 = %scan3A_214 to %scan3A_216 step %scan3A_217  : i32 {
        %mul3A_226 = arith.constant 16 : i32
        %mul3A_227 = arith.muli %scan3A_225, %mul3A_226 : i32
        %get3A = arith.index_cast %rem3A_210 : i32 to index
        %get3A_228 = arith.index_cast %mul3A_227 : i32 to index
        %get3A_229 = tpu.vector_load %arg11[%get3A, %get3A_228] {strides = array<i32>} : memref<3x80xf32, #tpu.memory_space<vmem>>, vector<16xf32>,
        %mul3A_230 = arith.constant 16 : i32
        %mul3A_231 = arith.muli %scan3A_225, %mul3A_230 : i32
        %add3A_232 = arith.constant 0 : i32
        %add3A_233 = arith.addi %mul3A_231, %add3A_232 : i32
        %broadcast_in_dim3A_234 = arith.constant 0 : i32
        %broadcast_in_dim3A_235 = vector.broadcast %broadcast_in_dim3A_234 : i32 to vector<16x1xi32>
        %gather3A = vector.shape_cast %broadcast_in_dim3A_235 : vector<16x1xi32> to vector<16xi32>
        %gather3A_236 = tpu.dynamic_gather %get3A_229[%gather3A] in [0] : vector<16xf32>, vector<16xi32> -> vector<16xf32>
        %get3A_237 = arith.index_cast %rem3A_148 : i32 to index
        %get3A_238 = arith.index_cast %add3A_233 : i32 to index
        %get3A_239 = arith.constant 0 : index
        %get3A_240 = tpu.vector_load %arg13[%get3A_237, %get3A_238, %get3A_239] {strides = array<i32>} : memref<2x80x64xi32, #tpu.memory_space<vmem>>, vector<16xi32>,
        %get3A_241 = arith.index_cast %rem3A_148 : i32 to index
        %get3A_242 = arith.index_cast %add3A_233 : i32 to index
        %get3A_243 = arith.constant 16 : index
        %get3A_244 = tpu.vector_load %arg13[%get3A_241, %get3A_242, %get3A_243] {strides = array<i32>} : memref<2x80x64xi32, #tpu.memory_space<vmem>>, vector<16xi32>,
        %get3A_245 = arith.index_cast %rem3A_148 : i32 to index
        %get3A_246 = arith.index_cast %add3A_233 : i32 to index
        %get3A_247 = arith.constant 32 : index
        %get3A_248 = tpu.vector_load %arg13[%get3A_245, %get3A_246, %get3A_247] {strides = array<i32>} : memref<2x80x64xi32, #tpu.memory_space<vmem>>, vector<16xi32>,
        %get3A_249 = arith.index_cast %rem3A_148 : i32 to index
        %get3A_250 = arith.index_cast %add3A_233 : i32 to index
        %get3A_251 = arith.constant 48 : index
        %get3A_252 = tpu.vector_load %arg13[%get3A_249, %get3A_250, %get3A_251] {strides = array<i32>} : memref<2x80x64xi32, #tpu.memory_space<vmem>>, vector<16xi32>,
        %shift_left3A = arith.constant 16 : i32
        %shift_left3A_253 = vector.broadcast %shift_left3A : i32 to vector<16xi32>
        %shift_left3A_254 = arith.shli %get3A_240, %shift_left3A_253 : vector<16xi32>
        %bitcast3A = vector.bitcast %shift_left3A_254 : vector<16xi32> to vector<16xf32>
        %and3A = arith.andi %get3A_240, %broadcast_in_dim3A_212 : vector<16xi32>
        %bitcast3A_255 = vector.bitcast %and3A : vector<16xi32> to vector<16xf32>
        %mul3A_256 = arith.mulf %bitcast3A, %gather3A_236 : vector<16xf32>
        %swap3A = arith.index_cast %add3A_233 : i32 to index
        %swap3A_257 = arith.constant 0 : index
        %swap3A_258 = tpu.vector_load %arg15[%swap3A, %swap3A_257] {strides = array<i32>} : memref<80x128xf32, #tpu.memory_space<vmem>>, vector<16xf32>,
        tpu.vector_store %arg15[%swap3A, %swap3A_257], %mul3A_256 {strides = array<i32>} : memref<80x128xf32, #tpu.memory_space<vmem>>, vector<16xf32>,
        %mul3A_259 = arith.mulf %bitcast3A_255, %gather3A_236 : vector<16xf32>
        %swap3A_260 = arith.index_cast %add3A_233 : i32 to index
        %swap3A_261 = arith.constant 64 : index
        %swap3A_262 = tpu.vector_load %arg15[%swap3A_260, %swap3A_261] {strides = array<i32>} : memref<80x128xf32, #tpu.memory_space<vmem>>, vector<16xf32>,
        tpu.vector_store %arg15[%swap3A_260, %swap3A_261], %mul3A_259 {strides = array<i32>} : memref<80x128xf32, #tpu.memory_space<vmem>>, vector<16xf32>,
        %shift_left3A_263 = arith.constant 16 : i32
        %shift_left3A_264 = vector.broadcast %shift_left3A_263 : i32 to vector<16xi32>
        %shift_left3A_265 = arith.shli %get3A_244, %shift_left3A_264 : vector<16xi32>
        %bitcast3A_266 = vector.bitcast %shift_left3A_265 : vector<16xi32> to vector<16xf32>
        %and3A_267 = arith.andi %get3A_244, %broadcast_in_dim3A_212 : vector<16xi32>
        %bitcast3A_268 = vector.bitcast %and3A_267 : vector<16xi32> to vector<16xf32>
        %mul3A_269 = arith.mulf %bitcast3A_266, %gather3A_236 : vector<16xf32>
        %swap3A_270 = arith.index_cast %add3A_233 : i32 to index
        %swap3A_271 = arith.constant 16 : index
        %swap3A_272 = tpu.vector_load %arg15[%swap3A_270, %swap3A_271] {strides = array<i32>} : memref<80x128xf32, #tpu.memory_space<vmem>>, vector<16xf32>,
        tpu.vector_store %arg15[%swap3A_270, %swap3A_271], %mul3A_269 {strides = array<i32>} : memref<80x128xf32, #tpu.memory_space<vmem>>, vector<16xf32>,
        %mul3A_273 = arith.mulf %bitcast3A_268, %gather3A_236 : vector<16xf32>
        %swap3A_274 = arith.index_cast %add3A_233 : i32 to index
        %swap3A_275 = arith.constant 80 : index
        %swap3A_276 = tpu.vector_load %arg15[%swap3A_274, %swap3A_275] {strides = array<i32>} : memref<80x128xf32, #tpu.memory_space<vmem>>, vector<16xf32>,
        tpu.vector_store %arg15[%swap3A_274, %swap3A_275], %mul3A_273 {strides = array<i32>} : memref<80x128xf32, #tpu.memory_space<vmem>>, vector<16xf32>,
        %shift_left3A_277 = arith.constant 16 : i32
        %shift_left3A_278 = vector.broadcast %shift_left3A_277 : i32 to vector<16xi32>
        %shift_left3A_279 = arith.shli %get3A_248, %shift_left3A_278 : vector<16xi32>
        %bitcast3A_280 = vector.bitcast %shift_left3A_279 : vector<16xi32> to vector<16xf32>
        %and3A_281 = arith.andi %get3A_248, %broadcast_in_dim3A_212 : vector<16xi32>
        %bitcast3A_282 = vector.bitcast %and3A_281 : vector<16xi32> to vector<16xf32>
        %mul3A_283 = arith.mulf %bitcast3A_280, %gather3A_236 : vector<16xf32>
        %swap3A_284 = arith.index_cast %add3A_233 : i32 to index
        %swap3A_285 = arith.constant 32 : index
        %swap3A_286 = tpu.vector_load %arg15[%swap3A_284, %swap3A_285] {strides = array<i32>} : memref<80x128xf32, #tpu.memory_space<vmem>>, vector<16xf32>,
        tpu.vector_store %arg15[%swap3A_284, %swap3A_285], %mul3A_283 {strides = array<i32>} : memref<80x128xf32, #tpu.memory_space<vmem>>, vector<16xf32>,
        %mul3A_287 = arith.mulf %bitcast3A_282, %gather3A_236 : vector<16xf32>
        %swap3A_288 = arith.index_cast %add3A_233 : i32 to index
        %swap3A_289 = arith.constant 96 : index
        %swap3A_290 = tpu.vector_load %arg15[%swap3A_288, %swap3A_289] {strides = array<i32>} : memref<80x128xf32, #tpu.memory_space<vmem>>, vector<16xf32>,
        tpu.vector_store %arg15[%swap3A_288, %swap3A_289], %mul3A_287 {strides = array<i32>} : memref<80x128xf32, #tpu.memory_space<vmem>>, vector<16xf32>,
        %shift_left3A_291 = arith.constant 16 : i32
        %shift_left3A_292 = vector.broadcast %shift_left3A_291 : i32 to vector<16xi32>
        %shift_left3A_293 = arith.shli %get3A_252, %shift_left3A_292 : vector<16xi32>
        %bitcast3A_294 = vector.bitcast %shift_left3A_293 : vector<16xi32> to vector<16xf32>
        %and3A_295 = arith.andi %get3A_252, %broadcast_in_dim3A_212 : vector<16xi32>
        %bitcast3A_296 = vector.bitcast %and3A_295 : vector<16xi32> to vector<16xf32>
        %mul3A_297 = arith.mulf %bitcast3A_294, %gather3A_236 : vector<16xf32>
        %swap3A_298 = arith.index_cast %add3A_233 : i32 to index
        %swap3A_299 = arith.constant 48 : index
        %swap3A_300 = tpu.vector_load %arg15[%swap3A_298, %swap3A_299] {strides = array<i32>} : memref<80x128xf32, #tpu.memory_space<vmem>>, vector<16xf32>,
        tpu.vector_store %arg15[%swap3A_298, %swap3A_299], %mul3A_297 {strides = array<i32>} : memref<80x128xf32, #tpu.memory_space<vmem>>, vector<16xf32>,
        %mul3A_301 = arith.mulf %bitcast3A_296, %gather3A_236 : vector<16xf32>
        %swap3A_302 = arith.index_cast %add3A_233 : i32 to index
        %swap3A_303 = arith.constant 112 : index
        %swap3A_304 = tpu.vector_load %arg15[%swap3A_302, %swap3A_303] {strides = array<i32>} : memref<80x128xf32, #tpu.memory_space<vmem>>, vector<16xf32>,
        tpu.vector_store %arg15[%swap3A_302, %swap3A_303], %mul3A_301 {strides = array<i32>} : memref<80x128xf32, #tpu.memory_space<vmem>>, vector<16xf32>,
        %mul3A_305 = arith.constant 16 : i32
        %mul3A_306 = arith.muli %scan3A_225, %mul3A_305 : i32
        %add3A_307 = arith.constant 1 : i32
        %add3A_308 = arith.addi %mul3A_306, %add3A_307 : i32
        %broadcast_in_dim3A_309 = arith.constant 1 : i32
        %broadcast_in_dim3A_310 = vector.broadcast %broadcast_in_dim3A_309 : i32 to vector<16x1xi32>
        %gather3A_311 = vector.shape_cast %broadcast_in_dim3A_310 : vector<16x1xi32> to vector<16xi32>
        %gather3A_312 = tpu.dynamic_gather %get3A_229[%gather3A_311] in [0] : vector<16xf32>, vector<16xi32> -> vector<16xf32>
        %get3A_313 = arith.index_cast %rem3A_148 : i32 to index
        %get3A_314 = arith.index_cast %add3A_308 : i32 to index
        %get3A_315 = arith.constant 0 : index
        %get3A_316 = tpu.vector_load %arg13[%get3A_313, %get3A_314, %get3A_315] {strides = array<i32>} : memref<2x80x64xi32, #tpu.memory_space<vmem>>, vector<16xi32>,
        %get3A_317 = arith.index_cast %rem3A_148 : i32 to index
        %get3A_318 = arith.index_cast %add3A_308 : i32 to index
        %get3A_319 = arith.constant 16 : index
        %get3A_320 = tpu.vector_load %arg13[%get3A_317, %get3A_318, %get3A_319] {strides = array<i32>} : memref<2x80x64xi32, #tpu.memory_space<vmem>>, vector<16xi32>,
        %get3A_321 = arith.index_cast %rem3A_148 : i32 to index
        %get3A_322 = arith.index_cast %add3A_308 : i32 to index
        %get3A_323 = arith.constant 32 : index
        %get3A_324 = tpu.vector_load %arg13[%get3A_321, %get3A_322, %get3A_323] {strides = array<i32>} : memref<2x80x64xi32, #tpu.memory_space<vmem>>, vector<16xi32>,
        %get3A_325 = arith.index_cast %rem3A_148 : i32 to index
        %get3A_326 = arith.index_cast %add3A_308 : i32 to index
        %get3A_327 = arith.constant 48 : index
        %get3A_328 = tpu.vector_load %arg13[%get3A_325, %get3A_326, %get3A_327] {strides = array<i32>} : memref<2x80x64xi32, #tpu.memory_space<vmem>>, vector<16xi32>,
        %shift_left3A_329 = arith.constant 16 : i32
        %shift_left3A_330 = vector.broadcast %shift_left3A_329 : i32 to vector<16xi32>
        %shift_left3A_331 = arith.shli %get3A_316, %shift_left3A_330 : vector<16xi32>
        %bitcast3A_332 = vector.bitcast %shift_left3A_331 : vector<16xi32> to vector<16xf32>
        %and3A_333 = arith.andi %get3A_316, %broadcast_in_dim3A_212 : vector<16xi32>
        %bitcast3A_334 = vector.bitcast %and3A_333 : vector<16xi32> to vector<16xf32>
        %mul3A_335 = arith.mulf %bitcast3A_332, %gather3A_312 : vector<16xf32>
        %swap3A_336 = arith.index_cast %add3A_308 : i32 to index
        %swap3A_337 = arith.constant 0 : index
        %swap3A_338 = tpu.vector_load %arg15[%swap3A_336, %swap3A_337] {strides = array<i32>} : memref<80x128xf32, #tpu.memory_space<vmem>>, vector<16xf32>,
        tpu.vector_store %arg15[%swap3A_336, %swap3A_337], %mul3A_335 {strides = array<i32>} : memref<80x128xf32, #tpu.memory_space<vmem>>, vector<16xf32>,
        %mul3A_339 = arith.mulf %bitcast3A_334, %gather3A_312 : vector<16xf32>
        %swap3A_340 = arith.index_cast %add3A_308 : i32 to index
        %swap3A_341 = arith.constant 64 : index
        %swap3A_342 = tpu.vector_load %arg15[%swap3A_340, %swap3A_341] {strides = array<i32>} : memref<80x128xf32, #tpu.memory_space<vmem>>, vector<16xf32>,
        tpu.vector_store %arg15[%swap3A_340, %swap3A_341], %mul3A_339 {strides = array<i32>} : memref<80x128xf32, #tpu.memory_space<vmem>>, vector<16xf32>,
        %shift_left3A_343 = arith.constant 16 : i32
        %shift_left3A_344 = vector.broadcast %shift_left3A_343 : i32 to vector<16xi32>
        %shift_left3A_345 = arith.shli %get3A_320, %shift_left3A_344 : vector<16xi32>
        %bitcast3A_346 = vector.bitcast %shift_left3A_345 : vector<16xi32> to vector<16xf32>
        %and3A_347 = arith.andi %get3A_320, %broadcast_in_dim3A_212 : vector<16xi32>
        %bitcast3A_348 = vector.bitcast %and3A_347 : vector<16xi32> to vector<16xf32>
        %mul3A_349 = arith.mulf %bitcast3A_346, %gather3A_312 : vector<16xf32>
        %swap3A_350 = arith.index_cast %add3A_308 : i32 to index
        %swap3A_351 = arith.constant 16 : index
        %swap3A_352 = tpu.vector_load %arg15[%swap3A_350, %swap3A_351] {strides = array<i32>} : memref<80x128xf32, #tpu.memory_space<vmem>>, vector<16xf32>,
        tpu.vector_store %arg15[%swap3A_350, %swap3A_351], %mul3A_349 {strides = array<i32>} : memref<80x128xf32, #tpu.memory_space<vmem>>, vector<16xf32>,
        %mul3A_353 = arith.mulf %bitcast3A_348, %gather3A_312 : vector<16xf32>
        %swap3A_354 = arith.index_cast %add3A_308 : i32 to index
        %swap3A_355 = arith.constant 80 : index
        %swap3A_356 = tpu.vector_load %arg15[%swap3A_354, %swap3A_355] {strides = array<i32>} : memref<80x128xf32, #tpu.memory_space<vmem>>, vector<16xf32>,
        tpu.vector_store %arg15[%swap3A_354, %swap3A_355], %mul3A_353 {strides = array<i32>} : memref<80x128xf32, #tpu.memory_space<vmem>>, vector<16xf32>,
        %shift_left3A_357 = arith.constant 16 : i32
        %shift_left3A_358 = vector.broadcast %shift_left3A_357 : i32 to vector<16xi32>
        %shift_left3A_359 = arith.shli %get3A_324, %shift_left3A_358 : vector<16xi32>
        %bitcast3A_360 = vector.bitcast %shift_left3A_359 : vector<16xi32> to vector<16xf32>
        %and3A_361 = arith.andi %get3A_324, %broadcast_in_dim3A_212 : vector<16xi32>
        %bitcast3A_362 = vector.bitcast %and3A_361 : vector<16xi32> to vector<16xf32>
        %mul3A_363 = arith.mulf %bitcast3A_360, %gather3A_312 : vector<16xf32>
        %swap3A_364 = arith.index_cast %add3A_308 : i32 to index
        %swap3A_365 = arith.constant 32 : index
        %swap3A_366 = tpu.vector_load %arg15[%swap3A_364, %swap3A_365] {strides = array<i32>} : memref<80x128xf32, #tpu.memory_space<vmem>>, vector<16xf32>,
        tpu.vector_store %arg15[%swap3A_364, %swap3A_365], %mul3A_363 {strides = array<i32>} : memref<80x128xf32, #tpu.memory_space<vmem>>, vector<16xf32>,
        %mul3A_367 = arith.mulf %bitcast3A_362, %gather3A_312 : vector<16xf32>
        %swap3A_368 = arith.index_cast %add3A_308 : i32 to index
        %swap3A_369 = arith.constant 96 : index
        %swap3A_370 = tpu.vector_load %arg15[%swap3A_368, %swap3A_369] {strides = array<i32>} : memref<80x128xf32, #tpu.memory_space<vmem>>, vector<16xf32>,
        tpu.vector_store %arg15[%swap3A_368, %swap3A_369], %mul3A_367 {strides = array<i32>} : memref<80x128xf32, #tpu.memory_space<vmem>>, vector<16xf32>,
        %shift_left3A_371 = arith.constant 16 : i32
        %shift_left3A_372 = vector.broadcast %shift_left3A_371 : i32 to vector<16xi32>
        %shift_left3A_373 = arith.shli %get3A_328, %shift_left3A_372 : vector<16xi32>
        %bitcast3A_374 = vector.bitcast %shift_left3A_373 : vector<16xi32> to vector<16xf32>
        %and3A_375 = arith.andi %get3A_328, %broadcast_in_dim3A_212 : vector<16xi32>
        %bitcast3A_376 = vector.bitcast %and3A_375 : vector<16xi32> to vector<16xf32>
        %mul3A_377 = arith.mulf %bitcast3A_374, %gather3A_312 : vector<16xf32>
        %swap3A_378 = arith.index_cast %add3A_308 : i32 to index
        %swap3A_379 = arith.constant 48 : index
        %swap3A_380 = tpu.vector_load %arg15[%swap3A_378, %swap3A_379] {strides = array<i32>} : memref<80x128xf32, #tpu.memory_space<vmem>>, vector<16xf32>,
        tpu.vector_store %arg15[%swap3A_378, %swap3A_379], %mul3A_377 {strides = array<i32>} : memref<80x128xf32, #tpu.memory_space<vmem>>, vector<16xf32>,
        %mul3A_381 = arith.mulf %bitcast3A_376, %gather3A_312 : vector<16xf32>
        %swap3A_382 = arith.index_cast %add3A_308 : i32 to index
        %swap3A_383 = arith.constant 112 : index
        %swap3A_384 = tpu.vector_load %arg15[%swap3A_382, %swap3A_383] {strides = array<i32>} : memref<80x128xf32, #tpu.memory_space<vmem>>, vector<16xf32>,
        tpu.vector_store %arg15[%swap3A_382, %swap3A_383], %mul3A_381 {strides = array<i32>} : memref<80x128xf32, #tpu.memory_space<vmem>>, vector<16xf32>,
        %mul3A_385 = arith.constant 16 : i32
        %mul3A_386 = arith.muli %scan3A_225, %mul3A_385 : i32
        %add3A_387 = arith.constant 2 : i32
        %add3A_388 = arith.addi %mul3A_386, %add3A_387 : i32
        %broadcast_in_dim3A_389 = arith.constant 2 : i32
        %broadcast_in_dim3A_390 = vector.broadcast %broadcast_in_dim3A_389 : i32 to vector<16x1xi32>
        %gather3A_391 = vector.shape_cast %broadcast_in_dim3A_390 : vector<16x1xi32> to vector<16xi32>
        %gather3A_392 = tpu.dynamic_gather %get3A_229[%gather3A_391] in [0] : vector<16xf32>, vector<16xi32> -> vector<16xf32>
        %get3A_393 = arith.index_cast %rem3A_148 : i32 to index
        %get3A_394 = arith.index_cast %add3A_388 : i32 to index
        %get3A_395 = arith.constant 0 : index
        %get3A_396 = tpu.vector_load %arg13[%get3A_393, %get3A_394, %get3A_395] {strides = array<i32>} : memref<2x80x64xi32, #tpu.memory_space<vmem>>, vector<16xi32>,
        %get3A_397 = arith.index_cast %rem3A_148 : i32 to index
        %get3A_398 = arith.index_cast %add3A_388 : i32 to index
        %get3A_399 = arith.constant 16 : index
        %get3A_400 = tpu.vector_load %arg13[%get3A_397, %get3A_398, %get3A_399] {strides = array<i32>} : memref<2x80x64xi32, #tpu.memory_space<vmem>>, vector<16xi32>,
        %get3A_401 = arith.index_cast %rem3A_148 : i32 to index
        %get3A_402 = arith.index_cast %add3A_388 : i32 to index
        %get3A_403 = arith.constant 32 : index
        %get3A_404 = tpu.vector_load %arg13[%get3A_401, %get3A_402, %get3A_403] {strides = array<i32>} : memref<2x80x64xi32, #tpu.memory_space<vmem>>, vector<16xi32>,
        %get3A_405 = arith.index_cast %rem3A_148 : i32 to index
        %get3A_406 = arith.index_cast %add3A_388 : i32 to index
        %get3A_407 = arith.constant 48 : index
        %get3A_408 = tpu.vector_load %arg13[%get3A_405, %get3A_406, %get3A_407] {strides = array<i32>} : memref<2x80x64xi32, #tpu.memory_space<vmem>>, vector<16xi32>,
        %shift_left3A_409 = arith.constant 16 : i32
        %shift_left3A_410 = vector.broadcast %shift_left3A_409 : i32 to vector<16xi32>
        %shift_left3A_411 = arith.shli %get3A_396, %shift_left3A_410 : vector<16xi32>
        %bitcast3A_412 = vector.bitcast %shift_left3A_411 : vector<16xi32> to vector<16xf32>
        %and3A_413 = arith.andi %get3A_396, %broadcast_in_dim3A_212 : vector<16xi32>
        %bitcast3A_414 = vector.bitcast %and3A_413 : vector<16xi32> to vector<16xf32>
        %mul3A_415 = arith.mulf %bitcast3A_412, %gather3A_392 : vector<16xf32>
        %swap3A_416 = arith.index_cast %add3A_388 : i32 to index
        %swap3A_417 = arith.constant 0 : index
        %swap3A_418 = tpu.vector_load %arg15[%swap3A_416, %swap3A_417] {strides = array<i32>} : memref<80x128xf32, #tpu.memory_space<vmem>>, vector<16xf32>,
        tpu.vector_store %arg15[%swap3A_416, %swap3A_417], %mul3A_415 {strides = array<i32>} : memref<80x128xf32, #tpu.memory_space<vmem>>, vector<16xf32>,
        %mul3A_419 = arith.mulf %bitcast3A_414, %gather3A_392 : vector<16xf32>
        %swap3A_420 = arith.index_cast %add3A_388 : i32 to index
        %swap3A_421 = arith.constant 64 : index
        %swap3A_422 = tpu.vector_load %arg15[%swap3A_420, %swap3A_421] {strides = array<i32>} : memref<80x128xf32, #tpu.memory_space<vmem>>, vector<16xf32>,
        tpu.vector_store %arg15[%swap3A_420, %swap3A_421], %mul3A_419 {strides = array<i32>} : memref<80x128xf32, #tpu.memory_space<vmem>>, vector<16xf32>,
        %shift_left3A_423 = arith.constant 16 : i32
        %shift_left3A_424 = vector.broadcast %shift_left3A_423 : i32 to vector<16xi32>
        %shift_left3A_425 = arith.shli %get3A_400, %shift_left3A_424 : vector<16xi32>
        %bitcast3A_426 = vector.bitcast %shift_left3A_425 : vector<16xi32> to vector<16xf32>
        %and3A_427 = arith.andi %get3A_400, %broadcast_in_dim3A_212 : vector<16xi32>
        %bitcast3A_428 = vector.bitcast %and3A_427 : vector<16xi32> to vector<16xf32>
        %mul3A_429 = arith.mulf %bitcast3A_426, %gather3A_392 : vector<16xf32>
        %swap3A_430 = arith.index_cast %add3A_388 : i32 to index
        %swap3A_431 = arith.constant 16 : index
        %swap3A_432 = tpu.vector_load %arg15[%swap3A_430, %swap3A_431] {strides = array<i32>} : memref<80x128xf32, #tpu.memory_space<vmem>>, vector<16xf32>,
        tpu.vector_store %arg15[%swap3A_430, %swap3A_431], %mul3A_429 {strides = array<i32>} : memref<80x128xf32, #tpu.memory_space<vmem>>, vector<16xf32>,
        %mul3A_433 = arith.mulf %bitcast3A_428, %gather3A_392 : vector<16xf32>
        %swap3A_434 = arith.index_cast %add3A_388 : i32 to index
        %swap3A_435 = arith.constant 80 : index
        %swap3A_436 = tpu.vector_load %arg15[%swap3A_434, %swap3A_435] {strides = array<i32>} : memref<80x128xf32, #tpu.memory_space<vmem>>, vector<16xf32>,
        tpu.vector_store %arg15[%swap3A_434, %swap3A_435], %mul3A_433 {strides = array<i32>} : memref<80x128xf32, #tpu.memory_space<vmem>>, vector<16xf32>,
        %shift_left3A_437 = arith.constant 16 : i32
        %shift_left3A_438 = vector.broadcast %shift_left3A_437 : i32 to vector<16xi32>
        %shift_left3A_439 = arith.shli %get3A_404, %shift_left3A_438 : vector<16xi32>
        %bitcast3A_440 = vector.bitcast %shift_left3A_439 : vector<16xi32> to vector<16xf32>
        %and3A_441 = arith.andi %get3A_404, %broadcast_in_dim3A_212 : vector<16xi32>
        %bitcast3A_442 = vector.bitcast %and3A_441 : vector<16xi32> to vector<16xf32>
        %mul3A_443 = arith.mulf %bitcast3A_440, %gather3A_392 : vector<16xf32>
        %swap3A_444 = arith.index_cast %add3A_388 : i32 to index
        %swap3A_445 = arith.constant 32 : index
        %swap3A_446 = tpu.vector_load %arg15[%swap3A_444, %swap3A_445] {strides = array<i32>} : memref<80x128xf32, #tpu.memory_space<vmem>>, vector<16xf32>,
        tpu.vector_store %arg15[%swap3A_444, %swap3A_445], %mul3A_443 {strides = array<i32>} : memref<80x128xf32, #tpu.memory_space<vmem>>, vector<16xf32>,
        %mul3A_447 = arith.mulf %bitcast3A_442, %gather3A_392 : vector<16xf32>
        %swap3A_448 = arith.index_cast %add3A_388 : i32 to index
        %swap3A_449 = arith.constant 96 : index
        %swap3A_450 = tpu.vector_load %arg15[%swap3A_448, %swap3A_449] {strides = array<i32>} : memref<80x128xf32, #tpu.memory_space<vmem>>, vector<16xf32>,
        tpu.vector_store %arg15[%swap3A_448, %swap3A_449], %mul3A_447 {strides = array<i32>} : memref<80x128xf32, #tpu.memory_space<vmem>>, vector<16xf32>,
        %shift_left3A_451 = arith.constant 16 : i32
        %shift_left3A_452 = vector.broadcast %shift_left3A_451 : i32 to vector<16xi32>
        %shift_left3A_453 = arith.shli %get3A_408, %shift_left3A_452 : vector<16xi32>
        %bitcast3A_454 = vector.bitcast %shift_left3A_453 : vector<16xi32> to vector<16xf32>
        %and3A_455 = arith.andi %get3A_408, %broadcast_in_dim3A_212 : vector<16xi32>
        %bitcast3A_456 = vector.bitcast %and3A_455 : vector<16xi32> to vector<16xf32>
        %mul3A_457 = arith.mulf %bitcast3A_454, %gather3A_392 : vector<16xf32>
        %swap3A_458 = arith.index_cast %add3A_388 : i32 to index
        %swap3A_459 = arith.constant 48 : index
        %swap3A_460 = tpu.vector_load %arg15[%swap3A_458, %swap3A_459] {strides = array<i32>} : memref<80x128xf32, #tpu.memory_space<vmem>>, vector<16xf32>,
        tpu.vector_store %arg15[%swap3A_458, %swap3A_459], %mul3A_457 {strides = array<i32>} : memref<80x128xf32, #tpu.memory_space<vmem>>, vector<16xf32>,
        %mul3A_461 = arith.mulf %bitcast3A_456, %gather3A_392 : vector<16xf32>
        %swap3A_462 = arith.index_cast %add3A_388 : i32 to index
        %swap3A_463 = arith.constant 112 : index
        %swap3A_464 = tpu.vector_load %arg15[%swap3A_462, %swap3A_463] {strides = array<i32>} : memref<80x128xf32, #tpu.memory_space<vmem>>, vector<16xf32>,
        tpu.vector_store %arg15[%swap3A_462, %swap3A_463], %mul3A_461 {strides = array<i32>} : memref<80x128xf32, #tpu.memory_space<vmem>>, vector<16xf32>,
        %mul3A_465 = arith.constant 16 : i32
        %mul3A_466 = arith.muli %scan3A_225, %mul3A_465 : i32
        %add3A_467 = arith.constant 3 : i32
        %add3A_468 = arith.addi %mul3A_466, %add3A_467 : i32
        %broadcast_in_dim3A_469 = arith.constant 3 : i32
        %broadcast_in_dim3A_470 = vector.broadcast %broadcast_in_dim3A_469 : i32 to vector<16x1xi32>
        %gather3A_471 = vector.shape_cast %broadcast_in_dim3A_470 : vector<16x1xi32> to vector<16xi32>
        %gather3A_472 = tpu.dynamic_gather %get3A_229[%gather3A_471] in [0] : vector<16xf32>, vector<16xi32> -> vector<16xf32>
        %get3A_473 = arith.index_cast %rem3A_148 : i32 to index
        %get3A_474 = arith.index_cast %add3A_468 : i32 to index
        %get3A_475 = arith.constant 0 : index
        %get3A_476 = tpu.vector_load %arg13[%get3A_473, %get3A_474, %get3A_475] {strides = array<i32>} : memref<2x80x64xi32, #tpu.memory_space<vmem>>, vector<16xi32>,
        %get3A_477 = arith.index_cast %rem3A_148 : i32 to index
        %get3A_478 = arith.index_cast %add3A_468 : i32 to index
        %get3A_479 = arith.constant 16 : index
        %get3A_480 = tpu.vector_load %arg13[%get3A_477, %get3A_478, %get3A_479] {strides = array<i32>} : memref<2x80x64xi32, #tpu.memory_space<vmem>>, vector<16xi32>,
        %get3A_481 = arith.index_cast %rem3A_148 : i32 to index
        %get3A_482 = arith.index_cast %add3A_468 : i32 to index
        %get3A_483 = arith.constant 32 : index
        %get3A_484 = tpu.vector_load %arg13[%get3A_481, %get3A_482, %get3A_483] {strides = array<i32>} : memref<2x80x64xi32, #tpu.memory_space<vmem>>, vector<16xi32>,
        %get3A_485 = arith.index_cast %rem3A_148 : i32 to index
        %get3A_486 = arith.index_cast %add3A_468 : i32 to index
        %get3A_487 = arith.constant 48 : index
        %get3A_488 = tpu.vector_load %arg13[%get3A_485, %get3A_486, %get3A_487] {strides = array<i32>} : memref<2x80x64xi32, #tpu.memory_space<vmem>>, vector<16xi32>,
        %shift_left3A_489 = arith.constant 16 : i32
        %shift_left3A_490 = vector.broadcast %shift_left3A_489 : i32 to vector<16xi32>
        %shift_left3A_491 = arith.shli %get3A_476, %shift_left3A_490 : vector<16xi32>
        %bitcast3A_492 = vector.bitcast %shift_left3A_491 : vector<16xi32> to vector<16xf32>
        %and3A_493 = arith.andi %get3A_476, %broadcast_in_dim3A_212 : vector<16xi32>
        %bitcast3A_494 = vector.bitcast %and3A_493 : vector<16xi32> to vector<16xf32>
        %mul3A_495 = arith.mulf %bitcast3A_492, %gather3A_472 : vector<16xf32>
        %swap3A_496 = arith.index_cast %add3A_468 : i32 to index
        %swap3A_497 = arith.constant 0 : index
        %swap3A_498 = tpu.vector_load %arg15[%swap3A_496, %swap3A_497] {strides = array<i32>} : memref<80x128xf32, #tpu.memory_space<vmem>>, vector<16xf32>,
        tpu.vector_store %arg15[%swap3A_496, %swap3A_497], %mul3A_495 {strides = array<i32>} : memref<80x128xf32, #tpu.memory_space<vmem>>, vector<16xf32>,
        %mul3A_499 = arith.mulf %bitcast3A_494, %gather3A_472 : vector<16xf32>
        %swap3A_500 = arith.index_cast %add3A_468 : i32 to index
        %swap3A_501 = arith.constant 64 : index
        %swap3A_502 = tpu.vector_load %arg15[%swap3A_500, %swap3A_501] {strides = array<i32>} : memref<80x128xf32, #tpu.memory_space<vmem>>, vector<16xf32>,
        tpu.vector_store %arg15[%swap3A_500, %swap3A_501], %mul3A_499 {strides = array<i32>} : memref<80x128xf32, #tpu.memory_space<vmem>>, vector<16xf32>,
        %shift_left3A_503 = arith.constant 16 : i32
        %shift_left3A_504 = vector.broadcast %shift_left3A_503 : i32 to vector<16xi32>
        %shift_left3A_505 = arith.shli %get3A_480, %shift_left3A_504 : vector<16xi32>
        %bitcast3A_506 = vector.bitcast %shift_left3A_505 : vector<16xi32> to vector<16xf32>
        %and3A_507 = arith.andi %get3A_480, %broadcast_in_dim3A_212 : vector<16xi32>
        %bitcast3A_508 = vector.bitcast %and3A_507 : vector<16xi32> to vector<16xf32>
        %mul3A_509 = arith.mulf %bitcast3A_506, %gather3A_472 : vector<16xf32>
        %swap3A_510 = arith.index_cast %add3A_468 : i32 to index
        %swap3A_511 = arith.constant 16 : index
        %swap3A_512 = tpu.vector_load %arg15[%swap3A_510, %swap3A_511] {strides = array<i32>} : memref<80x128xf32, #tpu.memory_space<vmem>>, vector<16xf32>,
        tpu.vector_store %arg15[%swap3A_510, %swap3A_511], %mul3A_509 {strides = array<i32>} : memref<80x128xf32, #tpu.memory_space<vmem>>, vector<16xf32>,
        %mul3A_513 = arith.mulf %bitcast3A_508, %gather3A_472 : vector<16xf32>
        %swap3A_514 = arith.index_cast %add3A_468 : i32 to index
        %swap3A_515 = arith.constant 80 : index
        %swap3A_516 = tpu.vector_load %arg15[%swap3A_514, %swap3A_515] {strides = array<i32>} : memref<80x128xf32, #tpu.memory_space<vmem>>, vector<16xf32>,
        tpu.vector_store %arg15[%swap3A_514, %swap3A_515], %mul3A_513 {strides = array<i32>} : memref<80x128xf32, #tpu.memory_space<vmem>>, vector<16xf32>,
        %shift_left3A_517 = arith.constant 16 : i32
        %shift_left3A_518 = vector.broadcast %shift_left3A_517 : i32 to vector<16xi32>
        %shift_left3A_519 = arith.shli %get3A_484, %shift_left3A_518 : vector<16xi32>
        %bitcast3A_520 = vector.bitcast %shift_left3A_519 : vector<16xi32> to vector<16xf32>
        %and3A_521 = arith.andi %get3A_484, %broadcast_in_dim3A_212 : vector<16xi32>
        %bitcast3A_522 = vector.bitcast %and3A_521 : vector<16xi32> to vector<16xf32>
        %mul3A_523 = arith.mulf %bitcast3A_520, %gather3A_472 : vector<16xf32>
        %swap3A_524 = arith.index_cast %add3A_468 : i32 to index
        %swap3A_525 = arith.constant 32 : index
        %swap3A_526 = tpu.vector_load %arg15[%swap3A_524, %swap3A_525] {strides = array<i32>} : memref<80x128xf32, #tpu.memory_space<vmem>>, vector<16xf32>,
        tpu.vector_store %arg15[%swap3A_524, %swap3A_525], %mul3A_523 {strides = array<i32>} : memref<80x128xf32, #tpu.memory_space<vmem>>, vector<16xf32>,
        %mul3A_527 = arith.mulf %bitcast3A_522, %gather3A_472 : vector<16xf32>
        %swap3A_528 = arith.index_cast %add3A_468 : i32 to index
        %swap3A_529 = arith.constant 96 : index
        %swap3A_530 = tpu.vector_load %arg15[%swap3A_528, %swap3A_529] {strides = array<i32>} : memref<80x128xf32, #tpu.memory_space<vmem>>, vector<16xf32>,
        tpu.vector_store %arg15[%swap3A_528, %swap3A_529], %mul3A_527 {strides = array<i32>} : memref<80x128xf32, #tpu.memory_space<vmem>>, vector<16xf32>,
        %shift_left3A_531 = arith.constant 16 : i32
        %shift_left3A_532 = vector.broadcast %shift_left3A_531 : i32 to vector<16xi32>
        %shift_left3A_533 = arith.shli %get3A_488, %shift_left3A_532 : vector<16xi32>
        %bitcast3A_534 = vector.bitcast %shift_left3A_533 : vector<16xi32> to vector<16xf32>
        %and3A_535 = arith.andi %get3A_488, %broadcast_in_dim3A_212 : vector<16xi32>
        %bitcast3A_536 = vector.bitcast %and3A_535 : vector<16xi32> to vector<16xf32>
        %mul3A_537 = arith.mulf %bitcast3A_534, %gather3A_472 : vector<16xf32>
        %swap3A_538 = arith.index_cast %add3A_468 : i32 to index
        %swap3A_539 = arith.constant 48 : index
        %swap3A_540 = tpu.vector_load %arg15[%swap3A_538, %swap3A_539] {strides = array<i32>} : memref<80x128xf32, #tpu.memory_space<vmem>>, vector<16xf32>,
        tpu.vector_store %arg15[%swap3A_538, %swap3A_539], %mul3A_537 {strides = array<i32>} : memref<80x128xf32, #tpu.memory_space<vmem>>, vector<16xf32>,
        %mul3A_541 = arith.mulf %bitcast3A_536, %gather3A_472 : vector<16xf32>
        %swap3A_542 = arith.index_cast %add3A_468 : i32 to index
        %swap3A_543 = arith.constant 112 : index
        %swap3A_544 = tpu.vector_load %arg15[%swap3A_542, %swap3A_543] {strides = array<i32>} : memref<80x128xf32, #tpu.memory_space<vmem>>, vector<16xf32>,
        tpu.vector_store %arg15[%swap3A_542, %swap3A_543], %mul3A_541 {strides = array<i32>} : memref<80x128xf32, #tpu.memory_space<vmem>>, vector<16xf32>,
        %mul3A_545 = arith.constant 16 : i32
        %mul3A_546 = arith.muli %scan3A_225, %mul3A_545 : i32
        %add3A_547 = arith.constant 4 : i32
        %add3A_548 = arith.addi %mul3A_546, %add3A_547 : i32
        %broadcast_in_dim3A_549 = arith.constant 4 : i32
        %broadcast_in_dim3A_550 = vector.broadcast %broadcast_in_dim3A_549 : i32 to vector<16x1xi32>
        %gather3A_551 = vector.shape_cast %broadcast_in_dim3A_550 : vector<16x1xi32> to vector<16xi32>
        %gather3A_552 = tpu.dynamic_gather %get3A_229[%gather3A_551] in [0] : vector<16xf32>, vector<16xi32> -> vector<16xf32>
        %get3A_553 = arith.index_cast %rem3A_148 : i32 to index
        %get3A_554 = arith.index_cast %add3A_548 : i32 to index
        %get3A_555 = arith.constant 0 : index
        %get3A_556 = tpu.vector_load %arg13[%get3A_553, %get3A_554, %get3A_555] {strides = array<i32>} : memref<2x80x64xi32, #tpu.memory_space<vmem>>, vector<16xi32>,
        %get3A_557 = arith.index_cast %rem3A_148 : i32 to index
        %get3A_558 = arith.index_cast %add3A_548 : i32 to index
        %get3A_559 = arith.constant 16 : index
        %get3A_560 = tpu.vector_load %arg13[%get3A_557, %get3A_558, %get3A_559] {strides = array<i32>} : memref<2x80x64xi32, #tpu.memory_space<vmem>>, vector<16xi32>,
        %get3A_561 = arith.index_cast %rem3A_148 : i32 to index
        %get3A_562 = arith.index_cast %add3A_548 : i32 to index
        %get3A_563 = arith.constant 32 : index
        %get3A_564 = tpu.vector_load %arg13[%get3A_561, %get3A_562, %get3A_563] {strides = array<i32>} : memref<2x80x64xi32, #tpu.memory_space<vmem>>, vector<16xi32>,
        %get3A_565 = arith.index_cast %rem3A_148 : i32 to index
        %get3A_566 = arith.index_cast %add3A_548 : i32 to index
        %get3A_567 = arith.constant 48 : index
        %get3A_568 = tpu.vector_load %arg13[%get3A_565, %get3A_566, %get3A_567] {strides = array<i32>} : memref<2x80x64xi32, #tpu.memory_space<vmem>>, vector<16xi32>,
        %shift_left3A_569 = arith.constant 16 : i32
        %shift_left3A_570 = vector.broadcast %shift_left3A_569 : i32 to vector<16xi32>
        %shift_left3A_571 = arith.shli %get3A_556, %shift_left3A_570 : vector<16xi32>
        %bitcast3A_572 = vector.bitcast %shift_left3A_571 : vector<16xi32> to vector<16xf32>
        %and3A_573 = arith.andi %get3A_556, %broadcast_in_dim3A_212 : vector<16xi32>
        %bitcast3A_574 = vector.bitcast %and3A_573 : vector<16xi32> to vector<16xf32>
        %mul3A_575 = arith.mulf %bitcast3A_572, %gather3A_552 : vector<16xf32>
        %swap3A_576 = arith.index_cast %add3A_548 : i32 to index
        %swap3A_577 = arith.constant 0 : index
        %swap3A_578 = tpu.vector_load %arg15[%swap3A_576, %swap3A_577] {strides = array<i32>} : memref<80x128xf32, #tpu.memory_space<vmem>>, vector<16xf32>,
        tpu.vector_store %arg15[%swap3A_576, %swap3A_577], %mul3A_575 {strides = array<i32>} : memref<80x128xf32, #tpu.memory_space<vmem>>, vector<16xf32>,
        %mul3A_579 = arith.mulf %bitcast3A_574, %gather3A_552 : vector<16xf32>
        %swap3A_580 = arith.index_cast %add3A_548 : i32 to index
        %swap3A_581 = arith.constant 64 : index
        %swap3A_582 = tpu.vector_load %arg15[%swap3A_580, %swap3A_581] {strides = array<i32>} : memref<80x128xf32, #tpu.memory_space<vmem>>, vector<16xf32>,
        tpu.vector_store %arg15[%swap3A_580, %swap3A_581], %mul3A_579 {strides = array<i32>} : memref<80x128xf32, #tpu.memory_space<vmem>>, vector<16xf32>,
        %shift_left3A_583 = arith.constant 16 : i32
        %shift_left3A_584 = vector.broadcast %shift_left3A_583 : i32 to vector<16xi32>
        %shift_left3A_585 = arith.shli %get3A_560, %shift_left3A_584 : vector<16xi32>
        %bitcast3A_586 = vector.bitcast %shift_left3A_585 : vector<16xi32> to vector<16xf32>
        %and3A_587 = arith.andi %get3A_560, %broadcast_in_dim3A_212 : vector<16xi32>
        %bitcast3A_588 = vector.bitcast %and3A_587 : vector<16xi32> to vector<16xf32>
        %mul3A_589 = arith.mulf %bitcast3A_586, %gather3A_552 : vector<16xf32>
        %swap3A_590 = arith.index_cast %add3A_548 : i32 to index
        %swap3A_591 = arith.constant 16 : index
        %swap3A_592 = tpu.vector_load %arg15[%swap3A_590, %swap3A_591] {strides = array<i32>} : memref<80x128xf32, #tpu.memory_space<vmem>>, vector<16xf32>,
        tpu.vector_store %arg15[%swap3A_590, %swap3A_591], %mul3A_589 {strides = array<i32>} : memref<80x128xf32, #tpu.memory_space<vmem>>, vector<16xf32>,
        %mul3A_593 = arith.mulf %bitcast3A_588, %gather3A_552 : vector<16xf32>
        %swap3A_594 = arith.index_cast %add3A_548 : i32 to index
        %swap3A_595 = arith.constant 80 : index
        %swap3A_596 = tpu.vector_load %arg15[%swap3A_594, %swap3A_595] {strides = array<i32>} : memref<80x128xf32, #tpu.memory_space<vmem>>, vector<16xf32>,
        tpu.vector_store %arg15[%swap3A_594, %swap3A_595], %mul3A_593 {strides = array<i32>} : memref<80x128xf32, #tpu.memory_space<vmem>>, vector<16xf32>,
        %shift_left3A_597 = arith.constant 16 : i32
        %shift_left3A_598 = vector.broadcast %shift_left3A_597 : i32 to vector<16xi32>
        %shift_left3A_599 = arith.shli %get3A_564, %shift_left3A_598 : vector<16xi32>
        %bitcast3A_600 = vector.bitcast %shift_left3A_599 : vector<16xi32> to vector<16xf32>
        %and3A_601 = arith.andi %get3A_564, %broadcast_in_dim3A_212 : vector<16xi32>
        %bitcast3A_602 = vector.bitcast %and3A_601 : vector<16xi32> to vector<16xf32>
        %mul3A_603 = arith.mulf %bitcast3A_600, %gather3A_552 : vector<16xf32>
        %swap3A_604 = arith.index_cast %add3A_548 : i32 to index
        %swap3A_605 = arith.constant 32 : index
        %swap3A_606 = tpu.vector_load %arg15[%swap3A_604, %swap3A_605] {strides = array<i32>} : memref<80x128xf32, #tpu.memory_space<vmem>>, vector<16xf32>,
        tpu.vector_store %arg15[%swap3A_604, %swap3A_605], %mul3A_603 {strides = array<i32>} : memref<80x128xf32, #tpu.memory_space<vmem>>, vector<16xf32>,
        %mul3A_607 = arith.mulf %bitcast3A_602, %gather3A_552 : vector<16xf32>
        %swap3A_608 = arith.index_cast %add3A_548 : i32 to index
        %swap3A_609 = arith.constant 96 : index
        %swap3A_610 = tpu.vector_load %arg15[%swap3A_608, %swap3A_609] {strides = array<i32>} : memref<80x128xf32, #tpu.memory_space<vmem>>, vector<16xf32>,
        tpu.vector_store %arg15[%swap3A_608, %swap3A_609], %mul3A_607 {strides = array<i32>} : memref<80x128xf32, #tpu.memory_space<vmem>>, vector<16xf32>,
        %shift_left3A_611 = arith.constant 16 : i32
        %shift_left3A_612 = vector.broadcast %shift_left3A_611 : i32 to vector<16xi32>
        %shift_left3A_613 = arith.shli %get3A_568, %shift_left3A_612 : vector<16xi32>
        %bitcast3A_614 = vector.bitcast %shift_left3A_613 : vector<16xi32> to vector<16xf32>
        %and3A_615 = arith.andi %get3A_568, %broadcast_in_dim3A_212 : vector<16xi32>
        %bitcast3A_616 = vector.bitcast %and3A_615 : vector<16xi32> to vector<16xf32>
        %mul3A_617 = arith.mulf %bitcast3A_614, %gather3A_552 : vector<16xf32>
        %swap3A_618 = arith.index_cast %add3A_548 : i32 to index
        %swap3A_619 = arith.constant 48 : index
        %swap3A_620 = tpu.vector_load %arg15[%swap3A_618, %swap3A_619] {strides = array<i32>} : memref<80x128xf32, #tpu.memory_space<vmem>>, vector<16xf32>,
        tpu.vector_store %arg15[%swap3A_618, %swap3A_619], %mul3A_617 {strides = array<i32>} : memref<80x128xf32, #tpu.memory_space<vmem>>, vector<16xf32>,
        %mul3A_621 = arith.mulf %bitcast3A_616, %gather3A_552 : vector<16xf32>
        %swap3A_622 = arith.index_cast %add3A_548 : i32 to index
        %swap3A_623 = arith.constant 112 : index
        %swap3A_624 = tpu.vector_load %arg15[%swap3A_622, %swap3A_623] {strides = array<i32>} : memref<80x128xf32, #tpu.memory_space<vmem>>, vector<16xf32>,
        tpu.vector_store %arg15[%swap3A_622, %swap3A_623], %mul3A_621 {strides = array<i32>} : memref<80x128xf32, #tpu.memory_space<vmem>>, vector<16xf32>,
        %mul3A_625 = arith.constant 16 : i32
        %mul3A_626 = arith.muli %scan3A_225, %mul3A_625 : i32
        %add3A_627 = arith.constant 5 : i32
        %add3A_628 = arith.addi %mul3A_626, %add3A_627 : i32
        %broadcast_in_dim3A_629 = arith.constant 5 : i32
        %broadcast_in_dim3A_630 = vector.broadcast %broadcast_in_dim3A_629 : i32 to vector<16x1xi32>
        %gather3A_631 = vector.shape_cast %broadcast_in_dim3A_630 : vector<16x1xi32> to vector<16xi32>
        %gather3A_632 = tpu.dynamic_gather %get3A_229[%gather3A_631] in [0] : vector<16xf32>, vector<16xi32> -> vector<16xf32>
        %get3A_633 = arith.index_cast %rem3A_148 : i32 to index
        %get3A_634 = arith.index_cast %add3A_628 : i32 to index
        %get3A_635 = arith.constant 0 : index
        %get3A_636 = tpu.vector_load %arg13[%get3A_633, %get3A_634, %get3A_635] {strides = array<i32>} : memref<2x80x64xi32, #tpu.memory_space<vmem>>, vector<16xi32>,
        %get3A_637 = arith.index_cast %rem3A_148 : i32 to index
        %get3A_638 = arith.index_cast %add3A_628 : i32 to index
        %get3A_639 = arith.constant 16 : index
        %get3A_640 = tpu.vector_load %arg13[%get3A_637, %get3A_638, %get3A_639] {strides = array<i32>} : memref<2x80x64xi32, #tpu.memory_space<vmem>>, vector<16xi32>,
        %get3A_641 = arith.index_cast %rem3A_148 : i32 to index
        %get3A_642 = arith.index_cast %add3A_628 : i32 to index
        %get3A_643 = arith.constant 32 : index
        %get3A_644 = tpu.vector_load %arg13[%get3A_641, %get3A_642, %get3A_643] {strides = array<i32>} : memref<2x80x64xi32, #tpu.memory_space<vmem>>, vector<16xi32>,
        %get3A_645 = arith.index_cast %rem3A_148 : i32 to index
        %get3A_646 = arith.index_cast %add3A_628 : i32 to index
        %get3A_647 = arith.constant 48 : index
        %get3A_648 = tpu.vector_load %arg13[%get3A_645, %get3A_646, %get3A_647] {strides = array<i32>} : memref<2x80x64xi32, #tpu.memory_space<vmem>>, vector<16xi32>,
        %shift_left3A_649 = arith.constant 16 : i32
        %shift_left3A_650 = vector.broadcast %shift_left3A_649 : i32 to vector<16xi32>
        %shift_left3A_651 = arith.shli %get3A_636, %shift_left3A_650 : vector<16xi32>
        %bitcast3A_652 = vector.bitcast %shift_left3A_651 : vector<16xi32> to vector<16xf32>
        %and3A_653 = arith.andi %get3A_636, %broadcast_in_dim3A_212 : vector<16xi32>
        %bitcast3A_654 = vector.bitcast %and3A_653 : vector<16xi32> to vector<16xf32>
        %mul3A_655 = arith.mulf %bitcast3A_652, %gather3A_632 : vector<16xf32>
        %swap3A_656 = arith.index_cast %add3A_628 : i32 to index
        %swap3A_657 = arith.constant 0 : index
        %swap3A_658 = tpu.vector_load %arg15[%swap3A_656, %swap3A_657] {strides = array<i32>} : memref<80x128xf32, #tpu.memory_space<vmem>>, vector<16xf32>,
        tpu.vector_store %arg15[%swap3A_656, %swap3A_657], %mul3A_655 {strides = array<i32>} : memref<80x128xf32, #tpu.memory_space<vmem>>, vector<16xf32>,
        %mul3A_659 = arith.mulf %bitcast3A_654, %gather3A_632 : vector<16xf32>
        %swap3A_660 = arith.index_cast %add3A_628 : i32 to index
        %swap3A_661 = arith.constant 64 : index
        %swap3A_662 = tpu.vector_load %arg15[%swap3A_660, %swap3A_661] {strides = array<i32>} : memref<80x128xf32, #tpu.memory_space<vmem>>, vector<16xf32>,
        tpu.vector_store %arg15[%swap3A_660, %swap3A_661], %mul3A_659 {strides = array<i32>} : memref<80x128xf32, #tpu.memory_space<vmem>>, vector<16xf32>,
        %shift_left3A_663 = arith.constant 16 : i32
        %shift_left3A_664 = vector.broadcast %shift_left3A_663 : i32 to vector<16xi32>
        %shift_left3A_665 = arith.shli %get3A_640, %shift_left3A_664 : vector<16xi32>
        %bitcast3A_666 = vector.bitcast %shift_left3A_665 : vector<16xi32> to vector<16xf32>
        %and3A_667 = arith.andi %get3A_640, %broadcast_in_dim3A_212 : vector<16xi32>
        %bitcast3A_668 = vector.bitcast %and3A_667 : vector<16xi32> to vector<16xf32>
        %mul3A_669 = arith.mulf %bitcast3A_666, %gather3A_632 : vector<16xf32>
        %swap3A_670 = arith.index_cast %add3A_628 : i32 to index
        %swap3A_671 = arith.constant 16 : index
        %swap3A_672 = tpu.vector_load %arg15[%swap3A_670, %swap3A_671] {strides = array<i32>} : memref<80x128xf32, #tpu.memory_space<vmem>>, vector<16xf32>,
        tpu.vector_store %arg15[%swap3A_670, %swap3A_671], %mul3A_669 {strides = array<i32>} : memref<80x128xf32, #tpu.memory_space<vmem>>, vector<16xf32>,
        %mul3A_673 = arith.mulf %bitcast3A_668, %gather3A_632 : vector<16xf32>
        %swap3A_674 = arith.index_cast %add3A_628 : i32 to index
        %swap3A_675 = arith.constant 80 : index
        %swap3A_676 = tpu.vector_load %arg15[%swap3A_674, %swap3A_675] {strides = array<i32>} : memref<80x128xf32, #tpu.memory_space<vmem>>, vector<16xf32>,
        tpu.vector_store %arg15[%swap3A_674, %swap3A_675], %mul3A_673 {strides = array<i32>} : memref<80x128xf32, #tpu.memory_space<vmem>>, vector<16xf32>,
        %shift_left3A_677 = arith.constant 16 : i32
        %shift_left3A_678 = vector.broadcast %shift_left3A_677 : i32 to vector<16xi32>
        %shift_left3A_679 = arith.shli %get3A_644, %shift_left3A_678 : vector<16xi32>
        %bitcast3A_680 = vector.bitcast %shift_left3A_679 : vector<16xi32> to vector<16xf32>
        %and3A_681 = arith.andi %get3A_644, %broadcast_in_dim3A_212 : vector<16xi32>
        %bitcast3A_682 = vector.bitcast %and3A_681 : vector<16xi32> to vector<16xf32>
        %mul3A_683 = arith.mulf %bitcast3A_680, %gather3A_632 : vector<16xf32>
        %swap3A_684 = arith.index_cast %add3A_628 : i32 to index
        %swap3A_685 = arith.constant 32 : index
        %swap3A_686 = tpu.vector_load %arg15[%swap3A_684, %swap3A_685] {strides = array<i32>} : memref<80x128xf32, #tpu.memory_space<vmem>>, vector<16xf32>,
        tpu.vector_store %arg15[%swap3A_684, %swap3A_685], %mul3A_683 {strides = array<i32>} : memref<80x128xf32, #tpu.memory_space<vmem>>, vector<16xf32>,
        %mul3A_687 = arith.mulf %bitcast3A_682, %gather3A_632 : vector<16xf32>
        %swap3A_688 = arith.index_cast %add3A_628 : i32 to index
        %swap3A_689 = arith.constant 96 : index
        %swap3A_690 = tpu.vector_load %arg15[%swap3A_688, %swap3A_689] {strides = array<i32>} : memref<80x128xf32, #tpu.memory_space<vmem>>, vector<16xf32>,
        tpu.vector_store %arg15[%swap3A_688, %swap3A_689], %mul3A_687 {strides = array<i32>} : memref<80x128xf32, #tpu.memory_space<vmem>>, vector<16xf32>,
        %shift_left3A_691 = arith.constant 16 : i32
        %shift_left3A_692 = vector.broadcast %shift_left3A_691 : i32 to vector<16xi32>
        %shift_left3A_693 = arith.shli %get3A_648, %shift_left3A_692 : vector<16xi32>
        %bitcast3A_694 = vector.bitcast %shift_left3A_693 : vector<16xi32> to vector<16xf32>
        %and3A_695 = arith.andi %get3A_648, %broadcast_in_dim3A_212 : vector<16xi32>
        %bitcast3A_696 = vector.bitcast %and3A_695 : vector<16xi32> to vector<16xf32>
        %mul3A_697 = arith.mulf %bitcast3A_694, %gather3A_632 : vector<16xf32>
        %swap3A_698 = arith.index_cast %add3A_628 : i32 to index
        %swap3A_699 = arith.constant 48 : index
        %swap3A_700 = tpu.vector_load %arg15[%swap3A_698, %swap3A_699] {strides = array<i32>} : memref<80x128xf32, #tpu.memory_space<vmem>>, vector<16xf32>,
        tpu.vector_store %arg15[%swap3A_698, %swap3A_699], %mul3A_697 {strides = array<i32>} : memref<80x128xf32, #tpu.memory_space<vmem>>, vector<16xf32>,
        %mul3A_701 = arith.mulf %bitcast3A_696, %gather3A_632 : vector<16xf32>
        %swap3A_702 = arith.index_cast %add3A_628 : i32 to index
        %swap3A_703 = arith.constant 112 : index
        %swap3A_704 = tpu.vector_load %arg15[%swap3A_702, %swap3A_703] {strides = array<i32>} : memref<80x128xf32, #tpu.memory_space<vmem>>, vector<16xf32>,
        tpu.vector_store %arg15[%swap3A_702, %swap3A_703], %mul3A_701 {strides = array<i32>} : memref<80x128xf32, #tpu.memory_space<vmem>>, vector<16xf32>,
        %mul3A_705 = arith.constant 16 : i32
        %mul3A_706 = arith.muli %scan3A_225, %mul3A_705 : i32
        %add3A_707 = arith.constant 6 : i32
        %add3A_708 = arith.addi %mul3A_706, %add3A_707 : i32
        %broadcast_in_dim3A_709 = arith.constant 6 : i32
        %broadcast_in_dim3A_710 = vector.broadcast %broadcast_in_dim3A_709 : i32 to vector<16x1xi32>
        %gather3A_711 = vector.shape_cast %broadcast_in_dim3A_710 : vector<16x1xi32> to vector<16xi32>
        %gather3A_712 = tpu.dynamic_gather %get3A_229[%gather3A_711] in [0] : vector<16xf32>, vector<16xi32> -> vector<16xf32>
        %get3A_713 = arith.index_cast %rem3A_148 : i32 to index
        %get3A_714 = arith.index_cast %add3A_708 : i32 to index
        %get3A_715 = arith.constant 0 : index
        %get3A_716 = tpu.vector_load %arg13[%get3A_713, %get3A_714, %get3A_715] {strides = array<i32>} : memref<2x80x64xi32, #tpu.memory_space<vmem>>, vector<16xi32>,
        %get3A_717 = arith.index_cast %rem3A_148 : i32 to index
        %get3A_718 = arith.index_cast %add3A_708 : i32 to index
        %get3A_719 = arith.constant 16 : index
        %get3A_720 = tpu.vector_load %arg13[%get3A_717, %get3A_718, %get3A_719] {strides = array<i32>} : memref<2x80x64xi32, #tpu.memory_space<vmem>>, vector<16xi32>,
        %get3A_721 = arith.index_cast %rem3A_148 : i32 to index
        %get3A_722 = arith.index_cast %add3A_708 : i32 to index
        %get3A_723 = arith.constant 32 : index
        %get3A_724 = tpu.vector_load %arg13[%get3A_721, %get3A_722, %get3A_723] {strides = array<i32>} : memref<2x80x64xi32, #tpu.memory_space<vmem>>, vector<16xi32>,
        %get3A_725 = arith.index_cast %rem3A_148 : i32 to index
        %get3A_726 = arith.index_cast %add3A_708 : i32 to index
        %get3A_727 = arith.constant 48 : index
        %get3A_728 = tpu.vector_load %arg13[%get3A_725, %get3A_726, %get3A_727] {strides = array<i32>} : memref<2x80x64xi32, #tpu.memory_space<vmem>>, vector<16xi32>,
        %shift_left3A_729 = arith.constant 16 : i32
        %shift_left3A_730 = vector.broadcast %shift_left3A_729 : i32 to vector<16xi32>
        %shift_left3A_731 = arith.shli %get3A_716, %shift_left3A_730 : vector<16xi32>
        %bitcast3A_732 = vector.bitcast %shift_left3A_731 : vector<16xi32> to vector<16xf32>
        %and3A_733 = arith.andi %get3A_716, %broadcast_in_dim3A_212 : vector<16xi32>
        %bitcast3A_734 = vector.bitcast %and3A_733 : vector<16xi32> to vector<16xf32>
        %mul3A_735 = arith.mulf %bitcast3A_732, %gather3A_712 : vector<16xf32>
        %swap3A_736 = arith.index_cast %add3A_708 : i32 to index
        %swap3A_737 = arith.constant 0 : index
        %swap3A_738 = tpu.vector_load %arg15[%swap3A_736, %swap3A_737] {strides = array<i32>} : memref<80x128xf32, #tpu.memory_space<vmem>>, vector<16xf32>,
        tpu.vector_store %arg15[%swap3A_736, %swap3A_737], %mul3A_735 {strides = array<i32>} : memref<80x128xf32, #tpu.memory_space<vmem>>, vector<16xf32>,
        %mul3A_739 = arith.mulf %bitcast3A_734, %gather3A_712 : vector<16xf32>
        %swap3A_740 = arith.index_cast %add3A_708 : i32 to index
        %swap3A_741 = arith.constant 64 : index
        %swap3A_742 = tpu.vector_load %arg15[%swap3A_740, %swap3A_741] {strides = array<i32>} : memref<80x128xf32, #tpu.memory_space<vmem>>, vector<16xf32>,
        tpu.vector_store %arg15[%swap3A_740, %swap3A_741], %mul3A_739 {strides = array<i32>} : memref<80x128xf32, #tpu.memory_space<vmem>>, vector<16xf32>,
        %shift_left3A_743 = arith.constant 16 : i32
        %shift_left3A_744 = vector.broadcast %shift_left3A_743 : i32 to vector<16xi32>
        %shift_left3A_745 = arith.shli %get3A_720, %shift_left3A_744 : vector<16xi32>
        %bitcast3A_746 = vector.bitcast %shift_left3A_745 : vector<16xi32> to vector<16xf32>
        %and3A_747 = arith.andi %get3A_720, %broadcast_in_dim3A_212 : vector<16xi32>
        %bitcast3A_748 = vector.bitcast %and3A_747 : vector<16xi32> to vector<16xf32>
        %mul3A_749 = arith.mulf %bitcast3A_746, %gather3A_712 : vector<16xf32>
        %swap3A_750 = arith.index_cast %add3A_708 : i32 to index
        %swap3A_751 = arith.constant 16 : index
        %swap3A_752 = tpu.vector_load %arg15[%swap3A_750, %swap3A_751] {strides = array<i32>} : memref<80x128xf32, #tpu.memory_space<vmem>>, vector<16xf32>,
        tpu.vector_store %arg15[%swap3A_750, %swap3A_751], %mul3A_749 {strides = array<i32>} : memref<80x128xf32, #tpu.memory_space<vmem>>, vector<16xf32>,
        %mul3A_753 = arith.mulf %bitcast3A_748, %gather3A_712 : vector<16xf32>
        %swap3A_754 = arith.index_cast %add3A_708 : i32 to index
        %swap3A_755 = arith.constant 80 : index
        %swap3A_756 = tpu.vector_load %arg15[%swap3A_754, %swap3A_755] {strides = array<i32>} : memref<80x128xf32, #tpu.memory_space<vmem>>, vector<16xf32>,
        tpu.vector_store %arg15[%swap3A_754, %swap3A_755], %mul3A_753 {strides = array<i32>} : memref<80x128xf32, #tpu.memory_space<vmem>>, vector<16xf32>,
        %shift_left3A_757 = arith.constant 16 : i32
        %shift_left3A_758 = vector.broadcast %shift_left3A_757 : i32 to vector<16xi32>
        %shift_left3A_759 = arith.shli %get3A_724, %shift_left3A_758 : vector<16xi32>
        %bitcast3A_760 = vector.bitcast %shift_left3A_759 : vector<16xi32> to vector<16xf32>
        %and3A_761 = arith.andi %get3A_724, %broadcast_in_dim3A_212 : vector<16xi32>
        %bitcast3A_762 = vector.bitcast %and3A_761 : vector<16xi32> to vector<16xf32>
        %mul3A_763 = arith.mulf %bitcast3A_760, %gather3A_712 : vector<16xf32>
        %swap3A_764 = arith.index_cast %add3A_708 : i32 to index
        %swap3A_765 = arith.constant 32 : index
        %swap3A_766 = tpu.vector_load %arg15[%swap3A_764, %swap3A_765] {strides = array<i32>} : memref<80x128xf32, #tpu.memory_space<vmem>>, vector<16xf32>,
        tpu.vector_store %arg15[%swap3A_764, %swap3A_765], %mul3A_763 {strides = array<i32>} : memref<80x128xf32, #tpu.memory_space<vmem>>, vector<16xf32>,
        %mul3A_767 = arith.mulf %bitcast3A_762, %gather3A_712 : vector<16xf32>
        %swap3A_768 = arith.index_cast %add3A_708 : i32 to index
        %swap3A_769 = arith.constant 96 : index
        %swap3A_770 = tpu.vector_load %arg15[%swap3A_768, %swap3A_769] {strides = array<i32>} : memref<80x128xf32, #tpu.memory_space<vmem>>, vector<16xf32>,
        tpu.vector_store %arg15[%swap3A_768, %swap3A_769], %mul3A_767 {strides = array<i32>} : memref<80x128xf32, #tpu.memory_space<vmem>>, vector<16xf32>,
        %shift_left3A_771 = arith.constant 16 : i32
        %shift_left3A_772 = vector.broadcast %shift_left3A_771 : i32 to vector<16xi32>
        %shift_left3A_773 = arith.shli %get3A_728, %shift_left3A_772 : vector<16xi32>
        %bitcast3A_774 = vector.bitcast %shift_left3A_773 : vector<16xi32> to vector<16xf32>
        %and3A_775 = arith.andi %get3A_728, %broadcast_in_dim3A_212 : vector<16xi32>
        %bitcast3A_776 = vector.bitcast %and3A_775 : vector<16xi32> to vector<16xf32>
        %mul3A_777 = arith.mulf %bitcast3A_774, %gather3A_712 : vector<16xf32>
        %swap3A_778 = arith.index_cast %add3A_708 : i32 to index
        %swap3A_779 = arith.constant 48 : index
        %swap3A_780 = tpu.vector_load %arg15[%swap3A_778, %swap3A_779] {strides = array<i32>} : memref<80x128xf32, #tpu.memory_space<vmem>>, vector<16xf32>,
        tpu.vector_store %arg15[%swap3A_778, %swap3A_779], %mul3A_777 {strides = array<i32>} : memref<80x128xf32, #tpu.memory_space<vmem>>, vector<16xf32>,
        %mul3A_781 = arith.mulf %bitcast3A_776, %gather3A_712 : vector<16xf32>
        %swap3A_782 = arith.index_cast %add3A_708 : i32 to index
        %swap3A_783 = arith.constant 112 : index
        %swap3A_784 = tpu.vector_load %arg15[%swap3A_782, %swap3A_783] {strides = array<i32>} : memref<80x128xf32, #tpu.memory_space<vmem>>, vector<16xf32>,
        tpu.vector_store %arg15[%swap3A_782, %swap3A_783], %mul3A_781 {strides = array<i32>} : memref<80x128xf32, #tpu.memory_space<vmem>>, vector<16xf32>,
        %mul3A_785 = arith.constant 16 : i32
        %mul3A_786 = arith.muli %scan3A_225, %mul3A_785 : i32
        %add3A_787 = arith.constant 7 : i32
        %add3A_788 = arith.addi %mul3A_786, %add3A_787 : i32
        %broadcast_in_dim3A_789 = arith.constant 7 : i32
        %broadcast_in_dim3A_790 = vector.broadcast %broadcast_in_dim3A_789 : i32 to vector<16x1xi32>
        %gather3A_791 = vector.shape_cast %broadcast_in_dim3A_790 : vector<16x1xi32> to vector<16xi32>
        %gather3A_792 = tpu.dynamic_gather %get3A_229[%gather3A_791] in [0] : vector<16xf32>, vector<16xi32> -> vector<16xf32>
        %get3A_793 = arith.index_cast %rem3A_148 : i32 to index
        %get3A_794 = arith.index_cast %add3A_788 : i32 to index
        %get3A_795 = arith.constant 0 : index
        %get3A_796 = tpu.vector_load %arg13[%get3A_793, %get3A_794, %get3A_795] {strides = array<i32>} : memref<2x80x64xi32, #tpu.memory_space<vmem>>, vector<16xi32>,
        %get3A_797 = arith.index_cast %rem3A_148 : i32 to index
        %get3A_798 = arith.index_cast %add3A_788 : i32 to index
        %get3A_799 = arith.constant 16 : index
        %get3A_800 = tpu.vector_load %arg13[%get3A_797, %get3A_798, %get3A_799] {strides = array<i32>} : memref<2x80x64xi32, #tpu.memory_space<vmem>>, vector<16xi32>,
        %get3A_801 = arith.index_cast %rem3A_148 : i32 to index
        %get3A_802 = arith.index_cast %add3A_788 : i32 to index
        %get3A_803 = arith.constant 32 : index
        %get3A_804 = tpu.vector_load %arg13[%get3A_801, %get3A_802, %get3A_803] {strides = array<i32>} : memref<2x80x64xi32, #tpu.memory_space<vmem>>, vector<16xi32>,
        %get3A_805 = arith.index_cast %rem3A_148 : i32 to index
        %get3A_806 = arith.index_cast %add3A_788 : i32 to index
        %get3A_807 = arith.constant 48 : index
        %get3A_808 = tpu.vector_load %arg13[%get3A_805, %get3A_806, %get3A_807] {strides = array<i32>} : memref<2x80x64xi32, #tpu.memory_space<vmem>>, vector<16xi32>,
        %shift_left3A_809 = arith.constant 16 : i32
        %shift_left3A_810 = vector.broadcast %shift_left3A_809 : i32 to vector<16xi32>
        %shift_left3A_811 = arith.shli %get3A_796, %shift_left3A_810 : vector<16xi32>
        %bitcast3A_812 = vector.bitcast %shift_left3A_811 : vector<16xi32> to vector<16xf32>
        %and3A_813 = arith.andi %get3A_796, %broadcast_in_dim3A_212 : vector<16xi32>
        %bitcast3A_814 = vector.bitcast %and3A_813 : vector<16xi32> to vector<16xf32>
        %mul3A_815 = arith.mulf %bitcast3A_812, %gather3A_792 : vector<16xf32>
        %swap3A_816 = arith.index_cast %add3A_788 : i32 to index
        %swap3A_817 = arith.constant 0 : index
        %swap3A_818 = tpu.vector_load %arg15[%swap3A_816, %swap3A_817] {strides = array<i32>} : memref<80x128xf32, #tpu.memory_space<vmem>>, vector<16xf32>,
        tpu.vector_store %arg15[%swap3A_816, %swap3A_817], %mul3A_815 {strides = array<i32>} : memref<80x128xf32, #tpu.memory_space<vmem>>, vector<16xf32>,
        %mul3A_819 = arith.mulf %bitcast3A_814, %gather3A_792 : vector<16xf32>
        %swap3A_820 = arith.index_cast %add3A_788 : i32 to index
        %swap3A_821 = arith.constant 64 : index
        %swap3A_822 = tpu.vector_load %arg15[%swap3A_820, %swap3A_821] {strides = array<i32>} : memref<80x128xf32, #tpu.memory_space<vmem>>, vector<16xf32>,
        tpu.vector_store %arg15[%swap3A_820, %swap3A_821], %mul3A_819 {strides = array<i32>} : memref<80x128xf32, #tpu.memory_space<vmem>>, vector<16xf32>,
        %shift_left3A_823 = arith.constant 16 : i32
        %shift_left3A_824 = vector.broadcast %shift_left3A_823 : i32 to vector<16xi32>
        %shift_left3A_825 = arith.shli %get3A_800, %shift_left3A_824 : vector<16xi32>
        %bitcast3A_826 = vector.bitcast %shift_left3A_825 : vector<16xi32> to vector<16xf32>
        %and3A_827 = arith.andi %get3A_800, %broadcast_in_dim3A_212 : vector<16xi32>
        %bitcast3A_828 = vector.bitcast %and3A_827 : vector<16xi32> to vector<16xf32>
        %mul3A_829 = arith.mulf %bitcast3A_826, %gather3A_792 : vector<16xf32>
        %swap3A_830 = arith.index_cast %add3A_788 : i32 to index
        %swap3A_831 = arith.constant 16 : index
        %swap3A_832 = tpu.vector_load %arg15[%swap3A_830, %swap3A_831] {strides = array<i32>} : memref<80x128xf32, #tpu.memory_space<vmem>>, vector<16xf32>,
        tpu.vector_store %arg15[%swap3A_830, %swap3A_831], %mul3A_829 {strides = array<i32>} : memref<80x128xf32, #tpu.memory_space<vmem>>, vector<16xf32>,
        %mul3A_833 = arith.mulf %bitcast3A_828, %gather3A_792 : vector<16xf32>
        %swap3A_834 = arith.index_cast %add3A_788 : i32 to index
        %swap3A_835 = arith.constant 80 : index
        %swap3A_836 = tpu.vector_load %arg15[%swap3A_834, %swap3A_835] {strides = array<i32>} : memref<80x128xf32, #tpu.memory_space<vmem>>, vector<16xf32>,
        tpu.vector_store %arg15[%swap3A_834, %swap3A_835], %mul3A_833 {strides = array<i32>} : memref<80x128xf32, #tpu.memory_space<vmem>>, vector<16xf32>,
        %shift_left3A_837 = arith.constant 16 : i32
        %shift_left3A_838 = vector.broadcast %shift_left3A_837 : i32 to vector<16xi32>
        %shift_left3A_839 = arith.shli %get3A_804, %shift_left3A_838 : vector<16xi32>
        %bitcast3A_840 = vector.bitcast %shift_left3A_839 : vector<16xi32> to vector<16xf32>
        %and3A_841 = arith.andi %get3A_804, %broadcast_in_dim3A_212 : vector<16xi32>
        %bitcast3A_842 = vector.bitcast %and3A_841 : vector<16xi32> to vector<16xf32>
        %mul3A_843 = arith.mulf %bitcast3A_840, %gather3A_792 : vector<16xf32>
        %swap3A_844 = arith.index_cast %add3A_788 : i32 to index
        %swap3A_845 = arith.constant 32 : index
        %swap3A_846 = tpu.vector_load %arg15[%swap3A_844, %swap3A_845] {strides = array<i32>} : memref<80x128xf32, #tpu.memory_space<vmem>>, vector<16xf32>,
        tpu.vector_store %arg15[%swap3A_844, %swap3A_845], %mul3A_843 {strides = array<i32>} : memref<80x128xf32, #tpu.memory_space<vmem>>, vector<16xf32>,
        %mul3A_847 = arith.mulf %bitcast3A_842, %gather3A_792 : vector<16xf32>
        %swap3A_848 = arith.index_cast %add3A_788 : i32 to index
        %swap3A_849 = arith.constant 96 : index
        %swap3A_850 = tpu.vector_load %arg15[%swap3A_848, %swap3A_849] {strides = array<i32>} : memref<80x128xf32, #tpu.memory_space<vmem>>, vector<16xf32>,
        tpu.vector_store %arg15[%swap3A_848, %swap3A_849], %mul3A_847 {strides = array<i32>} : memref<80x128xf32, #tpu.memory_space<vmem>>, vector<16xf32>,
        %shift_left3A_851 = arith.constant 16 : i32
        %shift_left3A_852 = vector.broadcast %shift_left3A_851 : i32 to vector<16xi32>
        %shift_left3A_853 = arith.shli %get3A_808, %shift_left3A_852 : vector<16xi32>
        %bitcast3A_854 = vector.bitcast %shift_left3A_853 : vector<16xi32> to vector<16xf32>
        %and3A_855 = arith.andi %get3A_808, %broadcast_in_dim3A_212 : vector<16xi32>
        %bitcast3A_856 = vector.bitcast %and3A_855 : vector<16xi32> to vector<16xf32>
        %mul3A_857 = arith.mulf %bitcast3A_854, %gather3A_792 : vector<16xf32>
        %swap3A_858 = arith.index_cast %add3A_788 : i32 to index
        %swap3A_859 = arith.constant 48 : index
        %swap3A_860 = tpu.vector_load %arg15[%swap3A_858, %swap3A_859] {strides = array<i32>} : memref<80x128xf32, #tpu.memory_space<vmem>>, vector<16xf32>,
        tpu.vector_store %arg15[%swap3A_858, %swap3A_859], %mul3A_857 {strides = array<i32>} : memref<80x128xf32, #tpu.memory_space<vmem>>, vector<16xf32>,
        %mul3A_861 = arith.mulf %bitcast3A_856, %gather3A_792 : vector<16xf32>
        %swap3A_862 = arith.index_cast %add3A_788 : i32 to index
        %swap3A_863 = arith.constant 112 : index
        %swap3A_864 = tpu.vector_load %arg15[%swap3A_862, %swap3A_863] {strides = array<i32>} : memref<80x128xf32, #tpu.memory_space<vmem>>, vector<16xf32>,
        tpu.vector_store %arg15[%swap3A_862, %swap3A_863], %mul3A_861 {strides = array<i32>} : memref<80x128xf32, #tpu.memory_space<vmem>>, vector<16xf32>,
        %mul3A_865 = arith.constant 16 : i32
        %mul3A_866 = arith.muli %scan3A_225, %mul3A_865 : i32
        %add3A_867 = arith.constant 8 : i32
        %add3A_868 = arith.addi %mul3A_866, %add3A_867 : i32
        %broadcast_in_dim3A_869 = arith.constant 8 : i32
        %broadcast_in_dim3A_870 = vector.broadcast %broadcast_in_dim3A_869 : i32 to vector<16x1xi32>
        %gather3A_871 = vector.shape_cast %broadcast_in_dim3A_870 : vector<16x1xi32> to vector<16xi32>
        %gather3A_872 = tpu.dynamic_gather %get3A_229[%gather3A_871] in [0] : vector<16xf32>, vector<16xi32> -> vector<16xf32>
        %get3A_873 = arith.index_cast %rem3A_148 : i32 to index
        %get3A_874 = arith.index_cast %add3A_868 : i32 to index
        %get3A_875 = arith.constant 0 : index
        %get3A_876 = tpu.vector_load %arg13[%get3A_873, %get3A_874, %get3A_875] {strides = array<i32>} : memref<2x80x64xi32, #tpu.memory_space<vmem>>, vector<16xi32>,
        %get3A_877 = arith.index_cast %rem3A_148 : i32 to index
        %get3A_878 = arith.index_cast %add3A_868 : i32 to index
        %get3A_879 = arith.constant 16 : index
        %get3A_880 = tpu.vector_load %arg13[%get3A_877, %get3A_878, %get3A_879] {strides = array<i32>} : memref<2x80x64xi32, #tpu.memory_space<vmem>>, vector<16xi32>,
        %get3A_881 = arith.index_cast %rem3A_148 : i32 to index
        %get3A_882 = arith.index_cast %add3A_868 : i32 to index
        %get3A_883 = arith.constant 32 : index
        %get3A_884 = tpu.vector_load %arg13[%get3A_881, %get3A_882, %get3A_883] {strides = array<i32>} : memref<2x80x64xi32, #tpu.memory_space<vmem>>, vector<16xi32>,
        %get3A_885 = arith.index_cast %rem3A_148 : i32 to index
        %get3A_886 = arith.index_cast %add3A_868 : i32 to index
        %get3A_887 = arith.constant 48 : index
        %get3A_888 = tpu.vector_load %arg13[%get3A_885, %get3A_886, %get3A_887] {strides = array<i32>} : memref<2x80x64xi32, #tpu.memory_space<vmem>>, vector<16xi32>,
        %shift_left3A_889 = arith.constant 16 : i32
        %shift_left3A_890 = vector.broadcast %shift_left3A_889 : i32 to vector<16xi32>
        %shift_left3A_891 = arith.shli %get3A_876, %shift_left3A_890 : vector<16xi32>
        %bitcast3A_892 = vector.bitcast %shift_left3A_891 : vector<16xi32> to vector<16xf32>
        %and3A_893 = arith.andi %get3A_876, %broadcast_in_dim3A_212 : vector<16xi32>
        %bitcast3A_894 = vector.bitcast %and3A_893 : vector<16xi32> to vector<16xf32>
        %mul3A_895 = arith.mulf %bitcast3A_892, %gather3A_872 : vector<16xf32>
        %swap3A_896 = arith.index_cast %add3A_868 : i32 to index
        %swap3A_897 = arith.constant 0 : index
        %swap3A_898 = tpu.vector_load %arg15[%swap3A_896, %swap3A_897] {strides = array<i32>} : memref<80x128xf32, #tpu.memory_space<vmem>>, vector<16xf32>,
        tpu.vector_store %arg15[%swap3A_896, %swap3A_897], %mul3A_895 {strides = array<i32>} : memref<80x128xf32, #tpu.memory_space<vmem>>, vector<16xf32>,
        %mul3A_899 = arith.mulf %bitcast3A_894, %gather3A_872 : vector<16xf32>
        %swap3A_900 = arith.index_cast %add3A_868 : i32 to index
        %swap3A_901 = arith.constant 64 : index
        %swap3A_902 = tpu.vector_load %arg15[%swap3A_900, %swap3A_901] {strides = array<i32>} : memref<80x128xf32, #tpu.memory_space<vmem>>, vector<16xf32>,
        tpu.vector_store %arg15[%swap3A_900, %swap3A_901], %mul3A_899 {strides = array<i32>} : memref<80x128xf32, #tpu.memory_space<vmem>>, vector<16xf32>,
        %shift_left3A_903 = arith.constant 16 : i32
        %shift_left3A_904 = vector.broadcast %shift_left3A_903 : i32 to vector<16xi32>
        %shift_left3A_905 = arith.shli %get3A_880, %shift_left3A_904 : vector<16xi32>
        %bitcast3A_906 = vector.bitcast %shift_left3A_905 : vector<16xi32> to vector<16xf32>
        %and3A_907 = arith.andi %get3A_880, %broadcast_in_dim3A_212 : vector<16xi32>
        %bitcast3A_908 = vector.bitcast %and3A_907 : vector<16xi32> to vector<16xf32>
        %mul3A_909 = arith.mulf %bitcast3A_906, %gather3A_872 : vector<16xf32>
        %swap3A_910 = arith.index_cast %add3A_868 : i32 to index
        %swap3A_911 = arith.constant 16 : index
        %swap3A_912 = tpu.vector_load %arg15[%swap3A_910, %swap3A_911] {strides = array<i32>} : memref<80x128xf32, #tpu.memory_space<vmem>>, vector<16xf32>,
        tpu.vector_store %arg15[%swap3A_910, %swap3A_911], %mul3A_909 {strides = array<i32>} : memref<80x128xf32, #tpu.memory_space<vmem>>, vector<16xf32>,
        %mul3A_913 = arith.mulf %bitcast3A_908, %gather3A_872 : vector<16xf32>
        %swap3A_914 = arith.index_cast %add3A_868 : i32 to index
        %swap3A_915 = arith.constant 80 : index
        %swap3A_916 = tpu.vector_load %arg15[%swap3A_914, %swap3A_915] {strides = array<i32>} : memref<80x128xf32, #tpu.memory_space<vmem>>, vector<16xf32>,
        tpu.vector_store %arg15[%swap3A_914, %swap3A_915], %mul3A_913 {strides = array<i32>} : memref<80x128xf32, #tpu.memory_space<vmem>>, vector<16xf32>,
        %shift_left3A_917 = arith.constant 16 : i32
        %shift_left3A_918 = vector.broadcast %shift_left3A_917 : i32 to vector<16xi32>
        %shift_left3A_919 = arith.shli %get3A_884, %shift_left3A_918 : vector<16xi32>
        %bitcast3A_920 = vector.bitcast %shift_left3A_919 : vector<16xi32> to vector<16xf32>
        %and3A_921 = arith.andi %get3A_884, %broadcast_in_dim3A_212 : vector<16xi32>
        %bitcast3A_922 = vector.bitcast %and3A_921 : vector<16xi32> to vector<16xf32>
        %mul3A_923 = arith.mulf %bitcast3A_920, %gather3A_872 : vector<16xf32>
        %swap3A_924 = arith.index_cast %add3A_868 : i32 to index
        %swap3A_925 = arith.constant 32 : index
        %swap3A_926 = tpu.vector_load %arg15[%swap3A_924, %swap3A_925] {strides = array<i32>} : memref<80x128xf32, #tpu.memory_space<vmem>>, vector<16xf32>,
        tpu.vector_store %arg15[%swap3A_924, %swap3A_925], %mul3A_923 {strides = array<i32>} : memref<80x128xf32, #tpu.memory_space<vmem>>, vector<16xf32>,
        %mul3A_927 = arith.mulf %bitcast3A_922, %gather3A_872 : vector<16xf32>
        %swap3A_928 = arith.index_cast %add3A_868 : i32 to index
        %swap3A_929 = arith.constant 96 : index
        %swap3A_930 = tpu.vector_load %arg15[%swap3A_928, %swap3A_929] {strides = array<i32>} : memref<80x128xf32, #tpu.memory_space<vmem>>, vector<16xf32>,
        tpu.vector_store %arg15[%swap3A_928, %swap3A_929], %mul3A_927 {strides = array<i32>} : memref<80x128xf32, #tpu.memory_space<vmem>>, vector<16xf32>,
        %shift_left3A_931 = arith.constant 16 : i32
        %shift_left3A_932 = vector.broadcast %shift_left3A_931 : i32 to vector<16xi32>
        %shift_left3A_933 = arith.shli %get3A_888, %shift_left3A_932 : vector<16xi32>
        %bitcast3A_934 = vector.bitcast %shift_left3A_933 : vector<16xi32> to vector<16xf32>
        %and3A_935 = arith.andi %get3A_888, %broadcast_in_dim3A_212 : vector<16xi32>
        %bitcast3A_936 = vector.bitcast %and3A_935 : vector<16xi32> to vector<16xf32>
        %mul3A_937 = arith.mulf %bitcast3A_934, %gather3A_872 : vector<16xf32>
        %swap3A_938 = arith.index_cast %add3A_868 : i32 to index
        %swap3A_939 = arith.constant 48 : index
        %swap3A_940 = tpu.vector_load %arg15[%swap3A_938, %swap3A_939] {strides = array<i32>} : memref<80x128xf32, #tpu.memory_space<vmem>>, vector<16xf32>,
        tpu.vector_store %arg15[%swap3A_938, %swap3A_939], %mul3A_937 {strides = array<i32>} : memref<80x128xf32, #tpu.memory_space<vmem>>, vector<16xf32>,
        %mul3A_941 = arith.mulf %bitcast3A_936, %gather3A_872 : vector<16xf32>
        %swap3A_942 = arith.index_cast %add3A_868 : i32 to index
        %swap3A_943 = arith.constant 112 : index
        %swap3A_944 = tpu.vector_load %arg15[%swap3A_942, %swap3A_943] {strides = array<i32>} : memref<80x128xf32, #tpu.memory_space<vmem>>, vector<16xf32>,
        tpu.vector_store %arg15[%swap3A_942, %swap3A_943], %mul3A_941 {strides = array<i32>} : memref<80x128xf32, #tpu.memory_space<vmem>>, vector<16xf32>,
        %mul3A_945 = arith.constant 16 : i32
        %mul3A_946 = arith.muli %scan3A_225, %mul3A_945 : i32
        %add3A_947 = arith.constant 9 : i32
        %add3A_948 = arith.addi %mul3A_946, %add3A_947 : i32
        %broadcast_in_dim3A_949 = arith.constant 9 : i32
        %broadcast_in_dim3A_950 = vector.broadcast %broadcast_in_dim3A_949 : i32 to vector<16x1xi32>
        %gather3A_951 = vector.shape_cast %broadcast_in_dim3A_950 : vector<16x1xi32> to vector<16xi32>
        %gather3A_952 = tpu.dynamic_gather %get3A_229[%gather3A_951] in [0] : vector<16xf32>, vector<16xi32> -> vector<16xf32>
        %get3A_953 = arith.index_cast %rem3A_148 : i32 to index
        %get3A_954 = arith.index_cast %add3A_948 : i32 to index
        %get3A_955 = arith.constant 0 : index
        %get3A_956 = tpu.vector_load %arg13[%get3A_953, %get3A_954, %get3A_955] {strides = array<i32>} : memref<2x80x64xi32, #tpu.memory_space<vmem>>, vector<16xi32>,
        %get3A_957 = arith.index_cast %rem3A_148 : i32 to index
        %get3A_958 = arith.index_cast %add3A_948 : i32 to index
        %get3A_959 = arith.constant 16 : index
        %get3A_960 = tpu.vector_load %arg13[%get3A_957, %get3A_958, %get3A_959] {strides = array<i32>} : memref<2x80x64xi32, #tpu.memory_space<vmem>>, vector<16xi32>,
        %get3A_961 = arith.index_cast %rem3A_148 : i32 to index
        %get3A_962 = arith.index_cast %add3A_948 : i32 to index
        %get3A_963 = arith.constant 32 : index
        %get3A_964 = tpu.vector_load %arg13[%get3A_961, %get3A_962, %get3A_963] {strides = array<i32>} : memref<2x80x64xi32, #tpu.memory_space<vmem>>, vector<16xi32>,
        %get3A_965 = arith.index_cast %rem3A_148 : i32 to index
        %get3A_966 = arith.index_cast %add3A_948 : i32 to index
        %get3A_967 = arith.constant 48 : index
        %get3A_968 = tpu.vector_load %arg13[%get3A_965, %get3A_966, %get3A_967] {strides = array<i32>} : memref<2x80x64xi32, #tpu.memory_space<vmem>>, vector<16xi32>,
        %shift_left3A_969 = arith.constant 16 : i32
        %shift_left3A_970 = vector.broadcast %shift_left3A_969 : i32 to vector<16xi32>
        %shift_left3A_971 = arith.shli %get3A_956, %shift_left3A_970 : vector<16xi32>
        %bitcast3A_972 = vector.bitcast %shift_left3A_971 : vector<16xi32> to vector<16xf32>
        %and3A_973 = arith.andi %get3A_956, %broadcast_in_dim3A_212 : vector<16xi32>
        %bitcast3A_974 = vector.bitcast %and3A_973 : vector<16xi32> to vector<16xf32>
        %mul3A_975 = arith.mulf %bitcast3A_972, %gather3A_952 : vector<16xf32>
        %swap3A_976 = arith.index_cast %add3A_948 : i32 to index
        %swap3A_977 = arith.constant 0 : index
        %swap3A_978 = tpu.vector_load %arg15[%swap3A_976, %swap3A_977] {strides = array<i32>} : memref<80x128xf32, #tpu.memory_space<vmem>>, vector<16xf32>,
        tpu.vector_store %arg15[%swap3A_976, %swap3A_977], %mul3A_975 {strides = array<i32>} : memref<80x128xf32, #tpu.memory_space<vmem>>, vector<16xf32>,
        %mul3A_979 = arith.mulf %bitcast3A_974, %gather3A_952 : vector<16xf32>
        %swap3A_980 = arith.index_cast %add3A_948 : i32 to index
        %swap3A_981 = arith.constant 64 : index
        %swap3A_982 = tpu.vector_load %arg15[%swap3A_980, %swap3A_981] {strides = array<i32>} : memref<80x128xf32, #tpu.memory_space<vmem>>, vector<16xf32>,
        tpu.vector_store %arg15[%swap3A_980, %swap3A_981], %mul3A_979 {strides = array<i32>} : memref<80x128xf32, #tpu.memory_space<vmem>>, vector<16xf32>,
        %shift_left3A_983 = arith.constant 16 : i32
        %shift_left3A_984 = vector.broadcast %shift_left3A_983 : i32 to vector<16xi32>
        %shift_left3A_985 = arith.shli %get3A_960, %shift_left3A_984 : vector<16xi32>
        %bitcast3A_986 = vector.bitcast %shift_left3A_985 : vector<16xi32> to vector<16xf32>
        %and3A_987 = arith.andi %get3A_960, %broadcast_in_dim3A_212 : vector<16xi32>
        %bitcast3A_988 = vector.bitcast %and3A_987 : vector<16xi32> to vector<16xf32>
        %mul3A_989 = arith.mulf %bitcast3A_986, %gather3A_952 : vector<16xf32>
        %swap3A_990 = arith.index_cast %add3A_948 : i32 to index
        %swap3A_991 = arith.constant 16 : index
        %swap3A_992 = tpu.vector_load %arg15[%swap3A_990, %swap3A_991] {strides = array<i32>} : memref<80x128xf32, #tpu.memory_space<vmem>>, vector<16xf32>,
        tpu.vector_store %arg15[%swap3A_990, %swap3A_991], %mul3A_989 {strides = array<i32>} : memref<80x128xf32, #tpu.memory_space<vmem>>, vector<16xf32>,
        %mul3A_993 = arith.mulf %bitcast3A_988, %gather3A_952 : vector<16xf32>
        %swap3A_994 = arith.index_cast %add3A_948 : i32 to index
        %swap3A_995 = arith.constant 80 : index
        %swap3A_996 = tpu.vector_load %arg15[%swap3A_994, %swap3A_995] {strides = array<i32>} : memref<80x128xf32, #tpu.memory_space<vmem>>, vector<16xf32>,
        tpu.vector_store %arg15[%swap3A_994, %swap3A_995], %mul3A_993 {strides = array<i32>} : memref<80x128xf32, #tpu.memory_space<vmem>>, vector<16xf32>,
        %shift_left3A_997 = arith.constant 16 : i32
        %shift_left3A_998 = vector.broadcast %shift_left3A_997 : i32 to vector<16xi32>
        %shift_left3A_999 = arith.shli %get3A_964, %shift_left3A_998 : vector<16xi32>
        %bitcast3A_1000 = vector.bitcast %shift_left3A_999 : vector<16xi32> to vector<16xf32>
        %and3A_1001 = arith.andi %get3A_964, %broadcast_in_dim3A_212 : vector<16xi32>
        %bitcast3A_1002 = vector.bitcast %and3A_1001 : vector<16xi32> to vector<16xf32>
        %mul3A_1003 = arith.mulf %bitcast3A_1000, %gather3A_952 : vector<16xf32>
        %swap3A_1004 = arith.index_cast %add3A_948 : i32 to index
        %swap3A_1005 = arith.constant 32 : index
        %swap3A_1006 = tpu.vector_load %arg15[%swap3A_1004, %swap3A_1005] {strides = array<i32>} : memref<80x128xf32, #tpu.memory_space<vmem>>, vector<16xf32>,
        tpu.vector_store %arg15[%swap3A_1004, %swap3A_1005], %mul3A_1003 {strides = array<i32>} : memref<80x128xf32, #tpu.memory_space<vmem>>, vector<16xf32>,
        %mul3A_1007 = arith.mulf %bitcast3A_1002, %gather3A_952 : vector<16xf32>
        %swap3A_1008 = arith.index_cast %add3A_948 : i32 to index
        %swap3A_1009 = arith.constant 96 : index
        %swap3A_1010 = tpu.vector_load %arg15[%swap3A_1008, %swap3A_1009] {strides = array<i32>} : memref<80x128xf32, #tpu.memory_space<vmem>>, vector<16xf32>,
        tpu.vector_store %arg15[%swap3A_1008, %swap3A_1009], %mul3A_1007 {strides = array<i32>} : memref<80x128xf32, #tpu.memory_space<vmem>>, vector<16xf32>,
        %shift_left3A_1011 = arith.constant 16 : i32
        %shift_left3A_1012 = vector.broadcast %shift_left3A_1011 : i32 to vector<16xi32>
        %shift_left3A_1013 = arith.shli %get3A_968, %shift_left3A_1012 : vector<16xi32>
        %bitcast3A_1014 = vector.bitcast %shift_left3A_1013 : vector<16xi32> to vector<16xf32>
        %and3A_1015 = arith.andi %get3A_968, %broadcast_in_dim3A_212 : vector<16xi32>
        %bitcast3A_1016 = vector.bitcast %and3A_1015 : vector<16xi32> to vector<16xf32>
        %mul3A_1017 = arith.mulf %bitcast3A_1014, %gather3A_952 : vector<16xf32>
        %swap3A_1018 = arith.index_cast %add3A_948 : i32 to index
        %swap3A_1019 = arith.constant 48 : index
        %swap3A_1020 = tpu.vector_load %arg15[%swap3A_1018, %swap3A_1019] {strides = array<i32>} : memref<80x128xf32, #tpu.memory_space<vmem>>, vector<16xf32>,
        tpu.vector_store %arg15[%swap3A_1018, %swap3A_1019], %mul3A_1017 {strides = array<i32>} : memref<80x128xf32, #tpu.memory_space<vmem>>, vector<16xf32>,
        %mul3A_1021 = arith.mulf %bitcast3A_1016, %gather3A_952 : vector<16xf32>
        %swap3A_1022 = arith.index_cast %add3A_948 : i32 to index
        %swap3A_1023 = arith.constant 112 : index
        %swap3A_1024 = tpu.vector_load %arg15[%swap3A_1022, %swap3A_1023] {strides = array<i32>} : memref<80x128xf32, #tpu.memory_space<vmem>>, vector<16xf32>,
        tpu.vector_store %arg15[%swap3A_1022, %swap3A_1023], %mul3A_1021 {strides = array<i32>} : memref<80x128xf32, #tpu.memory_space<vmem>>, vector<16xf32>,
        %mul3A_1025 = arith.constant 16 : i32
        %mul3A_1026 = arith.muli %scan3A_225, %mul3A_1025 : i32
        %add3A_1027 = arith.constant 10 : i32
        %add3A_1028 = arith.addi %mul3A_1026, %add3A_1027 : i32
        %broadcast_in_dim3A_1029 = arith.constant 10 : i32
        %broadcast_in_dim3A_1030 = vector.broadcast %broadcast_in_dim3A_1029 : i32 to vector<16x1xi32>
        %gather3A_1031 = vector.shape_cast %broadcast_in_dim3A_1030 : vector<16x1xi32> to vector<16xi32>
        %gather3A_1032 = tpu.dynamic_gather %get3A_229[%gather3A_1031] in [0] : vector<16xf32>, vector<16xi32> -> vector<16xf32>
        %get3A_1033 = arith.index_cast %rem3A_148 : i32 to index
        %get3A_1034 = arith.index_cast %add3A_1028 : i32 to index
        %get3A_1035 = arith.constant 0 : index
        %get3A_1036 = tpu.vector_load %arg13[%get3A_1033, %get3A_1034, %get3A_1035] {strides = array<i32>} : memref<2x80x64xi32, #tpu.memory_space<vmem>>, vector<16xi32>,
        %get3A_1037 = arith.index_cast %rem3A_148 : i32 to index
        %get3A_1038 = arith.index_cast %add3A_1028 : i32 to index
        %get3A_1039 = arith.constant 16 : index
        %get3A_1040 = tpu.vector_load %arg13[%get3A_1037, %get3A_1038, %get3A_1039] {strides = array<i32>} : memref<2x80x64xi32, #tpu.memory_space<vmem>>, vector<16xi32>,
        %get3A_1041 = arith.index_cast %rem3A_148 : i32 to index
        %get3A_1042 = arith.index_cast %add3A_1028 : i32 to index
        %get3A_1043 = arith.constant 32 : index
        %get3A_1044 = tpu.vector_load %arg13[%get3A_1041, %get3A_1042, %get3A_1043] {strides = array<i32>} : memref<2x80x64xi32, #tpu.memory_space<vmem>>, vector<16xi32>,
        %get3A_1045 = arith.index_cast %rem3A_148 : i32 to index
        %get3A_1046 = arith.index_cast %add3A_1028 : i32 to index
        %get3A_1047 = arith.constant 48 : index
        %get3A_1048 = tpu.vector_load %arg13[%get3A_1045, %get3A_1046, %get3A_1047] {strides = array<i32>} : memref<2x80x64xi32, #tpu.memory_space<vmem>>, vector<16xi32>,
        %shift_left3A_1049 = arith.constant 16 : i32
        %shift_left3A_1050 = vector.broadcast %shift_left3A_1049 : i32 to vector<16xi32>
        %shift_left3A_1051 = arith.shli %get3A_1036, %shift_left3A_1050 : vector<16xi32>
        %bitcast3A_1052 = vector.bitcast %shift_left3A_1051 : vector<16xi32> to vector<16xf32>
        %and3A_1053 = arith.andi %get3A_1036, %broadcast_in_dim3A_212 : vector<16xi32>
        %bitcast3A_1054 = vector.bitcast %and3A_1053 : vector<16xi32> to vector<16xf32>
        %mul3A_1055 = arith.mulf %bitcast3A_1052, %gather3A_1032 : vector<16xf32>
        %swap3A_1056 = arith.index_cast %add3A_1028 : i32 to index
        %swap3A_1057 = arith.constant 0 : index
        %swap3A_1058 = tpu.vector_load %arg15[%swap3A_1056, %swap3A_1057] {strides = array<i32>} : memref<80x128xf32, #tpu.memory_space<vmem>>, vector<16xf32>,
        tpu.vector_store %arg15[%swap3A_1056, %swap3A_1057], %mul3A_1055 {strides = array<i32>} : memref<80x128xf32, #tpu.memory_space<vmem>>, vector<16xf32>,
        %mul3A_1059 = arith.mulf %bitcast3A_1054, %gather3A_1032 : vector<16xf32>
        %swap3A_1060 = arith.index_cast %add3A_1028 : i32 to index
        %swap3A_1061 = arith.constant 64 : index
        %swap3A_1062 = tpu.vector_load %arg15[%swap3A_1060, %swap3A_1061] {strides = array<i32>} : memref<80x128xf32, #tpu.memory_space<vmem>>, vector<16xf32>,
        tpu.vector_store %arg15[%swap3A_1060, %swap3A_1061], %mul3A_1059 {strides = array<i32>} : memref<80x128xf32, #tpu.memory_space<vmem>>, vector<16xf32>,
        %shift_left3A_1063 = arith.constant 16 : i32
        %shift_left3A_1064 = vector.broadcast %shift_left3A_1063 : i32 to vector<16xi32>
        %shift_left3A_1065 = arith.shli %get3A_1040, %shift_left3A_1064 : vector<16xi32>
        %bitcast3A_1066 = vector.bitcast %shift_left3A_1065 : vector<16xi32> to vector<16xf32>
        %and3A_1067 = arith.andi %get3A_1040, %broadcast_in_dim3A_212 : vector<16xi32>
        %bitcast3A_1068 = vector.bitcast %and3A_1067 : vector<16xi32> to vector<16xf32>
        %mul3A_1069 = arith.mulf %bitcast3A_1066, %gather3A_1032 : vector<16xf32>
        %swap3A_1070 = arith.index_cast %add3A_1028 : i32 to index
        %swap3A_1071 = arith.constant 16 : index
        %swap3A_1072 = tpu.vector_load %arg15[%swap3A_1070, %swap3A_1071] {strides = array<i32>} : memref<80x128xf32, #tpu.memory_space<vmem>>, vector<16xf32>,
        tpu.vector_store %arg15[%swap3A_1070, %swap3A_1071], %mul3A_1069 {strides = array<i32>} : memref<80x128xf32, #tpu.memory_space<vmem>>, vector<16xf32>,
        %mul3A_1073 = arith.mulf %bitcast3A_1068, %gather3A_1032 : vector<16xf32>
        %swap3A_1074 = arith.index_cast %add3A_1028 : i32 to index
        %swap3A_1075 = arith.constant 80 : index
        %swap3A_1076 = tpu.vector_load %arg15[%swap3A_1074, %swap3A_1075] {strides = array<i32>} : memref<80x128xf32, #tpu.memory_space<vmem>>, vector<16xf32>,
        tpu.vector_store %arg15[%swap3A_1074, %swap3A_1075], %mul3A_1073 {strides = array<i32>} : memref<80x128xf32, #tpu.memory_space<vmem>>, vector<16xf32>,
        %shift_left3A_1077 = arith.constant 16 : i32
        %shift_left3A_1078 = vector.broadcast %shift_left3A_1077 : i32 to vector<16xi32>
        %shift_left3A_1079 = arith.shli %get3A_1044, %shift_left3A_1078 : vector<16xi32>
        %bitcast3A_1080 = vector.bitcast %shift_left3A_1079 : vector<16xi32> to vector<16xf32>
        %and3A_1081 = arith.andi %get3A_1044, %broadcast_in_dim3A_212 : vector<16xi32>
        %bitcast3A_1082 = vector.bitcast %and3A_1081 : vector<16xi32> to vector<16xf32>
        %mul3A_1083 = arith.mulf %bitcast3A_1080, %gather3A_1032 : vector<16xf32>
        %swap3A_1084 = arith.index_cast %add3A_1028 : i32 to index
        %swap3A_1085 = arith.constant 32 : index
        %swap3A_1086 = tpu.vector_load %arg15[%swap3A_1084, %swap3A_1085] {strides = array<i32>} : memref<80x128xf32, #tpu.memory_space<vmem>>, vector<16xf32>,
        tpu.vector_store %arg15[%swap3A_1084, %swap3A_1085], %mul3A_1083 {strides = array<i32>} : memref<80x128xf32, #tpu.memory_space<vmem>>, vector<16xf32>,
        %mul3A_1087 = arith.mulf %bitcast3A_1082, %gather3A_1032 : vector<16xf32>
        %swap3A_1088 = arith.index_cast %add3A_1028 : i32 to index
        %swap3A_1089 = arith.constant 96 : index
        %swap3A_1090 = tpu.vector_load %arg15[%swap3A_1088, %swap3A_1089] {strides = array<i32>} : memref<80x128xf32, #tpu.memory_space<vmem>>, vector<16xf32>,
        tpu.vector_store %arg15[%swap3A_1088, %swap3A_1089], %mul3A_1087 {strides = array<i32>} : memref<80x128xf32, #tpu.memory_space<vmem>>, vector<16xf32>,
        %shift_left3A_1091 = arith.constant 16 : i32
        %shift_left3A_1092 = vector.broadcast %shift_left3A_1091 : i32 to vector<16xi32>
        %shift_left3A_1093 = arith.shli %get3A_1048, %shift_left3A_1092 : vector<16xi32>
        %bitcast3A_1094 = vector.bitcast %shift_left3A_1093 : vector<16xi32> to vector<16xf32>
        %and3A_1095 = arith.andi %get3A_1048, %broadcast_in_dim3A_212 : vector<16xi32>
        %bitcast3A_1096 = vector.bitcast %and3A_1095 : vector<16xi32> to vector<16xf32>
        %mul3A_1097 = arith.mulf %bitcast3A_1094, %gather3A_1032 : vector<16xf32>
        %swap3A_1098 = arith.index_cast %add3A_1028 : i32 to index
        %swap3A_1099 = arith.constant 48 : index
        %swap3A_1100 = tpu.vector_load %arg15[%swap3A_1098, %swap3A_1099] {strides = array<i32>} : memref<80x128xf32, #tpu.memory_space<vmem>>, vector<16xf32>,
        tpu.vector_store %arg15[%swap3A_1098, %swap3A_1099], %mul3A_1097 {strides = array<i32>} : memref<80x128xf32, #tpu.memory_space<vmem>>, vector<16xf32>,
        %mul3A_1101 = arith.mulf %bitcast3A_1096, %gather3A_1032 : vector<16xf32>
        %swap3A_1102 = arith.index_cast %add3A_1028 : i32 to index
        %swap3A_1103 = arith.constant 112 : index
        %swap3A_1104 = tpu.vector_load %arg15[%swap3A_1102, %swap3A_1103] {strides = array<i32>} : memref<80x128xf32, #tpu.memory_space<vmem>>, vector<16xf32>,
        tpu.vector_store %arg15[%swap3A_1102, %swap3A_1103], %mul3A_1101 {strides = array<i32>} : memref<80x128xf32, #tpu.memory_space<vmem>>, vector<16xf32>,
        %mul3A_1105 = arith.constant 16 : i32
        %mul3A_1106 = arith.muli %scan3A_225, %mul3A_1105 : i32
        %add3A_1107 = arith.constant 11 : i32
        %add3A_1108 = arith.addi %mul3A_1106, %add3A_1107 : i32
        %broadcast_in_dim3A_1109 = arith.constant 11 : i32
        %broadcast_in_dim3A_1110 = vector.broadcast %broadcast_in_dim3A_1109 : i32 to vector<16x1xi32>
        %gather3A_1111 = vector.shape_cast %broadcast_in_dim3A_1110 : vector<16x1xi32> to vector<16xi32>
        %gather3A_1112 = tpu.dynamic_gather %get3A_229[%gather3A_1111] in [0] : vector<16xf32>, vector<16xi32> -> vector<16xf32>
        %get3A_1113 = arith.index_cast %rem3A_148 : i32 to index
        %get3A_1114 = arith.index_cast %add3A_1108 : i32 to index
        %get3A_1115 = arith.constant 0 : index
        %get3A_1116 = tpu.vector_load %arg13[%get3A_1113, %get3A_1114, %get3A_1115] {strides = array<i32>} : memref<2x80x64xi32, #tpu.memory_space<vmem>>, vector<16xi32>,
        %get3A_1117 = arith.index_cast %rem3A_148 : i32 to index
        %get3A_1118 = arith.index_cast %add3A_1108 : i32 to index
        %get3A_1119 = arith.constant 16 : index
        %get3A_1120 = tpu.vector_load %arg13[%get3A_1117, %get3A_1118, %get3A_1119] {strides = array<i32>} : memref<2x80x64xi32, #tpu.memory_space<vmem>>, vector<16xi32>,
        %get3A_1121 = arith.index_cast %rem3A_148 : i32 to index
        %get3A_1122 = arith.index_cast %add3A_1108 : i32 to index
        %get3A_1123 = arith.constant 32 : index
        %get3A_1124 = tpu.vector_load %arg13[%get3A_1121, %get3A_1122, %get3A_1123] {strides = array<i32>} : memref<2x80x64xi32, #tpu.memory_space<vmem>>, vector<16xi32>,
        %get3A_1125 = arith.index_cast %rem3A_148 : i32 to index
        %get3A_1126 = arith.index_cast %add3A_1108 : i32 to index
        %get3A_1127 = arith.constant 48 : index
        %get3A_1128 = tpu.vector_load %arg13[%get3A_1125, %get3A_1126, %get3A_1127] {strides = array<i32>} : memref<2x80x64xi32, #tpu.memory_space<vmem>>, vector<16xi32>,
        %shift_left3A_1129 = arith.constant 16 : i32
        %shift_left3A_1130 = vector.broadcast %shift_left3A_1129 : i32 to vector<16xi32>
        %shift_left3A_1131 = arith.shli %get3A_1116, %shift_left3A_1130 : vector<16xi32>
        %bitcast3A_1132 = vector.bitcast %shift_left3A_1131 : vector<16xi32> to vector<16xf32>
        %and3A_1133 = arith.andi %get3A_1116, %broadcast_in_dim3A_212 : vector<16xi32>
        %bitcast3A_1134 = vector.bitcast %and3A_1133 : vector<16xi32> to vector<16xf32>
        %mul3A_1135 = arith.mulf %bitcast3A_1132, %gather3A_1112 : vector<16xf32>
        %swap3A_1136 = arith.index_cast %add3A_1108 : i32 to index
        %swap3A_1137 = arith.constant 0 : index
        %swap3A_1138 = tpu.vector_load %arg15[%swap3A_1136, %swap3A_1137] {strides = array<i32>} : memref<80x128xf32, #tpu.memory_space<vmem>>, vector<16xf32>,
        tpu.vector_store %arg15[%swap3A_1136, %swap3A_1137], %mul3A_1135 {strides = array<i32>} : memref<80x128xf32, #tpu.memory_space<vmem>>, vector<16xf32>,
        %mul3A_1139 = arith.mulf %bitcast3A_1134, %gather3A_1112 : vector<16xf32>
        %swap3A_1140 = arith.index_cast %add3A_1108 : i32 to index
        %swap3A_1141 = arith.constant 64 : index
        %swap3A_1142 = tpu.vector_load %arg15[%swap3A_1140, %swap3A_1141] {strides = array<i32>} : memref<80x128xf32, #tpu.memory_space<vmem>>, vector<16xf32>,
        tpu.vector_store %arg15[%swap3A_1140, %swap3A_1141], %mul3A_1139 {strides = array<i32>} : memref<80x128xf32, #tpu.memory_space<vmem>>, vector<16xf32>,
        %shift_left3A_1143 = arith.constant 16 : i32
        %shift_left3A_1144 = vector.broadcast %shift_left3A_1143 : i32 to vector<16xi32>
        %shift_left3A_1145 = arith.shli %get3A_1120, %shift_left3A_1144 : vector<16xi32>
        %bitcast3A_1146 = vector.bitcast %shift_left3A_1145 : vector<16xi32> to vector<16xf32>
        %and3A_1147 = arith.andi %get3A_1120, %broadcast_in_dim3A_212 : vector<16xi32>
        %bitcast3A_1148 = vector.bitcast %and3A_1147 : vector<16xi32> to vector<16xf32>
        %mul3A_1149 = arith.mulf %bitcast3A_1146, %gather3A_1112 : vector<16xf32>
        %swap3A_1150 = arith.index_cast %add3A_1108 : i32 to index
        %swap3A_1151 = arith.constant 16 : index
        %swap3A_1152 = tpu.vector_load %arg15[%swap3A_1150, %swap3A_1151] {strides = array<i32>} : memref<80x128xf32, #tpu.memory_space<vmem>>, vector<16xf32>,
        tpu.vector_store %arg15[%swap3A_1150, %swap3A_1151], %mul3A_1149 {strides = array<i32>} : memref<80x128xf32, #tpu.memory_space<vmem>>, vector<16xf32>,
        %mul3A_1153 = arith.mulf %bitcast3A_1148, %gather3A_1112 : vector<16xf32>
        %swap3A_1154 = arith.index_cast %add3A_1108 : i32 to index
        %swap3A_1155 = arith.constant 80 : index
        %swap3A_1156 = tpu.vector_load %arg15[%swap3A_1154, %swap3A_1155] {strides = array<i32>} : memref<80x128xf32, #tpu.memory_space<vmem>>, vector<16xf32>,
        tpu.vector_store %arg15[%swap3A_1154, %swap3A_1155], %mul3A_1153 {strides = array<i32>} : memref<80x128xf32, #tpu.memory_space<vmem>>, vector<16xf32>,
        %shift_left3A_1157 = arith.constant 16 : i32
        %shift_left3A_1158 = vector.broadcast %shift_left3A_1157 : i32 to vector<16xi32>
        %shift_left3A_1159 = arith.shli %get3A_1124, %shift_left3A_1158 : vector<16xi32>
        %bitcast3A_1160 = vector.bitcast %shift_left3A_1159 : vector<16xi32> to vector<16xf32>
        %and3A_1161 = arith.andi %get3A_1124, %broadcast_in_dim3A_212 : vector<16xi32>
        %bitcast3A_1162 = vector.bitcast %and3A_1161 : vector<16xi32> to vector<16xf32>
        %mul3A_1163 = arith.mulf %bitcast3A_1160, %gather3A_1112 : vector<16xf32>
        %swap3A_1164 = arith.index_cast %add3A_1108 : i32 to index
        %swap3A_1165 = arith.constant 32 : index
        %swap3A_1166 = tpu.vector_load %arg15[%swap3A_1164, %swap3A_1165] {strides = array<i32>} : memref<80x128xf32, #tpu.memory_space<vmem>>, vector<16xf32>,
        tpu.vector_store %arg15[%swap3A_1164, %swap3A_1165], %mul3A_1163 {strides = array<i32>} : memref<80x128xf32, #tpu.memory_space<vmem>>, vector<16xf32>,
        %mul3A_1167 = arith.mulf %bitcast3A_1162, %gather3A_1112 : vector<16xf32>
        %swap3A_1168 = arith.index_cast %add3A_1108 : i32 to index
        %swap3A_1169 = arith.constant 96 : index
        %swap3A_1170 = tpu.vector_load %arg15[%swap3A_1168, %swap3A_1169] {strides = array<i32>} : memref<80x128xf32, #tpu.memory_space<vmem>>, vector<16xf32>,
        tpu.vector_store %arg15[%swap3A_1168, %swap3A_1169], %mul3A_1167 {strides = array<i32>} : memref<80x128xf32, #tpu.memory_space<vmem>>, vector<16xf32>,
        %shift_left3A_1171 = arith.constant 16 : i32
        %shift_left3A_1172 = vector.broadcast %shift_left3A_1171 : i32 to vector<16xi32>
        %shift_left3A_1173 = arith.shli %get3A_1128, %shift_left3A_1172 : vector<16xi32>
        %bitcast3A_1174 = vector.bitcast %shift_left3A_1173 : vector<16xi32> to vector<16xf32>
        %and3A_1175 = arith.andi %get3A_1128, %broadcast_in_dim3A_212 : vector<16xi32>
        %bitcast3A_1176 = vector.bitcast %and3A_1175 : vector<16xi32> to vector<16xf32>
        %mul3A_1177 = arith.mulf %bitcast3A_1174, %gather3A_1112 : vector<16xf32>
        %swap3A_1178 = arith.index_cast %add3A_1108 : i32 to index
        %swap3A_1179 = arith.constant 48 : index
        %swap3A_1180 = tpu.vector_load %arg15[%swap3A_1178, %swap3A_1179] {strides = array<i32>} : memref<80x128xf32, #tpu.memory_space<vmem>>, vector<16xf32>,
        tpu.vector_store %arg15[%swap3A_1178, %swap3A_1179], %mul3A_1177 {strides = array<i32>} : memref<80x128xf32, #tpu.memory_space<vmem>>, vector<16xf32>,
        %mul3A_1181 = arith.mulf %bitcast3A_1176, %gather3A_1112 : vector<16xf32>
        %swap3A_1182 = arith.index_cast %add3A_1108 : i32 to index
        %swap3A_1183 = arith.constant 112 : index
        %swap3A_1184 = tpu.vector_load %arg15[%swap3A_1182, %swap3A_1183] {strides = array<i32>} : memref<80x128xf32, #tpu.memory_space<vmem>>, vector<16xf32>,
        tpu.vector_store %arg15[%swap3A_1182, %swap3A_1183], %mul3A_1181 {strides = array<i32>} : memref<80x128xf32, #tpu.memory_space<vmem>>, vector<16xf32>,
        %mul3A_1185 = arith.constant 16 : i32
        %mul3A_1186 = arith.muli %scan3A_225, %mul3A_1185 : i32
        %add3A_1187 = arith.constant 12 : i32
        %add3A_1188 = arith.addi %mul3A_1186, %add3A_1187 : i32
        %broadcast_in_dim3A_1189 = arith.constant 12 : i32
        %broadcast_in_dim3A_1190 = vector.broadcast %broadcast_in_dim3A_1189 : i32 to vector<16x1xi32>
        %gather3A_1191 = vector.shape_cast %broadcast_in_dim3A_1190 : vector<16x1xi32> to vector<16xi32>
        %gather3A_1192 = tpu.dynamic_gather %get3A_229[%gather3A_1191] in [0] : vector<16xf32>, vector<16xi32> -> vector<16xf32>
        %get3A_1193 = arith.index_cast %rem3A_148 : i32 to index
        %get3A_1194 = arith.index_cast %add3A_1188 : i32 to index
        %get3A_1195 = arith.constant 0 : index
        %get3A_1196 = tpu.vector_load %arg13[%get3A_1193, %get3A_1194, %get3A_1195] {strides = array<i32>} : memref<2x80x64xi32, #tpu.memory_space<vmem>>, vector<16xi32>,
        %get3A_1197 = arith.index_cast %rem3A_148 : i32 to index
        %get3A_1198 = arith.index_cast %add3A_1188 : i32 to index
        %get3A_1199 = arith.constant 16 : index
        %get3A_1200 = tpu.vector_load %arg13[%get3A_1197, %get3A_1198, %get3A_1199] {strides = array<i32>} : memref<2x80x64xi32, #tpu.memory_space<vmem>>, vector<16xi32>,
        %get3A_1201 = arith.index_cast %rem3A_148 : i32 to index
        %get3A_1202 = arith.index_cast %add3A_1188 : i32 to index
        %get3A_1203 = arith.constant 32 : index
        %get3A_1204 = tpu.vector_load %arg13[%get3A_1201, %get3A_1202, %get3A_1203] {strides = array<i32>} : memref<2x80x64xi32, #tpu.memory_space<vmem>>, vector<16xi32>,
        %get3A_1205 = arith.index_cast %rem3A_148 : i32 to index
        %get3A_1206 = arith.index_cast %add3A_1188 : i32 to index
        %get3A_1207 = arith.constant 48 : index
        %get3A_1208 = tpu.vector_load %arg13[%get3A_1205, %get3A_1206, %get3A_1207] {strides = array<i32>} : memref<2x80x64xi32, #tpu.memory_space<vmem>>, vector<16xi32>,
        %shift_left3A_1209 = arith.constant 16 : i32
        %shift_left3A_1210 = vector.broadcast %shift_left3A_1209 : i32 to vector<16xi32>
        %shift_left3A_1211 = arith.shli %get3A_1196, %shift_left3A_1210 : vector<16xi32>
        %bitcast3A_1212 = vector.bitcast %shift_left3A_1211 : vector<16xi32> to vector<16xf32>
        %and3A_1213 = arith.andi %get3A_1196, %broadcast_in_dim3A_212 : vector<16xi32>
        %bitcast3A_1214 = vector.bitcast %and3A_1213 : vector<16xi32> to vector<16xf32>
        %mul3A_1215 = arith.mulf %bitcast3A_1212, %gather3A_1192 : vector<16xf32>
        %swap3A_1216 = arith.index_cast %add3A_1188 : i32 to index
        %swap3A_1217 = arith.constant 0 : index
        %swap3A_1218 = tpu.vector_load %arg15[%swap3A_1216, %swap3A_1217] {strides = array<i32>} : memref<80x128xf32, #tpu.memory_space<vmem>>, vector<16xf32>,
        tpu.vector_store %arg15[%swap3A_1216, %swap3A_1217], %mul3A_1215 {strides = array<i32>} : memref<80x128xf32, #tpu.memory_space<vmem>>, vector<16xf32>,
        %mul3A_1219 = arith.mulf %bitcast3A_1214, %gather3A_1192 : vector<16xf32>
        %swap3A_1220 = arith.index_cast %add3A_1188 : i32 to index
        %swap3A_1221 = arith.constant 64 : index
        %swap3A_1222 = tpu.vector_load %arg15[%swap3A_1220, %swap3A_1221] {strides = array<i32>} : memref<80x128xf32, #tpu.memory_space<vmem>>, vector<16xf32>,
        tpu.vector_store %arg15[%swap3A_1220, %swap3A_1221], %mul3A_1219 {strides = array<i32>} : memref<80x128xf32, #tpu.memory_space<vmem>>, vector<16xf32>,
        %shift_left3A_1223 = arith.constant 16 : i32
        %shift_left3A_1224 = vector.broadcast %shift_left3A_1223 : i32 to vector<16xi32>
        %shift_left3A_1225 = arith.shli %get3A_1200, %shift_left3A_1224 : vector<16xi32>
        %bitcast3A_1226 = vector.bitcast %shift_left3A_1225 : vector<16xi32> to vector<16xf32>
        %and3A_1227 = arith.andi %get3A_1200, %broadcast_in_dim3A_212 : vector<16xi32>
        %bitcast3A_1228 = vector.bitcast %and3A_1227 : vector<16xi32> to vector<16xf32>
        %mul3A_1229 = arith.mulf %bitcast3A_1226, %gather3A_1192 : vector<16xf32>
        %swap3A_1230 = arith.index_cast %add3A_1188 : i32 to index
        %swap3A_1231 = arith.constant 16 : index
        %swap3A_1232 = tpu.vector_load %arg15[%swap3A_1230, %swap3A_1231] {strides = array<i32>} : memref<80x128xf32, #tpu.memory_space<vmem>>, vector<16xf32>,
        tpu.vector_store %arg15[%swap3A_1230, %swap3A_1231], %mul3A_1229 {strides = array<i32>} : memref<80x128xf32, #tpu.memory_space<vmem>>, vector<16xf32>,
        %mul3A_1233 = arith.mulf %bitcast3A_1228, %gather3A_1192 : vector<16xf32>
        %swap3A_1234 = arith.index_cast %add3A_1188 : i32 to index
        %swap3A_1235 = arith.constant 80 : index
        %swap3A_1236 = tpu.vector_load %arg15[%swap3A_1234, %swap3A_1235] {strides = array<i32>} : memref<80x128xf32, #tpu.memory_space<vmem>>, vector<16xf32>,
        tpu.vector_store %arg15[%swap3A_1234, %swap3A_1235], %mul3A_1233 {strides = array<i32>} : memref<80x128xf32, #tpu.memory_space<vmem>>, vector<16xf32>,
        %shift_left3A_1237 = arith.constant 16 : i32
        %shift_left3A_1238 = vector.broadcast %shift_left3A_1237 : i32 to vector<16xi32>
        %shift_left3A_1239 = arith.shli %get3A_1204, %shift_left3A_1238 : vector<16xi32>
        %bitcast3A_1240 = vector.bitcast %shift_left3A_1239 : vector<16xi32> to vector<16xf32>
        %and3A_1241 = arith.andi %get3A_1204, %broadcast_in_dim3A_212 : vector<16xi32>
        %bitcast3A_1242 = vector.bitcast %and3A_1241 : vector<16xi32> to vector<16xf32>
        %mul3A_1243 = arith.mulf %bitcast3A_1240, %gather3A_1192 : vector<16xf32>
        %swap3A_1244 = arith.index_cast %add3A_1188 : i32 to index
        %swap3A_1245 = arith.constant 32 : index
        %swap3A_1246 = tpu.vector_load %arg15[%swap3A_1244, %swap3A_1245] {strides = array<i32>} : memref<80x128xf32, #tpu.memory_space<vmem>>, vector<16xf32>,
        tpu.vector_store %arg15[%swap3A_1244, %swap3A_1245], %mul3A_1243 {strides = array<i32>} : memref<80x128xf32, #tpu.memory_space<vmem>>, vector<16xf32>,
        %mul3A_1247 = arith.mulf %bitcast3A_1242, %gather3A_1192 : vector<16xf32>
        %swap3A_1248 = arith.index_cast %add3A_1188 : i32 to index
        %swap3A_1249 = arith.constant 96 : index
        %swap3A_1250 = tpu.vector_load %arg15[%swap3A_1248, %swap3A_1249] {strides = array<i32>} : memref<80x128xf32, #tpu.memory_space<vmem>>, vector<16xf32>,
        tpu.vector_store %arg15[%swap3A_1248, %swap3A_1249], %mul3A_1247 {strides = array<i32>} : memref<80x128xf32, #tpu.memory_space<vmem>>, vector<16xf32>,
        %shift_left3A_1251 = arith.constant 16 : i32
        %shift_left3A_1252 = vector.broadcast %shift_left3A_1251 : i32 to vector<16xi32>
        %shift_left3A_1253 = arith.shli %get3A_1208, %shift_left3A_1252 : vector<16xi32>
        %bitcast3A_1254 = vector.bitcast %shift_left3A_1253 : vector<16xi32> to vector<16xf32>
        %and3A_1255 = arith.andi %get3A_1208, %broadcast_in_dim3A_212 : vector<16xi32>
        %bitcast3A_1256 = vector.bitcast %and3A_1255 : vector<16xi32> to vector<16xf32>
        %mul3A_1257 = arith.mulf %bitcast3A_1254, %gather3A_1192 : vector<16xf32>
        %swap3A_1258 = arith.index_cast %add3A_1188 : i32 to index
        %swap3A_1259 = arith.constant 48 : index
        %swap3A_1260 = tpu.vector_load %arg15[%swap3A_1258, %swap3A_1259] {strides = array<i32>} : memref<80x128xf32, #tpu.memory_space<vmem>>, vector<16xf32>,
        tpu.vector_store %arg15[%swap3A_1258, %swap3A_1259], %mul3A_1257 {strides = array<i32>} : memref<80x128xf32, #tpu.memory_space<vmem>>, vector<16xf32>,
        %mul3A_1261 = arith.mulf %bitcast3A_1256, %gather3A_1192 : vector<16xf32>
        %swap3A_1262 = arith.index_cast %add3A_1188 : i32 to index
        %swap3A_1263 = arith.constant 112 : index
        %swap3A_1264 = tpu.vector_load %arg15[%swap3A_1262, %swap3A_1263] {strides = array<i32>} : memref<80x128xf32, #tpu.memory_space<vmem>>, vector<16xf32>,
        tpu.vector_store %arg15[%swap3A_1262, %swap3A_1263], %mul3A_1261 {strides = array<i32>} : memref<80x128xf32, #tpu.memory_space<vmem>>, vector<16xf32>,
        %mul3A_1265 = arith.constant 16 : i32
        %mul3A_1266 = arith.muli %scan3A_225, %mul3A_1265 : i32
        %add3A_1267 = arith.constant 13 : i32
        %add3A_1268 = arith.addi %mul3A_1266, %add3A_1267 : i32
        %broadcast_in_dim3A_1269 = arith.constant 13 : i32
        %broadcast_in_dim3A_1270 = vector.broadcast %broadcast_in_dim3A_1269 : i32 to vector<16x1xi32>
        %gather3A_1271 = vector.shape_cast %broadcast_in_dim3A_1270 : vector<16x1xi32> to vector<16xi32>
        %gather3A_1272 = tpu.dynamic_gather %get3A_229[%gather3A_1271] in [0] : vector<16xf32>, vector<16xi32> -> vector<16xf32>
        %get3A_1273 = arith.index_cast %rem3A_148 : i32 to index
        %get3A_1274 = arith.index_cast %add3A_1268 : i32 to index
        %get3A_1275 = arith.constant 0 : index
        %get3A_1276 = tpu.vector_load %arg13[%get3A_1273, %get3A_1274, %get3A_1275] {strides = array<i32>} : memref<2x80x64xi32, #tpu.memory_space<vmem>>, vector<16xi32>,
        %get3A_1277 = arith.index_cast %rem3A_148 : i32 to index
        %get3A_1278 = arith.index_cast %add3A_1268 : i32 to index
        %get3A_1279 = arith.constant 16 : index
        %get3A_1280 = tpu.vector_load %arg13[%get3A_1277, %get3A_1278, %get3A_1279] {strides = array<i32>} : memref<2x80x64xi32, #tpu.memory_space<vmem>>, vector<16xi32>,
        %get3A_1281 = arith.index_cast %rem3A_148 : i32 to index
        %get3A_1282 = arith.index_cast %add3A_1268 : i32 to index
        %get3A_1283 = arith.constant 32 : index
        %get3A_1284 = tpu.vector_load %arg13[%get3A_1281, %get3A_1282, %get3A_1283] {strides = array<i32>} : memref<2x80x64xi32, #tpu.memory_space<vmem>>, vector<16xi32>,
        %get3A_1285 = arith.index_cast %rem3A_148 : i32 to index
        %get3A_1286 = arith.index_cast %add3A_1268 : i32 to index
        %get3A_1287 = arith.constant 48 : index
        %get3A_1288 = tpu.vector_load %arg13[%get3A_1285, %get3A_1286, %get3A_1287] {strides = array<i32>} : memref<2x80x64xi32, #tpu.memory_space<vmem>>, vector<16xi32>,
        %shift_left3A_1289 = arith.constant 16 : i32
        %shift_left3A_1290 = vector.broadcast %shift_left3A_1289 : i32 to vector<16xi32>
        %shift_left3A_1291 = arith.shli %get3A_1276, %shift_left3A_1290 : vector<16xi32>
        %bitcast3A_1292 = vector.bitcast %shift_left3A_1291 : vector<16xi32> to vector<16xf32>
        %and3A_1293 = arith.andi %get3A_1276, %broadcast_in_dim3A_212 : vector<16xi32>
        %bitcast3A_1294 = vector.bitcast %and3A_1293 : vector<16xi32> to vector<16xf32>
        %mul3A_1295 = arith.mulf %bitcast3A_1292, %gather3A_1272 : vector<16xf32>
        %swap3A_1296 = arith.index_cast %add3A_1268 : i32 to index
        %swap3A_1297 = arith.constant 0 : index
        %swap3A_1298 = tpu.vector_load %arg15[%swap3A_1296, %swap3A_1297] {strides = array<i32>} : memref<80x128xf32, #tpu.memory_space<vmem>>, vector<16xf32>,
        tpu.vector_store %arg15[%swap3A_1296, %swap3A_1297], %mul3A_1295 {strides = array<i32>} : memref<80x128xf32, #tpu.memory_space<vmem>>, vector<16xf32>,
        %mul3A_1299 = arith.mulf %bitcast3A_1294, %gather3A_1272 : vector<16xf32>
        %swap3A_1300 = arith.index_cast %add3A_1268 : i32 to index
        %swap3A_1301 = arith.constant 64 : index
        %swap3A_1302 = tpu.vector_load %arg15[%swap3A_1300, %swap3A_1301] {strides = array<i32>} : memref<80x128xf32, #tpu.memory_space<vmem>>, vector<16xf32>,
        tpu.vector_store %arg15[%swap3A_1300, %swap3A_1301], %mul3A_1299 {strides = array<i32>} : memref<80x128xf32, #tpu.memory_space<vmem>>, vector<16xf32>,
        %shift_left3A_1303 = arith.constant 16 : i32
        %shift_left3A_1304 = vector.broadcast %shift_left3A_1303 : i32 to vector<16xi32>
        %shift_left3A_1305 = arith.shli %get3A_1280, %shift_left3A_1304 : vector<16xi32>
        %bitcast3A_1306 = vector.bitcast %shift_left3A_1305 : vector<16xi32> to vector<16xf32>
        %and3A_1307 = arith.andi %get3A_1280, %broadcast_in_dim3A_212 : vector<16xi32>
        %bitcast3A_1308 = vector.bitcast %and3A_1307 : vector<16xi32> to vector<16xf32>
        %mul3A_1309 = arith.mulf %bitcast3A_1306, %gather3A_1272 : vector<16xf32>
        %swap3A_1310 = arith.index_cast %add3A_1268 : i32 to index
        %swap3A_1311 = arith.constant 16 : index
        %swap3A_1312 = tpu.vector_load %arg15[%swap3A_1310, %swap3A_1311] {strides = array<i32>} : memref<80x128xf32, #tpu.memory_space<vmem>>, vector<16xf32>,
        tpu.vector_store %arg15[%swap3A_1310, %swap3A_1311], %mul3A_1309 {strides = array<i32>} : memref<80x128xf32, #tpu.memory_space<vmem>>, vector<16xf32>,
        %mul3A_1313 = arith.mulf %bitcast3A_1308, %gather3A_1272 : vector<16xf32>
        %swap3A_1314 = arith.index_cast %add3A_1268 : i32 to index
        %swap3A_1315 = arith.constant 80 : index
        %swap3A_1316 = tpu.vector_load %arg15[%swap3A_1314, %swap3A_1315] {strides = array<i32>} : memref<80x128xf32, #tpu.memory_space<vmem>>, vector<16xf32>,
        tpu.vector_store %arg15[%swap3A_1314, %swap3A_1315], %mul3A_1313 {strides = array<i32>} : memref<80x128xf32, #tpu.memory_space<vmem>>, vector<16xf32>,
        %shift_left3A_1317 = arith.constant 16 : i32
        %shift_left3A_1318 = vector.broadcast %shift_left3A_1317 : i32 to vector<16xi32>
        %shift_left3A_1319 = arith.shli %get3A_1284, %shift_left3A_1318 : vector<16xi32>
        %bitcast3A_1320 = vector.bitcast %shift_left3A_1319 : vector<16xi32> to vector<16xf32>
        %and3A_1321 = arith.andi %get3A_1284, %broadcast_in_dim3A_212 : vector<16xi32>
        %bitcast3A_1322 = vector.bitcast %and3A_1321 : vector<16xi32> to vector<16xf32>
        %mul3A_1323 = arith.mulf %bitcast3A_1320, %gather3A_1272 : vector<16xf32>
        %swap3A_1324 = arith.index_cast %add3A_1268 : i32 to index
        %swap3A_1325 = arith.constant 32 : index
        %swap3A_1326 = tpu.vector_load %arg15[%swap3A_1324, %swap3A_1325] {strides = array<i32>} : memref<80x128xf32, #tpu.memory_space<vmem>>, vector<16xf32>,
        tpu.vector_store %arg15[%swap3A_1324, %swap3A_1325], %mul3A_1323 {strides = array<i32>} : memref<80x128xf32, #tpu.memory_space<vmem>>, vector<16xf32>,
        %mul3A_1327 = arith.mulf %bitcast3A_1322, %gather3A_1272 : vector<16xf32>
        %swap3A_1328 = arith.index_cast %add3A_1268 : i32 to index
        %swap3A_1329 = arith.constant 96 : index
        %swap3A_1330 = tpu.vector_load %arg15[%swap3A_1328, %swap3A_1329] {strides = array<i32>} : memref<80x128xf32, #tpu.memory_space<vmem>>, vector<16xf32>,
        tpu.vector_store %arg15[%swap3A_1328, %swap3A_1329], %mul3A_1327 {strides = array<i32>} : memref<80x128xf32, #tpu.memory_space<vmem>>, vector<16xf32>,
        %shift_left3A_1331 = arith.constant 16 : i32
        %shift_left3A_1332 = vector.broadcast %shift_left3A_1331 : i32 to vector<16xi32>
        %shift_left3A_1333 = arith.shli %get3A_1288, %shift_left3A_1332 : vector<16xi32>
        %bitcast3A_1334 = vector.bitcast %shift_left3A_1333 : vector<16xi32> to vector<16xf32>
        %and3A_1335 = arith.andi %get3A_1288, %broadcast_in_dim3A_212 : vector<16xi32>
        %bitcast3A_1336 = vector.bitcast %and3A_1335 : vector<16xi32> to vector<16xf32>
        %mul3A_1337 = arith.mulf %bitcast3A_1334, %gather3A_1272 : vector<16xf32>
        %swap3A_1338 = arith.index_cast %add3A_1268 : i32 to index
        %swap3A_1339 = arith.constant 48 : index
        %swap3A_1340 = tpu.vector_load %arg15[%swap3A_1338, %swap3A_1339] {strides = array<i32>} : memref<80x128xf32, #tpu.memory_space<vmem>>, vector<16xf32>,
        tpu.vector_store %arg15[%swap3A_1338, %swap3A_1339], %mul3A_1337 {strides = array<i32>} : memref<80x128xf32, #tpu.memory_space<vmem>>, vector<16xf32>,
        %mul3A_1341 = arith.mulf %bitcast3A_1336, %gather3A_1272 : vector<16xf32>
        %swap3A_1342 = arith.index_cast %add3A_1268 : i32 to index
        %swap3A_1343 = arith.constant 112 : index
        %swap3A_1344 = tpu.vector_load %arg15[%swap3A_1342, %swap3A_1343] {strides = array<i32>} : memref<80x128xf32, #tpu.memory_space<vmem>>, vector<16xf32>,
        tpu.vector_store %arg15[%swap3A_1342, %swap3A_1343], %mul3A_1341 {strides = array<i32>} : memref<80x128xf32, #tpu.memory_space<vmem>>, vector<16xf32>,
        %mul3A_1345 = arith.constant 16 : i32
        %mul3A_1346 = arith.muli %scan3A_225, %mul3A_1345 : i32
        %add3A_1347 = arith.constant 14 : i32
        %add3A_1348 = arith.addi %mul3A_1346, %add3A_1347 : i32
        %broadcast_in_dim3A_1349 = arith.constant 14 : i32
        %broadcast_in_dim3A_1350 = vector.broadcast %broadcast_in_dim3A_1349 : i32 to vector<16x1xi32>
        %gather3A_1351 = vector.shape_cast %broadcast_in_dim3A_1350 : vector<16x1xi32> to vector<16xi32>
        %gather3A_1352 = tpu.dynamic_gather %get3A_229[%gather3A_1351] in [0] : vector<16xf32>, vector<16xi32> -> vector<16xf32>
        %get3A_1353 = arith.index_cast %rem3A_148 : i32 to index
        %get3A_1354 = arith.index_cast %add3A_1348 : i32 to index
        %get3A_1355 = arith.constant 0 : index
        %get3A_1356 = tpu.vector_load %arg13[%get3A_1353, %get3A_1354, %get3A_1355] {strides = array<i32>} : memref<2x80x64xi32, #tpu.memory_space<vmem>>, vector<16xi32>,
        %get3A_1357 = arith.index_cast %rem3A_148 : i32 to index
        %get3A_1358 = arith.index_cast %add3A_1348 : i32 to index
        %get3A_1359 = arith.constant 16 : index
        %get3A_1360 = tpu.vector_load %arg13[%get3A_1357, %get3A_1358, %get3A_1359] {strides = array<i32>} : memref<2x80x64xi32, #tpu.memory_space<vmem>>, vector<16xi32>,
        %get3A_1361 = arith.index_cast %rem3A_148 : i32 to index
        %get3A_1362 = arith.index_cast %add3A_1348 : i32 to index
        %get3A_1363 = arith.constant 32 : index
        %get3A_1364 = tpu.vector_load %arg13[%get3A_1361, %get3A_1362, %get3A_1363] {strides = array<i32>} : memref<2x80x64xi32, #tpu.memory_space<vmem>>, vector<16xi32>,
        %get3A_1365 = arith.index_cast %rem3A_148 : i32 to index
        %get3A_1366 = arith.index_cast %add3A_1348 : i32 to index
        %get3A_1367 = arith.constant 48 : index
        %get3A_1368 = tpu.vector_load %arg13[%get3A_1365, %get3A_1366, %get3A_1367] {strides = array<i32>} : memref<2x80x64xi32, #tpu.memory_space<vmem>>, vector<16xi32>,
        %shift_left3A_1369 = arith.constant 16 : i32
        %shift_left3A_1370 = vector.broadcast %shift_left3A_1369 : i32 to vector<16xi32>
        %shift_left3A_1371 = arith.shli %get3A_1356, %shift_left3A_1370 : vector<16xi32>
        %bitcast3A_1372 = vector.bitcast %shift_left3A_1371 : vector<16xi32> to vector<16xf32>
        %and3A_1373 = arith.andi %get3A_1356, %broadcast_in_dim3A_212 : vector<16xi32>
        %bitcast3A_1374 = vector.bitcast %and3A_1373 : vector<16xi32> to vector<16xf32>
        %mul3A_1375 = arith.mulf %bitcast3A_1372, %gather3A_1352 : vector<16xf32>
        %swap3A_1376 = arith.index_cast %add3A_1348 : i32 to index
        %swap3A_1377 = arith.constant 0 : index
        %swap3A_1378 = tpu.vector_load %arg15[%swap3A_1376, %swap3A_1377] {strides = array<i32>} : memref<80x128xf32, #tpu.memory_space<vmem>>, vector<16xf32>,
        tpu.vector_store %arg15[%swap3A_1376, %swap3A_1377], %mul3A_1375 {strides = array<i32>} : memref<80x128xf32, #tpu.memory_space<vmem>>, vector<16xf32>,
        %mul3A_1379 = arith.mulf %bitcast3A_1374, %gather3A_1352 : vector<16xf32>
        %swap3A_1380 = arith.index_cast %add3A_1348 : i32 to index
        %swap3A_1381 = arith.constant 64 : index
        %swap3A_1382 = tpu.vector_load %arg15[%swap3A_1380, %swap3A_1381] {strides = array<i32>} : memref<80x128xf32, #tpu.memory_space<vmem>>, vector<16xf32>,
        tpu.vector_store %arg15[%swap3A_1380, %swap3A_1381], %mul3A_1379 {strides = array<i32>} : memref<80x128xf32, #tpu.memory_space<vmem>>, vector<16xf32>,
        %shift_left3A_1383 = arith.constant 16 : i32
        %shift_left3A_1384 = vector.broadcast %shift_left3A_1383 : i32 to vector<16xi32>
        %shift_left3A_1385 = arith.shli %get3A_1360, %shift_left3A_1384 : vector<16xi32>
        %bitcast3A_1386 = vector.bitcast %shift_left3A_1385 : vector<16xi32> to vector<16xf32>
        %and3A_1387 = arith.andi %get3A_1360, %broadcast_in_dim3A_212 : vector<16xi32>
        %bitcast3A_1388 = vector.bitcast %and3A_1387 : vector<16xi32> to vector<16xf32>
        %mul3A_1389 = arith.mulf %bitcast3A_1386, %gather3A_1352 : vector<16xf32>
        %swap3A_1390 = arith.index_cast %add3A_1348 : i32 to index
        %swap3A_1391 = arith.constant 16 : index
        %swap3A_1392 = tpu.vector_load %arg15[%swap3A_1390, %swap3A_1391] {strides = array<i32>} : memref<80x128xf32, #tpu.memory_space<vmem>>, vector<16xf32>,
        tpu.vector_store %arg15[%swap3A_1390, %swap3A_1391], %mul3A_1389 {strides = array<i32>} : memref<80x128xf32, #tpu.memory_space<vmem>>, vector<16xf32>,
        %mul3A_1393 = arith.mulf %bitcast3A_1388, %gather3A_1352 : vector<16xf32>
        %swap3A_1394 = arith.index_cast %add3A_1348 : i32 to index
        %swap3A_1395 = arith.constant 80 : index
        %swap3A_1396 = tpu.vector_load %arg15[%swap3A_1394, %swap3A_1395] {strides = array<i32>} : memref<80x128xf32, #tpu.memory_space<vmem>>, vector<16xf32>,
        tpu.vector_store %arg15[%swap3A_1394, %swap3A_1395], %mul3A_1393 {strides = array<i32>} : memref<80x128xf32, #tpu.memory_space<vmem>>, vector<16xf32>,
        %shift_left3A_1397 = arith.constant 16 : i32
        %shift_left3A_1398 = vector.broadcast %shift_left3A_1397 : i32 to vector<16xi32>
        %shift_left3A_1399 = arith.shli %get3A_1364, %shift_left3A_1398 : vector<16xi32>
        %bitcast3A_1400 = vector.bitcast %shift_left3A_1399 : vector<16xi32> to vector<16xf32>
        %and3A_1401 = arith.andi %get3A_1364, %broadcast_in_dim3A_212 : vector<16xi32>
        %bitcast3A_1402 = vector.bitcast %and3A_1401 : vector<16xi32> to vector<16xf32>
        %mul3A_1403 = arith.mulf %bitcast3A_1400, %gather3A_1352 : vector<16xf32>
        %swap3A_1404 = arith.index_cast %add3A_1348 : i32 to index
        %swap3A_1405 = arith.constant 32 : index
        %swap3A_1406 = tpu.vector_load %arg15[%swap3A_1404, %swap3A_1405] {strides = array<i32>} : memref<80x128xf32, #tpu.memory_space<vmem>>, vector<16xf32>,
        tpu.vector_store %arg15[%swap3A_1404, %swap3A_1405], %mul3A_1403 {strides = array<i32>} : memref<80x128xf32, #tpu.memory_space<vmem>>, vector<16xf32>,
        %mul3A_1407 = arith.mulf %bitcast3A_1402, %gather3A_1352 : vector<16xf32>
        %swap3A_1408 = arith.index_cast %add3A_1348 : i32 to index
        %swap3A_1409 = arith.constant 96 : index
        %swap3A_1410 = tpu.vector_load %arg15[%swap3A_1408, %swap3A_1409] {strides = array<i32>} : memref<80x128xf32, #tpu.memory_space<vmem>>, vector<16xf32>,
        tpu.vector_store %arg15[%swap3A_1408, %swap3A_1409], %mul3A_1407 {strides = array<i32>} : memref<80x128xf32, #tpu.memory_space<vmem>>, vector<16xf32>,
        %shift_left3A_1411 = arith.constant 16 : i32
        %shift_left3A_1412 = vector.broadcast %shift_left3A_1411 : i32 to vector<16xi32>
        %shift_left3A_1413 = arith.shli %get3A_1368, %shift_left3A_1412 : vector<16xi32>
        %bitcast3A_1414 = vector.bitcast %shift_left3A_1413 : vector<16xi32> to vector<16xf32>
        %and3A_1415 = arith.andi %get3A_1368, %broadcast_in_dim3A_212 : vector<16xi32>
        %bitcast3A_1416 = vector.bitcast %and3A_1415 : vector<16xi32> to vector<16xf32>
        %mul3A_1417 = arith.mulf %bitcast3A_1414, %gather3A_1352 : vector<16xf32>
        %swap3A_1418 = arith.index_cast %add3A_1348 : i32 to index
        %swap3A_1419 = arith.constant 48 : index
        %swap3A_1420 = tpu.vector_load %arg15[%swap3A_1418, %swap3A_1419] {strides = array<i32>} : memref<80x128xf32, #tpu.memory_space<vmem>>, vector<16xf32>,
        tpu.vector_store %arg15[%swap3A_1418, %swap3A_1419], %mul3A_1417 {strides = array<i32>} : memref<80x128xf32, #tpu.memory_space<vmem>>, vector<16xf32>,
        %mul3A_1421 = arith.mulf %bitcast3A_1416, %gather3A_1352 : vector<16xf32>
        %swap3A_1422 = arith.index_cast %add3A_1348 : i32 to index
        %swap3A_1423 = arith.constant 112 : index
        %swap3A_1424 = tpu.vector_load %arg15[%swap3A_1422, %swap3A_1423] {strides = array<i32>} : memref<80x128xf32, #tpu.memory_space<vmem>>, vector<16xf32>,
        tpu.vector_store %arg15[%swap3A_1422, %swap3A_1423], %mul3A_1421 {strides = array<i32>} : memref<80x128xf32, #tpu.memory_space<vmem>>, vector<16xf32>,
        %mul3A_1425 = arith.constant 16 : i32
        %mul3A_1426 = arith.muli %scan3A_225, %mul3A_1425 : i32
        %add3A_1427 = arith.constant 15 : i32
        %add3A_1428 = arith.addi %mul3A_1426, %add3A_1427 : i32
        %broadcast_in_dim3A_1429 = arith.constant 15 : i32
        %broadcast_in_dim3A_1430 = vector.broadcast %broadcast_in_dim3A_1429 : i32 to vector<16x1xi32>
        %gather3A_1431 = vector.shape_cast %broadcast_in_dim3A_1430 : vector<16x1xi32> to vector<16xi32>
        %gather3A_1432 = tpu.dynamic_gather %get3A_229[%gather3A_1431] in [0] : vector<16xf32>, vector<16xi32> -> vector<16xf32>
        %get3A_1433 = arith.index_cast %rem3A_148 : i32 to index
        %get3A_1434 = arith.index_cast %add3A_1428 : i32 to index
        %get3A_1435 = arith.constant 0 : index
        %get3A_1436 = tpu.vector_load %arg13[%get3A_1433, %get3A_1434, %get3A_1435] {strides = array<i32>} : memref<2x80x64xi32, #tpu.memory_space<vmem>>, vector<16xi32>,
        %get3A_1437 = arith.index_cast %rem3A_148 : i32 to index
        %get3A_1438 = arith.index_cast %add3A_1428 : i32 to index
        %get3A_1439 = arith.constant 16 : index
        %get3A_1440 = tpu.vector_load %arg13[%get3A_1437, %get3A_1438, %get3A_1439] {strides = array<i32>} : memref<2x80x64xi32, #tpu.memory_space<vmem>>, vector<16xi32>,
        %get3A_1441 = arith.index_cast %rem3A_148 : i32 to index
        %get3A_1442 = arith.index_cast %add3A_1428 : i32 to index
        %get3A_1443 = arith.constant 32 : index
        %get3A_1444 = tpu.vector_load %arg13[%get3A_1441, %get3A_1442, %get3A_1443] {strides = array<i32>} : memref<2x80x64xi32, #tpu.memory_space<vmem>>, vector<16xi32>,
        %get3A_1445 = arith.index_cast %rem3A_148 : i32 to index
        %get3A_1446 = arith.index_cast %add3A_1428 : i32 to index
        %get3A_1447 = arith.constant 48 : index
        %get3A_1448 = tpu.vector_load %arg13[%get3A_1445, %get3A_1446, %get3A_1447] {strides = array<i32>} : memref<2x80x64xi32, #tpu.memory_space<vmem>>, vector<16xi32>,
        %shift_left3A_1449 = arith.constant 16 : i32
        %shift_left3A_1450 = vector.broadcast %shift_left3A_1449 : i32 to vector<16xi32>
        %shift_left3A_1451 = arith.shli %get3A_1436, %shift_left3A_1450 : vector<16xi32>
        %bitcast3A_1452 = vector.bitcast %shift_left3A_1451 : vector<16xi32> to vector<16xf32>
        %and3A_1453 = arith.andi %get3A_1436, %broadcast_in_dim3A_212 : vector<16xi32>
        %bitcast3A_1454 = vector.bitcast %and3A_1453 : vector<16xi32> to vector<16xf32>
        %mul3A_1455 = arith.mulf %bitcast3A_1452, %gather3A_1432 : vector<16xf32>
        %swap3A_1456 = arith.index_cast %add3A_1428 : i32 to index
        %swap3A_1457 = arith.constant 0 : index
        %swap3A_1458 = tpu.vector_load %arg15[%swap3A_1456, %swap3A_1457] {strides = array<i32>} : memref<80x128xf32, #tpu.memory_space<vmem>>, vector<16xf32>,
        tpu.vector_store %arg15[%swap3A_1456, %swap3A_1457], %mul3A_1455 {strides = array<i32>} : memref<80x128xf32, #tpu.memory_space<vmem>>, vector<16xf32>,
        %mul3A_1459 = arith.mulf %bitcast3A_1454, %gather3A_1432 : vector<16xf32>
        %swap3A_1460 = arith.index_cast %add3A_1428 : i32 to index
        %swap3A_1461 = arith.constant 64 : index
        %swap3A_1462 = tpu.vector_load %arg15[%swap3A_1460, %swap3A_1461] {strides = array<i32>} : memref<80x128xf32, #tpu.memory_space<vmem>>, vector<16xf32>,
        tpu.vector_store %arg15[%swap3A_1460, %swap3A_1461], %mul3A_1459 {strides = array<i32>} : memref<80x128xf32, #tpu.memory_space<vmem>>, vector<16xf32>,
        %shift_left3A_1463 = arith.constant 16 : i32
        %shift_left3A_1464 = vector.broadcast %shift_left3A_1463 : i32 to vector<16xi32>
        %shift_left3A_1465 = arith.shli %get3A_1440, %shift_left3A_1464 : vector<16xi32>
        %bitcast3A_1466 = vector.bitcast %shift_left3A_1465 : vector<16xi32> to vector<16xf32>
        %and3A_1467 = arith.andi %get3A_1440, %broadcast_in_dim3A_212 : vector<16xi32>
        %bitcast3A_1468 = vector.bitcast %and3A_1467 : vector<16xi32> to vector<16xf32>
        %mul3A_1469 = arith.mulf %bitcast3A_1466, %gather3A_1432 : vector<16xf32>
        %swap3A_1470 = arith.index_cast %add3A_1428 : i32 to index
        %swap3A_1471 = arith.constant 16 : index
        %swap3A_1472 = tpu.vector_load %arg15[%swap3A_1470, %swap3A_1471] {strides = array<i32>} : memref<80x128xf32, #tpu.memory_space<vmem>>, vector<16xf32>,
        tpu.vector_store %arg15[%swap3A_1470, %swap3A_1471], %mul3A_1469 {strides = array<i32>} : memref<80x128xf32, #tpu.memory_space<vmem>>, vector<16xf32>,
        %mul3A_1473 = arith.mulf %bitcast3A_1468, %gather3A_1432 : vector<16xf32>
        %swap3A_1474 = arith.index_cast %add3A_1428 : i32 to index
        %swap3A_1475 = arith.constant 80 : index
        %swap3A_1476 = tpu.vector_load %arg15[%swap3A_1474, %swap3A_1475] {strides = array<i32>} : memref<80x128xf32, #tpu.memory_space<vmem>>, vector<16xf32>,
        tpu.vector_store %arg15[%swap3A_1474, %swap3A_1475], %mul3A_1473 {strides = array<i32>} : memref<80x128xf32, #tpu.memory_space<vmem>>, vector<16xf32>,
        %shift_left3A_1477 = arith.constant 16 : i32
        %shift_left3A_1478 = vector.broadcast %shift_left3A_1477 : i32 to vector<16xi32>
        %shift_left3A_1479 = arith.shli %get3A_1444, %shift_left3A_1478 : vector<16xi32>
        %bitcast3A_1480 = vector.bitcast %shift_left3A_1479 : vector<16xi32> to vector<16xf32>
        %and3A_1481 = arith.andi %get3A_1444, %broadcast_in_dim3A_212 : vector<16xi32>
        %bitcast3A_1482 = vector.bitcast %and3A_1481 : vector<16xi32> to vector<16xf32>
        %mul3A_1483 = arith.mulf %bitcast3A_1480, %gather3A_1432 : vector<16xf32>
        %swap3A_1484 = arith.index_cast %add3A_1428 : i32 to index
        %swap3A_1485 = arith.constant 32 : index
        %swap3A_1486 = tpu.vector_load %arg15[%swap3A_1484, %swap3A_1485] {strides = array<i32>} : memref<80x128xf32, #tpu.memory_space<vmem>>, vector<16xf32>,
        tpu.vector_store %arg15[%swap3A_1484, %swap3A_1485], %mul3A_1483 {strides = array<i32>} : memref<80x128xf32, #tpu.memory_space<vmem>>, vector<16xf32>,
        %mul3A_1487 = arith.mulf %bitcast3A_1482, %gather3A_1432 : vector<16xf32>
        %swap3A_1488 = arith.index_cast %add3A_1428 : i32 to index
        %swap3A_1489 = arith.constant 96 : index
        %swap3A_1490 = tpu.vector_load %arg15[%swap3A_1488, %swap3A_1489] {strides = array<i32>} : memref<80x128xf32, #tpu.memory_space<vmem>>, vector<16xf32>,
        tpu.vector_store %arg15[%swap3A_1488, %swap3A_1489], %mul3A_1487 {strides = array<i32>} : memref<80x128xf32, #tpu.memory_space<vmem>>, vector<16xf32>,
        %shift_left3A_1491 = arith.constant 16 : i32
        %shift_left3A_1492 = vector.broadcast %shift_left3A_1491 : i32 to vector<16xi32>
        %shift_left3A_1493 = arith.shli %get3A_1448, %shift_left3A_1492 : vector<16xi32>
        %bitcast3A_1494 = vector.bitcast %shift_left3A_1493 : vector<16xi32> to vector<16xf32>
        %and3A_1495 = arith.andi %get3A_1448, %broadcast_in_dim3A_212 : vector<16xi32>
        %bitcast3A_1496 = vector.bitcast %and3A_1495 : vector<16xi32> to vector<16xf32>
        %mul3A_1497 = arith.mulf %bitcast3A_1494, %gather3A_1432 : vector<16xf32>
        %swap3A_1498 = arith.index_cast %add3A_1428 : i32 to index
        %swap3A_1499 = arith.constant 48 : index
        %swap3A_1500 = tpu.vector_load %arg15[%swap3A_1498, %swap3A_1499] {strides = array<i32>} : memref<80x128xf32, #tpu.memory_space<vmem>>, vector<16xf32>,
        tpu.vector_store %arg15[%swap3A_1498, %swap3A_1499], %mul3A_1497 {strides = array<i32>} : memref<80x128xf32, #tpu.memory_space<vmem>>, vector<16xf32>,
        %mul3A_1501 = arith.mulf %bitcast3A_1496, %gather3A_1432 : vector<16xf32>
        %swap3A_1502 = arith.index_cast %add3A_1428 : i32 to index
        %swap3A_1503 = arith.constant 112 : index
        %swap3A_1504 = tpu.vector_load %arg15[%swap3A_1502, %swap3A_1503] {strides = array<i32>} : memref<80x128xf32, #tpu.memory_space<vmem>>, vector<16xf32>,
        tpu.vector_store %arg15[%swap3A_1502, %swap3A_1503], %mul3A_1501 {strides = array<i32>} : memref<80x128xf32, #tpu.memory_space<vmem>>, vector<16xf32>,
      }
      %scan3A_218 = arith.constant 5 : i32
      %dma_start3A_219 = arith.constant 0 : i32
      %dma_start3A_220 = tpu.memref_slice %arg9[%rem3A_146, %dma_start3A_219] : memref<3x80xi32, #tpu.memory_space<vmem>> -> memref<1x80xi32, #tpu.memory_space<vmem>>
      %dma_start3A_221 = tpu.memref_squeeze %dma_start3A_220 : memref<1x80xi32, #tpu.memory_space<vmem>> -> memref<80xi32, #tpu.memory_space<vmem>>
      %dma_start3A_222 = arith.constant 0 : i32
      %dma_start3A_223 = arith.constant 0 : i32
      %dma_start3A_224 = tpu.memref_slice %arg16[%dma_start3A_222, %dma_start3A_223] : memref<10240x128xf32, #tpu.memory_space<vmem_shared>> -> memref<10240x128xf32, #tpu.memory_space<vmem_shared>>
      tpu.enqueue_indirect_dma source(%arg15 : memref<80x128xf32, #tpu.memory_space<vmem>>) target(%dma_start3A_224 : memref<10240x128xf32, #tpu.memory_space<vmem_shared>>) offsets(%dma_start3A_221 : memref<80xi32, #tpu.memory_space<vmem>>) semaphore(%arg20 : memref<!tpu.dma_semaphore, #tpu.memory_space<semaphore_mem>>) {add = true}
    }
    %scan3A_123 = arith.constant 125 : i32
    %rem3A_124 = arith.constant 124 : i32
    %rem3A_125 = arith.constant 3 : i32
    %rem3A_126 = arith.remsi %rem3A_124, %rem3A_125 : i32
    %dma_wait3A_127 = arith.constant 0 : i32
    %dma_wait3A_128 = tpu.memref_slice %arg10[%rem3A_126, %dma_wait3A_127] : memref<3x80xi32, #tpu.memory_space<vmem>> -> memref<1x80xi32, #tpu.memory_space<vmem>>
    %dma_wait3A_129 = tpu.memref_squeeze %dma_wait3A_128 : memref<1x80xi32, #tpu.memory_space<vmem>> -> memref<80xi32, #tpu.memory_space<vmem>>
    %dma_wait3A_130 = arith.constant 0 : i32
    %dma_wait3A_131 = arith.constant 0 : i32
    %dma_wait3A_132 = tpu.memref_slice %arg16[%dma_wait3A_130, %dma_wait3A_131] : memref<10240x128xf32, #tpu.memory_space<vmem_shared>> -> memref<10240x128xf32, #tpu.memory_space<vmem_shared>>
    tpu.wait_indirect_dma semaphore(%arg19 : memref<!tpu.dma_semaphore, #tpu.memory_space<semaphore_mem>>) src(%arg14 : memref<80x128xf32, #tpu.memory_space<vmem>>) dst(%dma_wait3A_132 : memref<10240x128xf32, #tpu.memory_space<vmem_shared>>)
    %dma_wait3A_133 = arith.constant 0 : i32
    %dma_wait3A_134 = tpu.memref_slice %arg9[%rem3A_126, %dma_wait3A_133] : memref<3x80xi32, #tpu.memory_space<vmem>> -> memref<1x80xi32, #tpu.memory_space<vmem>>
    %dma_wait3A_135 = tpu.memref_squeeze %dma_wait3A_134 : memref<1x80xi32, #tpu.memory_space<vmem>> -> memref<80xi32, #tpu.memory_space<vmem>>
    %dma_wait3A_136 = arith.constant 0 : i32
    %dma_wait3A_137 = arith.constant 0 : i32
    %dma_wait3A_138 = tpu.memref_slice %arg16[%dma_wait3A_136, %dma_wait3A_137] : memref<10240x128xf32, #tpu.memory_space<vmem_shared>> -> memref<10240x128xf32, #tpu.memory_space<vmem_shared>>
    tpu.wait_indirect_dma semaphore(%arg20 : memref<!tpu.dma_semaphore, #tpu.memory_space<semaphore_mem>>) src(%arg15 : memref<80x128xf32, #tpu.memory_space<vmem>>) dst(%dma_wait3A_138 : memref<10240x128xf32, #tpu.memory_space<vmem_shared>>)
    %barrier3A_139 = arith.constant 0 : index
    tpu.barrier barrier_id(%barrier3A_139)
    %mul3A_140 = arith.constant 640 : i32
    %mul3A_141 = arith.muli %arg1, %mul3A_140 : i32
    %mul3A_142 = arith.constant 640 : i32
    %mul3A_143 = arith.muli %arg1, %mul3A_142 : i32
    "tpu.region"() ({
      %run_scoped3A = tpu.sem_alloc : memref<!tpu.dma_semaphore, #tpu.memory_space<semaphore_mem>>
      %dma_start3A_144 = arith.constant 0 : i32
      %dma_start3A_145 = tpu.memref_slice %arg8[%arg0, %mul3A_143, %dma_start3A_144] : memref<2x10240x128xf32, #tpu.memory_space<hbm>> -> memref<1x640x128xf32, #tpu.memory_space<hbm>>
      %dma_start3A_146 = tpu.memref_squeeze %dma_start3A_145 : memref<1x640x128xf32, #tpu.memory_space<hbm>> -> memref<640x128xf32, #tpu.memory_space<hbm>>
      %dma_start3A_147 = arith.constant 0 : i32
      %dma_start3A_148 = tpu.memref_slice %arg16[%mul3A_141, %dma_start3A_147] : memref<10240x128xf32, #tpu.memory_space<vmem_shared>> -> memref<640x128xf32, #tpu.memory_space<vmem_shared>>
      tpu.enqueue_dma source(%dma_start3A_148 : memref<640x128xf32, #tpu.memory_space<vmem_shared>>) target(%dma_start3A_146 : memref<640x128xf32, #tpu.memory_space<hbm>>) target_semaphore(%run_scoped3A : memref<!tpu.dma_semaphore, #tpu.memory_space<semaphore_mem>>)
      %dma_wait3A_149 = arith.constant 0 : i32
      %dma_wait3A_150 = tpu.memref_slice %arg8[%arg0, %mul3A_143, %dma_wait3A_149] : memref<2x10240x128xf32, #tpu.memory_space<hbm>> -> memref<1x640x128xf32, #tpu.memory_space<hbm>>
      %dma_wait3A_151 = tpu.memref_squeeze %dma_wait3A_150 : memref<1x640x128xf32, #tpu.memory_space<hbm>> -> memref<640x128xf32, #tpu.memory_space<hbm>>
      %dma_wait3A_152 = arith.constant 0 : i32
      %dma_wait3A_153 = tpu.memref_slice %arg16[%mul3A_141, %dma_wait3A_152] : memref<10240x128xf32, #tpu.memory_space<vmem_shared>> -> memref<640x128xf32, #tpu.memory_space<vmem_shared>>
      tpu.wait_dma2 semaphore(%run_scoped3A : memref<!tpu.dma_semaphore, #tpu.memory_space<semaphore_mem>>) src(%dma_wait3A_153 : memref<640x128xf32, #tpu.memory_space<vmem_shared>>) dst(%dma_wait3A_151 : memref<640x128xf32, #tpu.memory_space<hbm>>)
      tpu.yield
    }) : () -> ()
    return
  }
}

module attributes {stable_mosaic.version = 14 : i64} {
  func.func @_mm_body(%arg0: i32, %arg1: memref<1x3xf32, #tpu.memory_space<smem>>, %arg2: memref<1000x128xf32, #tpu.memory_space<vmem>>, %arg3: memref<128x128xf32, #tpu.memory_space<vmem>>, %arg4: memref<128x128xf32, #tpu.memory_space<vmem>>, %arg5: memref<128x128xf32, #tpu.memory_space<vmem>>, %arg6: memref<1000x64xi32, #tpu.memory_space<vmem>>, %arg7: memref<1000x64xi32, #tpu.memory_space<vmem>>, %arg8: memref<1000x128xf32, #tpu.memory_space<vmem>>) attributes {dimension_semantics = [#tpu.dimension_semantics<parallel>], iteration_bounds = array<i64: 10>, scalar_prefetch = 0 : i64, scratch_operands = 0 : i64, tpu.core_type = #tpu.core_type<tc>, window_params = [{transform_indices = @transform_0, window_bounds = array<i64: 1, 3>}, {transform_indices = @transform_1, window_bounds = array<i64: 1000, 128>}, {pipeline_mode = #tpu.pipeline_mode<synchronous>, transform_indices = @transform_2, window_bounds = array<i64: 128, 128>}, {pipeline_mode = #tpu.pipeline_mode<synchronous>, transform_indices = @transform_3, window_bounds = array<i64: 128, 128>}, {pipeline_mode = #tpu.pipeline_mode<synchronous>, transform_indices = @transform_4, window_bounds = array<i64: 128, 128>}, {transform_indices = @transform_5, window_bounds = array<i64: 1000, 64>}, {transform_indices = @transform_6, window_bounds = array<i64: 1000, 64>}, {transform_indices = @transform_7, window_bounds = array<i64: 1000, 128>}]} {
    %get3A = arith.constant 0 : index
    %get3A_0 = arith.constant 0 : index
    %get3A_1 = vector.load %arg2[%get3A, %get3A_0] : memref<1000x128xf32, #tpu.memory_space<vmem>>, vector<1000x128xf32>
    %get3A_2 = arith.constant 0 : index
    %get3A_3 = arith.constant 0 : index
    %get3A_4 = memref.load %arg1[%get3A_2, %get3A_3] : memref<1x3xf32, #tpu.memory_space<smem>>
    %get3A_5 = arith.constant 0 : index
    %get3A_6 = arith.constant 0 : index
    %get3A_7 = vector.load %arg3[%get3A_5, %get3A_6] : memref<128x128xf32, #tpu.memory_space<vmem>>, vector<128x128xf32>
    %dot_general3A = arith.constant dense<0.000000e+00> : vector<1000x128xf32>
    %dot_general3A_8 = tpu.matmul %get3A_1, %get3A_7, %dot_general3A {dimension_numbers = #tpu.dot_dimension_numbers<[1], [0], [0], [1], [0, 0, 1, 1], [], []>, transpose_lhs_hint = false} : vector<1000x128xf32>, vector<128x128xf32>, vector<1000x128xf32> -> vector<1000x128xf32>
    %mul3A = vector.broadcast %get3A_4 : f32 to vector<1000x128xf32>
    %mul3A_9 = arith.mulf %mul3A, %dot_general3A_8 : vector<1000x128xf32>
    %slice3A = vector.extract_strided_slice %mul3A_9 {offsets = [0, 0], sizes = [1000, 64], strides = [1, 1]} : vector<1000x128xf32> to vector<1000x64xf32>
    %convert_element_type3A = arith.truncf %slice3A : vector<1000x64xf32> to vector<1000x64xbf16>
    %bitcast_convert_type3A = tpu.bitcast %convert_element_type3A : vector<1000x64xbf16> -> vector<1000x64xi16>
    %convert_element_type3A_10 = arith.extui %bitcast_convert_type3A : vector<1000x64xi16> to vector<1000x64xi32>
    %slice3A_11 = vector.extract_strided_slice %mul3A_9 {offsets = [0, 64], sizes = [1000, 64], strides = [1, 1]} : vector<1000x128xf32> to vector<1000x64xf32>
    %convert_element_type3A_12 = arith.truncf %slice3A_11 : vector<1000x64xf32> to vector<1000x64xbf16>
    %bitcast_convert_type3A_13 = tpu.bitcast %convert_element_type3A_12 : vector<1000x64xbf16> -> vector<1000x64xi16>
    %convert_element_type3A_14 = arith.extui %bitcast_convert_type3A_13 : vector<1000x64xi16> to vector<1000x64xi32>
    %shift_left3A = arith.constant 16 : i32
    %shift_left3A_15 = vector.broadcast %shift_left3A : i32 to vector<1000x64xi32>
    %shift_left3A_16 = arith.shli %convert_element_type3A_14, %shift_left3A_15 : vector<1000x64xi32>
    %or3A = arith.ori %convert_element_type3A_10, %shift_left3A_16 : vector<1000x64xi32>
    %bitcast_convert_type3A_17 = tpu.bitcast %or3A : vector<1000x64xi32> -> vector<1000x64xi32>
    %swap3A = arith.constant 0 : index
    %swap3A_18 = arith.constant 0 : index
    %swap3A_19 = vector.load %arg6[%swap3A, %swap3A_18] : memref<1000x64xi32, #tpu.memory_space<vmem>>, vector<1000x64xi32>
    tpu.vector_store %arg6[%swap3A, %swap3A_18], %bitcast_convert_type3A_17 {strides = array<i32>} : memref<1000x64xi32, #tpu.memory_space<vmem>>, vector<1000x64xi32>,
    %get3A_20 = arith.constant 0 : index
    %get3A_21 = arith.constant 1 : index
    %get3A_22 = memref.load %arg1[%get3A_20, %get3A_21] : memref<1x3xf32, #tpu.memory_space<smem>>
    %get3A_23 = arith.constant 0 : index
    %get3A_24 = arith.constant 0 : index
    %get3A_25 = vector.load %arg4[%get3A_23, %get3A_24] : memref<128x128xf32, #tpu.memory_space<vmem>>, vector<128x128xf32>
    %dot_general3A_26 = arith.constant dense<0.000000e+00> : vector<1000x128xf32>
    %dot_general3A_27 = tpu.matmul %get3A_1, %get3A_25, %dot_general3A_26 {dimension_numbers = #tpu.dot_dimension_numbers<[1], [0], [0], [1], [0, 0, 1, 1], [], []>, transpose_lhs_hint = false} : vector<1000x128xf32>, vector<128x128xf32>, vector<1000x128xf32> -> vector<1000x128xf32>
    %mul3A_28 = vector.broadcast %get3A_22 : f32 to vector<1000x128xf32>
    %mul3A_29 = arith.mulf %mul3A_28, %dot_general3A_27 : vector<1000x128xf32>
    %slice3A_30 = vector.extract_strided_slice %mul3A_29 {offsets = [0, 0], sizes = [1000, 64], strides = [1, 1]} : vector<1000x128xf32> to vector<1000x64xf32>
    %convert_element_type3A_31 = arith.truncf %slice3A_30 : vector<1000x64xf32> to vector<1000x64xbf16>
    %bitcast_convert_type3A_32 = tpu.bitcast %convert_element_type3A_31 : vector<1000x64xbf16> -> vector<1000x64xi16>
    %convert_element_type3A_33 = arith.extui %bitcast_convert_type3A_32 : vector<1000x64xi16> to vector<1000x64xi32>
    %slice3A_34 = vector.extract_strided_slice %mul3A_29 {offsets = [0, 64], sizes = [1000, 64], strides = [1, 1]} : vector<1000x128xf32> to vector<1000x64xf32>
    %convert_element_type3A_35 = arith.truncf %slice3A_34 : vector<1000x64xf32> to vector<1000x64xbf16>
    %bitcast_convert_type3A_36 = tpu.bitcast %convert_element_type3A_35 : vector<1000x64xbf16> -> vector<1000x64xi16>
    %convert_element_type3A_37 = arith.extui %bitcast_convert_type3A_36 : vector<1000x64xi16> to vector<1000x64xi32>
    %shift_left3A_38 = arith.constant 16 : i32
    %shift_left3A_39 = vector.broadcast %shift_left3A_38 : i32 to vector<1000x64xi32>
    %shift_left3A_40 = arith.shli %convert_element_type3A_37, %shift_left3A_39 : vector<1000x64xi32>
    %or3A_41 = arith.ori %convert_element_type3A_33, %shift_left3A_40 : vector<1000x64xi32>
    %bitcast_convert_type3A_42 = tpu.bitcast %or3A_41 : vector<1000x64xi32> -> vector<1000x64xi32>
    %swap3A_43 = arith.constant 0 : index
    %swap3A_44 = arith.constant 0 : index
    %swap3A_45 = vector.load %arg7[%swap3A_43, %swap3A_44] : memref<1000x64xi32, #tpu.memory_space<vmem>>, vector<1000x64xi32>
    tpu.vector_store %arg7[%swap3A_43, %swap3A_44], %bitcast_convert_type3A_42 {strides = array<i32>} : memref<1000x64xi32, #tpu.memory_space<vmem>>, vector<1000x64xi32>,
    %get3A_46 = arith.constant 0 : index
    %get3A_47 = arith.constant 2 : index
    %get3A_48 = memref.load %arg1[%get3A_46, %get3A_47] : memref<1x3xf32, #tpu.memory_space<smem>>
    %mul3A_49 = arith.constant 5.000000e-01 : f32
    %mul3A_50 = arith.mulf %mul3A_49, %get3A_48 : f32
    %get3A_51 = arith.constant 0 : index
    %get3A_52 = arith.constant 0 : index
    %get3A_53 = vector.load %arg5[%get3A_51, %get3A_52] : memref<128x128xf32, #tpu.memory_space<vmem>>, vector<128x128xf32>
    %dot_general3A_54 = arith.constant dense<0.000000e+00> : vector<1000x128xf32>
    %dot_general3A_55 = tpu.matmul %get3A_1, %get3A_53, %dot_general3A_54 {dimension_numbers = #tpu.dot_dimension_numbers<[1], [0], [0], [1], [0, 0, 1, 1], [], []>, transpose_lhs_hint = false} : vector<1000x128xf32>, vector<128x128xf32>, vector<1000x128xf32> -> vector<1000x128xf32>
    %mul3A_56 = vector.broadcast %mul3A_50 : f32 to vector<1000x128xf32>
    %mul3A_57 = arith.mulf %mul3A_56, %dot_general3A_55 : vector<1000x128xf32>
    %swap3A_58 = arith.constant 0 : index
    %swap3A_59 = arith.constant 0 : index
    %swap3A_60 = vector.load %arg8[%swap3A_58, %swap3A_59] : memref<1000x128xf32, #tpu.memory_space<vmem>>, vector<1000x128xf32>
    tpu.vector_store %arg8[%swap3A_58, %swap3A_59], %mul3A_57 {strides = array<i32>} : memref<1000x128xf32, #tpu.memory_space<vmem>>, vector<1000x128xf32>,
    return
  }
  func.func @transform_0(%arg0: i32) -> (i32, i32) {
    %c0_i32 = arith.constant 0 : i32
    %c0_i32_0 = arith.constant 0 : i32
    %c0_i32_1 = arith.constant 0 : i32
    return %c0_i32, %c0_i32_0 : i32, i32
  }
  func.func @transform_1(%arg0: i32) -> (i32, i32) {
    %c0_i32 = arith.constant 0 : i32
    %c0_i32_0 = arith.constant 0 : i32
    return %arg0, %c0_i32 : i32, i32
  }
  func.func @transform_2(%arg0: i32) -> (i32, i32) {
    %c0_i32 = arith.constant 0 : i32
    %c0_i32_0 = arith.constant 0 : i32
    %c0_i32_1 = arith.constant 0 : i32
    return %c0_i32, %c0_i32_0 : i32, i32
  }
  func.func @transform_3(%arg0: i32) -> (i32, i32) {
    %c0_i32 = arith.constant 0 : i32
    %c0_i32_0 = arith.constant 0 : i32
    %c0_i32_1 = arith.constant 0 : i32
    return %c0_i32, %c0_i32_0 : i32, i32
  }
  func.func @transform_4(%arg0: i32) -> (i32, i32) {
    %c0_i32 = arith.constant 0 : i32
    %c0_i32_0 = arith.constant 0 : i32
    %c0_i32_1 = arith.constant 0 : i32
    return %c0_i32, %c0_i32_0 : i32, i32
  }
  func.func @transform_5(%arg0: i32) -> (i32, i32) {
    %c0_i32 = arith.constant 0 : i32
    %c0_i32_0 = arith.constant 0 : i32
    return %arg0, %c0_i32 : i32, i32
  }
  func.func @transform_6(%arg0: i32) -> (i32, i32) {
    %c0_i32 = arith.constant 0 : i32
    %c0_i32_0 = arith.constant 0 : i32
    return %arg0, %c0_i32 : i32, i32
  }
  func.func @transform_7(%arg0: i32) -> (i32, i32) {
    %c0_i32 = arith.constant 0 : i32
    %c0_i32_0 = arith.constant 0 : i32
    return %arg0, %c0_i32 : i32, i32
  }
}

</mosaic_0001>

<sc_bundles>
// kernel: kernel.4.cloned.1.call-start
scs
__scs_entry_jumppad:
0x0: {  	(pc) =	sbr.rel $0x88, $3  }
0x1: {  	(tag) =	ssettag $0x0;
	lr =	simm.s32 $0x1  }
0x2: {  	[smem:$0x3F9A] =	sst lr;
	_ =	strace $0xD0000000  }
0x3: {  	_ = 	snop  }
0x4: {  	_ = 	snop  }
0x5: {  	_ = 	snop  }
0x6: {  	_ = 	snop  }
0x7: {  	_ = 	snop  }
__scs_overlays_trampoline_lowered:
0x8: {  	[smem:$0x3FA9] =	sst s0  }
0x9: {  	[smem:$0x3FAA] =	sst s1  }
0xa: {  	[smem:$0x3FAB] =	sst s2  }
0xb: {  	[smem:$0x3FAC] =	sst s3  }
0xc: {  	[smem:$0x3FAD] =	sst s4  }
0xd: {  	[smem:$0x3FAE] =	sst s5  }
0xe: {  	[smem:$0x3FAF] =	sst s6  }
0xf: {  	[smem:$0x3FB0] =	sst s7  }
0x10: {  	[smem:$0x3FB1] =	sst s8  }
0x11: {  	[smem:$0x3FB2] =	sst s9;
	s0 =	simm.s32 @!p0 $0x0  }
0x12: {  	s1 =	sld [smem:$0x3F98];
	s0 =	simm.s32 @p0 $0x1  }
0x13: {  	[smem:$0x3FB3] =	sst s0;
	s0 =	simm.s32 @!p1 $0x0  }
0x14: {  	s2 =	sld [smem:$0x3F97];
	s0 =	simm.s32 @p1 $0x1  }
0x15: {  	[smem:$0x3FB4] =	sst s0;
	s0 =	simm.s32 @!p2 $0x0  }
0x16: {  	s3 =	sld [smem:$0x3FDB];
	s0 =	simm.s32 @p2 $0x1  }
0x17: {  	s4 =	simm.s32 $0x1BF5;
	[smem:$0x3FB6] =	sst s0  }
0x18: {  	s0 =	sld [smem:$0x3F99];
	_ =	swait.ge [sflag:s4], $0x0  }
0x19: {  	s7 =	sld [smem:$0x3F9A]  }
0x1a: {  	s8 =	sadd.s32 $0xFFFFE003, lr  }
0x1b: {  	s9 =	sadd.s32 $0xFFFFFEF7, lr;
	s5 =	simm.s32 $0xFFFFFFFF;
	p2 =	slt.u32 s8, $0xFFFFF086  }
0x1c: {  	p1 =	slt.u32 s9, $0xF7A;
	s5 =	simm.s32 @!p2 $0x0  }
0x1d: {  	s5 =	simm.s32 @p1 $0x1;
	p0 =	seq.s32 s7, s2  }
0x1e: {  	s7 =	smul.u32 @!p0 $0xF7A, s2;
	p2 =	seq.s32 @!p0 s5, $0x0  }
0x1f: {  	s9 =	smul.u32 $0xF7A, s1;
	s8 =	simm.s32 @!p0 $0x1BF5;
	p2 =	por !p2, p0  }
0x20: {  	[sflag:s8] =	ssyncset.s32 @!p0 $0xFFFFF086;
	s6 =	sadd.s32 @!p0 s3, s7;
	s7 =	simm.s32 @!p0 $0x108  }
0x21: {  	s3 =	sadd.s32 s3, s9;
	s6 =	sadd.s32 @!p0 $0x88, s6;
	s7 =	simm.s32 @p2 $0x1082  }
0x22: {  	[simem:s7], [sflag:s8] =	dma.local @!p0 [hbm:s6], $0xF7A  }
0x23: {  	s9 =	sor.u32 $0xD0000000, s2;
	s6 =	simm.s32 $0x108;
	_ =	swait.ge @!p0 [sflag:s8], $0x0  }
0x24: {  	s3 =	sadd.s32 $0x88, s3;
	s6 =	simm.s32 @!p1 $0x1082;
	[sflag:s4] =	ssyncset.s32 $0xFFFFF086  }
0x25: {  	[simem:s6], [sflag:s4] =	dma.local [hbm:s3], $0xF7A  }
0x26: {  	[smem:$0x3F9A] =	sst s1;
	(tag) =	ssettag s2;
	_ =	strace s9  }
0x27: {  	s1 =	sld [smem:$0x3FAA]  }
0x28: {  	s2 =	sld [smem:$0x3FAB]  }
0x29: {  	s4 =	sld [smem:$0x3FAD]  }
0x2a: {  	p0 =	seq.s32 s5, $0x0;
	s5 =	sld [smem:$0x3FAE]  }
0x2b: {  	s6 =	sld [smem:$0x3FAF]  }
0x2c: {  	s7 =	sld [smem:$0x3FB0]  }
0x2d: {  	s3 =	simm.s32 $0x108;
	s8 =	sld [smem:$0x3FB1]  }
0x2e: {  	s3 =	simm.s32 @!p0 $0x1082;
	s9 =	sld [smem:$0x3FB2]  }
0x2f: {  	lr =	sadd.s32 s0, s3;
	s0 =	sld [smem:$0x3FA9]  }
0x30: {  	s3 =	sld [smem:$0x3FAC]  }
0x31: {  	[smem:$0x3FB5] =	sst s10  }
0x32: {  	s10 =	sld [smem:$0x3FB3];
	_ =	sdelay $0x3  }
0x33: {  	p0 =	seq.s32 s10, $0x1;
	s10 =	sld [smem:$0x3FB5];
	_ =	sdelay $0x3  }
0x34: {  	[smem:$0x3FB5] =	sst s10  }
0x35: {  	s10 =	sld [smem:$0x3FB4];
	_ =	sdelay $0x3  }
0x36: {  	p1 =	seq.s32 s10, $0x1;
	s10 =	sld [smem:$0x3FB5];
	_ =	sdelay $0x3  }
0x37: {  	[smem:$0x3FB5] =	sst s10  }
0x38: {  	s10 =	sld [smem:$0x3FB6]  }
0x39: {  	_ = 	snop;
	(pc) =	sbr.ind lr, $3  }
0x3a: {  	_ = 	snop  }
0x3b: {  	_ = 	snop  }
0x3c: {  	p2 =	seq.s32 s10, $0x1;
	s10 =	sld [smem:$0x3FB5]  }
0x3d: {  	_ =	shalt  }
0x3e: {  	_ =	shalt  }
0x3f: {  	_ =	shalt  }
0x40: {  	_ =	shalt  }
0x41: {  	_ =	shalt  }
0x42: {  	_ =	shalt  }
0x43: {  	_ =	shalt  }
0x44: {  	_ =	shalt  }
0x45: {  	_ =	shalt  }
0x46: {  	_ =	shalt  }
0x47: {  	_ =	shalt  }
0x48: {  	_ =	shalt  }
0x49: {  	_ =	shalt  }
0x4a: {  	_ =	shalt  }
0x4b: {  	_ =	shalt  }
0x4c: {  	_ =	shalt  }
0x4d: {  	_ =	shalt  }
0x4e: {  	_ =	shalt  }
0x4f: {  	_ =	shalt  }
0x50: {  	_ =	shalt  }
0x51: {  	_ =	shalt  }
0x52: {  	_ =	shalt  }
0x53: {  	_ =	shalt  }
0x54: {  	_ =	shalt  }
0x55: {  	_ =	shalt  }
0x56: {  	_ =	shalt  }
0x57: {  	_ =	shalt  }
0x58: {  	_ =	shalt  }
0x59: {  	_ =	shalt  }
0x5a: {  	_ =	shalt  }
0x5b: {  	_ =	shalt  }
0x5c: {  	_ =	shalt  }
0x5d: {  	_ =	shalt  }
0x5e: {  	_ =	shalt  }
0x5f: {  	_ =	shalt  }
0x60: {  	_ =	shalt  }
0x61: {  	_ =	shalt  }
0x62: {  	_ =	shalt  }
0x63: {  	_ =	shalt  }
0x64: {  	_ =	shalt  }
0x65: {  	_ =	shalt  }
0x66: {  	_ =	shalt  }
0x67: {  	_ =	shalt  }
0x68: {  	_ =	shalt  }
0x69: {  	_ =	shalt  }
0x6a: {  	_ =	shalt  }
0x6b: {  	_ =	shalt  }
0x6c: {  	_ =	shalt  }
0x6d: {  	_ =	shalt  }
0x6e: {  	_ =	shalt  }
0x6f: {  	_ =	shalt  }
0x70: {  	_ =	shalt  }
0x71: {  	_ =	shalt  }
0x72: {  	_ =	shalt  }
0x73: {  	_ =	shalt  }
0x74: {  	_ =	shalt  }
0x75: {  	_ =	shalt  }
0x76: {  	_ =	shalt  }
0x77: {  	_ =	shalt  }
0x78: {  	_ =	shalt  }
0x79: {  	_ =	shalt  }
0x7a: {  	_ =	shalt  }
0x7b: {  	_ =	shalt  }
0x7c: {  	_ =	shalt  }
0x7d: {  	_ =	shalt  }
0x7e: {  	_ =	shalt  }
0x7f: {  	_ =	shalt  }
0x80: {  	_ =	shalt  }
0x81: {  	_ =	shalt  }
0x82: {  	_ =	shalt  }
0x83: {  	_ =	shalt  }
0x84: {  	_ =	shalt  }
0x85: {  	_ =	shalt  }
0x86: {  	_ =	shalt  }
0x87: {  	_ =	shalt  }
.Lfunc_end0:
.L_simem_size_0:
called_computation_lowered:
.L_overlay_start_0:
0x88: {  	s2 =	sld [smem:$0x3FD9]  }
0x89: {  	s3 =	sld [smem:$0x3FFE];
	_ =	sdelay $0x1  }
0x8a: {  	s1 =	srdreg.scid  }
0x8b: {  	s0 =	sand.u32 $0x1, s1  }
0x8c: {  	s17 =	sshll.u32 s0, $0xA;
	s2 =	sadd.s32 s3, s2  }
0x8d: {  	s2 =	sadd.s32 s2, s17  }
0x8e: {  	[smem:$0x3FC1] =	sst s2  }
0x8f: {  	_ = 	snop  }
0x90: {  	s2 =	sld [smem:$0x3FC7]  }
0x91: {  	s18 =	sld [smem:$0x3FD0];
	(tm) =	ssettm $0x1  }
0x92: {  	s4 =	sld [smem:$0x3FFB];
	_ =	sdelay $0x3  }
0x93: {  	_ =	strace s4  }
0x94: {  	s4 =	sld [smem:$0x3FFC];
	_ =	sdelay $0x3  }
0x95: {  	_ =	strace s4  }
0x96: {  	s4 =	sld [smem:$0x3FFD];
	_ =	sdelay $0x3  }
0x97: {  	_ =	strace s4  }
0x98: {  	_ =	strace $0x8FFFFFFF  }
0x99: {  	s19 =	sld [smem:$0x3FDB];
	_ =	sdelay $0x1  }
0x9a: {  	s5 =	simm.s32 $_scs_section_size  }
0x9b: {  	s6 =	simm.s32 $_size__tile_overlayer_lowered;
	s7 =	simm.s32 $_tile_overlayer_lowered  }
0x9c: {  	s22 =	simm.s32 $0x1BFF;
	s21 =	sshll.u32 s7, $0x1;
	s4 =	sadd.s32 s5, s19  }
0x9d: {  	s8 =	simm.s32 $0x0;
	s20 =	sshll.u32 s6, $0x1;
	s6 =	sadd.s32 s21, s4  }
0x9e: {  	[timem:s8], [sflag:s22] =	dma.local [hbm:s6], s20  }
0x9f: {  	_ =	swait.ge [sflag:s22], s20  }
0xa0: {  	s5 =	ssub.s32 $0x0, s20;
	[sflag:s22] =	ssyncset.done $0x0  }
0xa1: {  	[sflag:s22] =	ssyncadd.s32 s5;
	_ =	sdelay $0x1  }
0xa2: {  	s23 =	simm.s32 $0x1B8B  }
0xa3: {  	_ =	swait.ge [sflag:s23], $0x1  }
0xa4: {  	[sflag:s23] =	ssyncset.done $0x0  }
0xa5: {  	s25 =	simm.s32 $0x1B8E;
	s24 =	sld [smem:$0x3FFE];
	[sflag:s23] =	ssyncadd.s32 $0xFFFFFFFF  }
0xa6: {  	s26 =	simm.s32 $execute0_lowered;
	[smem:$0x3FD2] =	sst s25  }
0xa7: {  	s6 =	sshll.u32 s26, $0x1;
	_ =	strace $0x80000046;
	[dreg:$0x1] =	wrdreg $0xFFFFFFFF  }
0xa8: {  	s28 =	simm.s32 $_size_execute0_lowered;
	s4 =	sadd.s32 s4, s6;
	[dreg:$0x0] =	wrdreg $0x0  }
0xa9: {  	s6 =	sshll.u32 s28, $0x1;
	[dreg:$0x2] =	wrdreg s4  }
0xaa: {  	[dreg:$0x3] =	wrdreg s6  }
0xab: {  	[dreg:$0x4] =	wrdreg $0xC0  }
0xac: {  	_ =	task [dreg:s8], $0x5FFFF  }
0xad: {  	[dreg:$0x1] =	wrdreg $0xFFFFFFFF  }
0xae: {  	[dreg:$0x0] =	wrdreg $0x60  }
0xaf: {  	[dreg:$0x2] =	wrdreg s24  }
0xb0: {  	[dreg:$0x3] =	wrdreg s2  }
0xb1: {  	[dreg:$0x4] =	wrdreg s18  }
0xb2: {  	[dreg:$0x5] =	wrdreg $0xA2D00  }
0xb3: {  	[dreg:$0x6] =	wrdreg $0x9  }
0xb4: {  	_ =	task.clear_ibuf [dreg:s8], $0x7FFFF;
	_ =	strace $0x90000046  }
0xb5: {  	s29 =	simm.s32 $0x9;
	_ =	strace $0x80000048  }
0xb6: {  	_ =	swait.ge [sflag:s29], $0x1  }
0xb7: {  	[sflag:s29] =	ssyncadd.s32 $0xFFFFFFFF  }
0xb8: {  	_ =	strace $0x90000048  }
0xb9: {  	_ =	sfence  }
0xba: {  	s30 =	sld [smem:$0x0];
	_ =	sdelay $0x2  }
0xbb: {  	s31 =	sshll.u32 s1, $0xD;
	s1 =	sshrl.u32 s1, $0x2  }
0xbc: {  	s3 =	sand.u32 $0x4000, s31;
	s1 =	sadd.s32 s1, s30  }
0xbd: {  	s0 =	sor.u32 s3, s0;
	s1 =	sshll.u32 s1, $0x11  }
0xbe: {  	s0 =	sor.u32 s1, s0  }
0xbf: {  	s0 =	sadd.s32 $0x8F2B, s0  }
0xc0: {  	[sflag:s0] =	ssyncadd.remote.s32 $0x1  }
0xc1: {  	_ =	sfence.sel $0xFFFF  }
0xc2: {  	[dreg:$0x0] =	wrdreg $0xFFFFFFFF;
	(pc) =	sbr.abs _section_cstart, $3  }
0xc3: {  	[dreg:$0x1] =	wrdreg $0xFFFFFFFF  }
0xc4: {  	_ =	task.clear_ibuf [dreg:s8], $0x2FFFF;
	_ =	strace $0x9FFFFFFF  }
0xc5: {  	(tm) =	ssettm $0x7FFFFFFF  }
tec
execute0_lowered:
.L_overlay_start_1:
0x0: {  	(tag) =	ssettag $0x1  }
0x1: {  	s0 =	rddreg [dreg:$0x0]  }
0x2: {  	s1 =	rddreg [dreg:$0x1]  }
0x3: {  	s2 =	rddreg [dreg:$0x2]  }
0x4: {  	s3 =	rddreg [dreg:$0x3];
	s4 =	simm.s32 $0x0;
	s5 =	srdreg.scid  }
0x5: {  	s14 =	stileid.u32;
	s28 =	simm.s32 $0x52D0;
	s29 =	simm.s32 $0x2  }
0x6: {  	s30 =	simm.s32 $0x7AD0;
	s31 =	simm.s32 $0x3;
	[smem:$0x7FF] =	sst s4  }
0x7: {  	s9 =	sand.u32 $0x1, s5;
	s11 =	smul.u32 $0x14000, s14;
	s5 =	sadd.s32 $0x14600, s0  }
0x8: {  	s6 =	sadd.s32 $0x28000, s0;
	s7 =	sadd.s32 $0xA800, s0;
	s12 =	sshll.u32 s14, $0x1  }
0x9: {  	s10 =	smul.u32 $0x140000, s9;
	s13 =	ssub.s32 $0x2, s9;
	s9 =	sor.u32 s9, s12  }
0xa: {  	s8 =	sadd.s32 $0xA00, s0;
	s19 =	sshrl.u32 s13, $0x1;
	s9 =	smul.u32 $0x2710, s9  }
0xb: {  	_ =	strace $0x80000047;
	s10 =	sadd.s32 s11, s10;
	s20 =	ssub.s32 s13, s19  }
0xc: {  	s10 =	sshrl.u32 s10, $0x3;
	s21 =	sshrl.u32 s9, $0x3;
	s26 =	smax.u32 s20, $0x1  }
0xd: {  	s0 =	sadd.s32 s10, s0;
	s22 =	sadd.s32 s7, s21;
	[dreg:$0xe] =	wrdreg s26  }
0xe: {  	s10 =	sadd.s32 s11, s3;
	s15 =	sadd.s32 s8, s21;
	[dreg:$0x7] =	wrdreg s22  }
0xf: {  	s11 =	sshrl.u32 s11, $0x3;
	s13 =	sadd.s32 s1, s21;
	[dreg:$0x8] =	wrdreg s15  }
0x10: {  	p0 =	seq.s32 s14, $0xF;
	s11 =	sadd.s32 s2, s11;
	[dreg:$0x9] =	wrdreg s13  }
0x11: {  	s23 =	sadd.s32 $0xA, s21;
	s2 =	sadd.s32 $0x25800, s2;
	[dreg:$0x5] =	wrdreg s11  }
0x12: {  	s26 =	simm.s32 $0x50;
	s24 =	sadd.s32 s7, s23;
	[dreg:$0x6] =	wrdreg s2  }
0x13: {  	v0 =	vimm.s32 $0x0;
	s25 =	sadd.s32 s8, s23;
	s0 =	sadd.s32 $0x3BA00, s0;
	[dreg:$0xa] =	wrdreg s24  }
0x14: {  	v1 =	vimm.s32 $0x1;
	v2 =	vimm.s32 $0x2;
	v3 =	vimm.s32 $0x3;
	s11 =	sadd.s32 $0x12C000, s3;
	[dreg:$0xb] =	wrdreg s25;
	s2 =	sadd.s32 s1, s23  }
0x15: {  	v4 =	vimm.s32 $0x4;
	v5 =	vimm.s32 $0x5;
	v6 =	vimm.s32 $0x6;
	[dreg:$0xd] =	wrdreg s0;
	s0 =	sshll.u32 @!p0 s14, $0x6;
	s23 =	sshrl.u32 @!p0 s10, $0x3  }
0x16: {  	v7 =	vimm.s32 $0x7;
	v8 =	vimm.s32 $0x8;
	v9 =	vimm.s32 $0x9;
	s25 =	simm.s32 $0x5;
	s24 =	simm.s32 $0x0;
	[dreg:$0xc] =	wrdreg s2  }
0x17: {  	v10 =	vimm.s32 $0xA;
	v11 =	vimm.s32 $0xB;
	v12 =	vimm.s32 $0xC;
	s2 =	sshrl.u32 @p0 s11, $0x3;
	s22 =	sor.u32 @!p0 $0x1C06, s0;
	s0 =	simm.s32 $0x1  }
0x18: {  	v13 =	vimm.s32 $0xD;
	v14 =	vimm.s32 $0xE;
	v15 =	vimm.s32 $0xF;
	s11 =	simm.s32 $0x6;
	[dreg:$0xf] =	wrdreg s2;
	s2 =	simm.s32 $0x4  }
.LBB2_1:
0x19: {  	s13 =	rddreg [dreg:$0x6]  }
0x1a: {  	s12 =	simm.s32 @p0 $0x1FC6;
	s14 =	rddreg [dreg:$0xf]  }
0x1b: {  	[spmem:s14], [sflag:s12] =	dma.local @p0 [hbm:s13], $0x1900  }
0x1c: {  	s12 =	simm.s32 @p0 $0x6  }
0x1d: {  	_ =	swait.ge @p0 [sflag:s12], $0x1900  }
0x1e: {  	[sflag:s12] =	ssyncset.done @p0 $0x0  }
0x1f: {  	[sflag:s12] =	ssyncadd.s32 @p0 $0xFFFFE700;
	s12 =	rddreg [dreg:$0x5]  }
0x20: {  	[spmem:s23], [sflag:s22] =	dma.local @!p0 [hbm:s12], $0x2800  }
0x21: {  	s12 =	simm.s32 @!p0 $0x6  }
0x22: {  	_ =	swait.ge @!p0 [sflag:s12], $0x2800  }
0x23: {  	[sflag:s12] =	ssyncset.done @!p0 $0x0  }
0x24: {  	[sflag:s12] =	ssyncadd.s32 @!p0 $0xFFFFD800  }
0x25: {  	[bflag:$0x0] =	sbarrier.arrive $0xFFFF  }
0x26: {  	s18 =	rddreg [dreg:$0x7]  }
0x27: {  	[tilespmem:s4], [sflag:$0x5] =	stream.linear.gather [hbm4b:s18+s4], $0x50, $0x38;
	[tilespmem:$0x1E2D0] =	vst v63  }
0x28: {  	s20 =	simm.s32 $0xF0;
	s19 =	rddreg [dreg:$0x8]  }
0x29: {  	[tilespmem:s20], [sflag:$0x5] =	stream.linear.gather [hbm4b:s19+s4], $0x50, $0x38;
	[tilespmem:$0x1E2D0] =	vst v63  }
0x2a: {  	s12 =	simm.s32 $0x1E0;
	s21 =	rddreg [dreg:$0x9]  }
0x2b: {  	[tilespmem:s12], [sflag:$0x5] =	stream.linear.gather [hbm4b:s21+s4], $0x50, $0x38;
	[tilespmem:$0x1E2D0] =	vst v63  }
0x2c: {  	_ =	swait.ge [sflag:s25], $0x50  }
0x2d: {  	[sflag:s25] =	ssyncset.done $0x0  }
0x2e: {  	[sflag:s25] =	ssyncadd.s32 $0xFFFFFFB0  }
0x2f: {  	_ =	swait.ge [sflag:s25], $0x50  }
0x30: {  	[sflag:s25] =	ssyncset.done $0x0  }
0x31: {  	[sflag:s25] =	ssyncadd.s32 $0xFFFFFFB0  }
0x32: {  	_ =	swait.ge [sflag:s25], $0x50  }
0x33: {  	[sflag:s25] =	ssyncset.done $0x0  }
0x34: {  	s15 =	simm.s32 $0x2D0;
	[sflag:s25] =	ssyncadd.s32 $0xFFFFFFB0  }
0x35: {  	[tilespmem:s15], [sflag:$0x1] =	stream.indirect.gather [hbm4b:s5+s26], $0x40, s4, s26, $0xb8;
	[tilespmem:$0x1E2D0] =	vst v63  }
0x36: {  	s16 =	simm.s32 $0x2AD0  }
0x37: {  	[tilespmem:s16], [sflag:$0x2] =	stream.indirect.gather [hbm4b:s6+s26], $0x40, s20, s26, $0xb8;
	[tilespmem:$0x1E2D0] =	vst v63  }
0x38: {  	s17 =	rddreg [dreg:$0xa]  }
0x39: {  	[tilespmem:s26], [sflag:$0x5] =	stream.linear.gather [hbm4b:s17+s4], $0x50, $0x38;
	[tilespmem:$0x1E2D0] =	vst v63  }
0x3a: {  	s19 =	simm.s32 $0x140;
	s18 =	rddreg [dreg:$0xb]  }
0x3b: {  	[tilespmem:s19], [sflag:$0x5] =	stream.linear.gather [hbm4b:s18+s4], $0x50, $0x38;
	[tilespmem:$0x1E2D0] =	vst v63  }
0x3c: {  	s13 =	simm.s32 $0x0;
	s21 =	simm.s32 $0x230;
	s20 =	rddreg [dreg:$0xc]  }
0x3d: {  	[tilespmem:s21], [sflag:$0x5] =	stream.linear.gather [hbm4b:s20+s4], $0x50, $0x38;
	[tilespmem:$0x1E2D0] =	vst v63  }
.LBB2_2:
0x3e: {  	p1 =	seq.s32 s13, $0x7C  }
0x3f: {  	s14 =	smov.u32 s13;
	s13 =	simm.s32 @p1 $0x3  }
0x40: {  	_ =	swait.ge @p1 [sflag:s13], $0x2800  }
0x41: {  	[sflag:s13] =	ssyncset.done @p1 $0x0  }
0x42: {  	[sflag:s13] =	ssyncadd.s32 @p1 $0xFFFFD800;
	s13 =	simm.s32 @p1 $0x4  }
0x43: {  	_ =	swait.ge @p1 [sflag:s13], $0x2800  }
0x44: {  	[sflag:s13] =	ssyncset.done @p1 $0x0  }
0x45: {  	s15 =	simm.s32 @!p1 $0x5;
	[sflag:s13] =	ssyncadd.s32 @p1 $0xFFFFD800  }
0x46: {  	_ =	swait.ge @!p1 [sflag:s15], $0x50  }
0x47: {  	[sflag:s15] =	ssyncset.done @!p1 $0x0  }
0x48: {  	[sflag:s15] =	ssyncadd.s32 @!p1 $0xFFFFFFB0  }
0x49: {  	s13 =	sadd.s32 $0x1, s14;
	_ =	swait.ge @!p1 [sflag:s15], $0x50  }
0x4a: {  	s16 =	smul.u32 @!p1 $0xAB, s13;
	[sflag:s15] =	ssyncset.done @!p1 $0x0  }
0x4b: {  	[sflag:s15] =	ssyncadd.s32 @!p1 $0xFFFFFFB0  }
0x4c: {  	p2 =	seq.s32 @!p1 s14, $0x0;
	s16 =	sshrl.u32 @!p1 s16, $0x9;
	_ =	swait.ge @!p1 [sflag:s15], $0x50  }
0x4d: {  	p2 =	por p2, p1;
	s16 =	sand.u32 @!p1 $0x7F, s16;
	[sflag:s15] =	ssyncset.done @!p1 $0x0  }
0x4e: {  	s16 =	smul.u32 @!p1 $0x3, s16;
	[sflag:s15] =	ssyncadd.s32 @!p1 $0xFFFFFFB0;
	s15 =	simm.s32 @!p2 $0x3  }
0x4f: {  	s18 =	simm.s32 @!p1 $0x50;
	s17 =	sand.u32 @!p1 $0x1, s13;
	_ =	swait.ge @!p2 [sflag:s15], $0x2800  }
0x50: {  	p3 =	seq.s32 @!p1 s17, $0x1;
	s16 =	ssub.s32 @!p1 s13, s16;
	[sflag:s15] =	ssyncset.done @!p2 $0x0  }
0x51: {  	s16 =	smul.u32 @!p1 $0x50, s16;
	[sflag:s15] =	ssyncadd.s32 @!p2 $0xFFFFD800;
	s15 =	simm.s32 @!p2 $0x4  }
0x52: {  	s17 =	simm.s32 @!p1 $0x1400;
	p3 =	por !p3, p1;
	_ =	swait.ge @!p2 [sflag:s15], $0x2800  }
0x53: {  	s17 =	simm.s32 @p3 $0x0;
	s16 =	sand.u32 @!p1 $0xF0, s16;
	[sflag:s15] =	ssyncset.done @!p2 $0x0  }
0x54: {  	[sflag:s15] =	ssyncadd.s32 @!p2 $0xFFFFD800;
	s15 =	sor.u32 @!p1 $0x2D0, s17;
	p2 =	sgt.u32 @!p1 s14, $0x7A  }
0x55: {  	[tilespmem:s15], [sflag:$0x1] =	stream.indirect.gather @!p1 [hbm4b:s5+s18], $0x40, s16, s18, $0xb8;
	[tilespmem:$0x1E2D0] =	vst v63  }
0x56: {  	p2 =	por p2, p1  }
0x57: {  	s15 =	sadd.s32 @!p2 $0x2, s14  }
0x58: {  	s17 =	sor.u32 @!p1 $0x2AD0, s17;
	s16 =	sadd.s32 @!p1 $0xF0, s16;
	s19 =	smul.u32 @!p2 $0xAB, s15  }
0x59: {  	[tilespmem:s17], [sflag:$0x2] =	stream.indirect.gather @!p1 [hbm4b:s6+s18], $0x40, s16, s18, $0xb8;
	[tilespmem:$0x1E2D0] =	vst v63  }
0x5a: {  	s16 =	sshrl.u32 @!p2 s19, $0x9  }
0x5b: {  	s20 =	smulhi.u32 $0xAAAAAAAB, s14;
	s16 =	sand.u32 @!p2 $0x7F, s16  }
0x5c: {  	s16 =	smul.u32 @!p2 $0x3, s16  }
0x5d: {  	s17 =	sshrl.u32 s20, $0x1;
	s18 =	smul.u32 @!p2 $0x50, s15  }
0x5e: {  	s17 =	smul.u32 $0xFFFFFC40, s17;
	s15 =	ssub.s32 @!p2 s15, s16  }
0x5f: {  	s16 =	sadd.s32 @!p2 s9, s18;
	s15 =	smul.u32 @!p2 $0x50, s15  }
0x60: {  	s21 =	smul.u32 $0xAB, s14;
	s20 =	simm.s32 @!p2 $0x0;
	s16 =	sshrl.u32 @!p2 s16, $0x3  }
0x61: {  	s17 =	sshra.s32 s17, $0x2;
	s19 =	sadd.s32 @!p2 s7, s16;
	s15 =	sand.u32 @!p2 $0xF0, s15  }
0x62: {  	[tilespmem:s15], [sflag:$0x5] =	stream.linear.gather @!p2 [hbm4b:s19+s20], $0x50, $0x38;
	[tilespmem:$0x1E2D0] =	vst v63  }
0x63: {  	s18 =	sshrl.u32 s21, $0x9;
	s21 =	sadd.s32 @!p2 s8, s16;
	s19 =	sadd.s32 @!p2 $0xF0, s15  }
0x64: {  	[tilespmem:s19], [sflag:$0x5] =	stream.linear.gather @!p2 [hbm4b:s21+s20], $0x50, $0x38;
	[tilespmem:$0x1E2D0] =	vst v63  }
0x65: {  	s18 =	sand.u32 $0x7F, s18;
	s16 =	sadd.s32 @!p2 s1, s16;
	s15 =	sadd.s32 @!p2 $0x1E0, s15  }
0x66: {  	[tilespmem:s15], [sflag:$0x5] =	stream.linear.gather @!p2 [hbm4b:s16+s20], $0x50, $0x38;
	[tilespmem:$0x1E2D0] =	vst v63  }
0x67: {  	s19 =	sadd.s32 s17, s12;
	s21 =	sand.u32 $0x1, s14;
	s20 =	smul.u32 $0x3, s18  }
0x68: {  	s17 =	simm.s32 $0x0;
	p1 =	seq.s32 s21, $0x1;
	v16 =	vmov s19;
	s16 =	simm.s32 $0x1400  }
0x69: {  	s18 =	simm.s32 $0x56D0;
	_ =	swait.ge [sflag:s0], $0x1400;
	s14 =	ssub.s32 s14, s20  }
0x6a: {  	s16 =	simm.s32 @!p1 $0x0;
	[sflag:s0] =	ssyncset.done $0x0;
	s15 =	sand.u32 $0xFF, s14  }
0x6b: {  	[sflag:s0] =	ssyncadd.s32 $0xFFFFEC00;
	s14 =	sshll.u32 s16, $0x2;
	s16 =	sadd.s32 $0x4D0, s16  }
.LBB2_3:
0x6c: {  	s19 =	sshra.s32 s17, $0x2  }
0x6d: {  	v17 =	vld.idx.msk [tilespmem:v16+s19+$0x0 ss:$0x1], $0xffff  }
0x6e: {  	v18 =	vld [tilespmem:s16+$0xFFFFFE00];
	_ =	sdelay $0x1  }
0x6f: {  	v19 =	vld [tilespmem:s16+$0xFFFFFE10];
	_ =	sdelay $0x1  }
0x70: {  	v21 =	vld [tilespmem:s16+$0xFFFFFE20];
	v20 =	vperm.xlane v17, v0  }
0x71: {  	v22 =	vshll.u32 v18, $0x10  }
0x72: {  	v23 =	vld [tilespmem:s16+$0xFFFFFE30];
	v18 =	vand.u32 $0xFFFF0000, v18;
	v22 =	vmul.f32 v22, v20  }
0x73: {  	v24 =	vshll.u32 v19, $0x10;
	v18 =	vmul.f32 v18, v20  }
0x74: {  	v19 =	vand.u32 $0xFFFF0000, v19;
	v46 =	vmul.f32 v24, v20;
	[tilespmem:s18+$0xFFFFFC00] =	vst v22  }
0x75: {  	[tilespmem:s18+$0xFFFFFC40] =	vst v18;
	v18 =	vmul.f32 v19, v20;
	v19 =	vshll.u32 v21, $0x10  }
0x76: {  	[tilespmem:s18+$0xFFFFFC10] =	vst v46;
	v21 =	vand.u32 $0xFFFF0000, v21;
	v19 =	vmul.f32 v19, v20  }
0x77: {  	v47 =	vshll.u32 v23, $0x10;
	[tilespmem:s18+$0xFFFFFC50] =	vst v18;
	v18 =	vmul.f32 v21, v20  }
0x78: {  	v21 =	vmul.f32 v47, v20;
	[tilespmem:s18+$0xFFFFFC20] =	vst v19;
	v19 =	vand.u32 $0xFFFF0000, v23  }
0x79: {  	[tilespmem:s18+$0xFFFFFC60] =	vst v18;
	v18 =	vmul.f32 v19, v20  }
0x7a: {  	[tilespmem:s18+$0xFFFFFC30] =	vst v21  }
0x7b: {  	[tilespmem:s18+$0xFFFFFC70] =	vst v18  }
0x7c: {  	v18 =	vld [tilespmem:s16+$0xFFFFFE40];
	_ =	sdelay $0x1  }
0x7d: {  	v19 =	vld [tilespmem:s16+$0xFFFFFE50];
	_ =	sdelay $0x1  }
0x7e: {  	v48 =	vperm.xlane v17, v1;
	v21 =	vld [tilespmem:s16+$0xFFFFFE60]  }
0x7f: {  	v49 =	vshll.u32 v18, $0x10  }
0x80: {  	v50 =	vld [tilespmem:s16+$0xFFFFFE70];
	v18 =	vand.u32 $0xFFFF0000, v18;
	v22 =	vmul.f32 v49, v48  }
0x81: {  	v51 =	vshll.u32 v19, $0x10;
	v18 =	vmul.f32 v18, v48  }
0x82: {  	v19 =	vand.u32 $0xFFFF0000, v19;
	v52 =	vmul.f32 v51, v48;
	[tilespmem:s18+$0xFFFFFC80] =	vst v22  }
0x83: {  	[tilespmem:s18+$0xFFFFFCC0] =	vst v18;
	v18 =	vmul.f32 v19, v48;
	v19 =	vshll.u32 v21, $0x10  }
0x84: {  	[tilespmem:s18+$0xFFFFFC90] =	vst v52;
	v21 =	vand.u32 $0xFFFF0000, v21;
	v19 =	vmul.f32 v19, v48  }
0x85: {  	v53 =	vshll.u32 v50, $0x10;
	[tilespmem:s18+$0xFFFFFCD0] =	vst v18;
	v18 =	vmul.f32 v21, v48  }
0x86: {  	v21 =	vmul.f32 v53, v48;
	[tilespmem:s18+$0xFFFFFCA0] =	vst v19;
	v19 =	vand.u32 $0xFFFF0000, v50  }
0x87: {  	[tilespmem:s18+$0xFFFFFCE0] =	vst v18;
	v18 =	vmul.f32 v19, v48  }
0x88: {  	[tilespmem:s18+$0xFFFFFCB0] =	vst v21  }
0x89: {  	[tilespmem:s18+$0xFFFFFCF0] =	vst v18  }
0x8a: {  	v18 =	vld [tilespmem:s16+$0xFFFFFE80];
	_ =	sdelay $0x1  }
0x8b: {  	v19 =	vld [tilespmem:s16+$0xFFFFFE90];
	_ =	sdelay $0x1  }
0x8c: {  	v54 =	vperm.xlane v17, v2;
	v21 =	vld [tilespmem:s16+$0xFFFFFEA0]  }
0x8d: {  	v55 =	vshll.u32 v18, $0x10  }
0x8e: {  	v56 =	vld [tilespmem:s16+$0xFFFFFEB0];
	v18 =	vand.u32 $0xFFFF0000, v18;
	v22 =	vmul.f32 v55, v54  }
0x8f: {  	v57 =	vshll.u32 v19, $0x10;
	v18 =	vmul.f32 v18, v54  }
0x90: {  	v19 =	vand.u32 $0xFFFF0000, v19;
	v58 =	vmul.f32 v57, v54;
	[tilespmem:s18+$0xFFFFFD00] =	vst v22  }
0x91: {  	[tilespmem:s18+$0xFFFFFD40] =	vst v18;
	v18 =	vmul.f32 v19, v54;
	v19 =	vshll.u32 v21, $0x10  }
0x92: {  	[tilespmem:s18+$0xFFFFFD10] =	vst v58;
	v21 =	vand.u32 $0xFFFF0000, v21;
	v19 =	vmul.f32 v19, v54  }
0x93: {  	v59 =	vshll.u32 v56, $0x10;
	[tilespmem:s18+$0xFFFFFD50] =	vst v18;
	v18 =	vmul.f32 v21, v54  }
0x94: {  	v21 =	vmul.f32 v59, v54;
	[tilespmem:s18+$0xFFFFFD20] =	vst v19;
	v19 =	vand.u32 $0xFFFF0000, v56  }
0x95: {  	[tilespmem:s18+$0xFFFFFD60] =	vst v18;
	v18 =	vmul.f32 v19, v54  }
0x96: {  	[tilespmem:s18+$0xFFFFFD30] =	vst v21  }
0x97: {  	[tilespmem:s18+$0xFFFFFD70] =	vst v18  }
0x98: {  	v18 =	vld [tilespmem:s16+$0xFFFFFEC0];
	_ =	sdelay $0x1  }
0x99: {  	v19 =	vld [tilespmem:s16+$0xFFFFFED0];
	_ =	sdelay $0x1  }
0x9a: {  	v60 =	vperm.xlane v17, v3;
	v21 =	vld [tilespmem:s16+$0xFFFFFEE0]  }
0x9b: {  	v61 =	vshll.u32 v18, $0x10  }
0x9c: {  	v62 =	vld [tilespmem:s16+$0xFFFFFEF0];
	v18 =	vand.u32 $0xFFFF0000, v18;
	v22 =	vmul.f32 v61, v60  }
0x9d: {  	v63 =	vshll.u32 v19, $0x10;
	v18 =	vmul.f32 v18, v60  }
0x9e: {  	v19 =	vand.u32 $0xFFFF0000, v19;
	v28 =	vmul.f32 v63, v60;
	[tilespmem:s18+$0xFFFFFD80] =	vst v22  }
0x9f: {  	[tilespmem:s18+$0xFFFFFDC0] =	vst v18;
	v18 =	vmul.f32 v19, v60;
	v19 =	vshll.u32 v21, $0x10  }
0xa0: {  	[tilespmem:s18+$0xFFFFFD90] =	vst v28;
	v21 =	vand.u32 $0xFFFF0000, v21;
	v19 =	vmul.f32 v19, v60  }
0xa1: {  	v29 =	vshll.u32 v62, $0x10;
	[tilespmem:s18+$0xFFFFFDD0] =	vst v18;
	v18 =	vmul.f32 v21, v60  }
0xa2: {  	v21 =	vmul.f32 v29, v60;
	[tilespmem:s18+$0xFFFFFDA0] =	vst v19;
	v19 =	vand.u32 $0xFFFF0000, v62  }
0xa3: {  	[tilespmem:s18+$0xFFFFFDE0] =	vst v18;
	v18 =	vmul.f32 v19, v60  }
0xa4: {  	[tilespmem:s18+$0xFFFFFDB0] =	vst v21  }
0xa5: {  	[tilespmem:s18+$0xFFFFFDF0] =	vst v18  }
0xa6: {  	v18 =	vld [tilespmem:s16+$0xFFFFFF00];
	_ =	sdelay $0x1  }
0xa7: {  	v19 =	vld [tilespmem:s16+$0xFFFFFF10];
	_ =	sdelay $0x1  }
0xa8: {  	v30 =	vperm.xlane v17, v4;
	v21 =	vld [tilespmem:s16+$0xFFFFFF20]  }
0xa9: {  	v31 =	vshll.u32 v18, $0x10  }
0xaa: {  	v32 =	vld [tilespmem:s16+$0xFFFFFF30];
	v18 =	vand.u32 $0xFFFF0000, v18;
	v22 =	vmul.f32 v31, v30  }
0xab: {  	v33 =	vshll.u32 v19, $0x10;
	v18 =	vmul.f32 v18, v30  }
0xac: {  	v19 =	vand.u32 $0xFFFF0000, v19;
	v34 =	vmul.f32 v33, v30;
	[tilespmem:s18+$0xFFFFFE00] =	vst v22  }
0xad: {  	[tilespmem:s18+$0xFFFFFE40] =	vst v18;
	v18 =	vmul.f32 v19, v30;
	v19 =	vshll.u32 v21, $0x10  }
0xae: {  	[tilespmem:s18+$0xFFFFFE10] =	vst v34;
	v21 =	vand.u32 $0xFFFF0000, v21;
	v19 =	vmul.f32 v19, v30  }
0xaf: {  	v35 =	vshll.u32 v32, $0x10;
	[tilespmem:s18+$0xFFFFFE50] =	vst v18;
	v18 =	vmul.f32 v21, v30  }
0xb0: {  	v21 =	vmul.f32 v35, v30;
	[tilespmem:s18+$0xFFFFFE20] =	vst v19;
	v19 =	vand.u32 $0xFFFF0000, v32  }
0xb1: {  	[tilespmem:s18+$0xFFFFFE60] =	vst v18;
	v18 =	vmul.f32 v19, v30  }
0xb2: {  	[tilespmem:s18+$0xFFFFFE30] =	vst v21  }
0xb3: {  	[tilespmem:s18+$0xFFFFFE70] =	vst v18  }
0xb4: {  	v18 =	vld [tilespmem:s16+$0xFFFFFF40];
	_ =	sdelay $0x1  }
0xb5: {  	v19 =	vld [tilespmem:s16+$0xFFFFFF50];
	_ =	sdelay $0x1  }
0xb6: {  	v36 =	vperm.xlane v17, v5;
	v21 =	vld [tilespmem:s16+$0xFFFFFF60]  }
0xb7: {  	v37 =	vshll.u32 v18, $0x10  }
0xb8: {  	v38 =	vld [tilespmem:s16+$0xFFFFFF70];
	v18 =	vand.u32 $0xFFFF0000, v18;
	v22 =	vmul.f32 v37, v36  }
0xb9: {  	v39 =	vshll.u32 v19, $0x10;
	v18 =	vmul.f32 v18, v36  }
0xba: {  	v19 =	vand.u32 $0xFFFF0000, v19;
	v40 =	vmul.f32 v39, v36;
	[tilespmem:s18+$0xFFFFFE80] =	vst v22  }
0xbb: {  	[tilespmem:s18+$0xFFFFFEC0] =	vst v18;
	v18 =	vmul.f32 v19, v36;
	v19 =	vshll.u32 v21, $0x10  }
0xbc: {  	[tilespmem:s18+$0xFFFFFE90] =	vst v40;
	v21 =	vand.u32 $0xFFFF0000, v21;
	v19 =	vmul.f32 v19, v36  }
0xbd: {  	v41 =	vshll.u32 v38, $0x10;
	[tilespmem:s18+$0xFFFFFED0] =	vst v18;
	v18 =	vmul.f32 v21, v36  }
0xbe: {  	v21 =	vmul.f32 v41, v36;
	[tilespmem:s18+$0xFFFFFEA0] =	vst v19;
	v19 =	vand.u32 $0xFFFF0000, v38  }
0xbf: {  	[tilespmem:s18+$0xFFFFFEE0] =	vst v18;
	v18 =	vmul.f32 v19, v36  }
0xc0: {  	[tilespmem:s18+$0xFFFFFEB0] =	vst v21  }
0xc1: {  	[tilespmem:s18+$0xFFFFFEF0] =	vst v18  }
0xc2: {  	v18 =	vld [tilespmem:s16+$0xFFFFFF80];
	_ =	sdelay $0x1  }
0xc3: {  	v19 =	vld [tilespmem:s16+$0xFFFFFF90];
	_ =	sdelay $0x1  }
0xc4: {  	v42 =	vperm.xlane v17, v6;
	v21 =	vld [tilespmem:s16+$0xFFFFFFA0]  }
0xc5: {  	v43 =	vshll.u32 v18, $0x10  }
0xc6: {  	v44 =	vld [tilespmem:s16+$0xFFFFFFB0];
	v18 =	vand.u32 $0xFFFF0000, v18;
	v22 =	vmul.f32 v43, v42  }
0xc7: {  	v45 =	vshll.u32 v19, $0x10;
	v18 =	vmul.f32 v18, v42  }
0xc8: {  	v19 =	vand.u32 $0xFFFF0000, v19;
	v46 =	vmul.f32 v45, v42;
	[tilespmem:s18+$0xFFFFFF00] =	vst v22  }
0xc9: {  	[tilespmem:s18+$0xFFFFFF40] =	vst v18;
	v18 =	vmul.f32 v19, v42;
	v19 =	vshll.u32 v21, $0x10  }
0xca: {  	[tilespmem:s18+$0xFFFFFF10] =	vst v46;
	v21 =	vand.u32 $0xFFFF0000, v21;
	v19 =	vmul.f32 v19, v42  }
0xcb: {  	v47 =	vshll.u32 v44, $0x10;
	[tilespmem:s18+$0xFFFFFF50] =	vst v18;
	v18 =	vmul.f32 v21, v42  }
0xcc: {  	v21 =	vmul.f32 v47, v42;
	[tilespmem:s18+$0xFFFFFF20] =	vst v19;
	v19 =	vand.u32 $0xFFFF0000, v44  }
0xcd: {  	[tilespmem:s18+$0xFFFFFF60] =	vst v18;
	v18 =	vmul.f32 v19, v42  }
0xce: {  	[tilespmem:s18+$0xFFFFFF30] =	vst v21  }
0xcf: {  	[tilespmem:s18+$0xFFFFFF70] =	vst v18  }
0xd0: {  	v18 =	vld [tilespmem:s16+$0xFFFFFFC0];
	_ =	sdelay $0x1  }
0xd1: {  	v19 =	vld [tilespmem:s16+$0xFFFFFFD0];
	_ =	sdelay $0x1  }
0xd2: {  	v48 =	vperm.xlane v17, v7;
	v21 =	vld [tilespmem:s16+$0xFFFFFFE0]  }
0xd3: {  	v49 =	vshll.u32 v18, $0x10  }
0xd4: {  	v50 =	vld [tilespmem:s16+$0xFFFFFFF0];
	v18 =	vand.u32 $0xFFFF0000, v18;
	v22 =	vmul.f32 v49, v48  }
0xd5: {  	v51 =	vshll.u32 v19, $0x10;
	v18 =	vmul.f32 v18, v48  }
0xd6: {  	v19 =	vand.u32 $0xFFFF0000, v19;
	v52 =	vmul.f32 v51, v48;
	[tilespmem:s18+$0xFFFFFF80] =	vst v22  }
0xd7: {  	[tilespmem:s18+$0xFFFFFFC0] =	vst v18;
	v18 =	vmul.f32 v19, v48;
	v19 =	vshll.u32 v21, $0x10  }
0xd8: {  	[tilespmem:s18+$0xFFFFFF90] =	vst v52;
	v21 =	vand.u32 $0xFFFF0000, v21;
	v19 =	vmul.f32 v19, v48  }
0xd9: {  	v53 =	vshll.u32 v50, $0x10;
	[tilespmem:s18+$0xFFFFFFD0] =	vst v18;
	v18 =	vmul.f32 v21, v48  }
0xda: {  	v21 =	vmul.f32 v53, v48;
	[tilespmem:s18+$0xFFFFFFA0] =	vst v19;
	v19 =	vand.u32 $0xFFFF0000, v50  }
0xdb: {  	[tilespmem:s18+$0xFFFFFFE0] =	vst v18;
	v18 =	vmul.f32 v19, v48  }
0xdc: {  	[tilespmem:s18+$0xFFFFFFB0] =	vst v21  }
0xdd: {  	[tilespmem:s18+$0xFFFFFFF0] =	vst v18  }
0xde: {  	v18 =	vld [tilespmem:s16+$0x0];
	_ =	sdelay $0x1  }
0xdf: {  	v19 =	vld [tilespmem:s16+$0x10];
	_ =	sdelay $0x1  }
0xe0: {  	v54 =	vperm.xlane v17, v8;
	v21 =	vld [tilespmem:s16+$0x20]  }
0xe1: {  	v55 =	vshll.u32 v18, $0x10  }
0xe2: {  	v56 =	vld [tilespmem:s16+$0x30];
	v18 =	vand.u32 $0xFFFF0000, v18;
	v22 =	vmul.f32 v55, v54  }
0xe3: {  	v57 =	vshll.u32 v19, $0x10;
	v18 =	vmul.f32 v18, v54  }
0xe4: {  	v19 =	vand.u32 $0xFFFF0000, v19;
	v58 =	vmul.f32 v57, v54;
	[tilespmem:s18+$0x0] =	vst v22  }
0xe5: {  	[tilespmem:s18+$0x40] =	vst v18;
	v18 =	vmul.f32 v19, v54;
	v19 =	vshll.u32 v21, $0x10  }
0xe6: {  	[tilespmem:s18+$0x10] =	vst v58;
	v21 =	vand.u32 $0xFFFF0000, v21;
	v19 =	vmul.f32 v19, v54  }
0xe7: {  	v59 =	vshll.u32 v56, $0x10;
	[tilespmem:s18+$0x50] =	vst v18;
	v18 =	vmul.f32 v21, v54  }
0xe8: {  	v21 =	vmul.f32 v59, v54;
	[tilespmem:s18+$0x20] =	vst v19;
	v19 =	vand.u32 $0xFFFF0000, v56  }
0xe9: {  	[tilespmem:s18+$0x60] =	vst v18;
	v18 =	vmul.f32 v19, v54  }
0xea: {  	[tilespmem:s18+$0x30] =	vst v21  }
0xeb: {  	[tilespmem:s18+$0x70] =	vst v18  }
0xec: {  	v18 =	vld [tilespmem:s16+$0x40];
	_ =	sdelay $0x1  }
0xed: {  	v19 =	vld [tilespmem:s16+$0x50];
	_ =	sdelay $0x1  }
0xee: {  	v60 =	vperm.xlane v17, v9;
	v21 =	vld [tilespmem:s16+$0x60]  }
0xef: {  	v61 =	vshll.u32 v18, $0x10  }
0xf0: {  	v62 =	vld [tilespmem:s16+$0x70];
	v18 =	vand.u32 $0xFFFF0000, v18;
	v22 =	vmul.f32 v61, v60  }
0xf1: {  	v63 =	vshll.u32 v19, $0x10;
	v18 =	vmul.f32 v18, v60  }
0xf2: {  	v19 =	vand.u32 $0xFFFF0000, v19;
	v27 =	vmul.f32 v63, v60;
	[tilespmem:s18+$0x80] =	vst v22  }
0xf3: {  	[tilespmem:s18+$0xC0] =	vst v18;
	v18 =	vmul.f32 v19, v60;
	v19 =	vshll.u32 v21, $0x10  }
0xf4: {  	[tilespmem:s18+$0x90] =	vst v27;
	v21 =	vand.u32 $0xFFFF0000, v21;
	v19 =	vmul.f32 v19, v60  }
0xf5: {  	v28 =	vshll.u32 v62, $0x10;
	[tilespmem:s18+$0xD0] =	vst v18;
	v18 =	vmul.f32 v21, v60  }
0xf6: {  	v21 =	vmul.f32 v28, v60;
	[tilespmem:s18+$0xA0] =	vst v19;
	v19 =	vand.u32 $0xFFFF0000, v62  }
0xf7: {  	[tilespmem:s18+$0xE0] =	vst v18;
	v18 =	vmul.f32 v19, v60  }
0xf8: {  	[tilespmem:s18+$0xB0] =	vst v21  }
0xf9: {  	[tilespmem:s18+$0xF0] =	vst v18  }
0xfa: {  	v18 =	vld [tilespmem:s16+$0x80];
	_ =	sdelay $0x1  }
0xfb: {  	v19 =	vld [tilespmem:s16+$0x90];
	_ =	sdelay $0x1  }
0xfc: {  	v29 =	vperm.xlane v17, v10;
	v21 =	vld [tilespmem:s16+$0xA0]  }
0xfd: {  	v30 =	vshll.u32 v18, $0x10  }
0xfe: {  	v31 =	vld [tilespmem:s16+$0xB0];
	v18 =	vand.u32 $0xFFFF0000, v18;
	v22 =	vmul.f32 v30, v29  }
0xff: {  	v32 =	vshll.u32 v19, $0x10;
	v18 =	vmul.f32 v18, v29  }
0x100: {  	v19 =	vand.u32 $0xFFFF0000, v19;
	v33 =	vmul.f32 v32, v29;
	[tilespmem:s18+$0x100] =	vst v22  }
0x101: {  	[tilespmem:s18+$0x140] =	vst v18;
	v18 =	vmul.f32 v19, v29;
	v19 =	vshll.u32 v21, $0x10  }
0x102: {  	[tilespmem:s18+$0x110] =	vst v33;
	v21 =	vand.u32 $0xFFFF0000, v21;
	v19 =	vmul.f32 v19, v29  }
0x103: {  	v34 =	vshll.u32 v31, $0x10;
	[tilespmem:s18+$0x150] =	vst v18;
	v18 =	vmul.f32 v21, v29  }
0x104: {  	v21 =	vmul.f32 v34, v29;
	[tilespmem:s18+$0x120] =	vst v19;
	v19 =	vand.u32 $0xFFFF0000, v31  }
0x105: {  	[tilespmem:s18+$0x160] =	vst v18;
	v18 =	vmul.f32 v19, v29  }
0x106: {  	[tilespmem:s18+$0x130] =	vst v21  }
0x107: {  	[tilespmem:s18+$0x170] =	vst v18  }
0x108: {  	v18 =	vld [tilespmem:s16+$0xC0];
	_ =	sdelay $0x1  }
0x109: {  	v19 =	vld [tilespmem:s16+$0xD0];
	_ =	sdelay $0x1  }
0x10a: {  	v35 =	vperm.xlane v17, v11;
	v21 =	vld [tilespmem:s16+$0xE0]  }
0x10b: {  	v36 =	vshll.u32 v18, $0x10  }
0x10c: {  	v37 =	vld [tilespmem:s16+$0xF0];
	v18 =	vand.u32 $0xFFFF0000, v18;
	v22 =	vmul.f32 v36, v35  }
0x10d: {  	v38 =	vshll.u32 v19, $0x10;
	v18 =	vmul.f32 v18, v35  }
0x10e: {  	v19 =	vand.u32 $0xFFFF0000, v19;
	v39 =	vmul.f32 v38, v35;
	[tilespmem:s18+$0x180] =	vst v22  }
0x10f: {  	[tilespmem:s18+$0x1C0] =	vst v18;
	v18 =	vmul.f32 v19, v35;
	v19 =	vshll.u32 v21, $0x10  }
0x110: {  	[tilespmem:s18+$0x190] =	vst v39;
	v21 =	vand.u32 $0xFFFF0000, v21;
	v19 =	vmul.f32 v19, v35  }
0x111: {  	v40 =	vshll.u32 v37, $0x10;
	[tilespmem:s18+$0x1D0] =	vst v18;
	v18 =	vmul.f32 v21, v35  }
0x112: {  	v21 =	vmul.f32 v40, v35;
	[tilespmem:s18+$0x1A0] =	vst v19;
	v19 =	vand.u32 $0xFFFF0000, v37  }
0x113: {  	[tilespmem:s18+$0x1E0] =	vst v18;
	v18 =	vmul.f32 v19, v35  }
0x114: {  	[tilespmem:s18+$0x1B0] =	vst v21  }
0x115: {  	[tilespmem:s18+$0x1F0] =	vst v18  }
0x116: {  	v18 =	vld [tilespmem:s16+$0x100];
	_ =	sdelay $0x1  }
0x117: {  	v19 =	vld [tilespmem:s16+$0x110];
	_ =	sdelay $0x1  }
0x118: {  	v41 =	vperm.xlane v17, v12;
	v21 =	vld [tilespmem:s16+$0x120]  }
0x119: {  	v42 =	vshll.u32 v18, $0x10  }
0x11a: {  	v43 =	vld [tilespmem:s16+$0x130];
	v18 =	vand.u32 $0xFFFF0000, v18;
	v22 =	vmul.f32 v42, v41  }
0x11b: {  	v44 =	vshll.u32 v19, $0x10;
	v18 =	vmul.f32 v18, v41  }
0x11c: {  	v19 =	vand.u32 $0xFFFF0000, v19;
	v45 =	vmul.f32 v44, v41;
	[tilespmem:s18+$0x200] =	vst v22  }
0x11d: {  	[tilespmem:s18+$0x240] =	vst v18;
	v18 =	vmul.f32 v19, v41;
	v19 =	vshll.u32 v21, $0x10  }
0x11e: {  	[tilespmem:s18+$0x210] =	vst v45;
	v21 =	vand.u32 $0xFFFF0000, v21;
	v19 =	vmul.f32 v19, v41  }
0x11f: {  	v46 =	vshll.u32 v43, $0x10;
	[tilespmem:s18+$0x250] =	vst v18;
	v18 =	vmul.f32 v21, v41  }
0x120: {  	v21 =	vmul.f32 v46, v41;
	[tilespmem:s18+$0x220] =	vst v19;
	v19 =	vand.u32 $0xFFFF0000, v43  }
0x121: {  	[tilespmem:s18+$0x260] =	vst v18;
	v18 =	vmul.f32 v19, v41  }
0x122: {  	[tilespmem:s18+$0x230] =	vst v21  }
0x123: {  	[tilespmem:s18+$0x270] =	vst v18  }
0x124: {  	v18 =	vld [tilespmem:s16+$0x140];
	_ =	sdelay $0x1  }
0x125: {  	v19 =	vld [tilespmem:s16+$0x150];
	_ =	sdelay $0x1  }
0x126: {  	v47 =	vperm.xlane v17, v13;
	v21 =	vld [tilespmem:s16+$0x160]  }
0x127: {  	v48 =	vshll.u32 v18, $0x10  }
0x128: {  	v49 =	vld [tilespmem:s16+$0x170];
	v18 =	vand.u32 $0xFFFF0000, v18;
	v22 =	vmul.f32 v48, v47  }
0x129: {  	v50 =	vshll.u32 v19, $0x10;
	v18 =	vmul.f32 v18, v47  }
0x12a: {  	v19 =	vand.u32 $0xFFFF0000, v19;
	v51 =	vmul.f32 v50, v47;
	[tilespmem:s18+$0x280] =	vst v22  }
0x12b: {  	[tilespmem:s18+$0x2C0] =	vst v18;
	v18 =	vmul.f32 v19, v47;
	v19 =	vshll.u32 v21, $0x10  }
0x12c: {  	[tilespmem:s18+$0x290] =	vst v51;
	v21 =	vand.u32 $0xFFFF0000, v21;
	v19 =	vmul.f32 v19, v47  }
0x12d: {  	v52 =	vshll.u32 v49, $0x10;
	[tilespmem:s18+$0x2D0] =	vst v18;
	v18 =	vmul.f32 v21, v47  }
0x12e: {  	v21 =	vmul.f32 v52, v47;
	[tilespmem:s18+$0x2A0] =	vst v19;
	v19 =	vand.u32 $0xFFFF0000, v49  }
0x12f: {  	[tilespmem:s18+$0x2E0] =	vst v18;
	v18 =	vmul.f32 v19, v47  }
0x130: {  	[tilespmem:s18+$0x2B0] =	vst v21  }
0x131: {  	[tilespmem:s18+$0x2F0] =	vst v18  }
0x132: {  	v18 =	vld [tilespmem:s16+$0x180];
	_ =	sdelay $0x1  }
0x133: {  	v19 =	vld [tilespmem:s16+$0x190];
	_ =	sdelay $0x1  }
0x134: {  	v53 =	vperm.xlane v17, v14;
	v21 =	vld [tilespmem:s16+$0x1A0]  }
0x135: {  	v54 =	vshll.u32 v18, $0x10  }
0x136: {  	v55 =	vld [tilespmem:s16+$0x1B0];
	v18 =	vand.u32 $0xFFFF0000, v18;
	v22 =	vmul.f32 v54, v53  }
0x137: {  	v56 =	vshll.u32 v19, $0x10;
	v18 =	vmul.f32 v18, v53  }
0x138: {  	v19 =	vand.u32 $0xFFFF0000, v19;
	v57 =	vmul.f32 v56, v53;
	[tilespmem:s18+$0x300] =	vst v22  }
0x139: {  	[tilespmem:s18+$0x340] =	vst v18;
	v18 =	vmul.f32 v19, v53;
	v19 =	vshll.u32 v21, $0x10  }
0x13a: {  	[tilespmem:s18+$0x310] =	vst v57;
	v21 =	vand.u32 $0xFFFF0000, v21;
	v19 =	vmul.f32 v19, v53  }
0x13b: {  	v58 =	vshll.u32 v55, $0x10;
	[tilespmem:s18+$0x350] =	vst v18;
	v18 =	vmul.f32 v21, v53  }
0x13c: {  	v21 =	vmul.f32 v58, v53;
	[tilespmem:s18+$0x320] =	vst v19;
	v19 =	vand.u32 $0xFFFF0000, v55  }
0x13d: {  	[tilespmem:s18+$0x360] =	vst v18;
	v18 =	vmul.f32 v19, v53  }
0x13e: {  	[tilespmem:s18+$0x330] =	vst v21  }
0x13f: {  	[tilespmem:s18+$0x370] =	vst v18  }
0x140: {  	v18 =	vld [tilespmem:s16+$0x1C0];
	_ =	sdelay $0x1  }
0x141: {  	v19 =	vld [tilespmem:s16+$0x1D0];
	_ =	sdelay $0x1  }
0x142: {  	v17 =	vperm.xlane v17, v15;
	v59 =	vld [tilespmem:s16+$0x1E0]  }
0x143: {  	v60 =	vshll.u32 v18, $0x10  }
0x144: {  	v22 =	vld [tilespmem:s16+$0x1F0];
	v18 =	vand.u32 $0xFFFF0000, v18;
	v21 =	vmul.f32 v60, v17  }
0x145: {  	v61 =	vshll.u32 v19, $0x10;
	v18 =	vmul.f32 v18, v17  }
0x146: {  	v19 =	vand.u32 $0xFFFF0000, v19;
	v62 =	vmul.f32 v61, v17;
	[tilespmem:s18+$0x380] =	vst v21  }
0x147: {  	[tilespmem:s18+$0x3C0] =	vst v18;
	v18 =	vmul.f32 v19, v17;
	v19 =	vshll.u32 v59, $0x10  }
0x148: {  	p1 =	sne.s32 s17, $0x100;
	v20 =	vand.u32 $0xFFFF0000, v59;
	[tilespmem:s18+$0x390] =	vst v62;
	v19 =	vmul.f32 v19, v17  }
.Ltmp0:
0x149: {  	v63 =	vshll.u32 v22, $0x10;
	[tilespmem:s18+$0x3D0] =	vst v18;
	v18 =	vmul.f32 v20, v17;
	(pc) =	sbr.rel @p1 .LBB2_3-.Ltmp0, $4  }
0x14a: {  	v20 =	vmul.f32 v63, v17;
	[tilespmem:s18+$0x3A0] =	vst v19;
	v19 =	vand.u32 $0xFFFF0000, v22  }
0x14b: {  	[tilespmem:s18+$0x3E0] =	vst v18;
	v17 =	vmul.f32 v19, v17  }
0x14c: {  	[tilespmem:s18+$0x3B0] =	vst v20  }
0x14d: {  	s17 =	sadd.s32 $0x40, s17;
	s16 =	sadd.s32 $0x400, s16;
	[tilespmem:s18+$0x3F0] =	vst v17;
	s18 =	sadd.s32 $0x800, s18  }
0x14e: {  	s15 =	smul.u32 $0x50, s15;
	_ =	sdelay $0x1  }
0x14f: {  	s16 =	sadd.s32 $0xF0, s15  }
0x150: {  	[spmem:s3] =	stream.indirect.scatter.add.f32 [tilespmem:s28], [sflag:$0x3], $0x80, s16, s26, $0xb8;
	[tilespmem:$0x1E2D0] =	vst v63  }
0x151: {  	_ =	swait.ge [sflag:s29], $0x1400  }
0x152: {  	s14 =	sshrl.u32 s14, $0x2;
	s17 =	simm.s32 $0x7ED0;
	[sflag:s29] =	ssyncset.done $0x0  }
0x153: {  	s14 =	sadd.s32 $0x2CD0, s14;
	s16 =	simm.s32 $0x0;
	[sflag:s29] =	ssyncadd.s32 $0xFFFFEC00  }
.LBB2_5:
0x154: {  	s18 =	sshra.s32 s16, $0x2  }
0x155: {  	v17 =	vld.idx.msk [tilespmem:v16+s18+$0x0 ss:$0x1], $0xffff  }
0x156: {  	v18 =	vld [tilespmem:s14+$0xFFFFFE00];
	_ =	sdelay $0x1  }
0x157: {  	v19 =	vld [tilespmem:s14+$0xFFFFFE10];
	_ =	sdelay $0x1  }
0x158: {  	v21 =	vld [tilespmem:s14+$0xFFFFFE20];
	v20 =	vperm.xlane v17, v0  }
0x159: {  	v22 =	vshll.u32 v18, $0x10  }
0x15a: {  	v23 =	vld [tilespmem:s14+$0xFFFFFE30];
	v18 =	vand.u32 $0xFFFF0000, v18;
	v22 =	vmul.f32 v22, v20  }
0x15b: {  	v24 =	vshll.u32 v19, $0x10;
	v18 =	vmul.f32 v18, v20  }
0x15c: {  	v19 =	vand.u32 $0xFFFF0000, v19;
	v46 =	vmul.f32 v24, v20;
	[tilespmem:s17+$0xFFFFFC00] =	vst v22  }
0x15d: {  	[tilespmem:s17+$0xFFFFFC40] =	vst v18;
	v18 =	vmul.f32 v19, v20;
	v19 =	vshll.u32 v21, $0x10  }
0x15e: {  	[tilespmem:s17+$0xFFFFFC10] =	vst v46;
	v21 =	vand.u32 $0xFFFF0000, v21;
	v19 =	vmul.f32 v19, v20  }
0x15f: {  	v47 =	vshll.u32 v23, $0x10;
	[tilespmem:s17+$0xFFFFFC50] =	vst v18;
	v18 =	vmul.f32 v21, v20  }
0x160: {  	v21 =	vmul.f32 v47, v20;
	[tilespmem:s17+$0xFFFFFC20] =	vst v19;
	v19 =	vand.u32 $0xFFFF0000, v23  }
0x161: {  	[tilespmem:s17+$0xFFFFFC60] =	vst v18;
	v18 =	vmul.f32 v19, v20  }
0x162: {  	[tilespmem:s17+$0xFFFFFC30] =	vst v21  }
0x163: {  	[tilespmem:s17+$0xFFFFFC70] =	vst v18  }
0x164: {  	v18 =	vld [tilespmem:s14+$0xFFFFFE40];
	_ =	sdelay $0x1  }
0x165: {  	v19 =	vld [tilespmem:s14+$0xFFFFFE50];
	_ =	sdelay $0x1  }
0x166: {  	v48 =	vperm.xlane v17, v1;
	v21 =	vld [tilespmem:s14+$0xFFFFFE60]  }
0x167: {  	v49 =	vshll.u32 v18, $0x10  }
0x168: {  	v50 =	vld [tilespmem:s14+$0xFFFFFE70];
	v18 =	vand.u32 $0xFFFF0000, v18;
	v22 =	vmul.f32 v49, v48  }
0x169: {  	v51 =	vshll.u32 v19, $0x10;
	v18 =	vmul.f32 v18, v48  }
0x16a: {  	v19 =	vand.u32 $0xFFFF0000, v19;
	v52 =	vmul.f32 v51, v48;
	[tilespmem:s17+$0xFFFFFC80] =	vst v22  }
0x16b: {  	[tilespmem:s17+$0xFFFFFCC0] =	vst v18;
	v18 =	vmul.f32 v19, v48;
	v19 =	vshll.u32 v21, $0x10  }
0x16c: {  	[tilespmem:s17+$0xFFFFFC90] =	vst v52;
	v21 =	vand.u32 $0xFFFF0000, v21;
	v19 =	vmul.f32 v19, v48  }
0x16d: {  	v53 =	vshll.u32 v50, $0x10;
	[tilespmem:s17+$0xFFFFFCD0] =	vst v18;
	v18 =	vmul.f32 v21, v48  }
0x16e: {  	v21 =	vmul.f32 v53, v48;
	[tilespmem:s17+$0xFFFFFCA0] =	vst v19;
	v19 =	vand.u32 $0xFFFF0000, v50  }
0x16f: {  	[tilespmem:s17+$0xFFFFFCE0] =	vst v18;
	v18 =	vmul.f32 v19, v48  }
0x170: {  	[tilespmem:s17+$0xFFFFFCB0] =	vst v21  }
0x171: {  	[tilespmem:s17+$0xFFFFFCF0] =	vst v18  }
0x172: {  	v18 =	vld [tilespmem:s14+$0xFFFFFE80];
	_ =	sdelay $0x1  }
0x173: {  	v19 =	vld [tilespmem:s14+$0xFFFFFE90];
	_ =	sdelay $0x1  }
0x174: {  	v54 =	vperm.xlane v17, v2;
	v21 =	vld [tilespmem:s14+$0xFFFFFEA0]  }
0x175: {  	v55 =	vshll.u32 v18, $0x10  }
0x176: {  	v56 =	vld [tilespmem:s14+$0xFFFFFEB0];
	v18 =	vand.u32 $0xFFFF0000, v18;
	v22 =	vmul.f32 v55, v54  }
0x177: {  	v57 =	vshll.u32 v19, $0x10;
	v18 =	vmul.f32 v18, v54  }
0x178: {  	v19 =	vand.u32 $0xFFFF0000, v19;
	v58 =	vmul.f32 v57, v54;
	[tilespmem:s17+$0xFFFFFD00] =	vst v22  }
0x179: {  	[tilespmem:s17+$0xFFFFFD40] =	vst v18;
	v18 =	vmul.f32 v19, v54;
	v19 =	vshll.u32 v21, $0x10  }
0x17a: {  	[tilespmem:s17+$0xFFFFFD10] =	vst v58;
	v21 =	vand.u32 $0xFFFF0000, v21;
	v19 =	vmul.f32 v19, v54  }
0x17b: {  	v59 =	vshll.u32 v56, $0x10;
	[tilespmem:s17+$0xFFFFFD50] =	vst v18;
	v18 =	vmul.f32 v21, v54  }
0x17c: {  	v21 =	vmul.f32 v59, v54;
	[tilespmem:s17+$0xFFFFFD20] =	vst v19;
	v19 =	vand.u32 $0xFFFF0000, v56  }
0x17d: {  	[tilespmem:s17+$0xFFFFFD60] =	vst v18;
	v18 =	vmul.f32 v19, v54  }
0x17e: {  	[tilespmem:s17+$0xFFFFFD30] =	vst v21  }
0x17f: {  	[tilespmem:s17+$0xFFFFFD70] =	vst v18  }
0x180: {  	v18 =	vld [tilespmem:s14+$0xFFFFFEC0];
	_ =	sdelay $0x1  }
0x181: {  	v19 =	vld [tilespmem:s14+$0xFFFFFED0];
	_ =	sdelay $0x1  }
0x182: {  	v60 =	vperm.xlane v17, v3;
	v21 =	vld [tilespmem:s14+$0xFFFFFEE0]  }
0x183: {  	v61 =	vshll.u32 v18, $0x10  }
0x184: {  	v62 =	vld [tilespmem:s14+$0xFFFFFEF0];
	v18 =	vand.u32 $0xFFFF0000, v18;
	v22 =	vmul.f32 v61, v60  }
0x185: {  	v63 =	vshll.u32 v19, $0x10;
	v18 =	vmul.f32 v18, v60  }
0x186: {  	v19 =	vand.u32 $0xFFFF0000, v19;
	v28 =	vmul.f32 v63, v60;
	[tilespmem:s17+$0xFFFFFD80] =	vst v22  }
0x187: {  	[tilespmem:s17+$0xFFFFFDC0] =	vst v18;
	v18 =	vmul.f32 v19, v60;
	v19 =	vshll.u32 v21, $0x10  }
0x188: {  	[tilespmem:s17+$0xFFFFFD90] =	vst v28;
	v21 =	vand.u32 $0xFFFF0000, v21;
	v19 =	vmul.f32 v19, v60  }
0x189: {  	v29 =	vshll.u32 v62, $0x10;
	[tilespmem:s17+$0xFFFFFDD0] =	vst v18;
	v18 =	vmul.f32 v21, v60  }
0x18a: {  	v21 =	vmul.f32 v29, v60;
	[tilespmem:s17+$0xFFFFFDA0] =	vst v19;
	v19 =	vand.u32 $0xFFFF0000, v62  }
0x18b: {  	[tilespmem:s17+$0xFFFFFDE0] =	vst v18;
	v18 =	vmul.f32 v19, v60  }
0x18c: {  	[tilespmem:s17+$0xFFFFFDB0] =	vst v21  }
0x18d: {  	[tilespmem:s17+$0xFFFFFDF0] =	vst v18  }
0x18e: {  	v18 =	vld [tilespmem:s14+$0xFFFFFF00];
	_ =	sdelay $0x1  }
0x18f: {  	v19 =	vld [tilespmem:s14+$0xFFFFFF10];
	_ =	sdelay $0x1  }
0x190: {  	v30 =	vperm.xlane v17, v4;
	v21 =	vld [tilespmem:s14+$0xFFFFFF20]  }
0x191: {  	v31 =	vshll.u32 v18, $0x10  }
0x192: {  	v32 =	vld [tilespmem:s14+$0xFFFFFF30];
	v18 =	vand.u32 $0xFFFF0000, v18;
	v22 =	vmul.f32 v31, v30  }
0x193: {  	v33 =	vshll.u32 v19, $0x10;
	v18 =	vmul.f32 v18, v30  }
0x194: {  	v19 =	vand.u32 $0xFFFF0000, v19;
	v34 =	vmul.f32 v33, v30;
	[tilespmem:s17+$0xFFFFFE00] =	vst v22  }
0x195: {  	[tilespmem:s17+$0xFFFFFE40] =	vst v18;
	v18 =	vmul.f32 v19, v30;
	v19 =	vshll.u32 v21, $0x10  }
0x196: {  	[tilespmem:s17+$0xFFFFFE10] =	vst v34;
	v21 =	vand.u32 $0xFFFF0000, v21;
	v19 =	vmul.f32 v19, v30  }
0x197: {  	v35 =	vshll.u32 v32, $0x10;
	[tilespmem:s17+$0xFFFFFE50] =	vst v18;
	v18 =	vmul.f32 v21, v30  }
0x198: {  	v21 =	vmul.f32 v35, v30;
	[tilespmem:s17+$0xFFFFFE20] =	vst v19;
	v19 =	vand.u32 $0xFFFF0000, v32  }
0x199: {  	[tilespmem:s17+$0xFFFFFE60] =	vst v18;
	v18 =	vmul.f32 v19, v30  }
0x19a: {  	[tilespmem:s17+$0xFFFFFE30] =	vst v21  }
0x19b: {  	[tilespmem:s17+$0xFFFFFE70] =	vst v18  }
0x19c: {  	v18 =	vld [tilespmem:s14+$0xFFFFFF40];
	_ =	sdelay $0x1  }
0x19d: {  	v19 =	vld [tilespmem:s14+$0xFFFFFF50];
	_ =	sdelay $0x1  }
0x19e: {  	v36 =	vperm.xlane v17, v5;
	v21 =	vld [tilespmem:s14+$0xFFFFFF60]  }
0x19f: {  	v37 =	vshll.u32 v18, $0x10  }
0x1a0: {  	v38 =	vld [tilespmem:s14+$0xFFFFFF70];
	v18 =	vand.u32 $0xFFFF0000, v18;
	v22 =	vmul.f32 v37, v36  }
0x1a1: {  	v39 =	vshll.u32 v19, $0x10;
	v18 =	vmul.f32 v18, v36  }
0x1a2: {  	v19 =	vand.u32 $0xFFFF0000, v19;
	v40 =	vmul.f32 v39, v36;
	[tilespmem:s17+$0xFFFFFE80] =	vst v22  }
0x1a3: {  	[tilespmem:s17+$0xFFFFFEC0] =	vst v18;
	v18 =	vmul.f32 v19, v36;
	v19 =	vshll.u32 v21, $0x10  }
0x1a4: {  	[tilespmem:s17+$0xFFFFFE90] =	vst v40;
	v21 =	vand.u32 $0xFFFF0000, v21;
	v19 =	vmul.f32 v19, v36  }
0x1a5: {  	v41 =	vshll.u32 v38, $0x10;
	[tilespmem:s17+$0xFFFFFED0] =	vst v18;
	v18 =	vmul.f32 v21, v36  }
0x1a6: {  	v21 =	vmul.f32 v41, v36;
	[tilespmem:s17+$0xFFFFFEA0] =	vst v19;
	v19 =	vand.u32 $0xFFFF0000, v38  }
0x1a7: {  	[tilespmem:s17+$0xFFFFFEE0] =	vst v18;
	v18 =	vmul.f32 v19, v36  }
0x1a8: {  	[tilespmem:s17+$0xFFFFFEB0] =	vst v21  }
0x1a9: {  	[tilespmem:s17+$0xFFFFFEF0] =	vst v18  }
0x1aa: {  	v18 =	vld [tilespmem:s14+$0xFFFFFF80];
	_ =	sdelay $0x1  }
0x1ab: {  	v19 =	vld [tilespmem:s14+$0xFFFFFF90];
	_ =	sdelay $0x1  }
0x1ac: {  	v42 =	vperm.xlane v17, v6;
	v21 =	vld [tilespmem:s14+$0xFFFFFFA0]  }
0x1ad: {  	v43 =	vshll.u32 v18, $0x10  }
0x1ae: {  	v44 =	vld [tilespmem:s14+$0xFFFFFFB0];
	v18 =	vand.u32 $0xFFFF0000, v18;
	v22 =	vmul.f32 v43, v42  }
0x1af: {  	v45 =	vshll.u32 v19, $0x10;
	v18 =	vmul.f32 v18, v42  }
0x1b0: {  	v19 =	vand.u32 $0xFFFF0000, v19;
	v46 =	vmul.f32 v45, v42;
	[tilespmem:s17+$0xFFFFFF00] =	vst v22  }
0x1b1: {  	[tilespmem:s17+$0xFFFFFF40] =	vst v18;
	v18 =	vmul.f32 v19, v42;
	v19 =	vshll.u32 v21, $0x10  }
0x1b2: {  	[tilespmem:s17+$0xFFFFFF10] =	vst v46;
	v21 =	vand.u32 $0xFFFF0000, v21;
	v19 =	vmul.f32 v19, v42  }
0x1b3: {  	v47 =	vshll.u32 v44, $0x10;
	[tilespmem:s17+$0xFFFFFF50] =	vst v18;
	v18 =	vmul.f32 v21, v42  }
0x1b4: {  	v21 =	vmul.f32 v47, v42;
	[tilespmem:s17+$0xFFFFFF20] =	vst v19;
	v19 =	vand.u32 $0xFFFF0000, v44  }
0x1b5: {  	[tilespmem:s17+$0xFFFFFF60] =	vst v18;
	v18 =	vmul.f32 v19, v42  }
0x1b6: {  	[tilespmem:s17+$0xFFFFFF30] =	vst v21  }
0x1b7: {  	[tilespmem:s17+$0xFFFFFF70] =	vst v18  }
0x1b8: {  	v18 =	vld [tilespmem:s14+$0xFFFFFFC0];
	_ =	sdelay $0x1  }
0x1b9: {  	v19 =	vld [tilespmem:s14+$0xFFFFFFD0];
	_ =	sdelay $0x1  }
0x1ba: {  	v48 =	vperm.xlane v17, v7;
	v21 =	vld [tilespmem:s14+$0xFFFFFFE0]  }
0x1bb: {  	v49 =	vshll.u32 v18, $0x10  }
0x1bc: {  	v50 =	vld [tilespmem:s14+$0xFFFFFFF0];
	v18 =	vand.u32 $0xFFFF0000, v18;
	v22 =	vmul.f32 v49, v48  }
0x1bd: {  	v51 =	vshll.u32 v19, $0x10;
	v18 =	vmul.f32 v18, v48  }
0x1be: {  	v19 =	vand.u32 $0xFFFF0000, v19;
	v52 =	vmul.f32 v51, v48;
	[tilespmem:s17+$0xFFFFFF80] =	vst v22  }
0x1bf: {  	[tilespmem:s17+$0xFFFFFFC0] =	vst v18;
	v18 =	vmul.f32 v19, v48;
	v19 =	vshll.u32 v21, $0x10  }
0x1c0: {  	[tilespmem:s17+$0xFFFFFF90] =	vst v52;
	v21 =	vand.u32 $0xFFFF0000, v21;
	v19 =	vmul.f32 v19, v48  }
0x1c1: {  	v53 =	vshll.u32 v50, $0x10;
	[tilespmem:s17+$0xFFFFFFD0] =	vst v18;
	v18 =	vmul.f32 v21, v48  }
0x1c2: {  	v21 =	vmul.f32 v53, v48;
	[tilespmem:s17+$0xFFFFFFA0] =	vst v19;
	v19 =	vand.u32 $0xFFFF0000, v50  }
0x1c3: {  	[tilespmem:s17+$0xFFFFFFE0] =	vst v18;
	v18 =	vmul.f32 v19, v48  }
0x1c4: {  	[tilespmem:s17+$0xFFFFFFB0] =	vst v21  }
0x1c5: {  	[tilespmem:s17+$0xFFFFFFF0] =	vst v18  }
0x1c6: {  	v18 =	vld [tilespmem:s14+$0x0];
	_ =	sdelay $0x1  }
0x1c7: {  	v19 =	vld [tilespmem:s14+$0x10];
	_ =	sdelay $0x1  }
0x1c8: {  	v54 =	vperm.xlane v17, v8;
	v21 =	vld [tilespmem:s14+$0x20]  }
0x1c9: {  	v55 =	vshll.u32 v18, $0x10  }
0x1ca: {  	v56 =	vld [tilespmem:s14+$0x30];
	v18 =	vand.u32 $0xFFFF0000, v18;
	v22 =	vmul.f32 v55, v54  }
0x1cb: {  	v57 =	vshll.u32 v19, $0x10;
	v18 =	vmul.f32 v18, v54  }
0x1cc: {  	v19 =	vand.u32 $0xFFFF0000, v19;
	v58 =	vmul.f32 v57, v54;
	[tilespmem:s17+$0x0] =	vst v22  }
0x1cd: {  	[tilespmem:s17+$0x40] =	vst v18;
	v18 =	vmul.f32 v19, v54;
	v19 =	vshll.u32 v21, $0x10  }
0x1ce: {  	[tilespmem:s17+$0x10] =	vst v58;
	v21 =	vand.u32 $0xFFFF0000, v21;
	v19 =	vmul.f32 v19, v54  }
0x1cf: {  	v59 =	vshll.u32 v56, $0x10;
	[tilespmem:s17+$0x50] =	vst v18;
	v18 =	vmul.f32 v21, v54  }
0x1d0: {  	v21 =	vmul.f32 v59, v54;
	[tilespmem:s17+$0x20] =	vst v19;
	v19 =	vand.u32 $0xFFFF0000, v56  }
0x1d1: {  	[tilespmem:s17+$0x60] =	vst v18;
	v18 =	vmul.f32 v19, v54  }
0x1d2: {  	[tilespmem:s17+$0x30] =	vst v21  }
0x1d3: {  	[tilespmem:s17+$0x70] =	vst v18  }
0x1d4: {  	v18 =	vld [tilespmem:s14+$0x40];
	_ =	sdelay $0x1  }
0x1d5: {  	v19 =	vld [tilespmem:s14+$0x50];
	_ =	sdelay $0x1  }
0x1d6: {  	v60 =	vperm.xlane v17, v9;
	v21 =	vld [tilespmem:s14+$0x60]  }
0x1d7: {  	v61 =	vshll.u32 v18, $0x10  }
0x1d8: {  	v62 =	vld [tilespmem:s14+$0x70];
	v18 =	vand.u32 $0xFFFF0000, v18;
	v22 =	vmul.f32 v61, v60  }
0x1d9: {  	v63 =	vshll.u32 v19, $0x10;
	v18 =	vmul.f32 v18, v60  }
0x1da: {  	v19 =	vand.u32 $0xFFFF0000, v19;
	v27 =	vmul.f32 v63, v60;
	[tilespmem:s17+$0x80] =	vst v22  }
0x1db: {  	[tilespmem:s17+$0xC0] =	vst v18;
	v18 =	vmul.f32 v19, v60;
	v19 =	vshll.u32 v21, $0x10  }
0x1dc: {  	[tilespmem:s17+$0x90] =	vst v27;
	v21 =	vand.u32 $0xFFFF0000, v21;
	v19 =	vmul.f32 v19, v60  }
0x1dd: {  	v28 =	vshll.u32 v62, $0x10;
	[tilespmem:s17+$0xD0] =	vst v18;
	v18 =	vmul.f32 v21, v60  }
0x1de: {  	v21 =	vmul.f32 v28, v60;
	[tilespmem:s17+$0xA0] =	vst v19;
	v19 =	vand.u32 $0xFFFF0000, v62  }
0x1df: {  	[tilespmem:s17+$0xE0] =	vst v18;
	v18 =	vmul.f32 v19, v60  }
0x1e0: {  	[tilespmem:s17+$0xB0] =	vst v21  }
0x1e1: {  	[tilespmem:s17+$0xF0] =	vst v18  }
0x1e2: {  	v18 =	vld [tilespmem:s14+$0x80];
	_ =	sdelay $0x1  }
0x1e3: {  	v19 =	vld [tilespmem:s14+$0x90];
	_ =	sdelay $0x1  }
0x1e4: {  	v29 =	vperm.xlane v17, v10;
	v21 =	vld [tilespmem:s14+$0xA0]  }
0x1e5: {  	v30 =	vshll.u32 v18, $0x10  }
0x1e6: {  	v31 =	vld [tilespmem:s14+$0xB0];
	v18 =	vand.u32 $0xFFFF0000, v18;
	v22 =	vmul.f32 v30, v29  }
0x1e7: {  	v32 =	vshll.u32 v19, $0x10;
	v18 =	vmul.f32 v18, v29  }
0x1e8: {  	v19 =	vand.u32 $0xFFFF0000, v19;
	v33 =	vmul.f32 v32, v29;
	[tilespmem:s17+$0x100] =	vst v22  }
0x1e9: {  	[tilespmem:s17+$0x140] =	vst v18;
	v18 =	vmul.f32 v19, v29;
	v19 =	vshll.u32 v21, $0x10  }
0x1ea: {  	[tilespmem:s17+$0x110] =	vst v33;
	v21 =	vand.u32 $0xFFFF0000, v21;
	v19 =	vmul.f32 v19, v29  }
0x1eb: {  	v34 =	vshll.u32 v31, $0x10;
	[tilespmem:s17+$0x150] =	vst v18;
	v18 =	vmul.f32 v21, v29  }
0x1ec: {  	v21 =	vmul.f32 v34, v29;
	[tilespmem:s17+$0x120] =	vst v19;
	v19 =	vand.u32 $0xFFFF0000, v31  }
0x1ed: {  	[tilespmem:s17+$0x160] =	vst v18;
	v18 =	vmul.f32 v19, v29  }
0x1ee: {  	[tilespmem:s17+$0x130] =	vst v21  }
0x1ef: {  	[tilespmem:s17+$0x170] =	vst v18  }
0x1f0: {  	v18 =	vld [tilespmem:s14+$0xC0];
	_ =	sdelay $0x1  }
0x1f1: {  	v19 =	vld [tilespmem:s14+$0xD0];
	_ =	sdelay $0x1  }
0x1f2: {  	v35 =	vperm.xlane v17, v11;
	v21 =	vld [tilespmem:s14+$0xE0]  }
0x1f3: {  	v36 =	vshll.u32 v18, $0x10  }
0x1f4: {  	v37 =	vld [tilespmem:s14+$0xF0];
	v18 =	vand.u32 $0xFFFF0000, v18;
	v22 =	vmul.f32 v36, v35  }
0x1f5: {  	v38 =	vshll.u32 v19, $0x10;
	v18 =	vmul.f32 v18, v35  }
0x1f6: {  	v19 =	vand.u32 $0xFFFF0000, v19;
	v39 =	vmul.f32 v38, v35;
	[tilespmem:s17+$0x180] =	vst v22  }
0x1f7: {  	[tilespmem:s17+$0x1C0] =	vst v18;
	v18 =	vmul.f32 v19, v35;
	v19 =	vshll.u32 v21, $0x10  }
0x1f8: {  	[tilespmem:s17+$0x190] =	vst v39;
	v21 =	vand.u32 $0xFFFF0000, v21;
	v19 =	vmul.f32 v19, v35  }
0x1f9: {  	v40 =	vshll.u32 v37, $0x10;
	[tilespmem:s17+$0x1D0] =	vst v18;
	v18 =	vmul.f32 v21, v35  }
0x1fa: {  	v21 =	vmul.f32 v40, v35;
	[tilespmem:s17+$0x1A0] =	vst v19;
	v19 =	vand.u32 $0xFFFF0000, v37  }
0x1fb: {  	[tilespmem:s17+$0x1E0] =	vst v18;
	v18 =	vmul.f32 v19, v35  }
0x1fc: {  	[tilespmem:s17+$0x1B0] =	vst v21  }
0x1fd: {  	[tilespmem:s17+$0x1F0] =	vst v18  }
0x1fe: {  	v18 =	vld [tilespmem:s14+$0x100];
	_ =	sdelay $0x1  }
0x1ff: {  	v19 =	vld [tilespmem:s14+$0x110];
	_ =	sdelay $0x1  }
0x200: {  	v41 =	vperm.xlane v17, v12;
	v21 =	vld [tilespmem:s14+$0x120]  }
0x201: {  	v42 =	vshll.u32 v18, $0x10  }
0x202: {  	v43 =	vld [tilespmem:s14+$0x130];
	v18 =	vand.u32 $0xFFFF0000, v18;
	v22 =	vmul.f32 v42, v41  }
0x203: {  	v44 =	vshll.u32 v19, $0x10;
	v18 =	vmul.f32 v18, v41  }
0x204: {  	v19 =	vand.u32 $0xFFFF0000, v19;
	v45 =	vmul.f32 v44, v41;
	[tilespmem:s17+$0x200] =	vst v22  }
0x205: {  	[tilespmem:s17+$0x240] =	vst v18;
	v18 =	vmul.f32 v19, v41;
	v19 =	vshll.u32 v21, $0x10  }
0x206: {  	[tilespmem:s17+$0x210] =	vst v45;
	v21 =	vand.u32 $0xFFFF0000, v21;
	v19 =	vmul.f32 v19, v41  }
0x207: {  	v46 =	vshll.u32 v43, $0x10;
	[tilespmem:s17+$0x250] =	vst v18;
	v18 =	vmul.f32 v21, v41  }
0x208: {  	v21 =	vmul.f32 v46, v41;
	[tilespmem:s17+$0x220] =	vst v19;
	v19 =	vand.u32 $0xFFFF0000, v43  }
0x209: {  	[tilespmem:s17+$0x260] =	vst v18;
	v18 =	vmul.f32 v19, v41  }
0x20a: {  	[tilespmem:s17+$0x230] =	vst v21  }
0x20b: {  	[tilespmem:s17+$0x270] =	vst v18  }
0x20c: {  	v18 =	vld [tilespmem:s14+$0x140];
	_ =	sdelay $0x1  }
0x20d: {  	v19 =	vld [tilespmem:s14+$0x150];
	_ =	sdelay $0x1  }
0x20e: {  	v47 =	vperm.xlane v17, v13;
	v21 =	vld [tilespmem:s14+$0x160]  }
0x20f: {  	v48 =	vshll.u32 v18, $0x10  }
0x210: {  	v49 =	vld [tilespmem:s14+$0x170];
	v18 =	vand.u32 $0xFFFF0000, v18;
	v22 =	vmul.f32 v48, v47  }
0x211: {  	v50 =	vshll.u32 v19, $0x10;
	v18 =	vmul.f32 v18, v47  }
0x212: {  	v19 =	vand.u32 $0xFFFF0000, v19;
	v51 =	vmul.f32 v50, v47;
	[tilespmem:s17+$0x280] =	vst v22  }
0x213: {  	[tilespmem:s17+$0x2C0] =	vst v18;
	v18 =	vmul.f32 v19, v47;
	v19 =	vshll.u32 v21, $0x10  }
0x214: {  	[tilespmem:s17+$0x290] =	vst v51;
	v21 =	vand.u32 $0xFFFF0000, v21;
	v19 =	vmul.f32 v19, v47  }
0x215: {  	v52 =	vshll.u32 v49, $0x10;
	[tilespmem:s17+$0x2D0] =	vst v18;
	v18 =	vmul.f32 v21, v47  }
0x216: {  	v21 =	vmul.f32 v52, v47;
	[tilespmem:s17+$0x2A0] =	vst v19;
	v19 =	vand.u32 $0xFFFF0000, v49  }
0x217: {  	[tilespmem:s17+$0x2E0] =	vst v18;
	v18 =	vmul.f32 v19, v47  }
0x218: {  	[tilespmem:s17+$0x2B0] =	vst v21  }
0x219: {  	[tilespmem:s17+$0x2F0] =	vst v18  }
0x21a: {  	v18 =	vld [tilespmem:s14+$0x180];
	_ =	sdelay $0x1  }
0x21b: {  	v19 =	vld [tilespmem:s14+$0x190];
	_ =	sdelay $0x1  }
0x21c: {  	v53 =	vperm.xlane v17, v14;
	v21 =	vld [tilespmem:s14+$0x1A0]  }
0x21d: {  	v54 =	vshll.u32 v18, $0x10  }
0x21e: {  	v55 =	vld [tilespmem:s14+$0x1B0];
	v18 =	vand.u32 $0xFFFF0000, v18;
	v22 =	vmul.f32 v54, v53  }
0x21f: {  	v56 =	vshll.u32 v19, $0x10;
	v18 =	vmul.f32 v18, v53  }
0x220: {  	v19 =	vand.u32 $0xFFFF0000, v19;
	v57 =	vmul.f32 v56, v53;
	[tilespmem:s17+$0x300] =	vst v22  }
0x221: {  	[tilespmem:s17+$0x340] =	vst v18;
	v18 =	vmul.f32 v19, v53;
	v19 =	vshll.u32 v21, $0x10  }
0x222: {  	[tilespmem:s17+$0x310] =	vst v57;
	v21 =	vand.u32 $0xFFFF0000, v21;
	v19 =	vmul.f32 v19, v53  }
0x223: {  	v58 =	vshll.u32 v55, $0x10;
	[tilespmem:s17+$0x350] =	vst v18;
	v18 =	vmul.f32 v21, v53  }
0x224: {  	v21 =	vmul.f32 v58, v53;
	[tilespmem:s17+$0x320] =	vst v19;
	v19 =	vand.u32 $0xFFFF0000, v55  }
0x225: {  	[tilespmem:s17+$0x360] =	vst v18;
	v18 =	vmul.f32 v19, v53  }
0x226: {  	[tilespmem:s17+$0x330] =	vst v21  }
0x227: {  	[tilespmem:s17+$0x370] =	vst v18  }
0x228: {  	v18 =	vld [tilespmem:s14+$0x1C0];
	_ =	sdelay $0x1  }
0x229: {  	v19 =	vld [tilespmem:s14+$0x1D0];
	_ =	sdelay $0x1  }
0x22a: {  	v17 =	vperm.xlane v17, v15;
	v59 =	vld [tilespmem:s14+$0x1E0]  }
0x22b: {  	v60 =	vshll.u32 v18, $0x10  }
0x22c: {  	v22 =	vld [tilespmem:s14+$0x1F0];
	v18 =	vand.u32 $0xFFFF0000, v18;
	v21 =	vmul.f32 v60, v17  }
0x22d: {  	v61 =	vshll.u32 v19, $0x10;
	v18 =	vmul.f32 v18, v17  }
0x22e: {  	v19 =	vand.u32 $0xFFFF0000, v19;
	v62 =	vmul.f32 v61, v17;
	[tilespmem:s17+$0x380] =	vst v21  }
0x22f: {  	[tilespmem:s17+$0x3C0] =	vst v18;
	v18 =	vmul.f32 v19, v17;
	v19 =	vshll.u32 v59, $0x10  }
0x230: {  	p1 =	sne.s32 s16, $0x100;
	v20 =	vand.u32 $0xFFFF0000, v59;
	[tilespmem:s17+$0x390] =	vst v62;
	v19 =	vmul.f32 v19, v17  }
.Ltmp1:
0x231: {  	v63 =	vshll.u32 v22, $0x10;
	[tilespmem:s17+$0x3D0] =	vst v18;
	v18 =	vmul.f32 v20, v17;
	(pc) =	sbr.rel @p1 .LBB2_5-.Ltmp1, $4  }
0x232: {  	v20 =	vmul.f32 v63, v17;
	[tilespmem:s17+$0x3A0] =	vst v19;
	v19 =	vand.u32 $0xFFFF0000, v22  }
0x233: {  	[tilespmem:s17+$0x3E0] =	vst v18;
	v17 =	vmul.f32 v19, v17  }
0x234: {  	[tilespmem:s17+$0x3B0] =	vst v20  }
0x235: {  	s16 =	sadd.s32 $0x40, s16;
	s14 =	sadd.s32 $0x400, s14;
	[tilespmem:s17+$0x3F0] =	vst v17;
	s17 =	sadd.s32 $0x800, s17  }
0x236: {  	p1 =	sne.s32 s13, $0x7D  }
.Ltmp2:
0x237: {  	_ = 	snop;
	(pc) =	sbr.rel @p1 .LBB2_2-.Ltmp2, $3  }
0x238: {  	_ =	sdelay $0x1  }
0x239: {  	[spmem:s3] =	stream.indirect.scatter.add.f32 [tilespmem:s30], [sflag:$0x4], $0x80, s15, s26, $0xb8;
	[tilespmem:$0x1E2D0] =	vst v63  }
0x23a: {  	s12 =	sadd.s32 $0x50, s12  }
0x23b: {  	_ =	swait.ge [sflag:s31], $0x2800  }
0x23c: {  	[sflag:s31] =	ssyncset.done $0x0  }
0x23d: {  	[sflag:s31] =	ssyncadd.s32 $0xFFFFD800  }
0x23e: {  	_ =	swait.ge [sflag:s2], $0x2800  }
0x23f: {  	[sflag:s2] =	ssyncset.done $0x0  }
0x240: {  	s12 =	stileid.u32;
	[sflag:s2] =	ssyncadd.s32 $0xFFFFD800  }
0x241: {  	s12 =	sshll.u32 s12, $0x6;
	[bflag:$0x0] =	sbarrier.arrive $0xFFFF  }
0x242: {  	s13 =	sshrl.u32 s10, $0x3;
	s12 =	sor.u32 $0x1C06, s12;
	s14 =	rddreg [dreg:$0xd]  }
0x243: {  	[hbm:s14], [sflag:s12] =	dma.local [spmem:s13], $0x2800  }
0x244: {  	_ =	swait.ge [sflag:s11], $0x2800  }
0x245: {  	s24 =	sadd.s32 $0x1, s24;
	s21 =	rddreg [dreg:$0xe]  }
0x246: {  	p1 =	sne.s32 s24, s21  }
.Ltmp3:
0x247: {  	_ = 	snop;
	(pc) =	sbr.rel @p1 .LBB2_1-.Ltmp3, $3  }
0x248: {  	_ =	sdelay $0x1  }
0x249: {  	[sflag:s11] =	ssyncset.done $0x0  }
0x24a: {  	[sflag:s11] =	ssyncadd.s32 $0xFFFFD800  }
0x24b: {  	_ =	sfence.sel $0x180000  }
0x24c: {  	[bflag:$0x0] =	sbarrier.arrive $0xFFFF  }
0x24d: {  	_ =	strace $0x90000047  }
0x24e: {  	s0 =	stileid.u32;
	[bflag:$0x2] =	sbarrier.arrive $0xFFFF  }
0x24f: {  	p0 =	sne.s32 s0, $0x0;
	s0 =	rddreg [dreg:$0x4]  }
0x250: {  	s0 =	sadd.s32 @!p0 $0x100000, s0  }
0x251: {  	[sflag:s0] =	ssyncadd.tile.s32 @!p0 $0x1;
	_ =	shalt  }
.Lfunc_end2:
_tile_overlayer_lowered:
.L_overlay_start_2:
0x252: {  	(tag) =	ssettag $0x2  }
0x253: {  	s0 =	rddreg [dreg:$0x0];
	s2 =	stileid.u32  }
0x254: {  	s1 =	rddreg [dreg:$0x1];
	p0 =	sne.s32 s2, $0x0  }
0x255: {  	s3 =	rddreg [dreg:$0x2];
	[bflag:$0x3] =	sbarrier.arrive $0xFFFF;
	s2 =	simm.s32 @!p0 $0x1C06  }
0x256: {  	[timem:s3], [sflag:s2] =	dma.local @!p0 [hbm:s0], s1  }
0x257: {  	s0 =	simm.s32 @!p0 $0x6  }
0x258: {  	_ =	swait.ge @!p0 [sflag:s0], s1  }
0x259: {  	s1 =	ssub.s32 @!p0 $0x0, s1;
	[sflag:s0] =	ssyncset.done @!p0 $0x0  }
0x25a: {  	[sflag:s0] =	ssyncadd.s32 @!p0 s1  }
0x25b: {  	[bflag:$0x3] =	sbarrier.arrive $0xFFFF  }
0x25c: {  	_ =	shalt  }

</sc_bundles>
